<compile_context>
chip_gen: v7x
topology: tpu7x:2x2x1
jax: 0.10.2.dev20260603
libtpu: 0.0.44.dev20260713+nightly
codegen_flags: <defaults>
</compile_context>

<pallas_src>
import functools

import jax
import jax.numpy as jnp
from jax import lax
from jax.experimental import pallas as pl
from jax.experimental.pallas import tpu as pltpu
from jax.experimental.pallas import tpu_sc as plsc

N = 10000
E = 320000
IN_DIM = 128
EPS = 1e-5

NC, NS = 2, 16
NW = NC * NS
CH = 128
NCH = 80
EP = NW * NCH * CH
NPAD = 10240
RPT = NPAD // NS
ZB = 128

_MESH = plsc.VectorSubcoreMesh(
    core_axis_name="c", subcore_axis_name="s", num_cores=NC, num_subcores=NS
)


def _fill(buf, nrows, width, value):
    @pl.loop(0, nrows)
    def _(i):
        for j in range(width // 16):
            buf[i, pl.ds(j * 16, 16)] = jnp.full((16,), value, jnp.float32)


def _zero_acc_rows(zbuf, acc, r0, zb=ZB):
    for k in range(RPT // zb):
        pltpu.sync_copy(zbuf, acc.at[pl.ds(r0 + k * zb, zb)])


def _dump_acc(acc, out_hbm, c, r0):
    @pl.when(c == 0)
    def _():
        pltpu.sync_copy(acc.at[pl.ds(r0, RPT)], out_hbm.at[0, pl.ds(r0, RPT)])

    @pl.when(c == 1)
    def _():
        pltpu.sync_copy(acc.at[pl.ds(r0, RPT)], out_hbm.at[1, pl.ds(r0, RPT)])


D64 = 64
MBUF = 3
LOOK = 2
NML = NCH - 2


def _agg_pass(zp_hbm, out_hbm, acc, zps, src_all, dst_all, b0, b1, b2,
              gsem, ssem, c, s, r0, wait_idx=None):
    bufs = (b0, b1, b2)
    _fill(bufs[0], CH, D64, 0.0)
    _zero_acc_rows(bufs[0], acc, r0, CH)
    @pl.when(s < NS - 1)
    def _():
        pltpu.sync_copy(zp_hbm.at[pl.ds(r0, RPT)], zps.at[pl.ds(r0, RPT)])

    @pl.when(s == NS - 1)
    def _():
        pltpu.sync_copy(zp_hbm.at[pl.ds((NS - 1) * RPT, N - (NS - 1) * RPT)],
                        zps.at[pl.ds((NS - 1) * RPT, N - (NS - 1) * RPT)])

    if wait_idx is not None:
        wait_idx()
    plsc.subcore_barrier()

    for m in range(LOOK):
        pltpu.async_copy(zps.at[src_all.at[m]], bufs[m], gsem)

    @pl.loop(0, NML, step=MBUF)
    def _(j):
        for m in range(MBUF):
            jj = j + m
            b = bufs[m]
            bn = bufs[(m + LOOK) % MBUF]
            pltpu.make_async_copy(zps.at[src_all.at[jj]], b, gsem).wait()
            pltpu.async_copy(b, acc.at[dst_all.at[jj]], ssem, add=True)

            @pl.when(jj >= 1)
            def _():
                pltpu.make_async_copy(bn, acc.at[dst_all.at[jj - 1]], ssem).wait()

            @pl.when(jj + LOOK < NCH)
            def _():
                pltpu.async_copy(zps.at[src_all.at[jj + LOOK]], bn, gsem)

    for jj in (NML, NML + 1):
        b = bufs[jj % MBUF]
        pltpu.make_async_copy(zps.at[src_all.at[jj]], b, gsem).wait()
        pltpu.async_copy(b, acc.at[dst_all.at[jj]], ssem, add=True)
    for jj in (NML - 1, NML, NML + 1):
        pltpu.make_async_copy(bufs[jj % MBUF], acc.at[dst_all.at[jj]], ssem).wait()

    plsc.subcore_barrier()
    _dump_acc(acc, out_hbm, c, r0)


_AGG_SCRATCH = [
    pltpu.VMEM_SHARED((NPAD, D64), jnp.float32),
    pltpu.VMEM_SHARED((NPAD, D64), jnp.float32),
    pltpu.VMEM((NCH, CH), jnp.int32),
    pltpu.VMEM((NCH, CH), jnp.int32),
    [pltpu.VMEM((CH, D64), jnp.float32) for _ in range(MBUF)],
    pltpu.SemaphoreType.DMA,
    pltpu.SemaphoreType.DMA,
    pltpu.SemaphoreType.DMA,
]


def _agg_prelude(src_hbm, dst_hbm, src_all, dst_all, isem):
    c = lax.axis_index("c")
    s = lax.axis_index("s")
    wid = s * NC + c
    r0 = s * RPT
    pltpu.async_copy(src_hbm.at[wid], src_all, isem)
    pltpu.async_copy(dst_hbm.at[wid], dst_all, isem)

    def wait_idx():
        pltpu.make_async_copy(src_hbm.at[wid], src_all, isem).wait()
        pltpu.make_async_copy(dst_hbm.at[wid], dst_all, isem).wait()

    return c, s, r0, wait_idx


@functools.partial(
    pl.kernel,
    out_type=jax.ShapeDtypeStruct((NC, NPAD, D64), jnp.float32),
    mesh=_MESH,
    scratch_types=_AGG_SCRATCH,
    compiler_params=pltpu.CompilerParams(use_tc_tiling_on_sc=False),
)
def _agg64(zp_hbm, src_hbm, dst_hbm, out_hbm, acc, zps, src_all, dst_all,
           bufs, isem, gsem, ssem):
    c, s, r0, wait_idx = _agg_prelude(src_hbm, dst_hbm, src_all, dst_all, isem)
    _agg_pass(zp_hbm, out_hbm, acc, zps, src_all, dst_all, bufs[0], bufs[1], bufs[2],
              gsem, ssem, c, s, r0, wait_idx)



DW = 16


@functools.partial(
    pl.kernel,
    out_type=jax.ShapeDtypeStruct((NC, NPAD, DW), jnp.float32),
    mesh=_MESH,
    scratch_types=[
        pltpu.VMEM_SHARED((NPAD, DW), jnp.float32),
        pltpu.VMEM((NCH, CH), jnp.int32),
        pltpu.VMEM((ZB, DW), jnp.float32),
        pltpu.VMEM((CH, DW), jnp.float32),
    ],
    compiler_params=pltpu.CompilerParams(use_tc_tiling_on_sc=False),
)
def _deg_kernel(dst_hbm, out_hbm, acc, dst_all, zbuf, ones_v):
    c = lax.axis_index("c")
    s = lax.axis_index("s")
    wid = s * NC + c
    r0 = s * RPT
    _fill(zbuf, ZB, DW, 0.0)
    _fill(ones_v, CH, DW, 1.0)
    _zero_acc_rows(zbuf, acc, r0)
    pltpu.sync_copy(dst_hbm.at[wid], dst_all)
    plsc.subcore_barrier()

    @pl.loop(0, NCH)
    def _(j):
        pltpu.sync_copy(ones_v, acc.at[dst_all.at[j]], add=True)

    plsc.subcore_barrier()
    _dump_acc(acc, out_hbm, c, r0)


BLK = 512
GRID = (N + BLK - 1) // BLK


def _row_spec(d):
    return pl.BlockSpec((BLK, d), lambda i: (i, 0))


def _full_spec(shape):
    nd = len(shape)
    return pl.BlockSpec(shape, lambda i: (0,) * nd)


def _part_spec(d):
    return pl.BlockSpec((2, BLK, d), lambda i: (0, i, 0))


def _layer_norm(pre, g, b):
    mu = jnp.mean(pre, axis=-1, keepdims=True)
    var = jnp.mean((pre - mu) ** 2, axis=-1, keepdims=True)
    return (pre - mu) / jnp.sqrt(var + EPS) * g + b


def _tc_a(x, W0, degp):

    def body(x_ref, w_ref, dp_ref, z_ref, dv_ref):
        dp = dp_ref[...]
        deg = dp[0, :, 0] + dp[1, :, 0] + 1.0
        dv = lax.rsqrt(deg)[:, None]
        dv_ref[...] = dv
        z_ref[...] = jnp.dot(x_ref[...], w_ref[...], preferred_element_type=jnp.float32) * dv

    return pl.pallas_call(
        body,
        grid=(GRID,),
        in_specs=[_row_spec(IN_DIM), _full_spec((IN_DIM, 64)), _part_spec(DW)],
        out_specs=[_row_spec(64), _row_spec(1)],
        out_shape=[
            jax.ShapeDtypeStruct((N, 64), jnp.float32),
            jax.ShapeDtypeStruct((N, 1), jnp.float32),
        ],
    )(x, W0, degp)


def _tc_b0(s0, z0p, dinv, b0, g0, beta0):

    def body(sp_ref, zp_ref, dv_ref, b_ref, g_ref, be_ref, out_ref):
        sp = sp_ref[...]
        dv = dv_ref[...]
        pre = (sp[0] + sp[1] + zp_ref[...]) * dv + b_ref[...]
        h = jnp.maximum(_layer_norm(pre, g_ref[...], be_ref[...]), 0.0)
        out_ref[...] = h * dv

    return pl.pallas_call(
        body,
        grid=(GRID,),
        in_specs=[
            _part_spec(64), _row_spec(64), _row_spec(1),
            _full_spec((1, 64)), _full_spec((1, 64)), _full_spec((1, 64)),
        ],
        out_specs=_row_spec(64),
        out_shape=jax.ShapeDtypeStruct((N, 64), jnp.float32),
    )(s0, z0p, dinv, b0, g0, beta0)


def _tc_b1(s1, z1p, dinv, W1, b1, g1, beta1, W2):

    def body(sp_ref, zp_ref, dv_ref, w1_ref, b_ref, g_ref, be_ref, w2_ref,
             lo_ref, hi_ref):
        sp = sp_ref[...]
        dv = dv_ref[...]
        agg = (sp[0] + sp[1] + zp_ref[...]) * dv
        pre = jnp.dot(agg, w1_ref[...], preferred_element_type=jnp.float32) + b_ref[...]
        h = jnp.maximum(_layer_norm(pre, g_ref[...], be_ref[...]), 0.0)
        z2 = jnp.dot(h, w2_ref[...], preferred_element_type=jnp.float32) * dv
        lo_ref[...] = z2[:, :64]
        hi_ref[...] = z2[:, 64:]

    return pl.pallas_call(
        body,
        grid=(GRID,),
        in_specs=[
            _part_spec(64), _row_spec(64), _row_spec(1),
            _full_spec((64, 128)), _full_spec((1, 128)), _full_spec((1, 128)),
            _full_spec((1, 128)), _full_spec((128, 128)),
        ],
        out_specs=[_row_spec(64), _row_spec(64)],
        out_shape=[
            jax.ShapeDtypeStruct((N, 64), jnp.float32),
            jax.ShapeDtypeStruct((N, 64), jnp.float32),
        ],
    )(s1, z1p, dinv, W1, b1, g1, beta1, W2)


def _tc_b2(s2lo, s2hi, z2lo, z2hi, dinv, b2, g2, beta2, Wm1, bm1, Wm2, bm2, Wm3, bm3):

    def body(slo_ref, shi_ref, zlo_ref, zhi_ref, dv_ref, b_ref, g_ref, be_ref,
             w1_ref, c1_ref, w2_ref, c2_ref, w3_ref, c3_ref, out_ref):
        slo = slo_ref[...]
        shi = shi_ref[...]
        dv = dv_ref[...]
        agg = jnp.concatenate(
            [slo[0] + slo[1] + zlo_ref[...], shi[0] + shi[1] + zhi_ref[...]], axis=1)
        pre = agg * dv + b_ref[...]
        h = jnp.maximum(_layer_norm(pre, g_ref[...], be_ref[...]), 0.0)
        m = jnp.maximum(jnp.dot(h, w1_ref[...], preferred_element_type=jnp.float32) + c1_ref[...], 0.0)
        m = jnp.maximum(jnp.dot(m, w2_ref[...], preferred_element_type=jnp.float32) + c2_ref[...], 0.0)
        out_ref[...] = jnp.dot(m, w3_ref[...], preferred_element_type=jnp.float32) + c3_ref[...]

    return pl.pallas_call(
        body,
        grid=(GRID,),
        in_specs=[
            _part_spec(64), _part_spec(64), _row_spec(64), _row_spec(64), _row_spec(1),
            _full_spec((1, 128)), _full_spec((1, 128)), _full_spec((1, 128)),
            _full_spec((128, 128)), _full_spec((1, 128)),
            _full_spec((128, 32)), _full_spec((1, 32)),
            _full_spec((32, 1)), _full_spec((1, 1)),
        ],
        out_specs=_row_spec(1),
        out_shape=jax.ShapeDtypeStruct((N, 1), jnp.float32),
    )(s2lo, s2hi, z2lo, z2hi, dinv, b2, g2, beta2, Wm1, bm1, Wm2, bm2, Wm3, bm3)


def kernel(x, edge_index, W0, b0, g0, beta0, W1, b1, g1, beta1,
           W2, b2, g2, beta2, Wm1, bm1, Wm2, bm2, Wm3, bm3):
    pad = EP - E
    src_p = jnp.concatenate([edge_index[0], jnp.zeros((pad,), edge_index.dtype)])
    dst_p = jnp.concatenate([edge_index[1], jnp.full((pad,), N, edge_index.dtype)])
    src3d = src_p.reshape(NW, NCH, CH)
    dst3d = dst_p.reshape(NW, NCH, CH)

    degp = _deg_kernel(dst3d)
    z0p, dinv = _tc_a(x, W0, degp)
    s0 = _agg64(z0p, src3d, dst3d)
    z1p = _tc_b0(s0, z0p, dinv, b0.reshape(1, -1), g0.reshape(1, -1), beta0.reshape(1, -1))
    s1 = _agg64(z1p, src3d, dst3d)
    z2lo, z2hi = _tc_b1(s1, z1p, dinv, W1, b1.reshape(1, -1), g1.reshape(1, -1),
                        beta1.reshape(1, -1), W2)
    s2lo = _agg64(z2lo, src3d, dst3d)
    s2hi = _agg64(z2hi, src3d, dst3d)
    y = _tc_b2(s2lo, s2hi, z2lo, z2hi, dinv,
               b2.reshape(1, -1), g2.reshape(1, -1), beta2.reshape(1, -1),
               Wm1, bm1.reshape(1, -1), Wm2, bm2.reshape(1, -1), Wm3, bm3.reshape(1, -1))
    return y

# --- scband reference (transcript-rebuilt; emitter-appended) ---
"""Pipeline reference for scband-node-regression-gnn-58067957842223 (READ-ONLY COPY).

The authoritative reference and input builder live on the scoring server;
editing this copy changes nothing except your own understanding.
"""

import jax, jax.numpy as jnp
import numpy as np

N = 10000
E = 320000
IN_DIM = 128
HIDDEN = [64, 128, 128]
OUT_DIM = 1
EPS = 1e-5


def _linear_init(key, d_in, d_out):
    W = jax.random.normal(key, (d_in, d_out), dtype=jnp.float32) * (1.0 / np.sqrt(d_in))
    b = jnp.zeros((d_out,), dtype=jnp.float32)
    return W, b


def setup_inputs(seed: int = 0) -> dict:
    key = jax.random.key(seed)
    ks = jax.random.split(key, 16)
    x = jax.random.normal(ks[0], (N, IN_DIM), dtype=jnp.float32)
    edge_index = jax.random.randint(ks[1], (2, E), 0, N, dtype=jnp.int32)
    dims = [IN_DIM] + HIDDEN
    inp = {"x": x, "edge_index": edge_index}
    for i, (d_in, d_out) in enumerate(zip(dims[:-1], dims[1:])):
        W, b = _linear_init(ks[2 + i], d_in, d_out)
        inp[f"W{i}"] = W
        inp[f"b{i}"] = b
        inp[f"g{i}"] = jnp.ones((d_out,), dtype=jnp.float32)
        inp[f"beta{i}"] = jnp.zeros((d_out,), dtype=jnp.float32)
    Wm1, bm1 = _linear_init(ks[8], HIDDEN[-1], 128)
    Wm2, bm2 = _linear_init(ks[9], 128, 32)
    Wm3, bm3 = _linear_init(ks[10], 32, OUT_DIM)
    inp.update({"Wm1": Wm1, "bm1": bm1, "Wm2": Wm2, "bm2": bm2, "Wm3": Wm3, "bm3": bm3})
    return inp


def _layer_norm(h, g, b):
    mu = jnp.mean(h, axis=-1, keepdims=True)
    var = jnp.var(h, axis=-1, keepdims=True)
    return (h - mu) / jnp.sqrt(var + EPS) * g + b


def _gcn_conv(h, src, dst, W, b):
    # GCNConv: linear transform, then sym-normalized aggregation (self-loops already in src/dst)
    h = h @ W
    deg = jnp.zeros((N,), dtype=h.dtype).at[dst].add(1.0)
    dinv = jnp.where(deg > 0, jax.lax.rsqrt(deg), 0.0)
    norm = dinv[src] * dinv[dst]
    msg = h[src] * norm[:, None]
    agg = jax.ops.segment_sum(msg, dst, num_segments=N)
    return agg + b


def reference(x, edge_index, W0, b0, g0, beta0, W1, b1, g1, beta1, W2, b2, g2, beta2, Wm1, bm1, Wm2, bm2, Wm3, bm3):
    loop = jnp.arange(N, dtype=edge_index.dtype)
    src = jnp.concatenate([edge_index[0], loop])
    dst = jnp.concatenate([edge_index[1], loop])
    h = x
    convs = [(W0, b0, g0, beta0), (W1, b1, g1, beta1), (W2, b2, g2, beta2)]
    for (W, b, g, beta) in convs:
        h = _gcn_conv(h, src, dst, W, b)
        h = _layer_norm(h, g, beta)
        h = jax.nn.relu(h)
        # dropout: identity in eval mode
    h = jax.nn.relu(h @ Wm1 + bm1)
    h = jax.nn.relu(h @ Wm2 + bm2)
    y = h @ Wm3 + bm3
    return y

if __name__ == "__main__":
    import jax
    _d = setup_inputs()
    print(jax.jit(kernel)(*tuple(_d.values())))

</pallas_src>

<mosaic_0001>
#map = affine_map<(d0, d1) -> (0, 0, 0)>
module attributes {stable_mosaic.version = 14 : i64} {
  func.func @_deg_kernel(%arg0: i32, %arg1: i32, %arg2: memref<32x80x128xi32, #tpu.memory_space<hbm>>, %arg3: memref<2x10240x16xf32, #tpu.memory_space<hbm>>, %arg4: memref<10240x16xf32, #tpu.memory_space<vmem_shared>>, %arg5: memref<80x128xi32, #tpu.memory_space<vmem>>, %arg6: memref<128x16xf32, #tpu.memory_space<vmem>>, %arg7: memref<128x16xf32, #tpu.memory_space<vmem>>) attributes {dimension_semantics = [#tpu.dimension_semantics<core_parallel>, #tpu.dimension_semantics<subcore_parallel>], iteration_bounds = array<i64: 2, 16>, scalar_prefetch = 0 : i64, scratch_operands = 4 : i64, tpu.core_type = #tpu.core_type<sc_vector_subcore>, window_params = [{transform_indices = #map}, {transform_indices = #map}]} {
    %mul3A = arith.constant 2 : i32
    %mul3A_0 = arith.muli %arg1, %mul3A : i32
    %add3A = arith.addi %mul3A_0, %arg0 : i32
    %mul3A_1 = arith.constant 640 : i32
    %mul3A_2 = arith.muli %arg1, %mul3A_1 : i32
    %scan3A = arith.constant 0 : i32
    %scan3A_3 = arith.constant 128 : i32
    %scan3A_4 = arith.addi %scan3A, %scan3A_3 : i32
    %scan3A_5 = arith.constant 1 : i32
    scf.for %scan3A_35 = %scan3A to %scan3A_4 step %scan3A_5  : i32 {
      %mul3A_36 = arith.constant 1 : i32
      %mul3A_37 = arith.muli %scan3A_35, %mul3A_36 : i32
      %add3A_38 = arith.constant 0 : i32
      %add3A_39 = arith.addi %add3A_38, %mul3A_37 : i32
      %broadcast_in_dim3A = arith.constant 0.000000e+00 : f32
      %broadcast_in_dim3A_40 = vector.broadcast %broadcast_in_dim3A : f32 to vector<16xf32>
      %swap3A = arith.index_cast %add3A_39 : i32 to index
      %swap3A_41 = arith.constant 0 : index
      %swap3A_42 = tpu.vector_load %arg6[%swap3A, %swap3A_41] {strides = array<i32>} : memref<128x16xf32, #tpu.memory_space<vmem>>, vector<1x16xf32>,
      %swap3A_43 = vector.shape_cast %swap3A_42 : vector<1x16xf32> to vector<16xf32>
      %swap3A_44 = vector.shape_cast %broadcast_in_dim3A_40 : vector<16xf32> to vector<1x16xf32>
      tpu.vector_store %arg6[%swap3A, %swap3A_41], %swap3A_44 {strides = array<i32>} : memref<128x16xf32, #tpu.memory_space<vmem>>, vector<1x16xf32>,
    }
    %scan3A_6 = arith.constant 128 : i32
    %scan3A_7 = arith.constant 0 : i32
    %scan3A_8 = arith.constant 128 : i32
    %scan3A_9 = arith.addi %scan3A_7, %scan3A_8 : i32
    %scan3A_10 = arith.constant 1 : i32
    scf.for %scan3A_35 = %scan3A_7 to %scan3A_9 step %scan3A_10  : i32 {
      %mul3A_36 = arith.constant 1 : i32
      %mul3A_37 = arith.muli %scan3A_35, %mul3A_36 : i32
      %add3A_38 = arith.constant 0 : i32
      %add3A_39 = arith.addi %add3A_38, %mul3A_37 : i32
      %broadcast_in_dim3A = arith.constant 1.000000e+00 : f32
      %broadcast_in_dim3A_40 = vector.broadcast %broadcast_in_dim3A : f32 to vector<16xf32>
      %swap3A = arith.index_cast %add3A_39 : i32 to index
      %swap3A_41 = arith.constant 0 : index
      %swap3A_42 = tpu.vector_load %arg7[%swap3A, %swap3A_41] {strides = array<i32>} : memref<128x16xf32, #tpu.memory_space<vmem>>, vector<1x16xf32>,
      %swap3A_43 = vector.shape_cast %swap3A_42 : vector<1x16xf32> to vector<16xf32>
      %swap3A_44 = vector.shape_cast %broadcast_in_dim3A_40 : vector<16xf32> to vector<1x16xf32>
      tpu.vector_store %arg7[%swap3A, %swap3A_41], %swap3A_44 {strides = array<i32>} : memref<128x16xf32, #tpu.memory_space<vmem>>, vector<1x16xf32>,
    }
    %scan3A_11 = arith.constant 128 : i32
    %add3A_12 = arith.constant 0 : i32
    %add3A_13 = arith.addi %mul3A_2, %add3A_12 : i32
    "tpu.region"() ({
      %run_scoped3A = tpu.sem_alloc : memref<!tpu.dma_semaphore, #tpu.memory_space<semaphore_mem>>
      %dma_start3A = arith.constant 0 : i32
      %dma_start3A_35 = tpu.memref_slice %arg4[%add3A_13, %dma_start3A] : memref<10240x16xf32, #tpu.memory_space<vmem_shared>> -> memref<128x16xf32, #tpu.memory_space<vmem_shared>>
      %dma_start3A_36 = arith.constant 0 : i32
      %dma_start3A_37 = tpu.memref_slice %arg4[%add3A_13, %dma_start3A_36] : memref<10240x16xf32, #tpu.memory_space<vmem_shared>> -> memref<128x16xf32, #tpu.memory_space<vmem_shared>>
      tpu.enqueue_dma source(%arg6 : memref<128x16xf32, #tpu.memory_space<vmem>>) target(%dma_start3A_37 : memref<128x16xf32, #tpu.memory_space<vmem_shared>>) target_semaphore(%run_scoped3A : memref<!tpu.dma_semaphore, #tpu.memory_space<semaphore_mem>>)
      %dma_wait3A = arith.constant 0 : i32
      %dma_wait3A_38 = tpu.memref_slice %arg4[%add3A_13, %dma_wait3A] : memref<10240x16xf32, #tpu.memory_space<vmem_shared>> -> memref<128x16xf32, #tpu.memory_space<vmem_shared>>
      %dma_wait3A_39 = arith.constant 0 : i32
      %dma_wait3A_40 = tpu.memref_slice %arg4[%add3A_13, %dma_wait3A_39] : memref<10240x16xf32, #tpu.memory_space<vmem_shared>> -> memref<128x16xf32, #tpu.memory_space<vmem_shared>>
      tpu.wait_dma2 semaphore(%run_scoped3A : memref<!tpu.dma_semaphore, #tpu.memory_space<semaphore_mem>>) src(%arg6 : memref<128x16xf32, #tpu.memory_space<vmem>>) dst(%dma_wait3A_40 : memref<128x16xf32, #tpu.memory_space<vmem_shared>>)
      tpu.yield
    }) : () -> ()
    %add3A_14 = arith.constant 128 : i32
    %add3A_15 = arith.addi %mul3A_2, %add3A_14 : i32
    "tpu.region"() ({
      %run_scoped3A = tpu.sem_alloc : memref<!tpu.dma_semaphore, #tpu.memory_space<semaphore_mem>>
      %dma_start3A = arith.constant 0 : i32
      %dma_start3A_35 = tpu.memref_slice %arg4[%add3A_15, %dma_start3A] : memref<10240x16xf32, #tpu.memory_space<vmem_shared>> -> memref<128x16xf32, #tpu.memory_space<vmem_shared>>
      %dma_start3A_36 = arith.constant 0 : i32
      %dma_start3A_37 = tpu.memref_slice %arg4[%add3A_15, %dma_start3A_36] : memref<10240x16xf32, #tpu.memory_space<vmem_shared>> -> memref<128x16xf32, #tpu.memory_space<vmem_shared>>
      tpu.enqueue_dma source(%arg6 : memref<128x16xf32, #tpu.memory_space<vmem>>) target(%dma_start3A_37 : memref<128x16xf32, #tpu.memory_space<vmem_shared>>) target_semaphore(%run_scoped3A : memref<!tpu.dma_semaphore, #tpu.memory_space<semaphore_mem>>)
      %dma_wait3A = arith.constant 0 : i32
      %dma_wait3A_38 = tpu.memref_slice %arg4[%add3A_15, %dma_wait3A] : memref<10240x16xf32, #tpu.memory_space<vmem_shared>> -> memref<128x16xf32, #tpu.memory_space<vmem_shared>>
      %dma_wait3A_39 = arith.constant 0 : i32
      %dma_wait3A_40 = tpu.memref_slice %arg4[%add3A_15, %dma_wait3A_39] : memref<10240x16xf32, #tpu.memory_space<vmem_shared>> -> memref<128x16xf32, #tpu.memory_space<vmem_shared>>
      tpu.wait_dma2 semaphore(%run_scoped3A : memref<!tpu.dma_semaphore, #tpu.memory_space<semaphore_mem>>) src(%arg6 : memref<128x16xf32, #tpu.memory_space<vmem>>) dst(%dma_wait3A_40 : memref<128x16xf32, #tpu.memory_space<vmem_shared>>)
      tpu.yield
    }) : () -> ()
    %add3A_16 = arith.constant 256 : i32
    %add3A_17 = arith.addi %mul3A_2, %add3A_16 : i32
    "tpu.region"() ({
      %run_scoped3A = tpu.sem_alloc : memref<!tpu.dma_semaphore, #tpu.memory_space<semaphore_mem>>
      %dma_start3A = arith.constant 0 : i32
      %dma_start3A_35 = tpu.memref_slice %arg4[%add3A_17, %dma_start3A] : memref<10240x16xf32, #tpu.memory_space<vmem_shared>> -> memref<128x16xf32, #tpu.memory_space<vmem_shared>>
      %dma_start3A_36 = arith.constant 0 : i32
      %dma_start3A_37 = tpu.memref_slice %arg4[%add3A_17, %dma_start3A_36] : memref<10240x16xf32, #tpu.memory_space<vmem_shared>> -> memref<128x16xf32, #tpu.memory_space<vmem_shared>>
      tpu.enqueue_dma source(%arg6 : memref<128x16xf32, #tpu.memory_space<vmem>>) target(%dma_start3A_37 : memref<128x16xf32, #tpu.memory_space<vmem_shared>>) target_semaphore(%run_scoped3A : memref<!tpu.dma_semaphore, #tpu.memory_space<semaphore_mem>>)
      %dma_wait3A = arith.constant 0 : i32
      %dma_wait3A_38 = tpu.memref_slice %arg4[%add3A_17, %dma_wait3A] : memref<10240x16xf32, #tpu.memory_space<vmem_shared>> -> memref<128x16xf32, #tpu.memory_space<vmem_shared>>
      %dma_wait3A_39 = arith.constant 0 : i32
      %dma_wait3A_40 = tpu.memref_slice %arg4[%add3A_17, %dma_wait3A_39] : memref<10240x16xf32, #tpu.memory_space<vmem_shared>> -> memref<128x16xf32, #tpu.memory_space<vmem_shared>>
      tpu.wait_dma2 semaphore(%run_scoped3A : memref<!tpu.dma_semaphore, #tpu.memory_space<semaphore_mem>>) src(%arg6 : memref<128x16xf32, #tpu.memory_space<vmem>>) dst(%dma_wait3A_40 : memref<128x16xf32, #tpu.memory_space<vmem_shared>>)
      tpu.yield
    }) : () -> ()
    %add3A_18 = arith.constant 384 : i32
    %add3A_19 = arith.addi %mul3A_2, %add3A_18 : i32
    "tpu.region"() ({
      %run_scoped3A = tpu.sem_alloc : memref<!tpu.dma_semaphore, #tpu.memory_space<semaphore_mem>>
      %dma_start3A = arith.constant 0 : i32
      %dma_start3A_35 = tpu.memref_slice %arg4[%add3A_19, %dma_start3A] : memref<10240x16xf32, #tpu.memory_space<vmem_shared>> -> memref<128x16xf32, #tpu.memory_space<vmem_shared>>
      %dma_start3A_36 = arith.constant 0 : i32
      %dma_start3A_37 = tpu.memref_slice %arg4[%add3A_19, %dma_start3A_36] : memref<10240x16xf32, #tpu.memory_space<vmem_shared>> -> memref<128x16xf32, #tpu.memory_space<vmem_shared>>
      tpu.enqueue_dma source(%arg6 : memref<128x16xf32, #tpu.memory_space<vmem>>) target(%dma_start3A_37 : memref<128x16xf32, #tpu.memory_space<vmem_shared>>) target_semaphore(%run_scoped3A : memref<!tpu.dma_semaphore, #tpu.memory_space<semaphore_mem>>)
      %dma_wait3A = arith.constant 0 : i32
      %dma_wait3A_38 = tpu.memref_slice %arg4[%add3A_19, %dma_wait3A] : memref<10240x16xf32, #tpu.memory_space<vmem_shared>> -> memref<128x16xf32, #tpu.memory_space<vmem_shared>>
      %dma_wait3A_39 = arith.constant 0 : i32
      %dma_wait3A_40 = tpu.memref_slice %arg4[%add3A_19, %dma_wait3A_39] : memref<10240x16xf32, #tpu.memory_space<vmem_shared>> -> memref<128x16xf32, #tpu.memory_space<vmem_shared>>
      tpu.wait_dma2 semaphore(%run_scoped3A : memref<!tpu.dma_semaphore, #tpu.memory_space<semaphore_mem>>) src(%arg6 : memref<128x16xf32, #tpu.memory_space<vmem>>) dst(%dma_wait3A_40 : memref<128x16xf32, #tpu.memory_space<vmem_shared>>)
      tpu.yield
    }) : () -> ()
    %add3A_20 = arith.constant 512 : i32
    %add3A_21 = arith.addi %mul3A_2, %add3A_20 : i32
    "tpu.region"() ({
      %run_scoped3A = tpu.sem_alloc : memref<!tpu.dma_semaphore, #tpu.memory_space<semaphore_mem>>
      %dma_start3A = arith.constant 0 : i32
      %dma_start3A_35 = tpu.memref_slice %arg4[%add3A_21, %dma_start3A] : memref<10240x16xf32, #tpu.memory_space<vmem_shared>> -> memref<128x16xf32, #tpu.memory_space<vmem_shared>>
      %dma_start3A_36 = arith.constant 0 : i32
      %dma_start3A_37 = tpu.memref_slice %arg4[%add3A_21, %dma_start3A_36] : memref<10240x16xf32, #tpu.memory_space<vmem_shared>> -> memref<128x16xf32, #tpu.memory_space<vmem_shared>>
      tpu.enqueue_dma source(%arg6 : memref<128x16xf32, #tpu.memory_space<vmem>>) target(%dma_start3A_37 : memref<128x16xf32, #tpu.memory_space<vmem_shared>>) target_semaphore(%run_scoped3A : memref<!tpu.dma_semaphore, #tpu.memory_space<semaphore_mem>>)
      %dma_wait3A = arith.constant 0 : i32
      %dma_wait3A_38 = tpu.memref_slice %arg4[%add3A_21, %dma_wait3A] : memref<10240x16xf32, #tpu.memory_space<vmem_shared>> -> memref<128x16xf32, #tpu.memory_space<vmem_shared>>
      %dma_wait3A_39 = arith.constant 0 : i32
      %dma_wait3A_40 = tpu.memref_slice %arg4[%add3A_21, %dma_wait3A_39] : memref<10240x16xf32, #tpu.memory_space<vmem_shared>> -> memref<128x16xf32, #tpu.memory_space<vmem_shared>>
      tpu.wait_dma2 semaphore(%run_scoped3A : memref<!tpu.dma_semaphore, #tpu.memory_space<semaphore_mem>>) src(%arg6 : memref<128x16xf32, #tpu.memory_space<vmem>>) dst(%dma_wait3A_40 : memref<128x16xf32, #tpu.memory_space<vmem_shared>>)
      tpu.yield
    }) : () -> ()
    "tpu.region"() ({
      %run_scoped3A = tpu.sem_alloc : memref<!tpu.dma_semaphore, #tpu.memory_space<semaphore_mem>>
      %dma_start3A = arith.constant 0 : i32
      %dma_start3A_35 = arith.constant 0 : i32
      %dma_start3A_36 = tpu.memref_slice %arg2[%add3A, %dma_start3A, %dma_start3A_35] : memref<32x80x128xi32, #tpu.memory_space<hbm>> -> memref<1x80x128xi32, #tpu.memory_space<hbm>>
      %dma_start3A_37 = tpu.memref_squeeze %dma_start3A_36 : memref<1x80x128xi32, #tpu.memory_space<hbm>> -> memref<80x128xi32, #tpu.memory_space<hbm>>
      %dma_start3A_38 = arith.constant 0 : i32
      %dma_start3A_39 = arith.constant 0 : i32
      %dma_start3A_40 = tpu.memref_slice %arg2[%add3A, %dma_start3A_38, %dma_start3A_39] : memref<32x80x128xi32, #tpu.memory_space<hbm>> -> memref<1x80x128xi32, #tpu.memory_space<hbm>>
      %dma_start3A_41 = tpu.memref_squeeze %dma_start3A_40 : memref<1x80x128xi32, #tpu.memory_space<hbm>> -> memref<80x128xi32, #tpu.memory_space<hbm>>
      tpu.enqueue_dma source(%dma_start3A_41 : memref<80x128xi32, #tpu.memory_space<hbm>>) target(%arg5 : memref<80x128xi32, #tpu.memory_space<vmem>>) target_semaphore(%run_scoped3A : memref<!tpu.dma_semaphore, #tpu.memory_space<semaphore_mem>>)
      %dma_wait3A = arith.constant 0 : i32
      %dma_wait3A_42 = arith.constant 0 : i32
      %dma_wait3A_43 = tpu.memref_slice %arg2[%add3A, %dma_wait3A, %dma_wait3A_42] : memref<32x80x128xi32, #tpu.memory_space<hbm>> -> memref<1x80x128xi32, #tpu.memory_space<hbm>>
      %dma_wait3A_44 = tpu.memref_squeeze %dma_wait3A_43 : memref<1x80x128xi32, #tpu.memory_space<hbm>> -> memref<80x128xi32, #tpu.memory_space<hbm>>
      %dma_wait3A_45 = arith.constant 0 : i32
      %dma_wait3A_46 = arith.constant 0 : i32
      %dma_wait3A_47 = tpu.memref_slice %arg2[%add3A, %dma_wait3A_45, %dma_wait3A_46] : memref<32x80x128xi32, #tpu.memory_space<hbm>> -> memref<1x80x128xi32, #tpu.memory_space<hbm>>
      %dma_wait3A_48 = tpu.memref_squeeze %dma_wait3A_47 : memref<1x80x128xi32, #tpu.memory_space<hbm>> -> memref<80x128xi32, #tpu.memory_space<hbm>>
      tpu.wait_dma2 semaphore(%run_scoped3A : memref<!tpu.dma_semaphore, #tpu.memory_space<semaphore_mem>>) src(%dma_wait3A_48 : memref<80x128xi32, #tpu.memory_space<hbm>>) dst(%arg5 : memref<80x128xi32, #tpu.memory_space<vmem>>)
      tpu.yield
    }) : () -> ()
    %barrier3A = arith.constant 0 : index
    tpu.barrier barrier_id(%barrier3A)
    %scan3A_22 = arith.constant 0 : i32
    %scan3A_23 = arith.constant 80 : i32
    %scan3A_24 = arith.addi %scan3A_22, %scan3A_23 : i32
    %scan3A_25 = arith.constant 1 : i32
    scf.for %scan3A_35 = %scan3A_22 to %scan3A_24 step %scan3A_25  : i32 {
      %mul3A_36 = arith.constant 1 : i32
      %mul3A_37 = arith.muli %scan3A_35, %mul3A_36 : i32
      %add3A_38 = arith.constant 0 : i32
      %add3A_39 = arith.addi %add3A_38, %mul3A_37 : i32
      "tpu.region"() ({
        %run_scoped3A = tpu.sem_alloc : memref<!tpu.dma_semaphore, #tpu.memory_space<semaphore_mem>>
        %dma_start3A = arith.constant 0 : i32
        %dma_start3A_40 = tpu.memref_slice %arg5[%add3A_39, %dma_start3A] : memref<80x128xi32, #tpu.memory_space<vmem>> -> memref<1x128xi32, #tpu.memory_space<vmem>>
        %dma_start3A_41 = tpu.memref_squeeze %dma_start3A_40 : memref<1x128xi32, #tpu.memory_space<vmem>> -> memref<128xi32, #tpu.memory_space<vmem>>
        %dma_start3A_42 = arith.constant 0 : i32
        %dma_start3A_43 = arith.constant 0 : i32
        %dma_start3A_44 = tpu.memref_slice %arg4[%dma_start3A_42, %dma_start3A_43] : memref<10240x16xf32, #tpu.memory_space<vmem_shared>> -> memref<10240x16xf32, #tpu.memory_space<vmem_shared>>
        tpu.enqueue_indirect_dma source(%arg7 : memref<128x16xf32, #tpu.memory_space<vmem>>) target(%dma_start3A_44 : memref<10240x16xf32, #tpu.memory_space<vmem_shared>>) offsets(%dma_start3A_41 : memref<128xi32, #tpu.memory_space<vmem>>) semaphore(%run_scoped3A : memref<!tpu.dma_semaphore, #tpu.memory_space<semaphore_mem>>) {add = true}
        %dma_wait3A = arith.constant 0 : i32
        %dma_wait3A_45 = tpu.memref_slice %arg5[%add3A_39, %dma_wait3A] : memref<80x128xi32, #tpu.memory_space<vmem>> -> memref<1x128xi32, #tpu.memory_space<vmem>>
        %dma_wait3A_46 = tpu.memref_squeeze %dma_wait3A_45 : memref<1x128xi32, #tpu.memory_space<vmem>> -> memref<128xi32, #tpu.memory_space<vmem>>
        %dma_wait3A_47 = arith.constant 0 : i32
        %dma_wait3A_48 = arith.constant 0 : i32
        %dma_wait3A_49 = tpu.memref_slice %arg4[%dma_wait3A_47, %dma_wait3A_48] : memref<10240x16xf32, #tpu.memory_space<vmem_shared>> -> memref<10240x16xf32, #tpu.memory_space<vmem_shared>>
        tpu.wait_indirect_dma semaphore(%run_scoped3A : memref<!tpu.dma_semaphore, #tpu.memory_space<semaphore_mem>>) src(%arg7 : memref<128x16xf32, #tpu.memory_space<vmem>>) dst(%dma_wait3A_49 : memref<10240x16xf32, #tpu.memory_space<vmem_shared>>)
        tpu.yield
      }) : () -> ()
    }
    %scan3A_26 = arith.constant 80 : i32
    %barrier3A_27 = arith.constant 0 : index
    tpu.barrier barrier_id(%barrier3A_27)
    %eq3A = arith.constant 0 : i32
    %eq3A_28 = arith.cmpi eq, %arg0, %eq3A : i32
    %convert_element_type3A = arith.extui %eq3A_28 : i1 to i32
    %cond3A = arith.constant 0 : i32
    %cond3A_29 = arith.cmpi ne, %convert_element_type3A, %cond3A : i32
    scf.if %cond3A_29 {
      %run_scoped3A = arith.constant 0 : i32
      "tpu.region"() ({
        %run_scoped3A_35 = tpu.sem_alloc : memref<!tpu.dma_semaphore, #tpu.memory_space<semaphore_mem>>
        %dma_start3A = arith.constant 0 : i32
        %dma_start3A_36 = tpu.memref_slice %arg3[%run_scoped3A, %mul3A_2, %dma_start3A] : memref<2x10240x16xf32, #tpu.memory_space<hbm>> -> memref<1x640x16xf32, #tpu.memory_space<hbm>>
        %dma_start3A_37 = tpu.memref_squeeze %dma_start3A_36 : memref<1x640x16xf32, #tpu.memory_space<hbm>> -> memref<640x16xf32, #tpu.memory_space<hbm>>
        %dma_start3A_38 = arith.constant 0 : i32
        %dma_start3A_39 = tpu.memref_slice %arg4[%mul3A_2, %dma_start3A_38] : memref<10240x16xf32, #tpu.memory_space<vmem_shared>> -> memref<640x16xf32, #tpu.memory_space<vmem_shared>>
        tpu.enqueue_dma source(%dma_start3A_39 : memref<640x16xf32, #tpu.memory_space<vmem_shared>>) target(%dma_start3A_37 : memref<640x16xf32, #tpu.memory_space<hbm>>) target_semaphore(%run_scoped3A_35 : memref<!tpu.dma_semaphore, #tpu.memory_space<semaphore_mem>>)
        %dma_wait3A = arith.constant 0 : i32
        %dma_wait3A_40 = tpu.memref_slice %arg3[%run_scoped3A, %mul3A_2, %dma_wait3A] : memref<2x10240x16xf32, #tpu.memory_space<hbm>> -> memref<1x640x16xf32, #tpu.memory_space<hbm>>
        %dma_wait3A_41 = tpu.memref_squeeze %dma_wait3A_40 : memref<1x640x16xf32, #tpu.memory_space<hbm>> -> memref<640x16xf32, #tpu.memory_space<hbm>>
        %dma_wait3A_42 = arith.constant 0 : i32
        %dma_wait3A_43 = tpu.memref_slice %arg4[%mul3A_2, %dma_wait3A_42] : memref<10240x16xf32, #tpu.memory_space<vmem_shared>> -> memref<640x16xf32, #tpu.memory_space<vmem_shared>>
        tpu.wait_dma2 semaphore(%run_scoped3A_35 : memref<!tpu.dma_semaphore, #tpu.memory_space<semaphore_mem>>) src(%dma_wait3A_43 : memref<640x16xf32, #tpu.memory_space<vmem_shared>>) dst(%dma_wait3A_41 : memref<640x16xf32, #tpu.memory_space<hbm>>)
        tpu.yield
      }) : () -> ()
    } else {
    }
    %eq3A_30 = arith.constant 1 : i32
    %eq3A_31 = arith.cmpi eq, %arg0, %eq3A_30 : i32
    %convert_element_type3A_32 = arith.extui %eq3A_31 : i1 to i32
    %cond3A_33 = arith.constant 0 : i32
    %cond3A_34 = arith.cmpi ne, %convert_element_type3A_32, %cond3A_33 : i32
    scf.if %cond3A_34 {
      %run_scoped3A = arith.constant 1 : i32
      "tpu.region"() ({
        %run_scoped3A_35 = tpu.sem_alloc : memref<!tpu.dma_semaphore, #tpu.memory_space<semaphore_mem>>
        %dma_start3A = arith.constant 0 : i32
        %dma_start3A_36 = tpu.memref_slice %arg3[%run_scoped3A, %mul3A_2, %dma_start3A] : memref<2x10240x16xf32, #tpu.memory_space<hbm>> -> memref<1x640x16xf32, #tpu.memory_space<hbm>>
        %dma_start3A_37 = tpu.memref_squeeze %dma_start3A_36 : memref<1x640x16xf32, #tpu.memory_space<hbm>> -> memref<640x16xf32, #tpu.memory_space<hbm>>
        %dma_start3A_38 = arith.constant 0 : i32
        %dma_start3A_39 = tpu.memref_slice %arg4[%mul3A_2, %dma_start3A_38] : memref<10240x16xf32, #tpu.memory_space<vmem_shared>> -> memref<640x16xf32, #tpu.memory_space<vmem_shared>>
        tpu.enqueue_dma source(%dma_start3A_39 : memref<640x16xf32, #tpu.memory_space<vmem_shared>>) target(%dma_start3A_37 : memref<640x16xf32, #tpu.memory_space<hbm>>) target_semaphore(%run_scoped3A_35 : memref<!tpu.dma_semaphore, #tpu.memory_space<semaphore_mem>>)
        %dma_wait3A = arith.constant 0 : i32
        %dma_wait3A_40 = tpu.memref_slice %arg3[%run_scoped3A, %mul3A_2, %dma_wait3A] : memref<2x10240x16xf32, #tpu.memory_space<hbm>> -> memref<1x640x16xf32, #tpu.memory_space<hbm>>
        %dma_wait3A_41 = tpu.memref_squeeze %dma_wait3A_40 : memref<1x640x16xf32, #tpu.memory_space<hbm>> -> memref<640x16xf32, #tpu.memory_space<hbm>>
        %dma_wait3A_42 = arith.constant 0 : i32
        %dma_wait3A_43 = tpu.memref_slice %arg4[%mul3A_2, %dma_wait3A_42] : memref<10240x16xf32, #tpu.memory_space<vmem_shared>> -> memref<640x16xf32, #tpu.memory_space<vmem_shared>>
        tpu.wait_dma2 semaphore(%run_scoped3A_35 : memref<!tpu.dma_semaphore, #tpu.memory_space<semaphore_mem>>) src(%dma_wait3A_43 : memref<640x16xf32, #tpu.memory_space<vmem_shared>>) dst(%dma_wait3A_41 : memref<640x16xf32, #tpu.memory_space<hbm>>)
        tpu.yield
      }) : () -> ()
    } else {
    }
    return
  }
}

#map = affine_map<(d0, d1) -> (0, 0)>
#map1 = affine_map<(d0, d1) -> (0, 0, 0)>
module attributes {stable_mosaic.version = 14 : i64} {
  func.func @_agg64(%arg0: i32, %arg1: i32, %arg2: memref<10000x64xf32, #tpu.memory_space<hbm>>, %arg3: memref<32x80x128xi32, #tpu.memory_space<hbm>>, %arg4: memref<32x80x128xi32, #tpu.memory_space<hbm>>, %arg5: memref<2x10240x64xf32, #tpu.memory_space<hbm>>, %arg6: memref<10240x64xf32, #tpu.memory_space<vmem_shared>>, %arg7: memref<10240x64xf32, #tpu.memory_space<vmem_shared>>, %arg8: memref<80x128xi32, #tpu.memory_space<vmem>>, %arg9: memref<80x128xi32, #tpu.memory_space<vmem>>, %arg10: memref<128x64xf32, #tpu.memory_space<vmem>>, %arg11: memref<128x64xf32, #tpu.memory_space<vmem>>, %arg12: memref<128x64xf32, #tpu.memory_space<vmem>>, %arg13: memref<!tpu.dma_semaphore, #tpu.memory_space<semaphore_mem>>, %arg14: memref<!tpu.dma_semaphore, #tpu.memory_space<semaphore_mem>>, %arg15: memref<!tpu.dma_semaphore, #tpu.memory_space<semaphore_mem>>) attributes {dimension_semantics = [#tpu.dimension_semantics<core_parallel>, #tpu.dimension_semantics<subcore_parallel>], iteration_bounds = array<i64: 2, 16>, scalar_prefetch = 0 : i64, scratch_operands = 10 : i64, tpu.core_type = #tpu.core_type<sc_vector_subcore>, window_params = [{transform_indices = #map}, {transform_indices = #map1}, {transform_indices = #map1}, {transform_indices = #map1}]} {
    %mul3A = arith.constant 2 : i32
    %mul3A_0 = arith.muli %arg1, %mul3A : i32
    %add3A = arith.addi %mul3A_0, %arg0 : i32
    %mul3A_1 = arith.constant 640 : i32
    %mul3A_2 = arith.muli %arg1, %mul3A_1 : i32
    %dma_start3A = arith.constant 0 : i32
    %dma_start3A_3 = arith.constant 0 : i32
    %dma_start3A_4 = tpu.memref_slice %arg3[%add3A, %dma_start3A, %dma_start3A_3] : memref<32x80x128xi32, #tpu.memory_space<hbm>> -> memref<1x80x128xi32, #tpu.memory_space<hbm>>
    %dma_start3A_5 = tpu.memref_squeeze %dma_start3A_4 : memref<1x80x128xi32, #tpu.memory_space<hbm>> -> memref<80x128xi32, #tpu.memory_space<hbm>>
    %dma_start3A_6 = arith.constant 0 : i32
    %dma_start3A_7 = arith.constant 0 : i32
    %dma_start3A_8 = tpu.memref_slice %arg3[%add3A, %dma_start3A_6, %dma_start3A_7] : memref<32x80x128xi32, #tpu.memory_space<hbm>> -> memref<1x80x128xi32, #tpu.memory_space<hbm>>
    %dma_start3A_9 = tpu.memref_squeeze %dma_start3A_8 : memref<1x80x128xi32, #tpu.memory_space<hbm>> -> memref<80x128xi32, #tpu.memory_space<hbm>>
    tpu.enqueue_dma source(%dma_start3A_9 : memref<80x128xi32, #tpu.memory_space<hbm>>) target(%arg8 : memref<80x128xi32, #tpu.memory_space<vmem>>) target_semaphore(%arg13 : memref<!tpu.dma_semaphore, #tpu.memory_space<semaphore_mem>>)
    %dma_start3A_10 = arith.constant 0 : i32
    %dma_start3A_11 = arith.constant 0 : i32
    %dma_start3A_12 = tpu.memref_slice %arg4[%add3A, %dma_start3A_10, %dma_start3A_11] : memref<32x80x128xi32, #tpu.memory_space<hbm>> -> memref<1x80x128xi32, #tpu.memory_space<hbm>>
    %dma_start3A_13 = tpu.memref_squeeze %dma_start3A_12 : memref<1x80x128xi32, #tpu.memory_space<hbm>> -> memref<80x128xi32, #tpu.memory_space<hbm>>
    %dma_start3A_14 = arith.constant 0 : i32
    %dma_start3A_15 = arith.constant 0 : i32
    %dma_start3A_16 = tpu.memref_slice %arg4[%add3A, %dma_start3A_14, %dma_start3A_15] : memref<32x80x128xi32, #tpu.memory_space<hbm>> -> memref<1x80x128xi32, #tpu.memory_space<hbm>>
    %dma_start3A_17 = tpu.memref_squeeze %dma_start3A_16 : memref<1x80x128xi32, #tpu.memory_space<hbm>> -> memref<80x128xi32, #tpu.memory_space<hbm>>
    tpu.enqueue_dma source(%dma_start3A_17 : memref<80x128xi32, #tpu.memory_space<hbm>>) target(%arg9 : memref<80x128xi32, #tpu.memory_space<vmem>>) target_semaphore(%arg13 : memref<!tpu.dma_semaphore, #tpu.memory_space<semaphore_mem>>)
    %scan3A = arith.constant 0 : i32
    %scan3A_18 = arith.constant 128 : i32
    %scan3A_19 = arith.addi %scan3A, %scan3A_18 : i32
    %scan3A_20 = arith.constant 1 : i32
    scf.for %scan3A_132 = %scan3A to %scan3A_19 step %scan3A_20  : i32 {
      %mul3A_133 = arith.constant 1 : i32
      %mul3A_134 = arith.muli %scan3A_132, %mul3A_133 : i32
      %add3A_135 = arith.constant 0 : i32
      %add3A_136 = arith.addi %add3A_135, %mul3A_134 : i32
      %broadcast_in_dim3A = arith.constant 0.000000e+00 : f32
      %broadcast_in_dim3A_137 = vector.broadcast %broadcast_in_dim3A : f32 to vector<16xf32>
      %swap3A = arith.index_cast %add3A_136 : i32 to index
      %swap3A_138 = arith.constant 0 : index
      %swap3A_139 = tpu.vector_load %arg10[%swap3A, %swap3A_138] {strides = array<i32>} : memref<128x64xf32, #tpu.memory_space<vmem>>, vector<1x16xf32>,
      %swap3A_140 = vector.shape_cast %swap3A_139 : vector<1x16xf32> to vector<16xf32>
      %swap3A_141 = vector.shape_cast %broadcast_in_dim3A_137 : vector<16xf32> to vector<1x16xf32>
      tpu.vector_store %arg10[%swap3A, %swap3A_138], %swap3A_141 {strides = array<i32>} : memref<128x64xf32, #tpu.memory_space<vmem>>, vector<1x16xf32>,
      %broadcast_in_dim3A_142 = arith.constant 0.000000e+00 : f32
      %broadcast_in_dim3A_143 = vector.broadcast %broadcast_in_dim3A_142 : f32 to vector<16xf32>
      %swap3A_144 = arith.index_cast %add3A_136 : i32 to index
      %swap3A_145 = arith.constant 16 : index
      %swap3A_146 = tpu.vector_load %arg10[%swap3A_144, %swap3A_145] {strides = array<i32>} : memref<128x64xf32, #tpu.memory_space<vmem>>, vector<1x16xf32>,
      %swap3A_147 = vector.shape_cast %swap3A_146 : vector<1x16xf32> to vector<16xf32>
      %swap3A_148 = vector.shape_cast %broadcast_in_dim3A_143 : vector<16xf32> to vector<1x16xf32>
      tpu.vector_store %arg10[%swap3A_144, %swap3A_145], %swap3A_148 {strides = array<i32>} : memref<128x64xf32, #tpu.memory_space<vmem>>, vector<1x16xf32>,
      %broadcast_in_dim3A_149 = arith.constant 0.000000e+00 : f32
      %broadcast_in_dim3A_150 = vector.broadcast %broadcast_in_dim3A_149 : f32 to vector<16xf32>
      %swap3A_151 = arith.index_cast %add3A_136 : i32 to index
      %swap3A_152 = arith.constant 32 : index
      %swap3A_153 = tpu.vector_load %arg10[%swap3A_151, %swap3A_152] {strides = array<i32>} : memref<128x64xf32, #tpu.memory_space<vmem>>, vector<1x16xf32>,
      %swap3A_154 = vector.shape_cast %swap3A_153 : vector<1x16xf32> to vector<16xf32>
      %swap3A_155 = vector.shape_cast %broadcast_in_dim3A_150 : vector<16xf32> to vector<1x16xf32>
      tpu.vector_store %arg10[%swap3A_151, %swap3A_152], %swap3A_155 {strides = array<i32>} : memref<128x64xf32, #tpu.memory_space<vmem>>, vector<1x16xf32>,
      %broadcast_in_dim3A_156 = arith.constant 0.000000e+00 : f32
      %broadcast_in_dim3A_157 = vector.broadcast %broadcast_in_dim3A_156 : f32 to vector<16xf32>
      %swap3A_158 = arith.index_cast %add3A_136 : i32 to index
      %swap3A_159 = arith.constant 48 : index
      %swap3A_160 = tpu.vector_load %arg10[%swap3A_158, %swap3A_159] {strides = array<i32>} : memref<128x64xf32, #tpu.memory_space<vmem>>, vector<1x16xf32>,
      %swap3A_161 = vector.shape_cast %swap3A_160 : vector<1x16xf32> to vector<16xf32>
      %swap3A_162 = vector.shape_cast %broadcast_in_dim3A_157 : vector<16xf32> to vector<1x16xf32>
      tpu.vector_store %arg10[%swap3A_158, %swap3A_159], %swap3A_162 {strides = array<i32>} : memref<128x64xf32, #tpu.memory_space<vmem>>, vector<1x16xf32>,
    }
    %scan3A_21 = arith.constant 128 : i32
    %add3A_22 = arith.constant 0 : i32
    %add3A_23 = arith.addi %mul3A_2, %add3A_22 : i32
    "tpu.region"() ({
      %run_scoped3A = tpu.sem_alloc : memref<!tpu.dma_semaphore, #tpu.memory_space<semaphore_mem>>
      %dma_start3A_132 = arith.constant 0 : i32
      %dma_start3A_133 = tpu.memref_slice %arg6[%add3A_23, %dma_start3A_132] : memref<10240x64xf32, #tpu.memory_space<vmem_shared>> -> memref<128x64xf32, #tpu.memory_space<vmem_shared>>
      %dma_start3A_134 = arith.constant 0 : i32
      %dma_start3A_135 = tpu.memref_slice %arg6[%add3A_23, %dma_start3A_134] : memref<10240x64xf32, #tpu.memory_space<vmem_shared>> -> memref<128x64xf32, #tpu.memory_space<vmem_shared>>
      tpu.enqueue_dma source(%arg10 : memref<128x64xf32, #tpu.memory_space<vmem>>) target(%dma_start3A_135 : memref<128x64xf32, #tpu.memory_space<vmem_shared>>) target_semaphore(%run_scoped3A : memref<!tpu.dma_semaphore, #tpu.memory_space<semaphore_mem>>)
      %dma_wait3A_136 = arith.constant 0 : i32
      %dma_wait3A_137 = tpu.memref_slice %arg6[%add3A_23, %dma_wait3A_136] : memref<10240x64xf32, #tpu.memory_space<vmem_shared>> -> memref<128x64xf32, #tpu.memory_space<vmem_shared>>
      %dma_wait3A_138 = arith.constant 0 : i32
      %dma_wait3A_139 = tpu.memref_slice %arg6[%add3A_23, %dma_wait3A_138] : memref<10240x64xf32, #tpu.memory_space<vmem_shared>> -> memref<128x64xf32, #tpu.memory_space<vmem_shared>>
      tpu.wait_dma2 semaphore(%run_scoped3A : memref<!tpu.dma_semaphore, #tpu.memory_space<semaphore_mem>>) src(%arg10 : memref<128x64xf32, #tpu.memory_space<vmem>>) dst(%dma_wait3A_139 : memref<128x64xf32, #tpu.memory_space<vmem_shared>>)
      tpu.yield
    }) : () -> ()
    %add3A_24 = arith.constant 128 : i32
    %add3A_25 = arith.addi %mul3A_2, %add3A_24 : i32
    "tpu.region"() ({
      %run_scoped3A = tpu.sem_alloc : memref<!tpu.dma_semaphore, #tpu.memory_space<semaphore_mem>>
      %dma_start3A_132 = arith.constant 0 : i32
      %dma_start3A_133 = tpu.memref_slice %arg6[%add3A_25, %dma_start3A_132] : memref<10240x64xf32, #tpu.memory_space<vmem_shared>> -> memref<128x64xf32, #tpu.memory_space<vmem_shared>>
      %dma_start3A_134 = arith.constant 0 : i32
      %dma_start3A_135 = tpu.memref_slice %arg6[%add3A_25, %dma_start3A_134] : memref<10240x64xf32, #tpu.memory_space<vmem_shared>> -> memref<128x64xf32, #tpu.memory_space<vmem_shared>>
      tpu.enqueue_dma source(%arg10 : memref<128x64xf32, #tpu.memory_space<vmem>>) target(%dma_start3A_135 : memref<128x64xf32, #tpu.memory_space<vmem_shared>>) target_semaphore(%run_scoped3A : memref<!tpu.dma_semaphore, #tpu.memory_space<semaphore_mem>>)
      %dma_wait3A_136 = arith.constant 0 : i32
      %dma_wait3A_137 = tpu.memref_slice %arg6[%add3A_25, %dma_wait3A_136] : memref<10240x64xf32, #tpu.memory_space<vmem_shared>> -> memref<128x64xf32, #tpu.memory_space<vmem_shared>>
      %dma_wait3A_138 = arith.constant 0 : i32
      %dma_wait3A_139 = tpu.memref_slice %arg6[%add3A_25, %dma_wait3A_138] : memref<10240x64xf32, #tpu.memory_space<vmem_shared>> -> memref<128x64xf32, #tpu.memory_space<vmem_shared>>
      tpu.wait_dma2 semaphore(%run_scoped3A : memref<!tpu.dma_semaphore, #tpu.memory_space<semaphore_mem>>) src(%arg10 : memref<128x64xf32, #tpu.memory_space<vmem>>) dst(%dma_wait3A_139 : memref<128x64xf32, #tpu.memory_space<vmem_shared>>)
      tpu.yield
    }) : () -> ()
    %add3A_26 = arith.constant 256 : i32
    %add3A_27 = arith.addi %mul3A_2, %add3A_26 : i32
    "tpu.region"() ({
      %run_scoped3A = tpu.sem_alloc : memref<!tpu.dma_semaphore, #tpu.memory_space<semaphore_mem>>
      %dma_start3A_132 = arith.constant 0 : i32
      %dma_start3A_133 = tpu.memref_slice %arg6[%add3A_27, %dma_start3A_132] : memref<10240x64xf32, #tpu.memory_space<vmem_shared>> -> memref<128x64xf32, #tpu.memory_space<vmem_shared>>
      %dma_start3A_134 = arith.constant 0 : i32
      %dma_start3A_135 = tpu.memref_slice %arg6[%add3A_27, %dma_start3A_134] : memref<10240x64xf32, #tpu.memory_space<vmem_shared>> -> memref<128x64xf32, #tpu.memory_space<vmem_shared>>
      tpu.enqueue_dma source(%arg10 : memref<128x64xf32, #tpu.memory_space<vmem>>) target(%dma_start3A_135 : memref<128x64xf32, #tpu.memory_space<vmem_shared>>) target_semaphore(%run_scoped3A : memref<!tpu.dma_semaphore, #tpu.memory_space<semaphore_mem>>)
      %dma_wait3A_136 = arith.constant 0 : i32
      %dma_wait3A_137 = tpu.memref_slice %arg6[%add3A_27, %dma_wait3A_136] : memref<10240x64xf32, #tpu.memory_space<vmem_shared>> -> memref<128x64xf32, #tpu.memory_space<vmem_shared>>
      %dma_wait3A_138 = arith.constant 0 : i32
      %dma_wait3A_139 = tpu.memref_slice %arg6[%add3A_27, %dma_wait3A_138] : memref<10240x64xf32, #tpu.memory_space<vmem_shared>> -> memref<128x64xf32, #tpu.memory_space<vmem_shared>>
      tpu.wait_dma2 semaphore(%run_scoped3A : memref<!tpu.dma_semaphore, #tpu.memory_space<semaphore_mem>>) src(%arg10 : memref<128x64xf32, #tpu.memory_space<vmem>>) dst(%dma_wait3A_139 : memref<128x64xf32, #tpu.memory_space<vmem_shared>>)
      tpu.yield
    }) : () -> ()
    %add3A_28 = arith.constant 384 : i32
    %add3A_29 = arith.addi %mul3A_2, %add3A_28 : i32
    "tpu.region"() ({
      %run_scoped3A = tpu.sem_alloc : memref<!tpu.dma_semaphore, #tpu.memory_space<semaphore_mem>>
      %dma_start3A_132 = arith.constant 0 : i32
      %dma_start3A_133 = tpu.memref_slice %arg6[%add3A_29, %dma_start3A_132] : memref<10240x64xf32, #tpu.memory_space<vmem_shared>> -> memref<128x64xf32, #tpu.memory_space<vmem_shared>>
      %dma_start3A_134 = arith.constant 0 : i32
      %dma_start3A_135 = tpu.memref_slice %arg6[%add3A_29, %dma_start3A_134] : memref<10240x64xf32, #tpu.memory_space<vmem_shared>> -> memref<128x64xf32, #tpu.memory_space<vmem_shared>>
      tpu.enqueue_dma source(%arg10 : memref<128x64xf32, #tpu.memory_space<vmem>>) target(%dma_start3A_135 : memref<128x64xf32, #tpu.memory_space<vmem_shared>>) target_semaphore(%run_scoped3A : memref<!tpu.dma_semaphore, #tpu.memory_space<semaphore_mem>>)
      %dma_wait3A_136 = arith.constant 0 : i32
      %dma_wait3A_137 = tpu.memref_slice %arg6[%add3A_29, %dma_wait3A_136] : memref<10240x64xf32, #tpu.memory_space<vmem_shared>> -> memref<128x64xf32, #tpu.memory_space<vmem_shared>>
      %dma_wait3A_138 = arith.constant 0 : i32
      %dma_wait3A_139 = tpu.memref_slice %arg6[%add3A_29, %dma_wait3A_138] : memref<10240x64xf32, #tpu.memory_space<vmem_shared>> -> memref<128x64xf32, #tpu.memory_space<vmem_shared>>
      tpu.wait_dma2 semaphore(%run_scoped3A : memref<!tpu.dma_semaphore, #tpu.memory_space<semaphore_mem>>) src(%arg10 : memref<128x64xf32, #tpu.memory_space<vmem>>) dst(%dma_wait3A_139 : memref<128x64xf32, #tpu.memory_space<vmem_shared>>)
      tpu.yield
    }) : () -> ()
    %add3A_30 = arith.constant 512 : i32
    %add3A_31 = arith.addi %mul3A_2, %add3A_30 : i32
    "tpu.region"() ({
      %run_scoped3A = tpu.sem_alloc : memref<!tpu.dma_semaphore, #tpu.memory_space<semaphore_mem>>
      %dma_start3A_132 = arith.constant 0 : i32
      %dma_start3A_133 = tpu.memref_slice %arg6[%add3A_31, %dma_start3A_132] : memref<10240x64xf32, #tpu.memory_space<vmem_shared>> -> memref<128x64xf32, #tpu.memory_space<vmem_shared>>
      %dma_start3A_134 = arith.constant 0 : i32
      %dma_start3A_135 = tpu.memref_slice %arg6[%add3A_31, %dma_start3A_134] : memref<10240x64xf32, #tpu.memory_space<vmem_shared>> -> memref<128x64xf32, #tpu.memory_space<vmem_shared>>
      tpu.enqueue_dma source(%arg10 : memref<128x64xf32, #tpu.memory_space<vmem>>) target(%dma_start3A_135 : memref<128x64xf32, #tpu.memory_space<vmem_shared>>) target_semaphore(%run_scoped3A : memref<!tpu.dma_semaphore, #tpu.memory_space<semaphore_mem>>)
      %dma_wait3A_136 = arith.constant 0 : i32
      %dma_wait3A_137 = tpu.memref_slice %arg6[%add3A_31, %dma_wait3A_136] : memref<10240x64xf32, #tpu.memory_space<vmem_shared>> -> memref<128x64xf32, #tpu.memory_space<vmem_shared>>
      %dma_wait3A_138 = arith.constant 0 : i32
      %dma_wait3A_139 = tpu.memref_slice %arg6[%add3A_31, %dma_wait3A_138] : memref<10240x64xf32, #tpu.memory_space<vmem_shared>> -> memref<128x64xf32, #tpu.memory_space<vmem_shared>>
      tpu.wait_dma2 semaphore(%run_scoped3A : memref<!tpu.dma_semaphore, #tpu.memory_space<semaphore_mem>>) src(%arg10 : memref<128x64xf32, #tpu.memory_space<vmem>>) dst(%dma_wait3A_139 : memref<128x64xf32, #tpu.memory_space<vmem_shared>>)
      tpu.yield
    }) : () -> ()
    %lt3A = arith.constant 15 : i32
    %lt3A_32 = arith.cmpi slt, %arg1, %lt3A : i32
    %convert_element_type3A = arith.extui %lt3A_32 : i1 to i32
    %cond3A = arith.constant 0 : i32
    %cond3A_33 = arith.cmpi ne, %convert_element_type3A, %cond3A : i32
    scf.if %cond3A_33 {
      "tpu.region"() ({
        %run_scoped3A = tpu.sem_alloc : memref<!tpu.dma_semaphore, #tpu.memory_space<semaphore_mem>>
        %dma_start3A_132 = arith.constant 0 : i32
        %dma_start3A_133 = tpu.memref_slice %arg7[%mul3A_2, %dma_start3A_132] : memref<10240x64xf32, #tpu.memory_space<vmem_shared>> -> memref<640x64xf32, #tpu.memory_space<vmem_shared>>
        %dma_start3A_134 = arith.constant 0 : i32
        %dma_start3A_135 = tpu.memref_slice %arg2[%mul3A_2, %dma_start3A_134] : memref<10000x64xf32, #tpu.memory_space<hbm>> -> memref<640x64xf32, #tpu.memory_space<hbm>>
        tpu.enqueue_dma source(%dma_start3A_135 : memref<640x64xf32, #tpu.memory_space<hbm>>) target(%dma_start3A_133 : memref<640x64xf32, #tpu.memory_space<vmem_shared>>) target_semaphore(%run_scoped3A : memref<!tpu.dma_semaphore, #tpu.memory_space<semaphore_mem>>)
        %dma_wait3A_136 = arith.constant 0 : i32
        %dma_wait3A_137 = tpu.memref_slice %arg7[%mul3A_2, %dma_wait3A_136] : memref<10240x64xf32, #tpu.memory_space<vmem_shared>> -> memref<640x64xf32, #tpu.memory_space<vmem_shared>>
        %dma_wait3A_138 = arith.constant 0 : i32
        %dma_wait3A_139 = tpu.memref_slice %arg2[%mul3A_2, %dma_wait3A_138] : memref<10000x64xf32, #tpu.memory_space<hbm>> -> memref<640x64xf32, #tpu.memory_space<hbm>>
        tpu.wait_dma2 semaphore(%run_scoped3A : memref<!tpu.dma_semaphore, #tpu.memory_space<semaphore_mem>>) src(%dma_wait3A_139 : memref<640x64xf32, #tpu.memory_space<hbm>>) dst(%dma_wait3A_137 : memref<640x64xf32, #tpu.memory_space<vmem_shared>>)
        tpu.yield
      }) : () -> ()
    } else {
    }
    %eq3A = arith.constant 15 : i32
    %eq3A_34 = arith.cmpi eq, %arg1, %eq3A : i32
    %convert_element_type3A_35 = arith.extui %eq3A_34 : i1 to i32
    %cond3A_36 = arith.constant 0 : i32
    %cond3A_37 = arith.cmpi ne, %convert_element_type3A_35, %cond3A_36 : i32
    scf.if %cond3A_37 {
      "tpu.region"() ({
        %run_scoped3A = tpu.sem_alloc : memref<!tpu.dma_semaphore, #tpu.memory_space<semaphore_mem>>
        %dma_start3A_132 = arith.constant 9600 : i32
        %dma_start3A_133 = arith.constant 0 : i32
        %dma_start3A_134 = tpu.memref_slice %arg7[%dma_start3A_132, %dma_start3A_133] : memref<10240x64xf32, #tpu.memory_space<vmem_shared>> -> memref<400x64xf32, #tpu.memory_space<vmem_shared>>
        %dma_start3A_135 = arith.constant 9600 : i32
        %dma_start3A_136 = arith.constant 0 : i32
        %dma_start3A_137 = tpu.memref_slice %arg2[%dma_start3A_135, %dma_start3A_136] : memref<10000x64xf32, #tpu.memory_space<hbm>> -> memref<400x64xf32, #tpu.memory_space<hbm>>
        tpu.enqueue_dma source(%dma_start3A_137 : memref<400x64xf32, #tpu.memory_space<hbm>>) target(%dma_start3A_134 : memref<400x64xf32, #tpu.memory_space<vmem_shared>>) target_semaphore(%run_scoped3A : memref<!tpu.dma_semaphore, #tpu.memory_space<semaphore_mem>>)
        %dma_wait3A_138 = arith.constant 9600 : i32
        %dma_wait3A_139 = arith.constant 0 : i32
        %dma_wait3A_140 = tpu.memref_slice %arg7[%dma_wait3A_138, %dma_wait3A_139] : memref<10240x64xf32, #tpu.memory_space<vmem_shared>> -> memref<400x64xf32, #tpu.memory_space<vmem_shared>>
        %dma_wait3A_141 = arith.constant 9600 : i32
        %dma_wait3A_142 = arith.constant 0 : i32
        %dma_wait3A_143 = tpu.memref_slice %arg2[%dma_wait3A_141, %dma_wait3A_142] : memref<10000x64xf32, #tpu.memory_space<hbm>> -> memref<400x64xf32, #tpu.memory_space<hbm>>
        tpu.wait_dma2 semaphore(%run_scoped3A : memref<!tpu.dma_semaphore, #tpu.memory_space<semaphore_mem>>) src(%dma_wait3A_143 : memref<400x64xf32, #tpu.memory_space<hbm>>) dst(%dma_wait3A_140 : memref<400x64xf32, #tpu.memory_space<vmem_shared>>)
        tpu.yield
      }) : () -> ()
    } else {
    }
    %dma_wait3A = arith.constant 0 : i32
    %dma_wait3A_38 = arith.constant 0 : i32
    %dma_wait3A_39 = tpu.memref_slice %arg3[%add3A, %dma_wait3A, %dma_wait3A_38] : memref<32x80x128xi32, #tpu.memory_space<hbm>> -> memref<1x80x128xi32, #tpu.memory_space<hbm>>
    %dma_wait3A_40 = tpu.memref_squeeze %dma_wait3A_39 : memref<1x80x128xi32, #tpu.memory_space<hbm>> -> memref<80x128xi32, #tpu.memory_space<hbm>>
    %dma_wait3A_41 = arith.constant 0 : i32
    %dma_wait3A_42 = arith.constant 0 : i32
    %dma_wait3A_43 = tpu.memref_slice %arg3[%add3A, %dma_wait3A_41, %dma_wait3A_42] : memref<32x80x128xi32, #tpu.memory_space<hbm>> -> memref<1x80x128xi32, #tpu.memory_space<hbm>>
    %dma_wait3A_44 = tpu.memref_squeeze %dma_wait3A_43 : memref<1x80x128xi32, #tpu.memory_space<hbm>> -> memref<80x128xi32, #tpu.memory_space<hbm>>
    tpu.wait_dma2 semaphore(%arg13 : memref<!tpu.dma_semaphore, #tpu.memory_space<semaphore_mem>>) src(%dma_wait3A_44 : memref<80x128xi32, #tpu.memory_space<hbm>>) dst(%arg8 : memref<80x128xi32, #tpu.memory_space<vmem>>)
    %dma_wait3A_45 = arith.constant 0 : i32
    %dma_wait3A_46 = arith.constant 0 : i32
    %dma_wait3A_47 = tpu.memref_slice %arg4[%add3A, %dma_wait3A_45, %dma_wait3A_46] : memref<32x80x128xi32, #tpu.memory_space<hbm>> -> memref<1x80x128xi32, #tpu.memory_space<hbm>>
    %dma_wait3A_48 = tpu.memref_squeeze %dma_wait3A_47 : memref<1x80x128xi32, #tpu.memory_space<hbm>> -> memref<80x128xi32, #tpu.memory_space<hbm>>
    %dma_wait3A_49 = arith.constant 0 : i32
    %dma_wait3A_50 = arith.constant 0 : i32
    %dma_wait3A_51 = tpu.memref_slice %arg4[%add3A, %dma_wait3A_49, %dma_wait3A_50] : memref<32x80x128xi32, #tpu.memory_space<hbm>> -> memref<1x80x128xi32, #tpu.memory_space<hbm>>
    %dma_wait3A_52 = tpu.memref_squeeze %dma_wait3A_51 : memref<1x80x128xi32, #tpu.memory_space<hbm>> -> memref<80x128xi32, #tpu.memory_space<hbm>>
    tpu.wait_dma2 semaphore(%arg13 : memref<!tpu.dma_semaphore, #tpu.memory_space<semaphore_mem>>) src(%dma_wait3A_52 : memref<80x128xi32, #tpu.memory_space<hbm>>) dst(%arg9 : memref<80x128xi32, #tpu.memory_space<vmem>>)
    %barrier3A = arith.constant 0 : index
    tpu.barrier barrier_id(%barrier3A)
    %dma_start3A_53 = arith.constant 0 : i32
    %dma_start3A_54 = arith.constant 0 : i32
    %dma_start3A_55 = tpu.memref_slice %arg8[%dma_start3A_53, %dma_start3A_54] : memref<80x128xi32, #tpu.memory_space<vmem>> -> memref<1x128xi32, #tpu.memory_space<vmem>>
    %dma_start3A_56 = tpu.memref_squeeze %dma_start3A_55 : memref<1x128xi32, #tpu.memory_space<vmem>> -> memref<128xi32, #tpu.memory_space<vmem>>
    %dma_start3A_57 = arith.constant 0 : i32
    %dma_start3A_58 = arith.constant 0 : i32
    %dma_start3A_59 = tpu.memref_slice %arg7[%dma_start3A_57, %dma_start3A_58] : memref<10240x64xf32, #tpu.memory_space<vmem_shared>> -> memref<10240x64xf32, #tpu.memory_space<vmem_shared>>
    tpu.enqueue_indirect_dma source(%dma_start3A_59 : memref<10240x64xf32, #tpu.memory_space<vmem_shared>>) target(%arg10 : memref<128x64xf32, #tpu.memory_space<vmem>>) offsets(%dma_start3A_56 : memref<128xi32, #tpu.memory_space<vmem>>) semaphore(%arg14 : memref<!tpu.dma_semaphore, #tpu.memory_space<semaphore_mem>>)
    %dma_start3A_60 = arith.constant 1 : i32
    %dma_start3A_61 = arith.constant 0 : i32
    %dma_start3A_62 = tpu.memref_slice %arg8[%dma_start3A_60, %dma_start3A_61] : memref<80x128xi32, #tpu.memory_space<vmem>> -> memref<1x128xi32, #tpu.memory_space<vmem>>
    %dma_start3A_63 = tpu.memref_squeeze %dma_start3A_62 : memref<1x128xi32, #tpu.memory_space<vmem>> -> memref<128xi32, #tpu.memory_space<vmem>>
    %dma_start3A_64 = arith.constant 0 : i32
    %dma_start3A_65 = arith.constant 0 : i32
    %dma_start3A_66 = tpu.memref_slice %arg7[%dma_start3A_64, %dma_start3A_65] : memref<10240x64xf32, #tpu.memory_space<vmem_shared>> -> memref<10240x64xf32, #tpu.memory_space<vmem_shared>>
    tpu.enqueue_indirect_dma source(%dma_start3A_66 : memref<10240x64xf32, #tpu.memory_space<vmem_shared>>) target(%arg11 : memref<128x64xf32, #tpu.memory_space<vmem>>) offsets(%dma_start3A_63 : memref<128xi32, #tpu.memory_space<vmem>>) semaphore(%arg14 : memref<!tpu.dma_semaphore, #tpu.memory_space<semaphore_mem>>)
    %scan3A_67 = arith.constant 0 : i32
    %scan3A_68 = arith.constant 26 : i32
    %scan3A_69 = arith.addi %scan3A_67, %scan3A_68 : i32
    %scan3A_70 = arith.constant 1 : i32
    scf.for %scan3A_132 = %scan3A_67 to %scan3A_69 step %scan3A_70  : i32 {
      %mul3A_133 = arith.constant 3 : i32
      %mul3A_134 = arith.muli %scan3A_132, %mul3A_133 : i32
      %add3A_135 = arith.constant 0 : i32
      %add3A_136 = arith.addi %add3A_135, %mul3A_134 : i32
      %add3A_137 = arith.constant 0 : i32
      %add3A_138 = arith.addi %add3A_136, %add3A_137 : i32
      %dma_wait3A_139 = arith.constant 0 : i32
      %dma_wait3A_140 = tpu.memref_slice %arg8[%add3A_138, %dma_wait3A_139] : memref<80x128xi32, #tpu.memory_space<vmem>> -> memref<1x128xi32, #tpu.memory_space<vmem>>
      %dma_wait3A_141 = tpu.memref_squeeze %dma_wait3A_140 : memref<1x128xi32, #tpu.memory_space<vmem>> -> memref<128xi32, #tpu.memory_space<vmem>>
      %dma_wait3A_142 = arith.constant 0 : i32
      %dma_wait3A_143 = arith.constant 0 : i32
      %dma_wait3A_144 = tpu.memref_slice %arg7[%dma_wait3A_142, %dma_wait3A_143] : memref<10240x64xf32, #tpu.memory_space<vmem_shared>> -> memref<10240x64xf32, #tpu.memory_space<vmem_shared>>
      tpu.wait_indirect_dma semaphore(%arg14 : memref<!tpu.dma_semaphore, #tpu.memory_space<semaphore_mem>>) src(%dma_wait3A_144 : memref<10240x64xf32, #tpu.memory_space<vmem_shared>>) dst(%arg10 : memref<128x64xf32, #tpu.memory_space<vmem>>)
      %dma_start3A_145 = arith.constant 0 : i32
      %dma_start3A_146 = tpu.memref_slice %arg9[%add3A_138, %dma_start3A_145] : memref<80x128xi32, #tpu.memory_space<vmem>> -> memref<1x128xi32, #tpu.memory_space<vmem>>
      %dma_start3A_147 = tpu.memref_squeeze %dma_start3A_146 : memref<1x128xi32, #tpu.memory_space<vmem>> -> memref<128xi32, #tpu.memory_space<vmem>>
      %dma_start3A_148 = arith.constant 0 : i32
      %dma_start3A_149 = arith.constant 0 : i32
      %dma_start3A_150 = tpu.memref_slice %arg6[%dma_start3A_148, %dma_start3A_149] : memref<10240x64xf32, #tpu.memory_space<vmem_shared>> -> memref<10240x64xf32, #tpu.memory_space<vmem_shared>>
      tpu.enqueue_indirect_dma source(%arg10 : memref<128x64xf32, #tpu.memory_space<vmem>>) target(%dma_start3A_150 : memref<10240x64xf32, #tpu.memory_space<vmem_shared>>) offsets(%dma_start3A_147 : memref<128xi32, #tpu.memory_space<vmem>>) semaphore(%arg15 : memref<!tpu.dma_semaphore, #tpu.memory_space<semaphore_mem>>) {add = true}
      %ge3A = arith.constant 1 : i32
      %ge3A_151 = arith.cmpi sge, %add3A_138, %ge3A : i32
      %convert_element_type3A_152 = arith.extui %ge3A_151 : i1 to i32
      %cond3A_153 = arith.constant 0 : i32
      %cond3A_154 = arith.cmpi ne, %convert_element_type3A_152, %cond3A_153 : i32
      scf.if %cond3A_154 {
        %sub3A = arith.constant 1 : i32
        %sub3A_214 = arith.subi %add3A_138, %sub3A : i32
        %dma_wait3A_215 = arith.constant 0 : i32
        %dma_wait3A_216 = tpu.memref_slice %arg9[%sub3A_214, %dma_wait3A_215] : memref<80x128xi32, #tpu.memory_space<vmem>> -> memref<1x128xi32, #tpu.memory_space<vmem>>
        %dma_wait3A_217 = tpu.memref_squeeze %dma_wait3A_216 : memref<1x128xi32, #tpu.memory_space<vmem>> -> memref<128xi32, #tpu.memory_space<vmem>>
        %dma_wait3A_218 = arith.constant 0 : i32
        %dma_wait3A_219 = arith.constant 0 : i32
        %dma_wait3A_220 = tpu.memref_slice %arg6[%dma_wait3A_218, %dma_wait3A_219] : memref<10240x64xf32, #tpu.memory_space<vmem_shared>> -> memref<10240x64xf32, #tpu.memory_space<vmem_shared>>
        tpu.wait_indirect_dma semaphore(%arg15 : memref<!tpu.dma_semaphore, #tpu.memory_space<semaphore_mem>>) src(%arg12 : memref<128x64xf32, #tpu.memory_space<vmem>>) dst(%dma_wait3A_220 : memref<10240x64xf32, #tpu.memory_space<vmem_shared>>)
      } else {
      }
      %add3A_155 = arith.constant 2 : i32
      %add3A_156 = arith.addi %add3A_138, %add3A_155 : i32
      %lt3A_157 = arith.constant 80 : i32
      %lt3A_158 = arith.cmpi slt, %add3A_156, %lt3A_157 : i32
      %convert_element_type3A_159 = arith.extui %lt3A_158 : i1 to i32
      %cond3A_160 = arith.constant 0 : i32
      %cond3A_161 = arith.cmpi ne, %convert_element_type3A_159, %cond3A_160 : i32
      scf.if %cond3A_161 {
        %add3A_214 = arith.constant 2 : i32
        %add3A_215 = arith.addi %add3A_138, %add3A_214 : i32
        %dma_start3A_216 = arith.constant 0 : i32
        %dma_start3A_217 = tpu.memref_slice %arg8[%add3A_215, %dma_start3A_216] : memref<80x128xi32, #tpu.memory_space<vmem>> -> memref<1x128xi32, #tpu.memory_space<vmem>>
        %dma_start3A_218 = tpu.memref_squeeze %dma_start3A_217 : memref<1x128xi32, #tpu.memory_space<vmem>> -> memref<128xi32, #tpu.memory_space<vmem>>
        %dma_start3A_219 = arith.constant 0 : i32
        %dma_start3A_220 = arith.constant 0 : i32
        %dma_start3A_221 = tpu.memref_slice %arg7[%dma_start3A_219, %dma_start3A_220] : memref<10240x64xf32, #tpu.memory_space<vmem_shared>> -> memref<10240x64xf32, #tpu.memory_space<vmem_shared>>
        tpu.enqueue_indirect_dma source(%dma_start3A_221 : memref<10240x64xf32, #tpu.memory_space<vmem_shared>>) target(%arg12 : memref<128x64xf32, #tpu.memory_space<vmem>>) offsets(%dma_start3A_218 : memref<128xi32, #tpu.memory_space<vmem>>) semaphore(%arg14 : memref<!tpu.dma_semaphore, #tpu.memory_space<semaphore_mem>>)
      } else {
      }
      %add3A_162 = arith.constant 1 : i32
      %add3A_163 = arith.addi %add3A_136, %add3A_162 : i32
      %dma_wait3A_164 = arith.constant 0 : i32
      %dma_wait3A_165 = tpu.memref_slice %arg8[%add3A_163, %dma_wait3A_164] : memref<80x128xi32, #tpu.memory_space<vmem>> -> memref<1x128xi32, #tpu.memory_space<vmem>>
      %dma_wait3A_166 = tpu.memref_squeeze %dma_wait3A_165 : memref<1x128xi32, #tpu.memory_space<vmem>> -> memref<128xi32, #tpu.memory_space<vmem>>
      %dma_wait3A_167 = arith.constant 0 : i32
      %dma_wait3A_168 = arith.constant 0 : i32
      %dma_wait3A_169 = tpu.memref_slice %arg7[%dma_wait3A_167, %dma_wait3A_168] : memref<10240x64xf32, #tpu.memory_space<vmem_shared>> -> memref<10240x64xf32, #tpu.memory_space<vmem_shared>>
      tpu.wait_indirect_dma semaphore(%arg14 : memref<!tpu.dma_semaphore, #tpu.memory_space<semaphore_mem>>) src(%dma_wait3A_169 : memref<10240x64xf32, #tpu.memory_space<vmem_shared>>) dst(%arg11 : memref<128x64xf32, #tpu.memory_space<vmem>>)
      %dma_start3A_170 = arith.constant 0 : i32
      %dma_start3A_171 = tpu.memref_slice %arg9[%add3A_163, %dma_start3A_170] : memref<80x128xi32, #tpu.memory_space<vmem>> -> memref<1x128xi32, #tpu.memory_space<vmem>>
      %dma_start3A_172 = tpu.memref_squeeze %dma_start3A_171 : memref<1x128xi32, #tpu.memory_space<vmem>> -> memref<128xi32, #tpu.memory_space<vmem>>
      %dma_start3A_173 = arith.constant 0 : i32
      %dma_start3A_174 = arith.constant 0 : i32
      %dma_start3A_175 = tpu.memref_slice %arg6[%dma_start3A_173, %dma_start3A_174] : memref<10240x64xf32, #tpu.memory_space<vmem_shared>> -> memref<10240x64xf32, #tpu.memory_space<vmem_shared>>
      tpu.enqueue_indirect_dma source(%arg11 : memref<128x64xf32, #tpu.memory_space<vmem>>) target(%dma_start3A_175 : memref<10240x64xf32, #tpu.memory_space<vmem_shared>>) offsets(%dma_start3A_172 : memref<128xi32, #tpu.memory_space<vmem>>) semaphore(%arg15 : memref<!tpu.dma_semaphore, #tpu.memory_space<semaphore_mem>>) {add = true}
      %ge3A_176 = arith.constant 1 : i32
      %ge3A_177 = arith.cmpi sge, %add3A_163, %ge3A_176 : i32
      %convert_element_type3A_178 = arith.extui %ge3A_177 : i1 to i32
      %cond3A_179 = arith.constant 0 : i32
      %cond3A_180 = arith.cmpi ne, %convert_element_type3A_178, %cond3A_179 : i32
      scf.if %cond3A_180 {
        %sub3A = arith.constant 1 : i32
        %sub3A_214 = arith.subi %add3A_163, %sub3A : i32
        %dma_wait3A_215 = arith.constant 0 : i32
        %dma_wait3A_216 = tpu.memref_slice %arg9[%sub3A_214, %dma_wait3A_215] : memref<80x128xi32, #tpu.memory_space<vmem>> -> memref<1x128xi32, #tpu.memory_space<vmem>>
        %dma_wait3A_217 = tpu.memref_squeeze %dma_wait3A_216 : memref<1x128xi32, #tpu.memory_space<vmem>> -> memref<128xi32, #tpu.memory_space<vmem>>
        %dma_wait3A_218 = arith.constant 0 : i32
        %dma_wait3A_219 = arith.constant 0 : i32
        %dma_wait3A_220 = tpu.memref_slice %arg6[%dma_wait3A_218, %dma_wait3A_219] : memref<10240x64xf32, #tpu.memory_space<vmem_shared>> -> memref<10240x64xf32, #tpu.memory_space<vmem_shared>>
        tpu.wait_indirect_dma semaphore(%arg15 : memref<!tpu.dma_semaphore, #tpu.memory_space<semaphore_mem>>) src(%arg10 : memref<128x64xf32, #tpu.memory_space<vmem>>) dst(%dma_wait3A_220 : memref<10240x64xf32, #tpu.memory_space<vmem_shared>>)
      } else {
      }
      %add3A_181 = arith.constant 2 : i32
      %add3A_182 = arith.addi %add3A_163, %add3A_181 : i32
      %lt3A_183 = arith.constant 80 : i32
      %lt3A_184 = arith.cmpi slt, %add3A_182, %lt3A_183 : i32
      %convert_element_type3A_185 = arith.extui %lt3A_184 : i1 to i32
      %cond3A_186 = arith.constant 0 : i32
      %cond3A_187 = arith.cmpi ne, %convert_element_type3A_185, %cond3A_186 : i32
      scf.if %cond3A_187 {
        %add3A_214 = arith.constant 2 : i32
        %add3A_215 = arith.addi %add3A_163, %add3A_214 : i32
        %dma_start3A_216 = arith.constant 0 : i32
        %dma_start3A_217 = tpu.memref_slice %arg8[%add3A_215, %dma_start3A_216] : memref<80x128xi32, #tpu.memory_space<vmem>> -> memref<1x128xi32, #tpu.memory_space<vmem>>
        %dma_start3A_218 = tpu.memref_squeeze %dma_start3A_217 : memref<1x128xi32, #tpu.memory_space<vmem>> -> memref<128xi32, #tpu.memory_space<vmem>>
        %dma_start3A_219 = arith.constant 0 : i32
        %dma_start3A_220 = arith.constant 0 : i32
        %dma_start3A_221 = tpu.memref_slice %arg7[%dma_start3A_219, %dma_start3A_220] : memref<10240x64xf32, #tpu.memory_space<vmem_shared>> -> memref<10240x64xf32, #tpu.memory_space<vmem_shared>>
        tpu.enqueue_indirect_dma source(%dma_start3A_221 : memref<10240x64xf32, #tpu.memory_space<vmem_shared>>) target(%arg10 : memref<128x64xf32, #tpu.memory_space<vmem>>) offsets(%dma_start3A_218 : memref<128xi32, #tpu.memory_space<vmem>>) semaphore(%arg14 : memref<!tpu.dma_semaphore, #tpu.memory_space<semaphore_mem>>)
      } else {
      }
      %add3A_188 = arith.constant 2 : i32
      %add3A_189 = arith.addi %add3A_136, %add3A_188 : i32
      %dma_wait3A_190 = arith.constant 0 : i32
      %dma_wait3A_191 = tpu.memref_slice %arg8[%add3A_189, %dma_wait3A_190] : memref<80x128xi32, #tpu.memory_space<vmem>> -> memref<1x128xi32, #tpu.memory_space<vmem>>
      %dma_wait3A_192 = tpu.memref_squeeze %dma_wait3A_191 : memref<1x128xi32, #tpu.memory_space<vmem>> -> memref<128xi32, #tpu.memory_space<vmem>>
      %dma_wait3A_193 = arith.constant 0 : i32
      %dma_wait3A_194 = arith.constant 0 : i32
      %dma_wait3A_195 = tpu.memref_slice %arg7[%dma_wait3A_193, %dma_wait3A_194] : memref<10240x64xf32, #tpu.memory_space<vmem_shared>> -> memref<10240x64xf32, #tpu.memory_space<vmem_shared>>
      tpu.wait_indirect_dma semaphore(%arg14 : memref<!tpu.dma_semaphore, #tpu.memory_space<semaphore_mem>>) src(%dma_wait3A_195 : memref<10240x64xf32, #tpu.memory_space<vmem_shared>>) dst(%arg12 : memref<128x64xf32, #tpu.memory_space<vmem>>)
      %dma_start3A_196 = arith.constant 0 : i32
      %dma_start3A_197 = tpu.memref_slice %arg9[%add3A_189, %dma_start3A_196] : memref<80x128xi32, #tpu.memory_space<vmem>> -> memref<1x128xi32, #tpu.memory_space<vmem>>
      %dma_start3A_198 = tpu.memref_squeeze %dma_start3A_197 : memref<1x128xi32, #tpu.memory_space<vmem>> -> memref<128xi32, #tpu.memory_space<vmem>>
      %dma_start3A_199 = arith.constant 0 : i32
      %dma_start3A_200 = arith.constant 0 : i32
      %dma_start3A_201 = tpu.memref_slice %arg6[%dma_start3A_199, %dma_start3A_200] : memref<10240x64xf32, #tpu.memory_space<vmem_shared>> -> memref<10240x64xf32, #tpu.memory_space<vmem_shared>>
      tpu.enqueue_indirect_dma source(%arg12 : memref<128x64xf32, #tpu.memory_space<vmem>>) target(%dma_start3A_201 : memref<10240x64xf32, #tpu.memory_space<vmem_shared>>) offsets(%dma_start3A_198 : memref<128xi32, #tpu.memory_space<vmem>>) semaphore(%arg15 : memref<!tpu.dma_semaphore, #tpu.memory_space<semaphore_mem>>) {add = true}
      %ge3A_202 = arith.constant 1 : i32
      %ge3A_203 = arith.cmpi sge, %add3A_189, %ge3A_202 : i32
      %convert_element_type3A_204 = arith.extui %ge3A_203 : i1 to i32
      %cond3A_205 = arith.constant 0 : i32
      %cond3A_206 = arith.cmpi ne, %convert_element_type3A_204, %cond3A_205 : i32
      scf.if %cond3A_206 {
        %sub3A = arith.constant 1 : i32
        %sub3A_214 = arith.subi %add3A_189, %sub3A : i32
        %dma_wait3A_215 = arith.constant 0 : i32
        %dma_wait3A_216 = tpu.memref_slice %arg9[%sub3A_214, %dma_wait3A_215] : memref<80x128xi32, #tpu.memory_space<vmem>> -> memref<1x128xi32, #tpu.memory_space<vmem>>
        %dma_wait3A_217 = tpu.memref_squeeze %dma_wait3A_216 : memref<1x128xi32, #tpu.memory_space<vmem>> -> memref<128xi32, #tpu.memory_space<vmem>>
        %dma_wait3A_218 = arith.constant 0 : i32
        %dma_wait3A_219 = arith.constant 0 : i32
        %dma_wait3A_220 = tpu.memref_slice %arg6[%dma_wait3A_218, %dma_wait3A_219] : memref<10240x64xf32, #tpu.memory_space<vmem_shared>> -> memref<10240x64xf32, #tpu.memory_space<vmem_shared>>
        tpu.wait_indirect_dma semaphore(%arg15 : memref<!tpu.dma_semaphore, #tpu.memory_space<semaphore_mem>>) src(%arg11 : memref<128x64xf32, #tpu.memory_space<vmem>>) dst(%dma_wait3A_220 : memref<10240x64xf32, #tpu.memory_space<vmem_shared>>)
      } else {
      }
      %add3A_207 = arith.constant 2 : i32
      %add3A_208 = arith.addi %add3A_189, %add3A_207 : i32
      %lt3A_209 = arith.constant 80 : i32
      %lt3A_210 = arith.cmpi slt, %add3A_208, %lt3A_209 : i32
      %convert_element_type3A_211 = arith.extui %lt3A_210 : i1 to i32
      %cond3A_212 = arith.constant 0 : i32
      %cond3A_213 = arith.cmpi ne, %convert_element_type3A_211, %cond3A_212 : i32
      scf.if %cond3A_213 {
        %add3A_214 = arith.constant 2 : i32
        %add3A_215 = arith.addi %add3A_189, %add3A_214 : i32
        %dma_start3A_216 = arith.constant 0 : i32
        %dma_start3A_217 = tpu.memref_slice %arg8[%add3A_215, %dma_start3A_216] : memref<80x128xi32, #tpu.memory_space<vmem>> -> memref<1x128xi32, #tpu.memory_space<vmem>>
        %dma_start3A_218 = tpu.memref_squeeze %dma_start3A_217 : memref<1x128xi32, #tpu.memory_space<vmem>> -> memref<128xi32, #tpu.memory_space<vmem>>
        %dma_start3A_219 = arith.constant 0 : i32
        %dma_start3A_220 = arith.constant 0 : i32
        %dma_start3A_221 = tpu.memref_slice %arg7[%dma_start3A_219, %dma_start3A_220] : memref<10240x64xf32, #tpu.memory_space<vmem_shared>> -> memref<10240x64xf32, #tpu.memory_space<vmem_shared>>
        tpu.enqueue_indirect_dma source(%dma_start3A_221 : memref<10240x64xf32, #tpu.memory_space<vmem_shared>>) target(%arg11 : memref<128x64xf32, #tpu.memory_space<vmem>>) offsets(%dma_start3A_218 : memref<128xi32, #tpu.memory_space<vmem>>) semaphore(%arg14 : memref<!tpu.dma_semaphore, #tpu.memory_space<semaphore_mem>>)
      } else {
      }
    }
    %scan3A_71 = arith.constant 26 : i32
    %dma_wait3A_72 = arith.constant 78 : i32
    %dma_wait3A_73 = arith.constant 0 : i32
    %dma_wait3A_74 = tpu.memref_slice %arg8[%dma_wait3A_72, %dma_wait3A_73] : memref<80x128xi32, #tpu.memory_space<vmem>> -> memref<1x128xi32, #tpu.memory_space<vmem>>
    %dma_wait3A_75 = tpu.memref_squeeze %dma_wait3A_74 : memref<1x128xi32, #tpu.memory_space<vmem>> -> memref<128xi32, #tpu.memory_space<vmem>>
    %dma_wait3A_76 = arith.constant 0 : i32
    %dma_wait3A_77 = arith.constant 0 : i32
    %dma_wait3A_78 = tpu.memref_slice %arg7[%dma_wait3A_76, %dma_wait3A_77] : memref<10240x64xf32, #tpu.memory_space<vmem_shared>> -> memref<10240x64xf32, #tpu.memory_space<vmem_shared>>
    tpu.wait_indirect_dma semaphore(%arg14 : memref<!tpu.dma_semaphore, #tpu.memory_space<semaphore_mem>>) src(%dma_wait3A_78 : memref<10240x64xf32, #tpu.memory_space<vmem_shared>>) dst(%arg10 : memref<128x64xf32, #tpu.memory_space<vmem>>)
    %dma_start3A_79 = arith.constant 78 : i32
    %dma_start3A_80 = arith.constant 0 : i32
    %dma_start3A_81 = tpu.memref_slice %arg9[%dma_start3A_79, %dma_start3A_80] : memref<80x128xi32, #tpu.memory_space<vmem>> -> memref<1x128xi32, #tpu.memory_space<vmem>>
    %dma_start3A_82 = tpu.memref_squeeze %dma_start3A_81 : memref<1x128xi32, #tpu.memory_space<vmem>> -> memref<128xi32, #tpu.memory_space<vmem>>
    %dma_start3A_83 = arith.constant 0 : i32
    %dma_start3A_84 = arith.constant 0 : i32
    %dma_start3A_85 = tpu.memref_slice %arg6[%dma_start3A_83, %dma_start3A_84] : memref<10240x64xf32, #tpu.memory_space<vmem_shared>> -> memref<10240x64xf32, #tpu.memory_space<vmem_shared>>
    tpu.enqueue_indirect_dma source(%arg10 : memref<128x64xf32, #tpu.memory_space<vmem>>) target(%dma_start3A_85 : memref<10240x64xf32, #tpu.memory_space<vmem_shared>>) offsets(%dma_start3A_82 : memref<128xi32, #tpu.memory_space<vmem>>) semaphore(%arg15 : memref<!tpu.dma_semaphore, #tpu.memory_space<semaphore_mem>>) {add = true}
    %dma_wait3A_86 = arith.constant 79 : i32
    %dma_wait3A_87 = arith.constant 0 : i32
    %dma_wait3A_88 = tpu.memref_slice %arg8[%dma_wait3A_86, %dma_wait3A_87] : memref<80x128xi32, #tpu.memory_space<vmem>> -> memref<1x128xi32, #tpu.memory_space<vmem>>
    %dma_wait3A_89 = tpu.memref_squeeze %dma_wait3A_88 : memref<1x128xi32, #tpu.memory_space<vmem>> -> memref<128xi32, #tpu.memory_space<vmem>>
    %dma_wait3A_90 = arith.constant 0 : i32
    %dma_wait3A_91 = arith.constant 0 : i32
    %dma_wait3A_92 = tpu.memref_slice %arg7[%dma_wait3A_90, %dma_wait3A_91] : memref<10240x64xf32, #tpu.memory_space<vmem_shared>> -> memref<10240x64xf32, #tpu.memory_space<vmem_shared>>
    tpu.wait_indirect_dma semaphore(%arg14 : memref<!tpu.dma_semaphore, #tpu.memory_space<semaphore_mem>>) src(%dma_wait3A_92 : memref<10240x64xf32, #tpu.memory_space<vmem_shared>>) dst(%arg11 : memref<128x64xf32, #tpu.memory_space<vmem>>)
    %dma_start3A_93 = arith.constant 79 : i32
    %dma_start3A_94 = arith.constant 0 : i32
    %dma_start3A_95 = tpu.memref_slice %arg9[%dma_start3A_93, %dma_start3A_94] : memref<80x128xi32, #tpu.memory_space<vmem>> -> memref<1x128xi32, #tpu.memory_space<vmem>>
    %dma_start3A_96 = tpu.memref_squeeze %dma_start3A_95 : memref<1x128xi32, #tpu.memory_space<vmem>> -> memref<128xi32, #tpu.memory_space<vmem>>
    %dma_start3A_97 = arith.constant 0 : i32
    %dma_start3A_98 = arith.constant 0 : i32
    %dma_start3A_99 = tpu.memref_slice %arg6[%dma_start3A_97, %dma_start3A_98] : memref<10240x64xf32, #tpu.memory_space<vmem_shared>> -> memref<10240x64xf32, #tpu.memory_space<vmem_shared>>
    tpu.enqueue_indirect_dma source(%arg11 : memref<128x64xf32, #tpu.memory_space<vmem>>) target(%dma_start3A_99 : memref<10240x64xf32, #tpu.memory_space<vmem_shared>>) offsets(%dma_start3A_96 : memref<128xi32, #tpu.memory_space<vmem>>) semaphore(%arg15 : memref<!tpu.dma_semaphore, #tpu.memory_space<semaphore_mem>>) {add = true}
    %dma_wait3A_100 = arith.constant 77 : i32
    %dma_wait3A_101 = arith.constant 0 : i32
    %dma_wait3A_102 = tpu.memref_slice %arg9[%dma_wait3A_100, %dma_wait3A_101] : memref<80x128xi32, #tpu.memory_space<vmem>> -> memref<1x128xi32, #tpu.memory_space<vmem>>
    %dma_wait3A_103 = tpu.memref_squeeze %dma_wait3A_102 : memref<1x128xi32, #tpu.memory_space<vmem>> -> memref<128xi32, #tpu.memory_space<vmem>>
    %dma_wait3A_104 = arith.constant 0 : i32
    %dma_wait3A_105 = arith.constant 0 : i32
    %dma_wait3A_106 = tpu.memref_slice %arg6[%dma_wait3A_104, %dma_wait3A_105] : memref<10240x64xf32, #tpu.memory_space<vmem_shared>> -> memref<10240x64xf32, #tpu.memory_space<vmem_shared>>
    tpu.wait_indirect_dma semaphore(%arg15 : memref<!tpu.dma_semaphore, #tpu.memory_space<semaphore_mem>>) src(%arg12 : memref<128x64xf32, #tpu.memory_space<vmem>>) dst(%dma_wait3A_106 : memref<10240x64xf32, #tpu.memory_space<vmem_shared>>)
    %dma_wait3A_107 = arith.constant 78 : i32
    %dma_wait3A_108 = arith.constant 0 : i32
    %dma_wait3A_109 = tpu.memref_slice %arg9[%dma_wait3A_107, %dma_wait3A_108] : memref<80x128xi32, #tpu.memory_space<vmem>> -> memref<1x128xi32, #tpu.memory_space<vmem>>
    %dma_wait3A_110 = tpu.memref_squeeze %dma_wait3A_109 : memref<1x128xi32, #tpu.memory_space<vmem>> -> memref<128xi32, #tpu.memory_space<vmem>>
    %dma_wait3A_111 = arith.constant 0 : i32
    %dma_wait3A_112 = arith.constant 0 : i32
    %dma_wait3A_113 = tpu.memref_slice %arg6[%dma_wait3A_111, %dma_wait3A_112] : memref<10240x64xf32, #tpu.memory_space<vmem_shared>> -> memref<10240x64xf32, #tpu.memory_space<vmem_shared>>
    tpu.wait_indirect_dma semaphore(%arg15 : memref<!tpu.dma_semaphore, #tpu.memory_space<semaphore_mem>>) src(%arg10 : memref<128x64xf32, #tpu.memory_space<vmem>>) dst(%dma_wait3A_113 : memref<10240x64xf32, #tpu.memory_space<vmem_shared>>)
    %dma_wait3A_114 = arith.constant 79 : i32
    %dma_wait3A_115 = arith.constant 0 : i32
    %dma_wait3A_116 = tpu.memref_slice %arg9[%dma_wait3A_114, %dma_wait3A_115] : memref<80x128xi32, #tpu.memory_space<vmem>> -> memref<1x128xi32, #tpu.memory_space<vmem>>
    %dma_wait3A_117 = tpu.memref_squeeze %dma_wait3A_116 : memref<1x128xi32, #tpu.memory_space<vmem>> -> memref<128xi32, #tpu.memory_space<vmem>>
    %dma_wait3A_118 = arith.constant 0 : i32
    %dma_wait3A_119 = arith.constant 0 : i32
    %dma_wait3A_120 = tpu.memref_slice %arg6[%dma_wait3A_118, %dma_wait3A_119] : memref<10240x64xf32, #tpu.memory_space<vmem_shared>> -> memref<10240x64xf32, #tpu.memory_space<vmem_shared>>
    tpu.wait_indirect_dma semaphore(%arg15 : memref<!tpu.dma_semaphore, #tpu.memory_space<semaphore_mem>>) src(%arg11 : memref<128x64xf32, #tpu.memory_space<vmem>>) dst(%dma_wait3A_120 : memref<10240x64xf32, #tpu.memory_space<vmem_shared>>)
    %barrier3A_121 = arith.constant 0 : index
    tpu.barrier barrier_id(%barrier3A_121)
    %eq3A_122 = arith.constant 0 : i32
    %eq3A_123 = arith.cmpi eq, %arg0, %eq3A_122 : i32
    %convert_element_type3A_124 = arith.extui %eq3A_123 : i1 to i32
    %cond3A_125 = arith.constant 0 : i32
    %cond3A_126 = arith.cmpi ne, %convert_element_type3A_124, %cond3A_125 : i32
    scf.if %cond3A_126 {
      %run_scoped3A = arith.constant 0 : i32
      "tpu.region"() ({
        %run_scoped3A_132 = tpu.sem_alloc : memref<!tpu.dma_semaphore, #tpu.memory_space<semaphore_mem>>
        %dma_start3A_133 = arith.constant 0 : i32
        %dma_start3A_134 = tpu.memref_slice %arg5[%run_scoped3A, %mul3A_2, %dma_start3A_133] : memref<2x10240x64xf32, #tpu.memory_space<hbm>> -> memref<1x640x64xf32, #tpu.memory_space<hbm>>
        %dma_start3A_135 = tpu.memref_squeeze %dma_start3A_134 : memref<1x640x64xf32, #tpu.memory_space<hbm>> -> memref<640x64xf32, #tpu.memory_space<hbm>>
        %dma_start3A_136 = arith.constant 0 : i32
        %dma_start3A_137 = tpu.memref_slice %arg6[%mul3A_2, %dma_start3A_136] : memref<10240x64xf32, #tpu.memory_space<vmem_shared>> -> memref<640x64xf32, #tpu.memory_space<vmem_shared>>
        tpu.enqueue_dma source(%dma_start3A_137 : memref<640x64xf32, #tpu.memory_space<vmem_shared>>) target(%dma_start3A_135 : memref<640x64xf32, #tpu.memory_space<hbm>>) target_semaphore(%run_scoped3A_132 : memref<!tpu.dma_semaphore, #tpu.memory_space<semaphore_mem>>)
        %dma_wait3A_138 = arith.constant 0 : i32
        %dma_wait3A_139 = tpu.memref_slice %arg5[%run_scoped3A, %mul3A_2, %dma_wait3A_138] : memref<2x10240x64xf32, #tpu.memory_space<hbm>> -> memref<1x640x64xf32, #tpu.memory_space<hbm>>
        %dma_wait3A_140 = tpu.memref_squeeze %dma_wait3A_139 : memref<1x640x64xf32, #tpu.memory_space<hbm>> -> memref<640x64xf32, #tpu.memory_space<hbm>>
        %dma_wait3A_141 = arith.constant 0 : i32
        %dma_wait3A_142 = tpu.memref_slice %arg6[%mul3A_2, %dma_wait3A_141] : memref<10240x64xf32, #tpu.memory_space<vmem_shared>> -> memref<640x64xf32, #tpu.memory_space<vmem_shared>>
        tpu.wait_dma2 semaphore(%run_scoped3A_132 : memref<!tpu.dma_semaphore, #tpu.memory_space<semaphore_mem>>) src(%dma_wait3A_142 : memref<640x64xf32, #tpu.memory_space<vmem_shared>>) dst(%dma_wait3A_140 : memref<640x64xf32, #tpu.memory_space<hbm>>)
        tpu.yield
      }) : () -> ()
    } else {
    }
    %eq3A_127 = arith.constant 1 : i32
    %eq3A_128 = arith.cmpi eq, %arg0, %eq3A_127 : i32
    %convert_element_type3A_129 = arith.extui %eq3A_128 : i1 to i32
    %cond3A_130 = arith.constant 0 : i32
    %cond3A_131 = arith.cmpi ne, %convert_element_type3A_129, %cond3A_130 : i32
    scf.if %cond3A_131 {
      %run_scoped3A = arith.constant 1 : i32
      "tpu.region"() ({
        %run_scoped3A_132 = tpu.sem_alloc : memref<!tpu.dma_semaphore, #tpu.memory_space<semaphore_mem>>
        %dma_start3A_133 = arith.constant 0 : i32
        %dma_start3A_134 = tpu.memref_slice %arg5[%run_scoped3A, %mul3A_2, %dma_start3A_133] : memref<2x10240x64xf32, #tpu.memory_space<hbm>> -> memref<1x640x64xf32, #tpu.memory_space<hbm>>
        %dma_start3A_135 = tpu.memref_squeeze %dma_start3A_134 : memref<1x640x64xf32, #tpu.memory_space<hbm>> -> memref<640x64xf32, #tpu.memory_space<hbm>>
        %dma_start3A_136 = arith.constant 0 : i32
        %dma_start3A_137 = tpu.memref_slice %arg6[%mul3A_2, %dma_start3A_136] : memref<10240x64xf32, #tpu.memory_space<vmem_shared>> -> memref<640x64xf32, #tpu.memory_space<vmem_shared>>
        tpu.enqueue_dma source(%dma_start3A_137 : memref<640x64xf32, #tpu.memory_space<vmem_shared>>) target(%dma_start3A_135 : memref<640x64xf32, #tpu.memory_space<hbm>>) target_semaphore(%run_scoped3A_132 : memref<!tpu.dma_semaphore, #tpu.memory_space<semaphore_mem>>)
        %dma_wait3A_138 = arith.constant 0 : i32
        %dma_wait3A_139 = tpu.memref_slice %arg5[%run_scoped3A, %mul3A_2, %dma_wait3A_138] : memref<2x10240x64xf32, #tpu.memory_space<hbm>> -> memref<1x640x64xf32, #tpu.memory_space<hbm>>
        %dma_wait3A_140 = tpu.memref_squeeze %dma_wait3A_139 : memref<1x640x64xf32, #tpu.memory_space<hbm>> -> memref<640x64xf32, #tpu.memory_space<hbm>>
        %dma_wait3A_141 = arith.constant 0 : i32
        %dma_wait3A_142 = tpu.memref_slice %arg6[%mul3A_2, %dma_wait3A_141] : memref<10240x64xf32, #tpu.memory_space<vmem_shared>> -> memref<640x64xf32, #tpu.memory_space<vmem_shared>>
        tpu.wait_dma2 semaphore(%run_scoped3A_132 : memref<!tpu.dma_semaphore, #tpu.memory_space<semaphore_mem>>) src(%dma_wait3A_142 : memref<640x64xf32, #tpu.memory_space<vmem_shared>>) dst(%dma_wait3A_140 : memref<640x64xf32, #tpu.memory_space<hbm>>)
        tpu.yield
      }) : () -> ()
    } else {
    }
    return
  }
}

#map = affine_map<(d0, d1) -> (0, 0)>
#map1 = affine_map<(d0, d1) -> (0, 0, 0)>
module attributes {stable_mosaic.version = 14 : i64} {
  func.func @_agg64(%arg0: i32, %arg1: i32, %arg2: memref<10000x64xf32, #tpu.memory_space<hbm>>, %arg3: memref<32x80x128xi32, #tpu.memory_space<hbm>>, %arg4: memref<32x80x128xi32, #tpu.memory_space<hbm>>, %arg5: memref<2x10240x64xf32, #tpu.memory_space<hbm>>, %arg6: memref<10240x64xf32, #tpu.memory_space<vmem_shared>>, %arg7: memref<10240x64xf32, #tpu.memory_space<vmem_shared>>, %arg8: memref<80x128xi32, #tpu.memory_space<vmem>>, %arg9: memref<80x128xi32, #tpu.memory_space<vmem>>, %arg10: memref<128x64xf32, #tpu.memory_space<vmem>>, %arg11: memref<128x64xf32, #tpu.memory_space<vmem>>, %arg12: memref<128x64xf32, #tpu.memory_space<vmem>>, %arg13: memref<!tpu.dma_semaphore, #tpu.memory_space<semaphore_mem>>, %arg14: memref<!tpu.dma_semaphore, #tpu.memory_space<semaphore_mem>>, %arg15: memref<!tpu.dma_semaphore, #tpu.memory_space<semaphore_mem>>) attributes {dimension_semantics = [#tpu.dimension_semantics<core_parallel>, #tpu.dimension_semantics<subcore_parallel>], iteration_bounds = array<i64: 2, 16>, scalar_prefetch = 0 : i64, scratch_operands = 10 : i64, tpu.core_type = #tpu.core_type<sc_vector_subcore>, window_params = [{transform_indices = #map}, {transform_indices = #map1}, {transform_indices = #map1}, {transform_indices = #map1}]} {
    %mul3A = arith.constant 2 : i32
    %mul3A_0 = arith.muli %arg1, %mul3A : i32
    %add3A = arith.addi %mul3A_0, %arg0 : i32
    %mul3A_1 = arith.constant 640 : i32
    %mul3A_2 = arith.muli %arg1, %mul3A_1 : i32
    %dma_start3A = arith.constant 0 : i32
    %dma_start3A_3 = arith.constant 0 : i32
    %dma_start3A_4 = tpu.memref_slice %arg3[%add3A, %dma_start3A, %dma_start3A_3] : memref<32x80x128xi32, #tpu.memory_space<hbm>> -> memref<1x80x128xi32, #tpu.memory_space<hbm>>
    %dma_start3A_5 = tpu.memref_squeeze %dma_start3A_4 : memref<1x80x128xi32, #tpu.memory_space<hbm>> -> memref<80x128xi32, #tpu.memory_space<hbm>>
    %dma_start3A_6 = arith.constant 0 : i32
    %dma_start3A_7 = arith.constant 0 : i32
    %dma_start3A_8 = tpu.memref_slice %arg3[%add3A, %dma_start3A_6, %dma_start3A_7] : memref<32x80x128xi32, #tpu.memory_space<hbm>> -> memref<1x80x128xi32, #tpu.memory_space<hbm>>
    %dma_start3A_9 = tpu.memref_squeeze %dma_start3A_8 : memref<1x80x128xi32, #tpu.memory_space<hbm>> -> memref<80x128xi32, #tpu.memory_space<hbm>>
    tpu.enqueue_dma source(%dma_start3A_9 : memref<80x128xi32, #tpu.memory_space<hbm>>) target(%arg8 : memref<80x128xi32, #tpu.memory_space<vmem>>) target_semaphore(%arg13 : memref<!tpu.dma_semaphore, #tpu.memory_space<semaphore_mem>>)
    %dma_start3A_10 = arith.constant 0 : i32
    %dma_start3A_11 = arith.constant 0 : i32
    %dma_start3A_12 = tpu.memref_slice %arg4[%add3A, %dma_start3A_10, %dma_start3A_11] : memref<32x80x128xi32, #tpu.memory_space<hbm>> -> memref<1x80x128xi32, #tpu.memory_space<hbm>>
    %dma_start3A_13 = tpu.memref_squeeze %dma_start3A_12 : memref<1x80x128xi32, #tpu.memory_space<hbm>> -> memref<80x128xi32, #tpu.memory_space<hbm>>
    %dma_start3A_14 = arith.constant 0 : i32
    %dma_start3A_15 = arith.constant 0 : i32
    %dma_start3A_16 = tpu.memref_slice %arg4[%add3A, %dma_start3A_14, %dma_start3A_15] : memref<32x80x128xi32, #tpu.memory_space<hbm>> -> memref<1x80x128xi32, #tpu.memory_space<hbm>>
    %dma_start3A_17 = tpu.memref_squeeze %dma_start3A_16 : memref<1x80x128xi32, #tpu.memory_space<hbm>> -> memref<80x128xi32, #tpu.memory_space<hbm>>
    tpu.enqueue_dma source(%dma_start3A_17 : memref<80x128xi32, #tpu.memory_space<hbm>>) target(%arg9 : memref<80x128xi32, #tpu.memory_space<vmem>>) target_semaphore(%arg13 : memref<!tpu.dma_semaphore, #tpu.memory_space<semaphore_mem>>)
    %scan3A = arith.constant 0 : i32
    %scan3A_18 = arith.constant 128 : i32
    %scan3A_19 = arith.addi %scan3A, %scan3A_18 : i32
    %scan3A_20 = arith.constant 1 : i32
    scf.for %scan3A_132 = %scan3A to %scan3A_19 step %scan3A_20  : i32 {
      %mul3A_133 = arith.constant 1 : i32
      %mul3A_134 = arith.muli %scan3A_132, %mul3A_133 : i32
      %add3A_135 = arith.constant 0 : i32
      %add3A_136 = arith.addi %add3A_135, %mul3A_134 : i32
      %broadcast_in_dim3A = arith.constant 0.000000e+00 : f32
      %broadcast_in_dim3A_137 = vector.broadcast %broadcast_in_dim3A : f32 to vector<16xf32>
      %swap3A = arith.index_cast %add3A_136 : i32 to index
      %swap3A_138 = arith.constant 0 : index
      %swap3A_139 = tpu.vector_load %arg10[%swap3A, %swap3A_138] {strides = array<i32>} : memref<128x64xf32, #tpu.memory_space<vmem>>, vector<1x16xf32>,
      %swap3A_140 = vector.shape_cast %swap3A_139 : vector<1x16xf32> to vector<16xf32>
      %swap3A_141 = vector.shape_cast %broadcast_in_dim3A_137 : vector<16xf32> to vector<1x16xf32>
      tpu.vector_store %arg10[%swap3A, %swap3A_138], %swap3A_141 {strides = array<i32>} : memref<128x64xf32, #tpu.memory_space<vmem>>, vector<1x16xf32>,
      %broadcast_in_dim3A_142 = arith.constant 0.000000e+00 : f32
      %broadcast_in_dim3A_143 = vector.broadcast %broadcast_in_dim3A_142 : f32 to vector<16xf32>
      %swap3A_144 = arith.index_cast %add3A_136 : i32 to index
      %swap3A_145 = arith.constant 16 : index
      %swap3A_146 = tpu.vector_load %arg10[%swap3A_144, %swap3A_145] {strides = array<i32>} : memref<128x64xf32, #tpu.memory_space<vmem>>, vector<1x16xf32>,
      %swap3A_147 = vector.shape_cast %swap3A_146 : vector<1x16xf32> to vector<16xf32>
      %swap3A_148 = vector.shape_cast %broadcast_in_dim3A_143 : vector<16xf32> to vector<1x16xf32>
      tpu.vector_store %arg10[%swap3A_144, %swap3A_145], %swap3A_148 {strides = array<i32>} : memref<128x64xf32, #tpu.memory_space<vmem>>, vector<1x16xf32>,
      %broadcast_in_dim3A_149 = arith.constant 0.000000e+00 : f32
      %broadcast_in_dim3A_150 = vector.broadcast %broadcast_in_dim3A_149 : f32 to vector<16xf32>
      %swap3A_151 = arith.index_cast %add3A_136 : i32 to index
      %swap3A_152 = arith.constant 32 : index
      %swap3A_153 = tpu.vector_load %arg10[%swap3A_151, %swap3A_152] {strides = array<i32>} : memref<128x64xf32, #tpu.memory_space<vmem>>, vector<1x16xf32>,
      %swap3A_154 = vector.shape_cast %swap3A_153 : vector<1x16xf32> to vector<16xf32>
      %swap3A_155 = vector.shape_cast %broadcast_in_dim3A_150 : vector<16xf32> to vector<1x16xf32>
      tpu.vector_store %arg10[%swap3A_151, %swap3A_152], %swap3A_155 {strides = array<i32>} : memref<128x64xf32, #tpu.memory_space<vmem>>, vector<1x16xf32>,
      %broadcast_in_dim3A_156 = arith.constant 0.000000e+00 : f32
      %broadcast_in_dim3A_157 = vector.broadcast %broadcast_in_dim3A_156 : f32 to vector<16xf32>
      %swap3A_158 = arith.index_cast %add3A_136 : i32 to index
      %swap3A_159 = arith.constant 48 : index
      %swap3A_160 = tpu.vector_load %arg10[%swap3A_158, %swap3A_159] {strides = array<i32>} : memref<128x64xf32, #tpu.memory_space<vmem>>, vector<1x16xf32>,
      %swap3A_161 = vector.shape_cast %swap3A_160 : vector<1x16xf32> to vector<16xf32>
      %swap3A_162 = vector.shape_cast %broadcast_in_dim3A_157 : vector<16xf32> to vector<1x16xf32>
      tpu.vector_store %arg10[%swap3A_158, %swap3A_159], %swap3A_162 {strides = array<i32>} : memref<128x64xf32, #tpu.memory_space<vmem>>, vector<1x16xf32>,
    }
    %scan3A_21 = arith.constant 128 : i32
    %add3A_22 = arith.constant 0 : i32
    %add3A_23 = arith.addi %mul3A_2, %add3A_22 : i32
    "tpu.region"() ({
      %run_scoped3A = tpu.sem_alloc : memref<!tpu.dma_semaphore, #tpu.memory_space<semaphore_mem>>
      %dma_start3A_132 = arith.constant 0 : i32
      %dma_start3A_133 = tpu.memref_slice %arg6[%add3A_23, %dma_start3A_132] : memref<10240x64xf32, #tpu.memory_space<vmem_shared>> -> memref<128x64xf32, #tpu.memory_space<vmem_shared>>
      %dma_start3A_134 = arith.constant 0 : i32
      %dma_start3A_135 = tpu.memref_slice %arg6[%add3A_23, %dma_start3A_134] : memref<10240x64xf32, #tpu.memory_space<vmem_shared>> -> memref<128x64xf32, #tpu.memory_space<vmem_shared>>
      tpu.enqueue_dma source(%arg10 : memref<128x64xf32, #tpu.memory_space<vmem>>) target(%dma_start3A_135 : memref<128x64xf32, #tpu.memory_space<vmem_shared>>) target_semaphore(%run_scoped3A : memref<!tpu.dma_semaphore, #tpu.memory_space<semaphore_mem>>)
      %dma_wait3A_136 = arith.constant 0 : i32
      %dma_wait3A_137 = tpu.memref_slice %arg6[%add3A_23, %dma_wait3A_136] : memref<10240x64xf32, #tpu.memory_space<vmem_shared>> -> memref<128x64xf32, #tpu.memory_space<vmem_shared>>
      %dma_wait3A_138 = arith.constant 0 : i32
      %dma_wait3A_139 = tpu.memref_slice %arg6[%add3A_23, %dma_wait3A_138] : memref<10240x64xf32, #tpu.memory_space<vmem_shared>> -> memref<128x64xf32, #tpu.memory_space<vmem_shared>>
      tpu.wait_dma2 semaphore(%run_scoped3A : memref<!tpu.dma_semaphore, #tpu.memory_space<semaphore_mem>>) src(%arg10 : memref<128x64xf32, #tpu.memory_space<vmem>>) dst(%dma_wait3A_139 : memref<128x64xf32, #tpu.memory_space<vmem_shared>>)
      tpu.yield
    }) : () -> ()
    %add3A_24 = arith.constant 128 : i32
    %add3A_25 = arith.addi %mul3A_2, %add3A_24 : i32
    "tpu.region"() ({
      %run_scoped3A = tpu.sem_alloc : memref<!tpu.dma_semaphore, #tpu.memory_space<semaphore_mem>>
      %dma_start3A_132 = arith.constant 0 : i32
      %dma_start3A_133 = tpu.memref_slice %arg6[%add3A_25, %dma_start3A_132] : memref<10240x64xf32, #tpu.memory_space<vmem_shared>> -> memref<128x64xf32, #tpu.memory_space<vmem_shared>>
      %dma_start3A_134 = arith.constant 0 : i32
      %dma_start3A_135 = tpu.memref_slice %arg6[%add3A_25, %dma_start3A_134] : memref<10240x64xf32, #tpu.memory_space<vmem_shared>> -> memref<128x64xf32, #tpu.memory_space<vmem_shared>>
      tpu.enqueue_dma source(%arg10 : memref<128x64xf32, #tpu.memory_space<vmem>>) target(%dma_start3A_135 : memref<128x64xf32, #tpu.memory_space<vmem_shared>>) target_semaphore(%run_scoped3A : memref<!tpu.dma_semaphore, #tpu.memory_space<semaphore_mem>>)
      %dma_wait3A_136 = arith.constant 0 : i32
      %dma_wait3A_137 = tpu.memref_slice %arg6[%add3A_25, %dma_wait3A_136] : memref<10240x64xf32, #tpu.memory_space<vmem_shared>> -> memref<128x64xf32, #tpu.memory_space<vmem_shared>>
      %dma_wait3A_138 = arith.constant 0 : i32
      %dma_wait3A_139 = tpu.memref_slice %arg6[%add3A_25, %dma_wait3A_138] : memref<10240x64xf32, #tpu.memory_space<vmem_shared>> -> memref<128x64xf32, #tpu.memory_space<vmem_shared>>
      tpu.wait_dma2 semaphore(%run_scoped3A : memref<!tpu.dma_semaphore, #tpu.memory_space<semaphore_mem>>) src(%arg10 : memref<128x64xf32, #tpu.memory_space<vmem>>) dst(%dma_wait3A_139 : memref<128x64xf32, #tpu.memory_space<vmem_shared>>)
      tpu.yield
    }) : () -> ()
    %add3A_26 = arith.constant 256 : i32
    %add3A_27 = arith.addi %mul3A_2, %add3A_26 : i32
    "tpu.region"() ({
      %run_scoped3A = tpu.sem_alloc : memref<!tpu.dma_semaphore, #tpu.memory_space<semaphore_mem>>
      %dma_start3A_132 = arith.constant 0 : i32
      %dma_start3A_133 = tpu.memref_slice %arg6[%add3A_27, %dma_start3A_132] : memref<10240x64xf32, #tpu.memory_space<vmem_shared>> -> memref<128x64xf32, #tpu.memory_space<vmem_shared>>
      %dma_start3A_134 = arith.constant 0 : i32
      %dma_start3A_135 = tpu.memref_slice %arg6[%add3A_27, %dma_start3A_134] : memref<10240x64xf32, #tpu.memory_space<vmem_shared>> -> memref<128x64xf32, #tpu.memory_space<vmem_shared>>
      tpu.enqueue_dma source(%arg10 : memref<128x64xf32, #tpu.memory_space<vmem>>) target(%dma_start3A_135 : memref<128x64xf32, #tpu.memory_space<vmem_shared>>) target_semaphore(%run_scoped3A : memref<!tpu.dma_semaphore, #tpu.memory_space<semaphore_mem>>)
      %dma_wait3A_136 = arith.constant 0 : i32
      %dma_wait3A_137 = tpu.memref_slice %arg6[%add3A_27, %dma_wait3A_136] : memref<10240x64xf32, #tpu.memory_space<vmem_shared>> -> memref<128x64xf32, #tpu.memory_space<vmem_shared>>
      %dma_wait3A_138 = arith.constant 0 : i32
      %dma_wait3A_139 = tpu.memref_slice %arg6[%add3A_27, %dma_wait3A_138] : memref<10240x64xf32, #tpu.memory_space<vmem_shared>> -> memref<128x64xf32, #tpu.memory_space<vmem_shared>>
      tpu.wait_dma2 semaphore(%run_scoped3A : memref<!tpu.dma_semaphore, #tpu.memory_space<semaphore_mem>>) src(%arg10 : memref<128x64xf32, #tpu.memory_space<vmem>>) dst(%dma_wait3A_139 : memref<128x64xf32, #tpu.memory_space<vmem_shared>>)
      tpu.yield
    }) : () -> ()
    %add3A_28 = arith.constant 384 : i32
    %add3A_29 = arith.addi %mul3A_2, %add3A_28 : i32
    "tpu.region"() ({
      %run_scoped3A = tpu.sem_alloc : memref<!tpu.dma_semaphore, #tpu.memory_space<semaphore_mem>>
      %dma_start3A_132 = arith.constant 0 : i32
      %dma_start3A_133 = tpu.memref_slice %arg6[%add3A_29, %dma_start3A_132] : memref<10240x64xf32, #tpu.memory_space<vmem_shared>> -> memref<128x64xf32, #tpu.memory_space<vmem_shared>>
      %dma_start3A_134 = arith.constant 0 : i32
      %dma_start3A_135 = tpu.memref_slice %arg6[%add3A_29, %dma_start3A_134] : memref<10240x64xf32, #tpu.memory_space<vmem_shared>> -> memref<128x64xf32, #tpu.memory_space<vmem_shared>>
      tpu.enqueue_dma source(%arg10 : memref<128x64xf32, #tpu.memory_space<vmem>>) target(%dma_start3A_135 : memref<128x64xf32, #tpu.memory_space<vmem_shared>>) target_semaphore(%run_scoped3A : memref<!tpu.dma_semaphore, #tpu.memory_space<semaphore_mem>>)
      %dma_wait3A_136 = arith.constant 0 : i32
      %dma_wait3A_137 = tpu.memref_slice %arg6[%add3A_29, %dma_wait3A_136] : memref<10240x64xf32, #tpu.memory_space<vmem_shared>> -> memref<128x64xf32, #tpu.memory_space<vmem_shared>>
      %dma_wait3A_138 = arith.constant 0 : i32
      %dma_wait3A_139 = tpu.memref_slice %arg6[%add3A_29, %dma_wait3A_138] : memref<10240x64xf32, #tpu.memory_space<vmem_shared>> -> memref<128x64xf32, #tpu.memory_space<vmem_shared>>
      tpu.wait_dma2 semaphore(%run_scoped3A : memref<!tpu.dma_semaphore, #tpu.memory_space<semaphore_mem>>) src(%arg10 : memref<128x64xf32, #tpu.memory_space<vmem>>) dst(%dma_wait3A_139 : memref<128x64xf32, #tpu.memory_space<vmem_shared>>)
      tpu.yield
    }) : () -> ()
    %add3A_30 = arith.constant 512 : i32
    %add3A_31 = arith.addi %mul3A_2, %add3A_30 : i32
    "tpu.region"() ({
      %run_scoped3A = tpu.sem_alloc : memref<!tpu.dma_semaphore, #tpu.memory_space<semaphore_mem>>
      %dma_start3A_132 = arith.constant 0 : i32
      %dma_start3A_133 = tpu.memref_slice %arg6[%add3A_31, %dma_start3A_132] : memref<10240x64xf32, #tpu.memory_space<vmem_shared>> -> memref<128x64xf32, #tpu.memory_space<vmem_shared>>
      %dma_start3A_134 = arith.constant 0 : i32
      %dma_start3A_135 = tpu.memref_slice %arg6[%add3A_31, %dma_start3A_134] : memref<10240x64xf32, #tpu.memory_space<vmem_shared>> -> memref<128x64xf32, #tpu.memory_space<vmem_shared>>
      tpu.enqueue_dma source(%arg10 : memref<128x64xf32, #tpu.memory_space<vmem>>) target(%dma_start3A_135 : memref<128x64xf32, #tpu.memory_space<vmem_shared>>) target_semaphore(%run_scoped3A : memref<!tpu.dma_semaphore, #tpu.memory_space<semaphore_mem>>)
      %dma_wait3A_136 = arith.constant 0 : i32
      %dma_wait3A_137 = tpu.memref_slice %arg6[%add3A_31, %dma_wait3A_136] : memref<10240x64xf32, #tpu.memory_space<vmem_shared>> -> memref<128x64xf32, #tpu.memory_space<vmem_shared>>
      %dma_wait3A_138 = arith.constant 0 : i32
      %dma_wait3A_139 = tpu.memref_slice %arg6[%add3A_31, %dma_wait3A_138] : memref<10240x64xf32, #tpu.memory_space<vmem_shared>> -> memref<128x64xf32, #tpu.memory_space<vmem_shared>>
      tpu.wait_dma2 semaphore(%run_scoped3A : memref<!tpu.dma_semaphore, #tpu.memory_space<semaphore_mem>>) src(%arg10 : memref<128x64xf32, #tpu.memory_space<vmem>>) dst(%dma_wait3A_139 : memref<128x64xf32, #tpu.memory_space<vmem_shared>>)
      tpu.yield
    }) : () -> ()
    %lt3A = arith.constant 15 : i32
    %lt3A_32 = arith.cmpi slt, %arg1, %lt3A : i32
    %convert_element_type3A = arith.extui %lt3A_32 : i1 to i32
    %cond3A = arith.constant 0 : i32
    %cond3A_33 = arith.cmpi ne, %convert_element_type3A, %cond3A : i32
    scf.if %cond3A_33 {
      "tpu.region"() ({
        %run_scoped3A = tpu.sem_alloc : memref<!tpu.dma_semaphore, #tpu.memory_space<semaphore_mem>>
        %dma_start3A_132 = arith.constant 0 : i32
        %dma_start3A_133 = tpu.memref_slice %arg7[%mul3A_2, %dma_start3A_132] : memref<10240x64xf32, #tpu.memory_space<vmem_shared>> -> memref<640x64xf32, #tpu.memory_space<vmem_shared>>
        %dma_start3A_134 = arith.constant 0 : i32
        %dma_start3A_135 = tpu.memref_slice %arg2[%mul3A_2, %dma_start3A_134] : memref<10000x64xf32, #tpu.memory_space<hbm>> -> memref<640x64xf32, #tpu.memory_space<hbm>>
        tpu.enqueue_dma source(%dma_start3A_135 : memref<640x64xf32, #tpu.memory_space<hbm>>) target(%dma_start3A_133 : memref<640x64xf32, #tpu.memory_space<vmem_shared>>) target_semaphore(%run_scoped3A : memref<!tpu.dma_semaphore, #tpu.memory_space<semaphore_mem>>)
        %dma_wait3A_136 = arith.constant 0 : i32
        %dma_wait3A_137 = tpu.memref_slice %arg7[%mul3A_2, %dma_wait3A_136] : memref<10240x64xf32, #tpu.memory_space<vmem_shared>> -> memref<640x64xf32, #tpu.memory_space<vmem_shared>>
        %dma_wait3A_138 = arith.constant 0 : i32
        %dma_wait3A_139 = tpu.memref_slice %arg2[%mul3A_2, %dma_wait3A_138] : memref<10000x64xf32, #tpu.memory_space<hbm>> -> memref<640x64xf32, #tpu.memory_space<hbm>>
        tpu.wait_dma2 semaphore(%run_scoped3A : memref<!tpu.dma_semaphore, #tpu.memory_space<semaphore_mem>>) src(%dma_wait3A_139 : memref<640x64xf32, #tpu.memory_space<hbm>>) dst(%dma_wait3A_137 : memref<640x64xf32, #tpu.memory_space<vmem_shared>>)
        tpu.yield
      }) : () -> ()
    } else {
    }
    %eq3A = arith.constant 15 : i32
    %eq3A_34 = arith.cmpi eq, %arg1, %eq3A : i32
    %convert_element_type3A_35 = arith.extui %eq3A_34 : i1 to i32
    %cond3A_36 = arith.constant 0 : i32
    %cond3A_37 = arith.cmpi ne, %convert_element_type3A_35, %cond3A_36 : i32
    scf.if %cond3A_37 {
      "tpu.region"() ({
        %run_scoped3A = tpu.sem_alloc : memref<!tpu.dma_semaphore, #tpu.memory_space<semaphore_mem>>
        %dma_start3A_132 = arith.constant 9600 : i32
        %dma_start3A_133 = arith.constant 0 : i32
        %dma_start3A_134 = tpu.memref_slice %arg7[%dma_start3A_132, %dma_start3A_133] : memref<10240x64xf32, #tpu.memory_space<vmem_shared>> -> memref<400x64xf32, #tpu.memory_space<vmem_shared>>
        %dma_start3A_135 = arith.constant 9600 : i32
        %dma_start3A_136 = arith.constant 0 : i32
        %dma_start3A_137 = tpu.memref_slice %arg2[%dma_start3A_135, %dma_start3A_136] : memref<10000x64xf32, #tpu.memory_space<hbm>> -> memref<400x64xf32, #tpu.memory_space<hbm>>
        tpu.enqueue_dma source(%dma_start3A_137 : memref<400x64xf32, #tpu.memory_space<hbm>>) target(%dma_start3A_134 : memref<400x64xf32, #tpu.memory_space<vmem_shared>>) target_semaphore(%run_scoped3A : memref<!tpu.dma_semaphore, #tpu.memory_space<semaphore_mem>>)
        %dma_wait3A_138 = arith.constant 9600 : i32
        %dma_wait3A_139 = arith.constant 0 : i32
        %dma_wait3A_140 = tpu.memref_slice %arg7[%dma_wait3A_138, %dma_wait3A_139] : memref<10240x64xf32, #tpu.memory_space<vmem_shared>> -> memref<400x64xf32, #tpu.memory_space<vmem_shared>>
        %dma_wait3A_141 = arith.constant 9600 : i32
        %dma_wait3A_142 = arith.constant 0 : i32
        %dma_wait3A_143 = tpu.memref_slice %arg2[%dma_wait3A_141, %dma_wait3A_142] : memref<10000x64xf32, #tpu.memory_space<hbm>> -> memref<400x64xf32, #tpu.memory_space<hbm>>
        tpu.wait_dma2 semaphore(%run_scoped3A : memref<!tpu.dma_semaphore, #tpu.memory_space<semaphore_mem>>) src(%dma_wait3A_143 : memref<400x64xf32, #tpu.memory_space<hbm>>) dst(%dma_wait3A_140 : memref<400x64xf32, #tpu.memory_space<vmem_shared>>)
        tpu.yield
      }) : () -> ()
    } else {
    }
    %dma_wait3A = arith.constant 0 : i32
    %dma_wait3A_38 = arith.constant 0 : i32
    %dma_wait3A_39 = tpu.memref_slice %arg3[%add3A, %dma_wait3A, %dma_wait3A_38] : memref<32x80x128xi32, #tpu.memory_space<hbm>> -> memref<1x80x128xi32, #tpu.memory_space<hbm>>
    %dma_wait3A_40 = tpu.memref_squeeze %dma_wait3A_39 : memref<1x80x128xi32, #tpu.memory_space<hbm>> -> memref<80x128xi32, #tpu.memory_space<hbm>>
    %dma_wait3A_41 = arith.constant 0 : i32
    %dma_wait3A_42 = arith.constant 0 : i32
    %dma_wait3A_43 = tpu.memref_slice %arg3[%add3A, %dma_wait3A_41, %dma_wait3A_42] : memref<32x80x128xi32, #tpu.memory_space<hbm>> -> memref<1x80x128xi32, #tpu.memory_space<hbm>>
    %dma_wait3A_44 = tpu.memref_squeeze %dma_wait3A_43 : memref<1x80x128xi32, #tpu.memory_space<hbm>> -> memref<80x128xi32, #tpu.memory_space<hbm>>
    tpu.wait_dma2 semaphore(%arg13 : memref<!tpu.dma_semaphore, #tpu.memory_space<semaphore_mem>>) src(%dma_wait3A_44 : memref<80x128xi32, #tpu.memory_space<hbm>>) dst(%arg8 : memref<80x128xi32, #tpu.memory_space<vmem>>)
    %dma_wait3A_45 = arith.constant 0 : i32
    %dma_wait3A_46 = arith.constant 0 : i32
    %dma_wait3A_47 = tpu.memref_slice %arg4[%add3A, %dma_wait3A_45, %dma_wait3A_46] : memref<32x80x128xi32, #tpu.memory_space<hbm>> -> memref<1x80x128xi32, #tpu.memory_space<hbm>>
    %dma_wait3A_48 = tpu.memref_squeeze %dma_wait3A_47 : memref<1x80x128xi32, #tpu.memory_space<hbm>> -> memref<80x128xi32, #tpu.memory_space<hbm>>
    %dma_wait3A_49 = arith.constant 0 : i32
    %dma_wait3A_50 = arith.constant 0 : i32
    %dma_wait3A_51 = tpu.memref_slice %arg4[%add3A, %dma_wait3A_49, %dma_wait3A_50] : memref<32x80x128xi32, #tpu.memory_space<hbm>> -> memref<1x80x128xi32, #tpu.memory_space<hbm>>
    %dma_wait3A_52 = tpu.memref_squeeze %dma_wait3A_51 : memref<1x80x128xi32, #tpu.memory_space<hbm>> -> memref<80x128xi32, #tpu.memory_space<hbm>>
    tpu.wait_dma2 semaphore(%arg13 : memref<!tpu.dma_semaphore, #tpu.memory_space<semaphore_mem>>) src(%dma_wait3A_52 : memref<80x128xi32, #tpu.memory_space<hbm>>) dst(%arg9 : memref<80x128xi32, #tpu.memory_space<vmem>>)
    %barrier3A = arith.constant 0 : index
    tpu.barrier barrier_id(%barrier3A)
    %dma_start3A_53 = arith.constant 0 : i32
    %dma_start3A_54 = arith.constant 0 : i32
    %dma_start3A_55 = tpu.memref_slice %arg8[%dma_start3A_53, %dma_start3A_54] : memref<80x128xi32, #tpu.memory_space<vmem>> -> memref<1x128xi32, #tpu.memory_space<vmem>>
    %dma_start3A_56 = tpu.memref_squeeze %dma_start3A_55 : memref<1x128xi32, #tpu.memory_space<vmem>> -> memref<128xi32, #tpu.memory_space<vmem>>
    %dma_start3A_57 = arith.constant 0 : i32
    %dma_start3A_58 = arith.constant 0 : i32
    %dma_start3A_59 = tpu.memref_slice %arg7[%dma_start3A_57, %dma_start3A_58] : memref<10240x64xf32, #tpu.memory_space<vmem_shared>> -> memref<10240x64xf32, #tpu.memory_space<vmem_shared>>
    tpu.enqueue_indirect_dma source(%dma_start3A_59 : memref<10240x64xf32, #tpu.memory_space<vmem_shared>>) target(%arg10 : memref<128x64xf32, #tpu.memory_space<vmem>>) offsets(%dma_start3A_56 : memref<128xi32, #tpu.memory_space<vmem>>) semaphore(%arg14 : memref<!tpu.dma_semaphore, #tpu.memory_space<semaphore_mem>>)
    %dma_start3A_60 = arith.constant 1 : i32
    %dma_start3A_61 = arith.constant 0 : i32
    %dma_start3A_62 = tpu.memref_slice %arg8[%dma_start3A_60, %dma_start3A_61] : memref<80x128xi32, #tpu.memory_space<vmem>> -> memref<1x128xi32, #tpu.memory_space<vmem>>
    %dma_start3A_63 = tpu.memref_squeeze %dma_start3A_62 : memref<1x128xi32, #tpu.memory_space<vmem>> -> memref<128xi32, #tpu.memory_space<vmem>>
    %dma_start3A_64 = arith.constant 0 : i32
    %dma_start3A_65 = arith.constant 0 : i32
    %dma_start3A_66 = tpu.memref_slice %arg7[%dma_start3A_64, %dma_start3A_65] : memref<10240x64xf32, #tpu.memory_space<vmem_shared>> -> memref<10240x64xf32, #tpu.memory_space<vmem_shared>>
    tpu.enqueue_indirect_dma source(%dma_start3A_66 : memref<10240x64xf32, #tpu.memory_space<vmem_shared>>) target(%arg11 : memref<128x64xf32, #tpu.memory_space<vmem>>) offsets(%dma_start3A_63 : memref<128xi32, #tpu.memory_space<vmem>>) semaphore(%arg14 : memref<!tpu.dma_semaphore, #tpu.memory_space<semaphore_mem>>)
    %scan3A_67 = arith.constant 0 : i32
    %scan3A_68 = arith.constant 26 : i32
    %scan3A_69 = arith.addi %scan3A_67, %scan3A_68 : i32
    %scan3A_70 = arith.constant 1 : i32
    scf.for %scan3A_132 = %scan3A_67 to %scan3A_69 step %scan3A_70  : i32 {
      %mul3A_133 = arith.constant 3 : i32
      %mul3A_134 = arith.muli %scan3A_132, %mul3A_133 : i32
      %add3A_135 = arith.constant 0 : i32
      %add3A_136 = arith.addi %add3A_135, %mul3A_134 : i32
      %add3A_137 = arith.constant 0 : i32
      %add3A_138 = arith.addi %add3A_136, %add3A_137 : i32
      %dma_wait3A_139 = arith.constant 0 : i32
      %dma_wait3A_140 = tpu.memref_slice %arg8[%add3A_138, %dma_wait3A_139] : memref<80x128xi32, #tpu.memory_space<vmem>> -> memref<1x128xi32, #tpu.memory_space<vmem>>
      %dma_wait3A_141 = tpu.memref_squeeze %dma_wait3A_140 : memref<1x128xi32, #tpu.memory_space<vmem>> -> memref<128xi32, #tpu.memory_space<vmem>>
      %dma_wait3A_142 = arith.constant 0 : i32
      %dma_wait3A_143 = arith.constant 0 : i32
      %dma_wait3A_144 = tpu.memref_slice %arg7[%dma_wait3A_142, %dma_wait3A_143] : memref<10240x64xf32, #tpu.memory_space<vmem_shared>> -> memref<10240x64xf32, #tpu.memory_space<vmem_shared>>
      tpu.wait_indirect_dma semaphore(%arg14 : memref<!tpu.dma_semaphore, #tpu.memory_space<semaphore_mem>>) src(%dma_wait3A_144 : memref<10240x64xf32, #tpu.memory_space<vmem_shared>>) dst(%arg10 : memref<128x64xf32, #tpu.memory_space<vmem>>)
      %dma_start3A_145 = arith.constant 0 : i32
      %dma_start3A_146 = tpu.memref_slice %arg9[%add3A_138, %dma_start3A_145] : memref<80x128xi32, #tpu.memory_space<vmem>> -> memref<1x128xi32, #tpu.memory_space<vmem>>
      %dma_start3A_147 = tpu.memref_squeeze %dma_start3A_146 : memref<1x128xi32, #tpu.memory_space<vmem>> -> memref<128xi32, #tpu.memory_space<vmem>>
      %dma_start3A_148 = arith.constant 0 : i32
      %dma_start3A_149 = arith.constant 0 : i32
      %dma_start3A_150 = tpu.memref_slice %arg6[%dma_start3A_148, %dma_start3A_149] : memref<10240x64xf32, #tpu.memory_space<vmem_shared>> -> memref<10240x64xf32, #tpu.memory_space<vmem_shared>>
      tpu.enqueue_indirect_dma source(%arg10 : memref<128x64xf32, #tpu.memory_space<vmem>>) target(%dma_start3A_150 : memref<10240x64xf32, #tpu.memory_space<vmem_shared>>) offsets(%dma_start3A_147 : memref<128xi32, #tpu.memory_space<vmem>>) semaphore(%arg15 : memref<!tpu.dma_semaphore, #tpu.memory_space<semaphore_mem>>) {add = true}
      %ge3A = arith.constant 1 : i32
      %ge3A_151 = arith.cmpi sge, %add3A_138, %ge3A : i32
      %convert_element_type3A_152 = arith.extui %ge3A_151 : i1 to i32
      %cond3A_153 = arith.constant 0 : i32
      %cond3A_154 = arith.cmpi ne, %convert_element_type3A_152, %cond3A_153 : i32
      scf.if %cond3A_154 {
        %sub3A = arith.constant 1 : i32
        %sub3A_214 = arith.subi %add3A_138, %sub3A : i32
        %dma_wait3A_215 = arith.constant 0 : i32
        %dma_wait3A_216 = tpu.memref_slice %arg9[%sub3A_214, %dma_wait3A_215] : memref<80x128xi32, #tpu.memory_space<vmem>> -> memref<1x128xi32, #tpu.memory_space<vmem>>
        %dma_wait3A_217 = tpu.memref_squeeze %dma_wait3A_216 : memref<1x128xi32, #tpu.memory_space<vmem>> -> memref<128xi32, #tpu.memory_space<vmem>>
        %dma_wait3A_218 = arith.constant 0 : i32
        %dma_wait3A_219 = arith.constant 0 : i32
        %dma_wait3A_220 = tpu.memref_slice %arg6[%dma_wait3A_218, %dma_wait3A_219] : memref<10240x64xf32, #tpu.memory_space<vmem_shared>> -> memref<10240x64xf32, #tpu.memory_space<vmem_shared>>
        tpu.wait_indirect_dma semaphore(%arg15 : memref<!tpu.dma_semaphore, #tpu.memory_space<semaphore_mem>>) src(%arg12 : memref<128x64xf32, #tpu.memory_space<vmem>>) dst(%dma_wait3A_220 : memref<10240x64xf32, #tpu.memory_space<vmem_shared>>)
      } else {
      }
      %add3A_155 = arith.constant 2 : i32
      %add3A_156 = arith.addi %add3A_138, %add3A_155 : i32
      %lt3A_157 = arith.constant 80 : i32
      %lt3A_158 = arith.cmpi slt, %add3A_156, %lt3A_157 : i32
      %convert_element_type3A_159 = arith.extui %lt3A_158 : i1 to i32
      %cond3A_160 = arith.constant 0 : i32
      %cond3A_161 = arith.cmpi ne, %convert_element_type3A_159, %cond3A_160 : i32
      scf.if %cond3A_161 {
        %add3A_214 = arith.constant 2 : i32
        %add3A_215 = arith.addi %add3A_138, %add3A_214 : i32
        %dma_start3A_216 = arith.constant 0 : i32
        %dma_start3A_217 = tpu.memref_slice %arg8[%add3A_215, %dma_start3A_216] : memref<80x128xi32, #tpu.memory_space<vmem>> -> memref<1x128xi32, #tpu.memory_space<vmem>>
        %dma_start3A_218 = tpu.memref_squeeze %dma_start3A_217 : memref<1x128xi32, #tpu.memory_space<vmem>> -> memref<128xi32, #tpu.memory_space<vmem>>
        %dma_start3A_219 = arith.constant 0 : i32
        %dma_start3A_220 = arith.constant 0 : i32
        %dma_start3A_221 = tpu.memref_slice %arg7[%dma_start3A_219, %dma_start3A_220] : memref<10240x64xf32, #tpu.memory_space<vmem_shared>> -> memref<10240x64xf32, #tpu.memory_space<vmem_shared>>
        tpu.enqueue_indirect_dma source(%dma_start3A_221 : memref<10240x64xf32, #tpu.memory_space<vmem_shared>>) target(%arg12 : memref<128x64xf32, #tpu.memory_space<vmem>>) offsets(%dma_start3A_218 : memref<128xi32, #tpu.memory_space<vmem>>) semaphore(%arg14 : memref<!tpu.dma_semaphore, #tpu.memory_space<semaphore_mem>>)
      } else {
      }
      %add3A_162 = arith.constant 1 : i32
      %add3A_163 = arith.addi %add3A_136, %add3A_162 : i32
      %dma_wait3A_164 = arith.constant 0 : i32
      %dma_wait3A_165 = tpu.memref_slice %arg8[%add3A_163, %dma_wait3A_164] : memref<80x128xi32, #tpu.memory_space<vmem>> -> memref<1x128xi32, #tpu.memory_space<vmem>>
      %dma_wait3A_166 = tpu.memref_squeeze %dma_wait3A_165 : memref<1x128xi32, #tpu.memory_space<vmem>> -> memref<128xi32, #tpu.memory_space<vmem>>
      %dma_wait3A_167 = arith.constant 0 : i32
      %dma_wait3A_168 = arith.constant 0 : i32
      %dma_wait3A_169 = tpu.memref_slice %arg7[%dma_wait3A_167, %dma_wait3A_168] : memref<10240x64xf32, #tpu.memory_space<vmem_shared>> -> memref<10240x64xf32, #tpu.memory_space<vmem_shared>>
      tpu.wait_indirect_dma semaphore(%arg14 : memref<!tpu.dma_semaphore, #tpu.memory_space<semaphore_mem>>) src(%dma_wait3A_169 : memref<10240x64xf32, #tpu.memory_space<vmem_shared>>) dst(%arg11 : memref<128x64xf32, #tpu.memory_space<vmem>>)
      %dma_start3A_170 = arith.constant 0 : i32
      %dma_start3A_171 = tpu.memref_slice %arg9[%add3A_163, %dma_start3A_170] : memref<80x128xi32, #tpu.memory_space<vmem>> -> memref<1x128xi32, #tpu.memory_space<vmem>>
      %dma_start3A_172 = tpu.memref_squeeze %dma_start3A_171 : memref<1x128xi32, #tpu.memory_space<vmem>> -> memref<128xi32, #tpu.memory_space<vmem>>
      %dma_start3A_173 = arith.constant 0 : i32
      %dma_start3A_174 = arith.constant 0 : i32
      %dma_start3A_175 = tpu.memref_slice %arg6[%dma_start3A_173, %dma_start3A_174] : memref<10240x64xf32, #tpu.memory_space<vmem_shared>> -> memref<10240x64xf32, #tpu.memory_space<vmem_shared>>
      tpu.enqueue_indirect_dma source(%arg11 : memref<128x64xf32, #tpu.memory_space<vmem>>) target(%dma_start3A_175 : memref<10240x64xf32, #tpu.memory_space<vmem_shared>>) offsets(%dma_start3A_172 : memref<128xi32, #tpu.memory_space<vmem>>) semaphore(%arg15 : memref<!tpu.dma_semaphore, #tpu.memory_space<semaphore_mem>>) {add = true}
      %ge3A_176 = arith.constant 1 : i32
      %ge3A_177 = arith.cmpi sge, %add3A_163, %ge3A_176 : i32
      %convert_element_type3A_178 = arith.extui %ge3A_177 : i1 to i32
      %cond3A_179 = arith.constant 0 : i32
      %cond3A_180 = arith.cmpi ne, %convert_element_type3A_178, %cond3A_179 : i32
      scf.if %cond3A_180 {
        %sub3A = arith.constant 1 : i32
        %sub3A_214 = arith.subi %add3A_163, %sub3A : i32
        %dma_wait3A_215 = arith.constant 0 : i32
        %dma_wait3A_216 = tpu.memref_slice %arg9[%sub3A_214, %dma_wait3A_215] : memref<80x128xi32, #tpu.memory_space<vmem>> -> memref<1x128xi32, #tpu.memory_space<vmem>>
        %dma_wait3A_217 = tpu.memref_squeeze %dma_wait3A_216 : memref<1x128xi32, #tpu.memory_space<vmem>> -> memref<128xi32, #tpu.memory_space<vmem>>
        %dma_wait3A_218 = arith.constant 0 : i32
        %dma_wait3A_219 = arith.constant 0 : i32
        %dma_wait3A_220 = tpu.memref_slice %arg6[%dma_wait3A_218, %dma_wait3A_219] : memref<10240x64xf32, #tpu.memory_space<vmem_shared>> -> memref<10240x64xf32, #tpu.memory_space<vmem_shared>>
        tpu.wait_indirect_dma semaphore(%arg15 : memref<!tpu.dma_semaphore, #tpu.memory_space<semaphore_mem>>) src(%arg10 : memref<128x64xf32, #tpu.memory_space<vmem>>) dst(%dma_wait3A_220 : memref<10240x64xf32, #tpu.memory_space<vmem_shared>>)
      } else {
      }
      %add3A_181 = arith.constant 2 : i32
      %add3A_182 = arith.addi %add3A_163, %add3A_181 : i32
      %lt3A_183 = arith.constant 80 : i32
      %lt3A_184 = arith.cmpi slt, %add3A_182, %lt3A_183 : i32
      %convert_element_type3A_185 = arith.extui %lt3A_184 : i1 to i32
      %cond3A_186 = arith.constant 0 : i32
      %cond3A_187 = arith.cmpi ne, %convert_element_type3A_185, %cond3A_186 : i32
      scf.if %cond3A_187 {
        %add3A_214 = arith.constant 2 : i32
        %add3A_215 = arith.addi %add3A_163, %add3A_214 : i32
        %dma_start3A_216 = arith.constant 0 : i32
        %dma_start3A_217 = tpu.memref_slice %arg8[%add3A_215, %dma_start3A_216] : memref<80x128xi32, #tpu.memory_space<vmem>> -> memref<1x128xi32, #tpu.memory_space<vmem>>
        %dma_start3A_218 = tpu.memref_squeeze %dma_start3A_217 : memref<1x128xi32, #tpu.memory_space<vmem>> -> memref<128xi32, #tpu.memory_space<vmem>>
        %dma_start3A_219 = arith.constant 0 : i32
        %dma_start3A_220 = arith.constant 0 : i32
        %dma_start3A_221 = tpu.memref_slice %arg7[%dma_start3A_219, %dma_start3A_220] : memref<10240x64xf32, #tpu.memory_space<vmem_shared>> -> memref<10240x64xf32, #tpu.memory_space<vmem_shared>>
        tpu.enqueue_indirect_dma source(%dma_start3A_221 : memref<10240x64xf32, #tpu.memory_space<vmem_shared>>) target(%arg10 : memref<128x64xf32, #tpu.memory_space<vmem>>) offsets(%dma_start3A_218 : memref<128xi32, #tpu.memory_space<vmem>>) semaphore(%arg14 : memref<!tpu.dma_semaphore, #tpu.memory_space<semaphore_mem>>)
      } else {
      }
      %add3A_188 = arith.constant 2 : i32
      %add3A_189 = arith.addi %add3A_136, %add3A_188 : i32
      %dma_wait3A_190 = arith.constant 0 : i32
      %dma_wait3A_191 = tpu.memref_slice %arg8[%add3A_189, %dma_wait3A_190] : memref<80x128xi32, #tpu.memory_space<vmem>> -> memref<1x128xi32, #tpu.memory_space<vmem>>
      %dma_wait3A_192 = tpu.memref_squeeze %dma_wait3A_191 : memref<1x128xi32, #tpu.memory_space<vmem>> -> memref<128xi32, #tpu.memory_space<vmem>>
      %dma_wait3A_193 = arith.constant 0 : i32
      %dma_wait3A_194 = arith.constant 0 : i32
      %dma_wait3A_195 = tpu.memref_slice %arg7[%dma_wait3A_193, %dma_wait3A_194] : memref<10240x64xf32, #tpu.memory_space<vmem_shared>> -> memref<10240x64xf32, #tpu.memory_space<vmem_shared>>
      tpu.wait_indirect_dma semaphore(%arg14 : memref<!tpu.dma_semaphore, #tpu.memory_space<semaphore_mem>>) src(%dma_wait3A_195 : memref<10240x64xf32, #tpu.memory_space<vmem_shared>>) dst(%arg12 : memref<128x64xf32, #tpu.memory_space<vmem>>)
      %dma_start3A_196 = arith.constant 0 : i32
      %dma_start3A_197 = tpu.memref_slice %arg9[%add3A_189, %dma_start3A_196] : memref<80x128xi32, #tpu.memory_space<vmem>> -> memref<1x128xi32, #tpu.memory_space<vmem>>
      %dma_start3A_198 = tpu.memref_squeeze %dma_start3A_197 : memref<1x128xi32, #tpu.memory_space<vmem>> -> memref<128xi32, #tpu.memory_space<vmem>>
      %dma_start3A_199 = arith.constant 0 : i32
      %dma_start3A_200 = arith.constant 0 : i32
      %dma_start3A_201 = tpu.memref_slice %arg6[%dma_start3A_199, %dma_start3A_200] : memref<10240x64xf32, #tpu.memory_space<vmem_shared>> -> memref<10240x64xf32, #tpu.memory_space<vmem_shared>>
      tpu.enqueue_indirect_dma source(%arg12 : memref<128x64xf32, #tpu.memory_space<vmem>>) target(%dma_start3A_201 : memref<10240x64xf32, #tpu.memory_space<vmem_shared>>) offsets(%dma_start3A_198 : memref<128xi32, #tpu.memory_space<vmem>>) semaphore(%arg15 : memref<!tpu.dma_semaphore, #tpu.memory_space<semaphore_mem>>) {add = true}
      %ge3A_202 = arith.constant 1 : i32
      %ge3A_203 = arith.cmpi sge, %add3A_189, %ge3A_202 : i32
      %convert_element_type3A_204 = arith.extui %ge3A_203 : i1 to i32
      %cond3A_205 = arith.constant 0 : i32
      %cond3A_206 = arith.cmpi ne, %convert_element_type3A_204, %cond3A_205 : i32
      scf.if %cond3A_206 {
        %sub3A = arith.constant 1 : i32
        %sub3A_214 = arith.subi %add3A_189, %sub3A : i32
        %dma_wait3A_215 = arith.constant 0 : i32
        %dma_wait3A_216 = tpu.memref_slice %arg9[%sub3A_214, %dma_wait3A_215] : memref<80x128xi32, #tpu.memory_space<vmem>> -> memref<1x128xi32, #tpu.memory_space<vmem>>
        %dma_wait3A_217 = tpu.memref_squeeze %dma_wait3A_216 : memref<1x128xi32, #tpu.memory_space<vmem>> -> memref<128xi32, #tpu.memory_space<vmem>>
        %dma_wait3A_218 = arith.constant 0 : i32
        %dma_wait3A_219 = arith.constant 0 : i32
        %dma_wait3A_220 = tpu.memref_slice %arg6[%dma_wait3A_218, %dma_wait3A_219] : memref<10240x64xf32, #tpu.memory_space<vmem_shared>> -> memref<10240x64xf32, #tpu.memory_space<vmem_shared>>
        tpu.wait_indirect_dma semaphore(%arg15 : memref<!tpu.dma_semaphore, #tpu.memory_space<semaphore_mem>>) src(%arg11 : memref<128x64xf32, #tpu.memory_space<vmem>>) dst(%dma_wait3A_220 : memref<10240x64xf32, #tpu.memory_space<vmem_shared>>)
      } else {
      }
      %add3A_207 = arith.constant 2 : i32
      %add3A_208 = arith.addi %add3A_189, %add3A_207 : i32
      %lt3A_209 = arith.constant 80 : i32
      %lt3A_210 = arith.cmpi slt, %add3A_208, %lt3A_209 : i32
      %convert_element_type3A_211 = arith.extui %lt3A_210 : i1 to i32
      %cond3A_212 = arith.constant 0 : i32
      %cond3A_213 = arith.cmpi ne, %convert_element_type3A_211, %cond3A_212 : i32
      scf.if %cond3A_213 {
        %add3A_214 = arith.constant 2 : i32
        %add3A_215 = arith.addi %add3A_189, %add3A_214 : i32
        %dma_start3A_216 = arith.constant 0 : i32
        %dma_start3A_217 = tpu.memref_slice %arg8[%add3A_215, %dma_start3A_216] : memref<80x128xi32, #tpu.memory_space<vmem>> -> memref<1x128xi32, #tpu.memory_space<vmem>>
        %dma_start3A_218 = tpu.memref_squeeze %dma_start3A_217 : memref<1x128xi32, #tpu.memory_space<vmem>> -> memref<128xi32, #tpu.memory_space<vmem>>
        %dma_start3A_219 = arith.constant 0 : i32
        %dma_start3A_220 = arith.constant 0 : i32
        %dma_start3A_221 = tpu.memref_slice %arg7[%dma_start3A_219, %dma_start3A_220] : memref<10240x64xf32, #tpu.memory_space<vmem_shared>> -> memref<10240x64xf32, #tpu.memory_space<vmem_shared>>
        tpu.enqueue_indirect_dma source(%dma_start3A_221 : memref<10240x64xf32, #tpu.memory_space<vmem_shared>>) target(%arg11 : memref<128x64xf32, #tpu.memory_space<vmem>>) offsets(%dma_start3A_218 : memref<128xi32, #tpu.memory_space<vmem>>) semaphore(%arg14 : memref<!tpu.dma_semaphore, #tpu.memory_space<semaphore_mem>>)
      } else {
      }
    }
    %scan3A_71 = arith.constant 26 : i32
    %dma_wait3A_72 = arith.constant 78 : i32
    %dma_wait3A_73 = arith.constant 0 : i32
    %dma_wait3A_74 = tpu.memref_slice %arg8[%dma_wait3A_72, %dma_wait3A_73] : memref<80x128xi32, #tpu.memory_space<vmem>> -> memref<1x128xi32, #tpu.memory_space<vmem>>
    %dma_wait3A_75 = tpu.memref_squeeze %dma_wait3A_74 : memref<1x128xi32, #tpu.memory_space<vmem>> -> memref<128xi32, #tpu.memory_space<vmem>>
    %dma_wait3A_76 = arith.constant 0 : i32
    %dma_wait3A_77 = arith.constant 0 : i32
    %dma_wait3A_78 = tpu.memref_slice %arg7[%dma_wait3A_76, %dma_wait3A_77] : memref<10240x64xf32, #tpu.memory_space<vmem_shared>> -> memref<10240x64xf32, #tpu.memory_space<vmem_shared>>
    tpu.wait_indirect_dma semaphore(%arg14 : memref<!tpu.dma_semaphore, #tpu.memory_space<semaphore_mem>>) src(%dma_wait3A_78 : memref<10240x64xf32, #tpu.memory_space<vmem_shared>>) dst(%arg10 : memref<128x64xf32, #tpu.memory_space<vmem>>)
    %dma_start3A_79 = arith.constant 78 : i32
    %dma_start3A_80 = arith.constant 0 : i32
    %dma_start3A_81 = tpu.memref_slice %arg9[%dma_start3A_79, %dma_start3A_80] : memref<80x128xi32, #tpu.memory_space<vmem>> -> memref<1x128xi32, #tpu.memory_space<vmem>>
    %dma_start3A_82 = tpu.memref_squeeze %dma_start3A_81 : memref<1x128xi32, #tpu.memory_space<vmem>> -> memref<128xi32, #tpu.memory_space<vmem>>
    %dma_start3A_83 = arith.constant 0 : i32
    %dma_start3A_84 = arith.constant 0 : i32
    %dma_start3A_85 = tpu.memref_slice %arg6[%dma_start3A_83, %dma_start3A_84] : memref<10240x64xf32, #tpu.memory_space<vmem_shared>> -> memref<10240x64xf32, #tpu.memory_space<vmem_shared>>
    tpu.enqueue_indirect_dma source(%arg10 : memref<128x64xf32, #tpu.memory_space<vmem>>) target(%dma_start3A_85 : memref<10240x64xf32, #tpu.memory_space<vmem_shared>>) offsets(%dma_start3A_82 : memref<128xi32, #tpu.memory_space<vmem>>) semaphore(%arg15 : memref<!tpu.dma_semaphore, #tpu.memory_space<semaphore_mem>>) {add = true}
    %dma_wait3A_86 = arith.constant 79 : i32
    %dma_wait3A_87 = arith.constant 0 : i32
    %dma_wait3A_88 = tpu.memref_slice %arg8[%dma_wait3A_86, %dma_wait3A_87] : memref<80x128xi32, #tpu.memory_space<vmem>> -> memref<1x128xi32, #tpu.memory_space<vmem>>
    %dma_wait3A_89 = tpu.memref_squeeze %dma_wait3A_88 : memref<1x128xi32, #tpu.memory_space<vmem>> -> memref<128xi32, #tpu.memory_space<vmem>>
    %dma_wait3A_90 = arith.constant 0 : i32
    %dma_wait3A_91 = arith.constant 0 : i32
    %dma_wait3A_92 = tpu.memref_slice %arg7[%dma_wait3A_90, %dma_wait3A_91] : memref<10240x64xf32, #tpu.memory_space<vmem_shared>> -> memref<10240x64xf32, #tpu.memory_space<vmem_shared>>
    tpu.wait_indirect_dma semaphore(%arg14 : memref<!tpu.dma_semaphore, #tpu.memory_space<semaphore_mem>>) src(%dma_wait3A_92 : memref<10240x64xf32, #tpu.memory_space<vmem_shared>>) dst(%arg11 : memref<128x64xf32, #tpu.memory_space<vmem>>)
    %dma_start3A_93 = arith.constant 79 : i32
    %dma_start3A_94 = arith.constant 0 : i32
    %dma_start3A_95 = tpu.memref_slice %arg9[%dma_start3A_93, %dma_start3A_94] : memref<80x128xi32, #tpu.memory_space<vmem>> -> memref<1x128xi32, #tpu.memory_space<vmem>>
    %dma_start3A_96 = tpu.memref_squeeze %dma_start3A_95 : memref<1x128xi32, #tpu.memory_space<vmem>> -> memref<128xi32, #tpu.memory_space<vmem>>
    %dma_start3A_97 = arith.constant 0 : i32
    %dma_start3A_98 = arith.constant 0 : i32
    %dma_start3A_99 = tpu.memref_slice %arg6[%dma_start3A_97, %dma_start3A_98] : memref<10240x64xf32, #tpu.memory_space<vmem_shared>> -> memref<10240x64xf32, #tpu.memory_space<vmem_shared>>
    tpu.enqueue_indirect_dma source(%arg11 : memref<128x64xf32, #tpu.memory_space<vmem>>) target(%dma_start3A_99 : memref<10240x64xf32, #tpu.memory_space<vmem_shared>>) offsets(%dma_start3A_96 : memref<128xi32, #tpu.memory_space<vmem>>) semaphore(%arg15 : memref<!tpu.dma_semaphore, #tpu.memory_space<semaphore_mem>>) {add = true}
    %dma_wait3A_100 = arith.constant 77 : i32
    %dma_wait3A_101 = arith.constant 0 : i32
    %dma_wait3A_102 = tpu.memref_slice %arg9[%dma_wait3A_100, %dma_wait3A_101] : memref<80x128xi32, #tpu.memory_space<vmem>> -> memref<1x128xi32, #tpu.memory_space<vmem>>
    %dma_wait3A_103 = tpu.memref_squeeze %dma_wait3A_102 : memref<1x128xi32, #tpu.memory_space<vmem>> -> memref<128xi32, #tpu.memory_space<vmem>>
    %dma_wait3A_104 = arith.constant 0 : i32
    %dma_wait3A_105 = arith.constant 0 : i32
    %dma_wait3A_106 = tpu.memref_slice %arg6[%dma_wait3A_104, %dma_wait3A_105] : memref<10240x64xf32, #tpu.memory_space<vmem_shared>> -> memref<10240x64xf32, #tpu.memory_space<vmem_shared>>
    tpu.wait_indirect_dma semaphore(%arg15 : memref<!tpu.dma_semaphore, #tpu.memory_space<semaphore_mem>>) src(%arg12 : memref<128x64xf32, #tpu.memory_space<vmem>>) dst(%dma_wait3A_106 : memref<10240x64xf32, #tpu.memory_space<vmem_shared>>)
    %dma_wait3A_107 = arith.constant 78 : i32
    %dma_wait3A_108 = arith.constant 0 : i32
    %dma_wait3A_109 = tpu.memref_slice %arg9[%dma_wait3A_107, %dma_wait3A_108] : memref<80x128xi32, #tpu.memory_space<vmem>> -> memref<1x128xi32, #tpu.memory_space<vmem>>
    %dma_wait3A_110 = tpu.memref_squeeze %dma_wait3A_109 : memref<1x128xi32, #tpu.memory_space<vmem>> -> memref<128xi32, #tpu.memory_space<vmem>>
    %dma_wait3A_111 = arith.constant 0 : i32
    %dma_wait3A_112 = arith.constant 0 : i32
    %dma_wait3A_113 = tpu.memref_slice %arg6[%dma_wait3A_111, %dma_wait3A_112] : memref<10240x64xf32, #tpu.memory_space<vmem_shared>> -> memref<10240x64xf32, #tpu.memory_space<vmem_shared>>
    tpu.wait_indirect_dma semaphore(%arg15 : memref<!tpu.dma_semaphore, #tpu.memory_space<semaphore_mem>>) src(%arg10 : memref<128x64xf32, #tpu.memory_space<vmem>>) dst(%dma_wait3A_113 : memref<10240x64xf32, #tpu.memory_space<vmem_shared>>)
    %dma_wait3A_114 = arith.constant 79 : i32
    %dma_wait3A_115 = arith.constant 0 : i32
    %dma_wait3A_116 = tpu.memref_slice %arg9[%dma_wait3A_114, %dma_wait3A_115] : memref<80x128xi32, #tpu.memory_space<vmem>> -> memref<1x128xi32, #tpu.memory_space<vmem>>
    %dma_wait3A_117 = tpu.memref_squeeze %dma_wait3A_116 : memref<1x128xi32, #tpu.memory_space<vmem>> -> memref<128xi32, #tpu.memory_space<vmem>>
    %dma_wait3A_118 = arith.constant 0 : i32
    %dma_wait3A_119 = arith.constant 0 : i32
    %dma_wait3A_120 = tpu.memref_slice %arg6[%dma_wait3A_118, %dma_wait3A_119] : memref<10240x64xf32, #tpu.memory_space<vmem_shared>> -> memref<10240x64xf32, #tpu.memory_space<vmem_shared>>
    tpu.wait_indirect_dma semaphore(%arg15 : memref<!tpu.dma_semaphore, #tpu.memory_space<semaphore_mem>>) src(%arg11 : memref<128x64xf32, #tpu.memory_space<vmem>>) dst(%dma_wait3A_120 : memref<10240x64xf32, #tpu.memory_space<vmem_shared>>)
    %barrier3A_121 = arith.constant 0 : index
    tpu.barrier barrier_id(%barrier3A_121)
    %eq3A_122 = arith.constant 0 : i32
    %eq3A_123 = arith.cmpi eq, %arg0, %eq3A_122 : i32
    %convert_element_type3A_124 = arith.extui %eq3A_123 : i1 to i32
    %cond3A_125 = arith.constant 0 : i32
    %cond3A_126 = arith.cmpi ne, %convert_element_type3A_124, %cond3A_125 : i32
    scf.if %cond3A_126 {
      %run_scoped3A = arith.constant 0 : i32
      "tpu.region"() ({
        %run_scoped3A_132 = tpu.sem_alloc : memref<!tpu.dma_semaphore, #tpu.memory_space<semaphore_mem>>
        %dma_start3A_133 = arith.constant 0 : i32
        %dma_start3A_134 = tpu.memref_slice %arg5[%run_scoped3A, %mul3A_2, %dma_start3A_133] : memref<2x10240x64xf32, #tpu.memory_space<hbm>> -> memref<1x640x64xf32, #tpu.memory_space<hbm>>
        %dma_start3A_135 = tpu.memref_squeeze %dma_start3A_134 : memref<1x640x64xf32, #tpu.memory_space<hbm>> -> memref<640x64xf32, #tpu.memory_space<hbm>>
        %dma_start3A_136 = arith.constant 0 : i32
        %dma_start3A_137 = tpu.memref_slice %arg6[%mul3A_2, %dma_start3A_136] : memref<10240x64xf32, #tpu.memory_space<vmem_shared>> -> memref<640x64xf32, #tpu.memory_space<vmem_shared>>
        tpu.enqueue_dma source(%dma_start3A_137 : memref<640x64xf32, #tpu.memory_space<vmem_shared>>) target(%dma_start3A_135 : memref<640x64xf32, #tpu.memory_space<hbm>>) target_semaphore(%run_scoped3A_132 : memref<!tpu.dma_semaphore, #tpu.memory_space<semaphore_mem>>)
        %dma_wait3A_138 = arith.constant 0 : i32
        %dma_wait3A_139 = tpu.memref_slice %arg5[%run_scoped3A, %mul3A_2, %dma_wait3A_138] : memref<2x10240x64xf32, #tpu.memory_space<hbm>> -> memref<1x640x64xf32, #tpu.memory_space<hbm>>
        %dma_wait3A_140 = tpu.memref_squeeze %dma_wait3A_139 : memref<1x640x64xf32, #tpu.memory_space<hbm>> -> memref<640x64xf32, #tpu.memory_space<hbm>>
        %dma_wait3A_141 = arith.constant 0 : i32
        %dma_wait3A_142 = tpu.memref_slice %arg6[%mul3A_2, %dma_wait3A_141] : memref<10240x64xf32, #tpu.memory_space<vmem_shared>> -> memref<640x64xf32, #tpu.memory_space<vmem_shared>>
        tpu.wait_dma2 semaphore(%run_scoped3A_132 : memref<!tpu.dma_semaphore, #tpu.memory_space<semaphore_mem>>) src(%dma_wait3A_142 : memref<640x64xf32, #tpu.memory_space<vmem_shared>>) dst(%dma_wait3A_140 : memref<640x64xf32, #tpu.memory_space<hbm>>)
        tpu.yield
      }) : () -> ()
    } else {
    }
    %eq3A_127 = arith.constant 1 : i32
    %eq3A_128 = arith.cmpi eq, %arg0, %eq3A_127 : i32
    %convert_element_type3A_129 = arith.extui %eq3A_128 : i1 to i32
    %cond3A_130 = arith.constant 0 : i32
    %cond3A_131 = arith.cmpi ne, %convert_element_type3A_129, %cond3A_130 : i32
    scf.if %cond3A_131 {
      %run_scoped3A = arith.constant 1 : i32
      "tpu.region"() ({
        %run_scoped3A_132 = tpu.sem_alloc : memref<!tpu.dma_semaphore, #tpu.memory_space<semaphore_mem>>
        %dma_start3A_133 = arith.constant 0 : i32
        %dma_start3A_134 = tpu.memref_slice %arg5[%run_scoped3A, %mul3A_2, %dma_start3A_133] : memref<2x10240x64xf32, #tpu.memory_space<hbm>> -> memref<1x640x64xf32, #tpu.memory_space<hbm>>
        %dma_start3A_135 = tpu.memref_squeeze %dma_start3A_134 : memref<1x640x64xf32, #tpu.memory_space<hbm>> -> memref<640x64xf32, #tpu.memory_space<hbm>>
        %dma_start3A_136 = arith.constant 0 : i32
        %dma_start3A_137 = tpu.memref_slice %arg6[%mul3A_2, %dma_start3A_136] : memref<10240x64xf32, #tpu.memory_space<vmem_shared>> -> memref<640x64xf32, #tpu.memory_space<vmem_shared>>
        tpu.enqueue_dma source(%dma_start3A_137 : memref<640x64xf32, #tpu.memory_space<vmem_shared>>) target(%dma_start3A_135 : memref<640x64xf32, #tpu.memory_space<hbm>>) target_semaphore(%run_scoped3A_132 : memref<!tpu.dma_semaphore, #tpu.memory_space<semaphore_mem>>)
        %dma_wait3A_138 = arith.constant 0 : i32
        %dma_wait3A_139 = tpu.memref_slice %arg5[%run_scoped3A, %mul3A_2, %dma_wait3A_138] : memref<2x10240x64xf32, #tpu.memory_space<hbm>> -> memref<1x640x64xf32, #tpu.memory_space<hbm>>
        %dma_wait3A_140 = tpu.memref_squeeze %dma_wait3A_139 : memref<1x640x64xf32, #tpu.memory_space<hbm>> -> memref<640x64xf32, #tpu.memory_space<hbm>>
        %dma_wait3A_141 = arith.constant 0 : i32
        %dma_wait3A_142 = tpu.memref_slice %arg6[%mul3A_2, %dma_wait3A_141] : memref<10240x64xf32, #tpu.memory_space<vmem_shared>> -> memref<640x64xf32, #tpu.memory_space<vmem_shared>>
        tpu.wait_dma2 semaphore(%run_scoped3A_132 : memref<!tpu.dma_semaphore, #tpu.memory_space<semaphore_mem>>) src(%dma_wait3A_142 : memref<640x64xf32, #tpu.memory_space<vmem_shared>>) dst(%dma_wait3A_140 : memref<640x64xf32, #tpu.memory_space<hbm>>)
        tpu.yield
      }) : () -> ()
    } else {
    }
    return
  }
}

#map = affine_map<(d0, d1) -> (0, 0)>
#map1 = affine_map<(d0, d1) -> (0, 0, 0)>
module attributes {stable_mosaic.version = 14 : i64} {
  func.func @_agg64(%arg0: i32, %arg1: i32, %arg2: memref<10000x64xf32, #tpu.memory_space<hbm>>, %arg3: memref<32x80x128xi32, #tpu.memory_space<hbm>>, %arg4: memref<32x80x128xi32, #tpu.memory_space<hbm>>, %arg5: memref<2x10240x64xf32, #tpu.memory_space<hbm>>, %arg6: memref<10240x64xf32, #tpu.memory_space<vmem_shared>>, %arg7: memref<10240x64xf32, #tpu.memory_space<vmem_shared>>, %arg8: memref<80x128xi32, #tpu.memory_space<vmem>>, %arg9: memref<80x128xi32, #tpu.memory_space<vmem>>, %arg10: memref<128x64xf32, #tpu.memory_space<vmem>>, %arg11: memref<128x64xf32, #tpu.memory_space<vmem>>, %arg12: memref<128x64xf32, #tpu.memory_space<vmem>>, %arg13: memref<!tpu.dma_semaphore, #tpu.memory_space<semaphore_mem>>, %arg14: memref<!tpu.dma_semaphore, #tpu.memory_space<semaphore_mem>>, %arg15: memref<!tpu.dma_semaphore, #tpu.memory_space<semaphore_mem>>) attributes {dimension_semantics = [#tpu.dimension_semantics<core_parallel>, #tpu.dimension_semantics<subcore_parallel>], iteration_bounds = array<i64: 2, 16>, scalar_prefetch = 0 : i64, scratch_operands = 10 : i64, tpu.core_type = #tpu.core_type<sc_vector_subcore>, window_params = [{transform_indices = #map}, {transform_indices = #map1}, {transform_indices = #map1}, {transform_indices = #map1}]} {
    %mul3A = arith.constant 2 : i32
    %mul3A_0 = arith.muli %arg1, %mul3A : i32
    %add3A = arith.addi %mul3A_0, %arg0 : i32
    %mul3A_1 = arith.constant 640 : i32
    %mul3A_2 = arith.muli %arg1, %mul3A_1 : i32
    %dma_start3A = arith.constant 0 : i32
    %dma_start3A_3 = arith.constant 0 : i32
    %dma_start3A_4 = tpu.memref_slice %arg3[%add3A, %dma_start3A, %dma_start3A_3] : memref<32x80x128xi32, #tpu.memory_space<hbm>> -> memref<1x80x128xi32, #tpu.memory_space<hbm>>
    %dma_start3A_5 = tpu.memref_squeeze %dma_start3A_4 : memref<1x80x128xi32, #tpu.memory_space<hbm>> -> memref<80x128xi32, #tpu.memory_space<hbm>>
    %dma_start3A_6 = arith.constant 0 : i32
    %dma_start3A_7 = arith.constant 0 : i32
    %dma_start3A_8 = tpu.memref_slice %arg3[%add3A, %dma_start3A_6, %dma_start3A_7] : memref<32x80x128xi32, #tpu.memory_space<hbm>> -> memref<1x80x128xi32, #tpu.memory_space<hbm>>
    %dma_start3A_9 = tpu.memref_squeeze %dma_start3A_8 : memref<1x80x128xi32, #tpu.memory_space<hbm>> -> memref<80x128xi32, #tpu.memory_space<hbm>>
    tpu.enqueue_dma source(%dma_start3A_9 : memref<80x128xi32, #tpu.memory_space<hbm>>) target(%arg8 : memref<80x128xi32, #tpu.memory_space<vmem>>) target_semaphore(%arg13 : memref<!tpu.dma_semaphore, #tpu.memory_space<semaphore_mem>>)
    %dma_start3A_10 = arith.constant 0 : i32
    %dma_start3A_11 = arith.constant 0 : i32
    %dma_start3A_12 = tpu.memref_slice %arg4[%add3A, %dma_start3A_10, %dma_start3A_11] : memref<32x80x128xi32, #tpu.memory_space<hbm>> -> memref<1x80x128xi32, #tpu.memory_space<hbm>>
    %dma_start3A_13 = tpu.memref_squeeze %dma_start3A_12 : memref<1x80x128xi32, #tpu.memory_space<hbm>> -> memref<80x128xi32, #tpu.memory_space<hbm>>
    %dma_start3A_14 = arith.constant 0 : i32
    %dma_start3A_15 = arith.constant 0 : i32
    %dma_start3A_16 = tpu.memref_slice %arg4[%add3A, %dma_start3A_14, %dma_start3A_15] : memref<32x80x128xi32, #tpu.memory_space<hbm>> -> memref<1x80x128xi32, #tpu.memory_space<hbm>>
    %dma_start3A_17 = tpu.memref_squeeze %dma_start3A_16 : memref<1x80x128xi32, #tpu.memory_space<hbm>> -> memref<80x128xi32, #tpu.memory_space<hbm>>
    tpu.enqueue_dma source(%dma_start3A_17 : memref<80x128xi32, #tpu.memory_space<hbm>>) target(%arg9 : memref<80x128xi32, #tpu.memory_space<vmem>>) target_semaphore(%arg13 : memref<!tpu.dma_semaphore, #tpu.memory_space<semaphore_mem>>)
    %scan3A = arith.constant 0 : i32
    %scan3A_18 = arith.constant 128 : i32
    %scan3A_19 = arith.addi %scan3A, %scan3A_18 : i32
    %scan3A_20 = arith.constant 1 : i32
    scf.for %scan3A_132 = %scan3A to %scan3A_19 step %scan3A_20  : i32 {
      %mul3A_133 = arith.constant 1 : i32
      %mul3A_134 = arith.muli %scan3A_132, %mul3A_133 : i32
      %add3A_135 = arith.constant 0 : i32
      %add3A_136 = arith.addi %add3A_135, %mul3A_134 : i32
      %broadcast_in_dim3A = arith.constant 0.000000e+00 : f32
      %broadcast_in_dim3A_137 = vector.broadcast %broadcast_in_dim3A : f32 to vector<16xf32>
      %swap3A = arith.index_cast %add3A_136 : i32 to index
      %swap3A_138 = arith.constant 0 : index
      %swap3A_139 = tpu.vector_load %arg10[%swap3A, %swap3A_138] {strides = array<i32>} : memref<128x64xf32, #tpu.memory_space<vmem>>, vector<1x16xf32>,
      %swap3A_140 = vector.shape_cast %swap3A_139 : vector<1x16xf32> to vector<16xf32>
      %swap3A_141 = vector.shape_cast %broadcast_in_dim3A_137 : vector<16xf32> to vector<1x16xf32>
      tpu.vector_store %arg10[%swap3A, %swap3A_138], %swap3A_141 {strides = array<i32>} : memref<128x64xf32, #tpu.memory_space<vmem>>, vector<1x16xf32>,
      %broadcast_in_dim3A_142 = arith.constant 0.000000e+00 : f32
      %broadcast_in_dim3A_143 = vector.broadcast %broadcast_in_dim3A_142 : f32 to vector<16xf32>
      %swap3A_144 = arith.index_cast %add3A_136 : i32 to index
      %swap3A_145 = arith.constant 16 : index
      %swap3A_146 = tpu.vector_load %arg10[%swap3A_144, %swap3A_145] {strides = array<i32>} : memref<128x64xf32, #tpu.memory_space<vmem>>, vector<1x16xf32>,
      %swap3A_147 = vector.shape_cast %swap3A_146 : vector<1x16xf32> to vector<16xf32>
      %swap3A_148 = vector.shape_cast %broadcast_in_dim3A_143 : vector<16xf32> to vector<1x16xf32>
      tpu.vector_store %arg10[%swap3A_144, %swap3A_145], %swap3A_148 {strides = array<i32>} : memref<128x64xf32, #tpu.memory_space<vmem>>, vector<1x16xf32>,
      %broadcast_in_dim3A_149 = arith.constant 0.000000e+00 : f32
      %broadcast_in_dim3A_150 = vector.broadcast %broadcast_in_dim3A_149 : f32 to vector<16xf32>
      %swap3A_151 = arith.index_cast %add3A_136 : i32 to index
      %swap3A_152 = arith.constant 32 : index
      %swap3A_153 = tpu.vector_load %arg10[%swap3A_151, %swap3A_152] {strides = array<i32>} : memref<128x64xf32, #tpu.memory_space<vmem>>, vector<1x16xf32>,
      %swap3A_154 = vector.shape_cast %swap3A_153 : vector<1x16xf32> to vector<16xf32>
      %swap3A_155 = vector.shape_cast %broadcast_in_dim3A_150 : vector<16xf32> to vector<1x16xf32>
      tpu.vector_store %arg10[%swap3A_151, %swap3A_152], %swap3A_155 {strides = array<i32>} : memref<128x64xf32, #tpu.memory_space<vmem>>, vector<1x16xf32>,
      %broadcast_in_dim3A_156 = arith.constant 0.000000e+00 : f32
      %broadcast_in_dim3A_157 = vector.broadcast %broadcast_in_dim3A_156 : f32 to vector<16xf32>
      %swap3A_158 = arith.index_cast %add3A_136 : i32 to index
      %swap3A_159 = arith.constant 48 : index
      %swap3A_160 = tpu.vector_load %arg10[%swap3A_158, %swap3A_159] {strides = array<i32>} : memref<128x64xf32, #tpu.memory_space<vmem>>, vector<1x16xf32>,
      %swap3A_161 = vector.shape_cast %swap3A_160 : vector<1x16xf32> to vector<16xf32>
      %swap3A_162 = vector.shape_cast %broadcast_in_dim3A_157 : vector<16xf32> to vector<1x16xf32>
      tpu.vector_store %arg10[%swap3A_158, %swap3A_159], %swap3A_162 {strides = array<i32>} : memref<128x64xf32, #tpu.memory_space<vmem>>, vector<1x16xf32>,
    }
    %scan3A_21 = arith.constant 128 : i32
    %add3A_22 = arith.constant 0 : i32
    %add3A_23 = arith.addi %mul3A_2, %add3A_22 : i32
    "tpu.region"() ({
      %run_scoped3A = tpu.sem_alloc : memref<!tpu.dma_semaphore, #tpu.memory_space<semaphore_mem>>
      %dma_start3A_132 = arith.constant 0 : i32
      %dma_start3A_133 = tpu.memref_slice %arg6[%add3A_23, %dma_start3A_132] : memref<10240x64xf32, #tpu.memory_space<vmem_shared>> -> memref<128x64xf32, #tpu.memory_space<vmem_shared>>
      %dma_start3A_134 = arith.constant 0 : i32
      %dma_start3A_135 = tpu.memref_slice %arg6[%add3A_23, %dma_start3A_134] : memref<10240x64xf32, #tpu.memory_space<vmem_shared>> -> memref<128x64xf32, #tpu.memory_space<vmem_shared>>
      tpu.enqueue_dma source(%arg10 : memref<128x64xf32, #tpu.memory_space<vmem>>) target(%dma_start3A_135 : memref<128x64xf32, #tpu.memory_space<vmem_shared>>) target_semaphore(%run_scoped3A : memref<!tpu.dma_semaphore, #tpu.memory_space<semaphore_mem>>)
      %dma_wait3A_136 = arith.constant 0 : i32
      %dma_wait3A_137 = tpu.memref_slice %arg6[%add3A_23, %dma_wait3A_136] : memref<10240x64xf32, #tpu.memory_space<vmem_shared>> -> memref<128x64xf32, #tpu.memory_space<vmem_shared>>
      %dma_wait3A_138 = arith.constant 0 : i32
      %dma_wait3A_139 = tpu.memref_slice %arg6[%add3A_23, %dma_wait3A_138] : memref<10240x64xf32, #tpu.memory_space<vmem_shared>> -> memref<128x64xf32, #tpu.memory_space<vmem_shared>>
      tpu.wait_dma2 semaphore(%run_scoped3A : memref<!tpu.dma_semaphore, #tpu.memory_space<semaphore_mem>>) src(%arg10 : memref<128x64xf32, #tpu.memory_space<vmem>>) dst(%dma_wait3A_139 : memref<128x64xf32, #tpu.memory_space<vmem_shared>>)
      tpu.yield
    }) : () -> ()
    %add3A_24 = arith.constant 128 : i32
    %add3A_25 = arith.addi %mul3A_2, %add3A_24 : i32
    "tpu.region"() ({
      %run_scoped3A = tpu.sem_alloc : memref<!tpu.dma_semaphore, #tpu.memory_space<semaphore_mem>>
      %dma_start3A_132 = arith.constant 0 : i32
      %dma_start3A_133 = tpu.memref_slice %arg6[%add3A_25, %dma_start3A_132] : memref<10240x64xf32, #tpu.memory_space<vmem_shared>> -> memref<128x64xf32, #tpu.memory_space<vmem_shared>>
      %dma_start3A_134 = arith.constant 0 : i32
      %dma_start3A_135 = tpu.memref_slice %arg6[%add3A_25, %dma_start3A_134] : memref<10240x64xf32, #tpu.memory_space<vmem_shared>> -> memref<128x64xf32, #tpu.memory_space<vmem_shared>>
      tpu.enqueue_dma source(%arg10 : memref<128x64xf32, #tpu.memory_space<vmem>>) target(%dma_start3A_135 : memref<128x64xf32, #tpu.memory_space<vmem_shared>>) target_semaphore(%run_scoped3A : memref<!tpu.dma_semaphore, #tpu.memory_space<semaphore_mem>>)
      %dma_wait3A_136 = arith.constant 0 : i32
      %dma_wait3A_137 = tpu.memref_slice %arg6[%add3A_25, %dma_wait3A_136] : memref<10240x64xf32, #tpu.memory_space<vmem_shared>> -> memref<128x64xf32, #tpu.memory_space<vmem_shared>>
      %dma_wait3A_138 = arith.constant 0 : i32
      %dma_wait3A_139 = tpu.memref_slice %arg6[%add3A_25, %dma_wait3A_138] : memref<10240x64xf32, #tpu.memory_space<vmem_shared>> -> memref<128x64xf32, #tpu.memory_space<vmem_shared>>
      tpu.wait_dma2 semaphore(%run_scoped3A : memref<!tpu.dma_semaphore, #tpu.memory_space<semaphore_mem>>) src(%arg10 : memref<128x64xf32, #tpu.memory_space<vmem>>) dst(%dma_wait3A_139 : memref<128x64xf32, #tpu.memory_space<vmem_shared>>)
      tpu.yield
    }) : () -> ()
    %add3A_26 = arith.constant 256 : i32
    %add3A_27 = arith.addi %mul3A_2, %add3A_26 : i32
    "tpu.region"() ({
      %run_scoped3A = tpu.sem_alloc : memref<!tpu.dma_semaphore, #tpu.memory_space<semaphore_mem>>
      %dma_start3A_132 = arith.constant 0 : i32
      %dma_start3A_133 = tpu.memref_slice %arg6[%add3A_27, %dma_start3A_132] : memref<10240x64xf32, #tpu.memory_space<vmem_shared>> -> memref<128x64xf32, #tpu.memory_space<vmem_shared>>
      %dma_start3A_134 = arith.constant 0 : i32
      %dma_start3A_135 = tpu.memref_slice %arg6[%add3A_27, %dma_start3A_134] : memref<10240x64xf32, #tpu.memory_space<vmem_shared>> -> memref<128x64xf32, #tpu.memory_space<vmem_shared>>
      tpu.enqueue_dma source(%arg10 : memref<128x64xf32, #tpu.memory_space<vmem>>) target(%dma_start3A_135 : memref<128x64xf32, #tpu.memory_space<vmem_shared>>) target_semaphore(%run_scoped3A : memref<!tpu.dma_semaphore, #tpu.memory_space<semaphore_mem>>)
      %dma_wait3A_136 = arith.constant 0 : i32
      %dma_wait3A_137 = tpu.memref_slice %arg6[%add3A_27, %dma_wait3A_136] : memref<10240x64xf32, #tpu.memory_space<vmem_shared>> -> memref<128x64xf32, #tpu.memory_space<vmem_shared>>
      %dma_wait3A_138 = arith.constant 0 : i32
      %dma_wait3A_139 = tpu.memref_slice %arg6[%add3A_27, %dma_wait3A_138] : memref<10240x64xf32, #tpu.memory_space<vmem_shared>> -> memref<128x64xf32, #tpu.memory_space<vmem_shared>>
      tpu.wait_dma2 semaphore(%run_scoped3A : memref<!tpu.dma_semaphore, #tpu.memory_space<semaphore_mem>>) src(%arg10 : memref<128x64xf32, #tpu.memory_space<vmem>>) dst(%dma_wait3A_139 : memref<128x64xf32, #tpu.memory_space<vmem_shared>>)
      tpu.yield
    }) : () -> ()
    %add3A_28 = arith.constant 384 : i32
    %add3A_29 = arith.addi %mul3A_2, %add3A_28 : i32
    "tpu.region"() ({
      %run_scoped3A = tpu.sem_alloc : memref<!tpu.dma_semaphore, #tpu.memory_space<semaphore_mem>>
      %dma_start3A_132 = arith.constant 0 : i32
      %dma_start3A_133 = tpu.memref_slice %arg6[%add3A_29, %dma_start3A_132] : memref<10240x64xf32, #tpu.memory_space<vmem_shared>> -> memref<128x64xf32, #tpu.memory_space<vmem_shared>>
      %dma_start3A_134 = arith.constant 0 : i32
      %dma_start3A_135 = tpu.memref_slice %arg6[%add3A_29, %dma_start3A_134] : memref<10240x64xf32, #tpu.memory_space<vmem_shared>> -> memref<128x64xf32, #tpu.memory_space<vmem_shared>>
      tpu.enqueue_dma source(%arg10 : memref<128x64xf32, #tpu.memory_space<vmem>>) target(%dma_start3A_135 : memref<128x64xf32, #tpu.memory_space<vmem_shared>>) target_semaphore(%run_scoped3A : memref<!tpu.dma_semaphore, #tpu.memory_space<semaphore_mem>>)
      %dma_wait3A_136 = arith.constant 0 : i32
      %dma_wait3A_137 = tpu.memref_slice %arg6[%add3A_29, %dma_wait3A_136] : memref<10240x64xf32, #tpu.memory_space<vmem_shared>> -> memref<128x64xf32, #tpu.memory_space<vmem_shared>>
      %dma_wait3A_138 = arith.constant 0 : i32
      %dma_wait3A_139 = tpu.memref_slice %arg6[%add3A_29, %dma_wait3A_138] : memref<10240x64xf32, #tpu.memory_space<vmem_shared>> -> memref<128x64xf32, #tpu.memory_space<vmem_shared>>
      tpu.wait_dma2 semaphore(%run_scoped3A : memref<!tpu.dma_semaphore, #tpu.memory_space<semaphore_mem>>) src(%arg10 : memref<128x64xf32, #tpu.memory_space<vmem>>) dst(%dma_wait3A_139 : memref<128x64xf32, #tpu.memory_space<vmem_shared>>)
      tpu.yield
    }) : () -> ()
    %add3A_30 = arith.constant 512 : i32
    %add3A_31 = arith.addi %mul3A_2, %add3A_30 : i32
    "tpu.region"() ({
      %run_scoped3A = tpu.sem_alloc : memref<!tpu.dma_semaphore, #tpu.memory_space<semaphore_mem>>
      %dma_start3A_132 = arith.constant 0 : i32
      %dma_start3A_133 = tpu.memref_slice %arg6[%add3A_31, %dma_start3A_132] : memref<10240x64xf32, #tpu.memory_space<vmem_shared>> -> memref<128x64xf32, #tpu.memory_space<vmem_shared>>
      %dma_start3A_134 = arith.constant 0 : i32
      %dma_start3A_135 = tpu.memref_slice %arg6[%add3A_31, %dma_start3A_134] : memref<10240x64xf32, #tpu.memory_space<vmem_shared>> -> memref<128x64xf32, #tpu.memory_space<vmem_shared>>
      tpu.enqueue_dma source(%arg10 : memref<128x64xf32, #tpu.memory_space<vmem>>) target(%dma_start3A_135 : memref<128x64xf32, #tpu.memory_space<vmem_shared>>) target_semaphore(%run_scoped3A : memref<!tpu.dma_semaphore, #tpu.memory_space<semaphore_mem>>)
      %dma_wait3A_136 = arith.constant 0 : i32
      %dma_wait3A_137 = tpu.memref_slice %arg6[%add3A_31, %dma_wait3A_136] : memref<10240x64xf32, #tpu.memory_space<vmem_shared>> -> memref<128x64xf32, #tpu.memory_space<vmem_shared>>
      %dma_wait3A_138 = arith.constant 0 : i32
      %dma_wait3A_139 = tpu.memref_slice %arg6[%add3A_31, %dma_wait3A_138] : memref<10240x64xf32, #tpu.memory_space<vmem_shared>> -> memref<128x64xf32, #tpu.memory_space<vmem_shared>>
      tpu.wait_dma2 semaphore(%run_scoped3A : memref<!tpu.dma_semaphore, #tpu.memory_space<semaphore_mem>>) src(%arg10 : memref<128x64xf32, #tpu.memory_space<vmem>>) dst(%dma_wait3A_139 : memref<128x64xf32, #tpu.memory_space<vmem_shared>>)
      tpu.yield
    }) : () -> ()
    %lt3A = arith.constant 15 : i32
    %lt3A_32 = arith.cmpi slt, %arg1, %lt3A : i32
    %convert_element_type3A = arith.extui %lt3A_32 : i1 to i32
    %cond3A = arith.constant 0 : i32
    %cond3A_33 = arith.cmpi ne, %convert_element_type3A, %cond3A : i32
    scf.if %cond3A_33 {
      "tpu.region"() ({
        %run_scoped3A = tpu.sem_alloc : memref<!tpu.dma_semaphore, #tpu.memory_space<semaphore_mem>>
        %dma_start3A_132 = arith.constant 0 : i32
        %dma_start3A_133 = tpu.memref_slice %arg7[%mul3A_2, %dma_start3A_132] : memref<10240x64xf32, #tpu.memory_space<vmem_shared>> -> memref<640x64xf32, #tpu.memory_space<vmem_shared>>
        %dma_start3A_134 = arith.constant 0 : i32
        %dma_start3A_135 = tpu.memref_slice %arg2[%mul3A_2, %dma_start3A_134] : memref<10000x64xf32, #tpu.memory_space<hbm>> -> memref<640x64xf32, #tpu.memory_space<hbm>>
        tpu.enqueue_dma source(%dma_start3A_135 : memref<640x64xf32, #tpu.memory_space<hbm>>) target(%dma_start3A_133 : memref<640x64xf32, #tpu.memory_space<vmem_shared>>) target_semaphore(%run_scoped3A : memref<!tpu.dma_semaphore, #tpu.memory_space<semaphore_mem>>)
        %dma_wait3A_136 = arith.constant 0 : i32
        %dma_wait3A_137 = tpu.memref_slice %arg7[%mul3A_2, %dma_wait3A_136] : memref<10240x64xf32, #tpu.memory_space<vmem_shared>> -> memref<640x64xf32, #tpu.memory_space<vmem_shared>>
        %dma_wait3A_138 = arith.constant 0 : i32
        %dma_wait3A_139 = tpu.memref_slice %arg2[%mul3A_2, %dma_wait3A_138] : memref<10000x64xf32, #tpu.memory_space<hbm>> -> memref<640x64xf32, #tpu.memory_space<hbm>>
        tpu.wait_dma2 semaphore(%run_scoped3A : memref<!tpu.dma_semaphore, #tpu.memory_space<semaphore_mem>>) src(%dma_wait3A_139 : memref<640x64xf32, #tpu.memory_space<hbm>>) dst(%dma_wait3A_137 : memref<640x64xf32, #tpu.memory_space<vmem_shared>>)
        tpu.yield
      }) : () -> ()
    } else {
    }
    %eq3A = arith.constant 15 : i32
    %eq3A_34 = arith.cmpi eq, %arg1, %eq3A : i32
    %convert_element_type3A_35 = arith.extui %eq3A_34 : i1 to i32
    %cond3A_36 = arith.constant 0 : i32
    %cond3A_37 = arith.cmpi ne, %convert_element_type3A_35, %cond3A_36 : i32
    scf.if %cond3A_37 {
      "tpu.region"() ({
        %run_scoped3A = tpu.sem_alloc : memref<!tpu.dma_semaphore, #tpu.memory_space<semaphore_mem>>
        %dma_start3A_132 = arith.constant 9600 : i32
        %dma_start3A_133 = arith.constant 0 : i32
        %dma_start3A_134 = tpu.memref_slice %arg7[%dma_start3A_132, %dma_start3A_133] : memref<10240x64xf32, #tpu.memory_space<vmem_shared>> -> memref<400x64xf32, #tpu.memory_space<vmem_shared>>
        %dma_start3A_135 = arith.constant 9600 : i32
        %dma_start3A_136 = arith.constant 0 : i32
        %dma_start3A_137 = tpu.memref_slice %arg2[%dma_start3A_135, %dma_start3A_136] : memref<10000x64xf32, #tpu.memory_space<hbm>> -> memref<400x64xf32, #tpu.memory_space<hbm>>
        tpu.enqueue_dma source(%dma_start3A_137 : memref<400x64xf32, #tpu.memory_space<hbm>>) target(%dma_start3A_134 : memref<400x64xf32, #tpu.memory_space<vmem_shared>>) target_semaphore(%run_scoped3A : memref<!tpu.dma_semaphore, #tpu.memory_space<semaphore_mem>>)
        %dma_wait3A_138 = arith.constant 9600 : i32
        %dma_wait3A_139 = arith.constant 0 : i32
        %dma_wait3A_140 = tpu.memref_slice %arg7[%dma_wait3A_138, %dma_wait3A_139] : memref<10240x64xf32, #tpu.memory_space<vmem_shared>> -> memref<400x64xf32, #tpu.memory_space<vmem_shared>>
        %dma_wait3A_141 = arith.constant 9600 : i32
        %dma_wait3A_142 = arith.constant 0 : i32
        %dma_wait3A_143 = tpu.memref_slice %arg2[%dma_wait3A_141, %dma_wait3A_142] : memref<10000x64xf32, #tpu.memory_space<hbm>> -> memref<400x64xf32, #tpu.memory_space<hbm>>
        tpu.wait_dma2 semaphore(%run_scoped3A : memref<!tpu.dma_semaphore, #tpu.memory_space<semaphore_mem>>) src(%dma_wait3A_143 : memref<400x64xf32, #tpu.memory_space<hbm>>) dst(%dma_wait3A_140 : memref<400x64xf32, #tpu.memory_space<vmem_shared>>)
        tpu.yield
      }) : () -> ()
    } else {
    }
    %dma_wait3A = arith.constant 0 : i32
    %dma_wait3A_38 = arith.constant 0 : i32
    %dma_wait3A_39 = tpu.memref_slice %arg3[%add3A, %dma_wait3A, %dma_wait3A_38] : memref<32x80x128xi32, #tpu.memory_space<hbm>> -> memref<1x80x128xi32, #tpu.memory_space<hbm>>
    %dma_wait3A_40 = tpu.memref_squeeze %dma_wait3A_39 : memref<1x80x128xi32, #tpu.memory_space<hbm>> -> memref<80x128xi32, #tpu.memory_space<hbm>>
    %dma_wait3A_41 = arith.constant 0 : i32
    %dma_wait3A_42 = arith.constant 0 : i32
    %dma_wait3A_43 = tpu.memref_slice %arg3[%add3A, %dma_wait3A_41, %dma_wait3A_42] : memref<32x80x128xi32, #tpu.memory_space<hbm>> -> memref<1x80x128xi32, #tpu.memory_space<hbm>>
    %dma_wait3A_44 = tpu.memref_squeeze %dma_wait3A_43 : memref<1x80x128xi32, #tpu.memory_space<hbm>> -> memref<80x128xi32, #tpu.memory_space<hbm>>
    tpu.wait_dma2 semaphore(%arg13 : memref<!tpu.dma_semaphore, #tpu.memory_space<semaphore_mem>>) src(%dma_wait3A_44 : memref<80x128xi32, #tpu.memory_space<hbm>>) dst(%arg8 : memref<80x128xi32, #tpu.memory_space<vmem>>)
    %dma_wait3A_45 = arith.constant 0 : i32
    %dma_wait3A_46 = arith.constant 0 : i32
    %dma_wait3A_47 = tpu.memref_slice %arg4[%add3A, %dma_wait3A_45, %dma_wait3A_46] : memref<32x80x128xi32, #tpu.memory_space<hbm>> -> memref<1x80x128xi32, #tpu.memory_space<hbm>>
    %dma_wait3A_48 = tpu.memref_squeeze %dma_wait3A_47 : memref<1x80x128xi32, #tpu.memory_space<hbm>> -> memref<80x128xi32, #tpu.memory_space<hbm>>
    %dma_wait3A_49 = arith.constant 0 : i32
    %dma_wait3A_50 = arith.constant 0 : i32
    %dma_wait3A_51 = tpu.memref_slice %arg4[%add3A, %dma_wait3A_49, %dma_wait3A_50] : memref<32x80x128xi32, #tpu.memory_space<hbm>> -> memref<1x80x128xi32, #tpu.memory_space<hbm>>
    %dma_wait3A_52 = tpu.memref_squeeze %dma_wait3A_51 : memref<1x80x128xi32, #tpu.memory_space<hbm>> -> memref<80x128xi32, #tpu.memory_space<hbm>>
    tpu.wait_dma2 semaphore(%arg13 : memref<!tpu.dma_semaphore, #tpu.memory_space<semaphore_mem>>) src(%dma_wait3A_52 : memref<80x128xi32, #tpu.memory_space<hbm>>) dst(%arg9 : memref<80x128xi32, #tpu.memory_space<vmem>>)
    %barrier3A = arith.constant 0 : index
    tpu.barrier barrier_id(%barrier3A)
    %dma_start3A_53 = arith.constant 0 : i32
    %dma_start3A_54 = arith.constant 0 : i32
    %dma_start3A_55 = tpu.memref_slice %arg8[%dma_start3A_53, %dma_start3A_54] : memref<80x128xi32, #tpu.memory_space<vmem>> -> memref<1x128xi32, #tpu.memory_space<vmem>>
    %dma_start3A_56 = tpu.memref_squeeze %dma_start3A_55 : memref<1x128xi32, #tpu.memory_space<vmem>> -> memref<128xi32, #tpu.memory_space<vmem>>
    %dma_start3A_57 = arith.constant 0 : i32
    %dma_start3A_58 = arith.constant 0 : i32
    %dma_start3A_59 = tpu.memref_slice %arg7[%dma_start3A_57, %dma_start3A_58] : memref<10240x64xf32, #tpu.memory_space<vmem_shared>> -> memref<10240x64xf32, #tpu.memory_space<vmem_shared>>
    tpu.enqueue_indirect_dma source(%dma_start3A_59 : memref<10240x64xf32, #tpu.memory_space<vmem_shared>>) target(%arg10 : memref<128x64xf32, #tpu.memory_space<vmem>>) offsets(%dma_start3A_56 : memref<128xi32, #tpu.memory_space<vmem>>) semaphore(%arg14 : memref<!tpu.dma_semaphore, #tpu.memory_space<semaphore_mem>>)
    %dma_start3A_60 = arith.constant 1 : i32
    %dma_start3A_61 = arith.constant 0 : i32
    %dma_start3A_62 = tpu.memref_slice %arg8[%dma_start3A_60, %dma_start3A_61] : memref<80x128xi32, #tpu.memory_space<vmem>> -> memref<1x128xi32, #tpu.memory_space<vmem>>
    %dma_start3A_63 = tpu.memref_squeeze %dma_start3A_62 : memref<1x128xi32, #tpu.memory_space<vmem>> -> memref<128xi32, #tpu.memory_space<vmem>>
    %dma_start3A_64 = arith.constant 0 : i32
    %dma_start3A_65 = arith.constant 0 : i32
    %dma_start3A_66 = tpu.memref_slice %arg7[%dma_start3A_64, %dma_start3A_65] : memref<10240x64xf32, #tpu.memory_space<vmem_shared>> -> memref<10240x64xf32, #tpu.memory_space<vmem_shared>>
    tpu.enqueue_indirect_dma source(%dma_start3A_66 : memref<10240x64xf32, #tpu.memory_space<vmem_shared>>) target(%arg11 : memref<128x64xf32, #tpu.memory_space<vmem>>) offsets(%dma_start3A_63 : memref<128xi32, #tpu.memory_space<vmem>>) semaphore(%arg14 : memref<!tpu.dma_semaphore, #tpu.memory_space<semaphore_mem>>)
    %scan3A_67 = arith.constant 0 : i32
    %scan3A_68 = arith.constant 26 : i32
    %scan3A_69 = arith.addi %scan3A_67, %scan3A_68 : i32
    %scan3A_70 = arith.constant 1 : i32
    scf.for %scan3A_132 = %scan3A_67 to %scan3A_69 step %scan3A_70  : i32 {
      %mul3A_133 = arith.constant 3 : i32
      %mul3A_134 = arith.muli %scan3A_132, %mul3A_133 : i32
      %add3A_135 = arith.constant 0 : i32
      %add3A_136 = arith.addi %add3A_135, %mul3A_134 : i32
      %add3A_137 = arith.constant 0 : i32
      %add3A_138 = arith.addi %add3A_136, %add3A_137 : i32
      %dma_wait3A_139 = arith.constant 0 : i32
      %dma_wait3A_140 = tpu.memref_slice %arg8[%add3A_138, %dma_wait3A_139] : memref<80x128xi32, #tpu.memory_space<vmem>> -> memref<1x128xi32, #tpu.memory_space<vmem>>
      %dma_wait3A_141 = tpu.memref_squeeze %dma_wait3A_140 : memref<1x128xi32, #tpu.memory_space<vmem>> -> memref<128xi32, #tpu.memory_space<vmem>>
      %dma_wait3A_142 = arith.constant 0 : i32
      %dma_wait3A_143 = arith.constant 0 : i32
      %dma_wait3A_144 = tpu.memref_slice %arg7[%dma_wait3A_142, %dma_wait3A_143] : memref<10240x64xf32, #tpu.memory_space<vmem_shared>> -> memref<10240x64xf32, #tpu.memory_space<vmem_shared>>
      tpu.wait_indirect_dma semaphore(%arg14 : memref<!tpu.dma_semaphore, #tpu.memory_space<semaphore_mem>>) src(%dma_wait3A_144 : memref<10240x64xf32, #tpu.memory_space<vmem_shared>>) dst(%arg10 : memref<128x64xf32, #tpu.memory_space<vmem>>)
      %dma_start3A_145 = arith.constant 0 : i32
      %dma_start3A_146 = tpu.memref_slice %arg9[%add3A_138, %dma_start3A_145] : memref<80x128xi32, #tpu.memory_space<vmem>> -> memref<1x128xi32, #tpu.memory_space<vmem>>
      %dma_start3A_147 = tpu.memref_squeeze %dma_start3A_146 : memref<1x128xi32, #tpu.memory_space<vmem>> -> memref<128xi32, #tpu.memory_space<vmem>>
      %dma_start3A_148 = arith.constant 0 : i32
      %dma_start3A_149 = arith.constant 0 : i32
      %dma_start3A_150 = tpu.memref_slice %arg6[%dma_start3A_148, %dma_start3A_149] : memref<10240x64xf32, #tpu.memory_space<vmem_shared>> -> memref<10240x64xf32, #tpu.memory_space<vmem_shared>>
      tpu.enqueue_indirect_dma source(%arg10 : memref<128x64xf32, #tpu.memory_space<vmem>>) target(%dma_start3A_150 : memref<10240x64xf32, #tpu.memory_space<vmem_shared>>) offsets(%dma_start3A_147 : memref<128xi32, #tpu.memory_space<vmem>>) semaphore(%arg15 : memref<!tpu.dma_semaphore, #tpu.memory_space<semaphore_mem>>) {add = true}
      %ge3A = arith.constant 1 : i32
      %ge3A_151 = arith.cmpi sge, %add3A_138, %ge3A : i32
      %convert_element_type3A_152 = arith.extui %ge3A_151 : i1 to i32
      %cond3A_153 = arith.constant 0 : i32
      %cond3A_154 = arith.cmpi ne, %convert_element_type3A_152, %cond3A_153 : i32
      scf.if %cond3A_154 {
        %sub3A = arith.constant 1 : i32
        %sub3A_214 = arith.subi %add3A_138, %sub3A : i32
        %dma_wait3A_215 = arith.constant 0 : i32
        %dma_wait3A_216 = tpu.memref_slice %arg9[%sub3A_214, %dma_wait3A_215] : memref<80x128xi32, #tpu.memory_space<vmem>> -> memref<1x128xi32, #tpu.memory_space<vmem>>
        %dma_wait3A_217 = tpu.memref_squeeze %dma_wait3A_216 : memref<1x128xi32, #tpu.memory_space<vmem>> -> memref<128xi32, #tpu.memory_space<vmem>>
        %dma_wait3A_218 = arith.constant 0 : i32
        %dma_wait3A_219 = arith.constant 0 : i32
        %dma_wait3A_220 = tpu.memref_slice %arg6[%dma_wait3A_218, %dma_wait3A_219] : memref<10240x64xf32, #tpu.memory_space<vmem_shared>> -> memref<10240x64xf32, #tpu.memory_space<vmem_shared>>
        tpu.wait_indirect_dma semaphore(%arg15 : memref<!tpu.dma_semaphore, #tpu.memory_space<semaphore_mem>>) src(%arg12 : memref<128x64xf32, #tpu.memory_space<vmem>>) dst(%dma_wait3A_220 : memref<10240x64xf32, #tpu.memory_space<vmem_shared>>)
      } else {
      }
      %add3A_155 = arith.constant 2 : i32
      %add3A_156 = arith.addi %add3A_138, %add3A_155 : i32
      %lt3A_157 = arith.constant 80 : i32
      %lt3A_158 = arith.cmpi slt, %add3A_156, %lt3A_157 : i32
      %convert_element_type3A_159 = arith.extui %lt3A_158 : i1 to i32
      %cond3A_160 = arith.constant 0 : i32
      %cond3A_161 = arith.cmpi ne, %convert_element_type3A_159, %cond3A_160 : i32
      scf.if %cond3A_161 {
        %add3A_214 = arith.constant 2 : i32
        %add3A_215 = arith.addi %add3A_138, %add3A_214 : i32
        %dma_start3A_216 = arith.constant 0 : i32
        %dma_start3A_217 = tpu.memref_slice %arg8[%add3A_215, %dma_start3A_216] : memref<80x128xi32, #tpu.memory_space<vmem>> -> memref<1x128xi32, #tpu.memory_space<vmem>>
        %dma_start3A_218 = tpu.memref_squeeze %dma_start3A_217 : memref<1x128xi32, #tpu.memory_space<vmem>> -> memref<128xi32, #tpu.memory_space<vmem>>
        %dma_start3A_219 = arith.constant 0 : i32
        %dma_start3A_220 = arith.constant 0 : i32
        %dma_start3A_221 = tpu.memref_slice %arg7[%dma_start3A_219, %dma_start3A_220] : memref<10240x64xf32, #tpu.memory_space<vmem_shared>> -> memref<10240x64xf32, #tpu.memory_space<vmem_shared>>
        tpu.enqueue_indirect_dma source(%dma_start3A_221 : memref<10240x64xf32, #tpu.memory_space<vmem_shared>>) target(%arg12 : memref<128x64xf32, #tpu.memory_space<vmem>>) offsets(%dma_start3A_218 : memref<128xi32, #tpu.memory_space<vmem>>) semaphore(%arg14 : memref<!tpu.dma_semaphore, #tpu.memory_space<semaphore_mem>>)
      } else {
      }
      %add3A_162 = arith.constant 1 : i32
      %add3A_163 = arith.addi %add3A_136, %add3A_162 : i32
      %dma_wait3A_164 = arith.constant 0 : i32
      %dma_wait3A_165 = tpu.memref_slice %arg8[%add3A_163, %dma_wait3A_164] : memref<80x128xi32, #tpu.memory_space<vmem>> -> memref<1x128xi32, #tpu.memory_space<vmem>>
      %dma_wait3A_166 = tpu.memref_squeeze %dma_wait3A_165 : memref<1x128xi32, #tpu.memory_space<vmem>> -> memref<128xi32, #tpu.memory_space<vmem>>
      %dma_wait3A_167 = arith.constant 0 : i32
      %dma_wait3A_168 = arith.constant 0 : i32
      %dma_wait3A_169 = tpu.memref_slice %arg7[%dma_wait3A_167, %dma_wait3A_168] : memref<10240x64xf32, #tpu.memory_space<vmem_shared>> -> memref<10240x64xf32, #tpu.memory_space<vmem_shared>>
      tpu.wait_indirect_dma semaphore(%arg14 : memref<!tpu.dma_semaphore, #tpu.memory_space<semaphore_mem>>) src(%dma_wait3A_169 : memref<10240x64xf32, #tpu.memory_space<vmem_shared>>) dst(%arg11 : memref<128x64xf32, #tpu.memory_space<vmem>>)
      %dma_start3A_170 = arith.constant 0 : i32
      %dma_start3A_171 = tpu.memref_slice %arg9[%add3A_163, %dma_start3A_170] : memref<80x128xi32, #tpu.memory_space<vmem>> -> memref<1x128xi32, #tpu.memory_space<vmem>>
      %dma_start3A_172 = tpu.memref_squeeze %dma_start3A_171 : memref<1x128xi32, #tpu.memory_space<vmem>> -> memref<128xi32, #tpu.memory_space<vmem>>
      %dma_start3A_173 = arith.constant 0 : i32
      %dma_start3A_174 = arith.constant 0 : i32
      %dma_start3A_175 = tpu.memref_slice %arg6[%dma_start3A_173, %dma_start3A_174] : memref<10240x64xf32, #tpu.memory_space<vmem_shared>> -> memref<10240x64xf32, #tpu.memory_space<vmem_shared>>
      tpu.enqueue_indirect_dma source(%arg11 : memref<128x64xf32, #tpu.memory_space<vmem>>) target(%dma_start3A_175 : memref<10240x64xf32, #tpu.memory_space<vmem_shared>>) offsets(%dma_start3A_172 : memref<128xi32, #tpu.memory_space<vmem>>) semaphore(%arg15 : memref<!tpu.dma_semaphore, #tpu.memory_space<semaphore_mem>>) {add = true}
      %ge3A_176 = arith.constant 1 : i32
      %ge3A_177 = arith.cmpi sge, %add3A_163, %ge3A_176 : i32
      %convert_element_type3A_178 = arith.extui %ge3A_177 : i1 to i32
      %cond3A_179 = arith.constant 0 : i32
      %cond3A_180 = arith.cmpi ne, %convert_element_type3A_178, %cond3A_179 : i32
      scf.if %cond3A_180 {
        %sub3A = arith.constant 1 : i32
        %sub3A_214 = arith.subi %add3A_163, %sub3A : i32
        %dma_wait3A_215 = arith.constant 0 : i32
        %dma_wait3A_216 = tpu.memref_slice %arg9[%sub3A_214, %dma_wait3A_215] : memref<80x128xi32, #tpu.memory_space<vmem>> -> memref<1x128xi32, #tpu.memory_space<vmem>>
        %dma_wait3A_217 = tpu.memref_squeeze %dma_wait3A_216 : memref<1x128xi32, #tpu.memory_space<vmem>> -> memref<128xi32, #tpu.memory_space<vmem>>
        %dma_wait3A_218 = arith.constant 0 : i32
        %dma_wait3A_219 = arith.constant 0 : i32
        %dma_wait3A_220 = tpu.memref_slice %arg6[%dma_wait3A_218, %dma_wait3A_219] : memref<10240x64xf32, #tpu.memory_space<vmem_shared>> -> memref<10240x64xf32, #tpu.memory_space<vmem_shared>>
        tpu.wait_indirect_dma semaphore(%arg15 : memref<!tpu.dma_semaphore, #tpu.memory_space<semaphore_mem>>) src(%arg10 : memref<128x64xf32, #tpu.memory_space<vmem>>) dst(%dma_wait3A_220 : memref<10240x64xf32, #tpu.memory_space<vmem_shared>>)
      } else {
      }
      %add3A_181 = arith.constant 2 : i32
      %add3A_182 = arith.addi %add3A_163, %add3A_181 : i32
      %lt3A_183 = arith.constant 80 : i32
      %lt3A_184 = arith.cmpi slt, %add3A_182, %lt3A_183 : i32
      %convert_element_type3A_185 = arith.extui %lt3A_184 : i1 to i32
      %cond3A_186 = arith.constant 0 : i32
      %cond3A_187 = arith.cmpi ne, %convert_element_type3A_185, %cond3A_186 : i32
      scf.if %cond3A_187 {
        %add3A_214 = arith.constant 2 : i32
        %add3A_215 = arith.addi %add3A_163, %add3A_214 : i32
        %dma_start3A_216 = arith.constant 0 : i32
        %dma_start3A_217 = tpu.memref_slice %arg8[%add3A_215, %dma_start3A_216] : memref<80x128xi32, #tpu.memory_space<vmem>> -> memref<1x128xi32, #tpu.memory_space<vmem>>
        %dma_start3A_218 = tpu.memref_squeeze %dma_start3A_217 : memref<1x128xi32, #tpu.memory_space<vmem>> -> memref<128xi32, #tpu.memory_space<vmem>>
        %dma_start3A_219 = arith.constant 0 : i32
        %dma_start3A_220 = arith.constant 0 : i32
        %dma_start3A_221 = tpu.memref_slice %arg7[%dma_start3A_219, %dma_start3A_220] : memref<10240x64xf32, #tpu.memory_space<vmem_shared>> -> memref<10240x64xf32, #tpu.memory_space<vmem_shared>>
        tpu.enqueue_indirect_dma source(%dma_start3A_221 : memref<10240x64xf32, #tpu.memory_space<vmem_shared>>) target(%arg10 : memref<128x64xf32, #tpu.memory_space<vmem>>) offsets(%dma_start3A_218 : memref<128xi32, #tpu.memory_space<vmem>>) semaphore(%arg14 : memref<!tpu.dma_semaphore, #tpu.memory_space<semaphore_mem>>)
      } else {
      }
      %add3A_188 = arith.constant 2 : i32
      %add3A_189 = arith.addi %add3A_136, %add3A_188 : i32
      %dma_wait3A_190 = arith.constant 0 : i32
      %dma_wait3A_191 = tpu.memref_slice %arg8[%add3A_189, %dma_wait3A_190] : memref<80x128xi32, #tpu.memory_space<vmem>> -> memref<1x128xi32, #tpu.memory_space<vmem>>
      %dma_wait3A_192 = tpu.memref_squeeze %dma_wait3A_191 : memref<1x128xi32, #tpu.memory_space<vmem>> -> memref<128xi32, #tpu.memory_space<vmem>>
      %dma_wait3A_193 = arith.constant 0 : i32
      %dma_wait3A_194 = arith.constant 0 : i32
      %dma_wait3A_195 = tpu.memref_slice %arg7[%dma_wait3A_193, %dma_wait3A_194] : memref<10240x64xf32, #tpu.memory_space<vmem_shared>> -> memref<10240x64xf32, #tpu.memory_space<vmem_shared>>
      tpu.wait_indirect_dma semaphore(%arg14 : memref<!tpu.dma_semaphore, #tpu.memory_space<semaphore_mem>>) src(%dma_wait3A_195 : memref<10240x64xf32, #tpu.memory_space<vmem_shared>>) dst(%arg12 : memref<128x64xf32, #tpu.memory_space<vmem>>)
      %dma_start3A_196 = arith.constant 0 : i32
      %dma_start3A_197 = tpu.memref_slice %arg9[%add3A_189, %dma_start3A_196] : memref<80x128xi32, #tpu.memory_space<vmem>> -> memref<1x128xi32, #tpu.memory_space<vmem>>
      %dma_start3A_198 = tpu.memref_squeeze %dma_start3A_197 : memref<1x128xi32, #tpu.memory_space<vmem>> -> memref<128xi32, #tpu.memory_space<vmem>>
      %dma_start3A_199 = arith.constant 0 : i32
      %dma_start3A_200 = arith.constant 0 : i32
      %dma_start3A_201 = tpu.memref_slice %arg6[%dma_start3A_199, %dma_start3A_200] : memref<10240x64xf32, #tpu.memory_space<vmem_shared>> -> memref<10240x64xf32, #tpu.memory_space<vmem_shared>>
      tpu.enqueue_indirect_dma source(%arg12 : memref<128x64xf32, #tpu.memory_space<vmem>>) target(%dma_start3A_201 : memref<10240x64xf32, #tpu.memory_space<vmem_shared>>) offsets(%dma_start3A_198 : memref<128xi32, #tpu.memory_space<vmem>>) semaphore(%arg15 : memref<!tpu.dma_semaphore, #tpu.memory_space<semaphore_mem>>) {add = true}
      %ge3A_202 = arith.constant 1 : i32
      %ge3A_203 = arith.cmpi sge, %add3A_189, %ge3A_202 : i32
      %convert_element_type3A_204 = arith.extui %ge3A_203 : i1 to i32
      %cond3A_205 = arith.constant 0 : i32
      %cond3A_206 = arith.cmpi ne, %convert_element_type3A_204, %cond3A_205 : i32
      scf.if %cond3A_206 {
        %sub3A = arith.constant 1 : i32
        %sub3A_214 = arith.subi %add3A_189, %sub3A : i32
        %dma_wait3A_215 = arith.constant 0 : i32
        %dma_wait3A_216 = tpu.memref_slice %arg9[%sub3A_214, %dma_wait3A_215] : memref<80x128xi32, #tpu.memory_space<vmem>> -> memref<1x128xi32, #tpu.memory_space<vmem>>
        %dma_wait3A_217 = tpu.memref_squeeze %dma_wait3A_216 : memref<1x128xi32, #tpu.memory_space<vmem>> -> memref<128xi32, #tpu.memory_space<vmem>>
        %dma_wait3A_218 = arith.constant 0 : i32
        %dma_wait3A_219 = arith.constant 0 : i32
        %dma_wait3A_220 = tpu.memref_slice %arg6[%dma_wait3A_218, %dma_wait3A_219] : memref<10240x64xf32, #tpu.memory_space<vmem_shared>> -> memref<10240x64xf32, #tpu.memory_space<vmem_shared>>
        tpu.wait_indirect_dma semaphore(%arg15 : memref<!tpu.dma_semaphore, #tpu.memory_space<semaphore_mem>>) src(%arg11 : memref<128x64xf32, #tpu.memory_space<vmem>>) dst(%dma_wait3A_220 : memref<10240x64xf32, #tpu.memory_space<vmem_shared>>)
      } else {
      }
      %add3A_207 = arith.constant 2 : i32
      %add3A_208 = arith.addi %add3A_189, %add3A_207 : i32
      %lt3A_209 = arith.constant 80 : i32
      %lt3A_210 = arith.cmpi slt, %add3A_208, %lt3A_209 : i32
      %convert_element_type3A_211 = arith.extui %lt3A_210 : i1 to i32
      %cond3A_212 = arith.constant 0 : i32
      %cond3A_213 = arith.cmpi ne, %convert_element_type3A_211, %cond3A_212 : i32
      scf.if %cond3A_213 {
        %add3A_214 = arith.constant 2 : i32
        %add3A_215 = arith.addi %add3A_189, %add3A_214 : i32
        %dma_start3A_216 = arith.constant 0 : i32
        %dma_start3A_217 = tpu.memref_slice %arg8[%add3A_215, %dma_start3A_216] : memref<80x128xi32, #tpu.memory_space<vmem>> -> memref<1x128xi32, #tpu.memory_space<vmem>>
        %dma_start3A_218 = tpu.memref_squeeze %dma_start3A_217 : memref<1x128xi32, #tpu.memory_space<vmem>> -> memref<128xi32, #tpu.memory_space<vmem>>
        %dma_start3A_219 = arith.constant 0 : i32
        %dma_start3A_220 = arith.constant 0 : i32
        %dma_start3A_221 = tpu.memref_slice %arg7[%dma_start3A_219, %dma_start3A_220] : memref<10240x64xf32, #tpu.memory_space<vmem_shared>> -> memref<10240x64xf32, #tpu.memory_space<vmem_shared>>
        tpu.enqueue_indirect_dma source(%dma_start3A_221 : memref<10240x64xf32, #tpu.memory_space<vmem_shared>>) target(%arg11 : memref<128x64xf32, #tpu.memory_space<vmem>>) offsets(%dma_start3A_218 : memref<128xi32, #tpu.memory_space<vmem>>) semaphore(%arg14 : memref<!tpu.dma_semaphore, #tpu.memory_space<semaphore_mem>>)
      } else {
      }
    }
    %scan3A_71 = arith.constant 26 : i32
    %dma_wait3A_72 = arith.constant 78 : i32
    %dma_wait3A_73 = arith.constant 0 : i32
    %dma_wait3A_74 = tpu.memref_slice %arg8[%dma_wait3A_72, %dma_wait3A_73] : memref<80x128xi32, #tpu.memory_space<vmem>> -> memref<1x128xi32, #tpu.memory_space<vmem>>
    %dma_wait3A_75 = tpu.memref_squeeze %dma_wait3A_74 : memref<1x128xi32, #tpu.memory_space<vmem>> -> memref<128xi32, #tpu.memory_space<vmem>>
    %dma_wait3A_76 = arith.constant 0 : i32
    %dma_wait3A_77 = arith.constant 0 : i32
    %dma_wait3A_78 = tpu.memref_slice %arg7[%dma_wait3A_76, %dma_wait3A_77] : memref<10240x64xf32, #tpu.memory_space<vmem_shared>> -> memref<10240x64xf32, #tpu.memory_space<vmem_shared>>
    tpu.wait_indirect_dma semaphore(%arg14 : memref<!tpu.dma_semaphore, #tpu.memory_space<semaphore_mem>>) src(%dma_wait3A_78 : memref<10240x64xf32, #tpu.memory_space<vmem_shared>>) dst(%arg10 : memref<128x64xf32, #tpu.memory_space<vmem>>)
    %dma_start3A_79 = arith.constant 78 : i32
    %dma_start3A_80 = arith.constant 0 : i32
    %dma_start3A_81 = tpu.memref_slice %arg9[%dma_start3A_79, %dma_start3A_80] : memref<80x128xi32, #tpu.memory_space<vmem>> -> memref<1x128xi32, #tpu.memory_space<vmem>>
    %dma_start3A_82 = tpu.memref_squeeze %dma_start3A_81 : memref<1x128xi32, #tpu.memory_space<vmem>> -> memref<128xi32, #tpu.memory_space<vmem>>
    %dma_start3A_83 = arith.constant 0 : i32
    %dma_start3A_84 = arith.constant 0 : i32
    %dma_start3A_85 = tpu.memref_slice %arg6[%dma_start3A_83, %dma_start3A_84] : memref<10240x64xf32, #tpu.memory_space<vmem_shared>> -> memref<10240x64xf32, #tpu.memory_space<vmem_shared>>
    tpu.enqueue_indirect_dma source(%arg10 : memref<128x64xf32, #tpu.memory_space<vmem>>) target(%dma_start3A_85 : memref<10240x64xf32, #tpu.memory_space<vmem_shared>>) offsets(%dma_start3A_82 : memref<128xi32, #tpu.memory_space<vmem>>) semaphore(%arg15 : memref<!tpu.dma_semaphore, #tpu.memory_space<semaphore_mem>>) {add = true}
    %dma_wait3A_86 = arith.constant 79 : i32
    %dma_wait3A_87 = arith.constant 0 : i32
    %dma_wait3A_88 = tpu.memref_slice %arg8[%dma_wait3A_86, %dma_wait3A_87] : memref<80x128xi32, #tpu.memory_space<vmem>> -> memref<1x128xi32, #tpu.memory_space<vmem>>
    %dma_wait3A_89 = tpu.memref_squeeze %dma_wait3A_88 : memref<1x128xi32, #tpu.memory_space<vmem>> -> memref<128xi32, #tpu.memory_space<vmem>>
    %dma_wait3A_90 = arith.constant 0 : i32
    %dma_wait3A_91 = arith.constant 0 : i32
    %dma_wait3A_92 = tpu.memref_slice %arg7[%dma_wait3A_90, %dma_wait3A_91] : memref<10240x64xf32, #tpu.memory_space<vmem_shared>> -> memref<10240x64xf32, #tpu.memory_space<vmem_shared>>
    tpu.wait_indirect_dma semaphore(%arg14 : memref<!tpu.dma_semaphore, #tpu.memory_space<semaphore_mem>>) src(%dma_wait3A_92 : memref<10240x64xf32, #tpu.memory_space<vmem_shared>>) dst(%arg11 : memref<128x64xf32, #tpu.memory_space<vmem>>)
    %dma_start3A_93 = arith.constant 79 : i32
    %dma_start3A_94 = arith.constant 0 : i32
    %dma_start3A_95 = tpu.memref_slice %arg9[%dma_start3A_93, %dma_start3A_94] : memref<80x128xi32, #tpu.memory_space<vmem>> -> memref<1x128xi32, #tpu.memory_space<vmem>>
    %dma_start3A_96 = tpu.memref_squeeze %dma_start3A_95 : memref<1x128xi32, #tpu.memory_space<vmem>> -> memref<128xi32, #tpu.memory_space<vmem>>
    %dma_start3A_97 = arith.constant 0 : i32
    %dma_start3A_98 = arith.constant 0 : i32
    %dma_start3A_99 = tpu.memref_slice %arg6[%dma_start3A_97, %dma_start3A_98] : memref<10240x64xf32, #tpu.memory_space<vmem_shared>> -> memref<10240x64xf32, #tpu.memory_space<vmem_shared>>
    tpu.enqueue_indirect_dma source(%arg11 : memref<128x64xf32, #tpu.memory_space<vmem>>) target(%dma_start3A_99 : memref<10240x64xf32, #tpu.memory_space<vmem_shared>>) offsets(%dma_start3A_96 : memref<128xi32, #tpu.memory_space<vmem>>) semaphore(%arg15 : memref<!tpu.dma_semaphore, #tpu.memory_space<semaphore_mem>>) {add = true}
    %dma_wait3A_100 = arith.constant 77 : i32
    %dma_wait3A_101 = arith.constant 0 : i32
    %dma_wait3A_102 = tpu.memref_slice %arg9[%dma_wait3A_100, %dma_wait3A_101] : memref<80x128xi32, #tpu.memory_space<vmem>> -> memref<1x128xi32, #tpu.memory_space<vmem>>
    %dma_wait3A_103 = tpu.memref_squeeze %dma_wait3A_102 : memref<1x128xi32, #tpu.memory_space<vmem>> -> memref<128xi32, #tpu.memory_space<vmem>>
    %dma_wait3A_104 = arith.constant 0 : i32
    %dma_wait3A_105 = arith.constant 0 : i32
    %dma_wait3A_106 = tpu.memref_slice %arg6[%dma_wait3A_104, %dma_wait3A_105] : memref<10240x64xf32, #tpu.memory_space<vmem_shared>> -> memref<10240x64xf32, #tpu.memory_space<vmem_shared>>
    tpu.wait_indirect_dma semaphore(%arg15 : memref<!tpu.dma_semaphore, #tpu.memory_space<semaphore_mem>>) src(%arg12 : memref<128x64xf32, #tpu.memory_space<vmem>>) dst(%dma_wait3A_106 : memref<10240x64xf32, #tpu.memory_space<vmem_shared>>)
    %dma_wait3A_107 = arith.constant 78 : i32
    %dma_wait3A_108 = arith.constant 0 : i32
    %dma_wait3A_109 = tpu.memref_slice %arg9[%dma_wait3A_107, %dma_wait3A_108] : memref<80x128xi32, #tpu.memory_space<vmem>> -> memref<1x128xi32, #tpu.memory_space<vmem>>
    %dma_wait3A_110 = tpu.memref_squeeze %dma_wait3A_109 : memref<1x128xi32, #tpu.memory_space<vmem>> -> memref<128xi32, #tpu.memory_space<vmem>>
    %dma_wait3A_111 = arith.constant 0 : i32
    %dma_wait3A_112 = arith.constant 0 : i32
    %dma_wait3A_113 = tpu.memref_slice %arg6[%dma_wait3A_111, %dma_wait3A_112] : memref<10240x64xf32, #tpu.memory_space<vmem_shared>> -> memref<10240x64xf32, #tpu.memory_space<vmem_shared>>
    tpu.wait_indirect_dma semaphore(%arg15 : memref<!tpu.dma_semaphore, #tpu.memory_space<semaphore_mem>>) src(%arg10 : memref<128x64xf32, #tpu.memory_space<vmem>>) dst(%dma_wait3A_113 : memref<10240x64xf32, #tpu.memory_space<vmem_shared>>)
    %dma_wait3A_114 = arith.constant 79 : i32
    %dma_wait3A_115 = arith.constant 0 : i32
    %dma_wait3A_116 = tpu.memref_slice %arg9[%dma_wait3A_114, %dma_wait3A_115] : memref<80x128xi32, #tpu.memory_space<vmem>> -> memref<1x128xi32, #tpu.memory_space<vmem>>
    %dma_wait3A_117 = tpu.memref_squeeze %dma_wait3A_116 : memref<1x128xi32, #tpu.memory_space<vmem>> -> memref<128xi32, #tpu.memory_space<vmem>>
    %dma_wait3A_118 = arith.constant 0 : i32
    %dma_wait3A_119 = arith.constant 0 : i32
    %dma_wait3A_120 = tpu.memref_slice %arg6[%dma_wait3A_118, %dma_wait3A_119] : memref<10240x64xf32, #tpu.memory_space<vmem_shared>> -> memref<10240x64xf32, #tpu.memory_space<vmem_shared>>
    tpu.wait_indirect_dma semaphore(%arg15 : memref<!tpu.dma_semaphore, #tpu.memory_space<semaphore_mem>>) src(%arg11 : memref<128x64xf32, #tpu.memory_space<vmem>>) dst(%dma_wait3A_120 : memref<10240x64xf32, #tpu.memory_space<vmem_shared>>)
    %barrier3A_121 = arith.constant 0 : index
    tpu.barrier barrier_id(%barrier3A_121)
    %eq3A_122 = arith.constant 0 : i32
    %eq3A_123 = arith.cmpi eq, %arg0, %eq3A_122 : i32
    %convert_element_type3A_124 = arith.extui %eq3A_123 : i1 to i32
    %cond3A_125 = arith.constant 0 : i32
    %cond3A_126 = arith.cmpi ne, %convert_element_type3A_124, %cond3A_125 : i32
    scf.if %cond3A_126 {
      %run_scoped3A = arith.constant 0 : i32
      "tpu.region"() ({
        %run_scoped3A_132 = tpu.sem_alloc : memref<!tpu.dma_semaphore, #tpu.memory_space<semaphore_mem>>
        %dma_start3A_133 = arith.constant 0 : i32
        %dma_start3A_134 = tpu.memref_slice %arg5[%run_scoped3A, %mul3A_2, %dma_start3A_133] : memref<2x10240x64xf32, #tpu.memory_space<hbm>> -> memref<1x640x64xf32, #tpu.memory_space<hbm>>
        %dma_start3A_135 = tpu.memref_squeeze %dma_start3A_134 : memref<1x640x64xf32, #tpu.memory_space<hbm>> -> memref<640x64xf32, #tpu.memory_space<hbm>>
        %dma_start3A_136 = arith.constant 0 : i32
        %dma_start3A_137 = tpu.memref_slice %arg6[%mul3A_2, %dma_start3A_136] : memref<10240x64xf32, #tpu.memory_space<vmem_shared>> -> memref<640x64xf32, #tpu.memory_space<vmem_shared>>
        tpu.enqueue_dma source(%dma_start3A_137 : memref<640x64xf32, #tpu.memory_space<vmem_shared>>) target(%dma_start3A_135 : memref<640x64xf32, #tpu.memory_space<hbm>>) target_semaphore(%run_scoped3A_132 : memref<!tpu.dma_semaphore, #tpu.memory_space<semaphore_mem>>)
        %dma_wait3A_138 = arith.constant 0 : i32
        %dma_wait3A_139 = tpu.memref_slice %arg5[%run_scoped3A, %mul3A_2, %dma_wait3A_138] : memref<2x10240x64xf32, #tpu.memory_space<hbm>> -> memref<1x640x64xf32, #tpu.memory_space<hbm>>
        %dma_wait3A_140 = tpu.memref_squeeze %dma_wait3A_139 : memref<1x640x64xf32, #tpu.memory_space<hbm>> -> memref<640x64xf32, #tpu.memory_space<hbm>>
        %dma_wait3A_141 = arith.constant 0 : i32
        %dma_wait3A_142 = tpu.memref_slice %arg6[%mul3A_2, %dma_wait3A_141] : memref<10240x64xf32, #tpu.memory_space<vmem_shared>> -> memref<640x64xf32, #tpu.memory_space<vmem_shared>>
        tpu.wait_dma2 semaphore(%run_scoped3A_132 : memref<!tpu.dma_semaphore, #tpu.memory_space<semaphore_mem>>) src(%dma_wait3A_142 : memref<640x64xf32, #tpu.memory_space<vmem_shared>>) dst(%dma_wait3A_140 : memref<640x64xf32, #tpu.memory_space<hbm>>)
        tpu.yield
      }) : () -> ()
    } else {
    }
    %eq3A_127 = arith.constant 1 : i32
    %eq3A_128 = arith.cmpi eq, %arg0, %eq3A_127 : i32
    %convert_element_type3A_129 = arith.extui %eq3A_128 : i1 to i32
    %cond3A_130 = arith.constant 0 : i32
    %cond3A_131 = arith.cmpi ne, %convert_element_type3A_129, %cond3A_130 : i32
    scf.if %cond3A_131 {
      %run_scoped3A = arith.constant 1 : i32
      "tpu.region"() ({
        %run_scoped3A_132 = tpu.sem_alloc : memref<!tpu.dma_semaphore, #tpu.memory_space<semaphore_mem>>
        %dma_start3A_133 = arith.constant 0 : i32
        %dma_start3A_134 = tpu.memref_slice %arg5[%run_scoped3A, %mul3A_2, %dma_start3A_133] : memref<2x10240x64xf32, #tpu.memory_space<hbm>> -> memref<1x640x64xf32, #tpu.memory_space<hbm>>
        %dma_start3A_135 = tpu.memref_squeeze %dma_start3A_134 : memref<1x640x64xf32, #tpu.memory_space<hbm>> -> memref<640x64xf32, #tpu.memory_space<hbm>>
        %dma_start3A_136 = arith.constant 0 : i32
        %dma_start3A_137 = tpu.memref_slice %arg6[%mul3A_2, %dma_start3A_136] : memref<10240x64xf32, #tpu.memory_space<vmem_shared>> -> memref<640x64xf32, #tpu.memory_space<vmem_shared>>
        tpu.enqueue_dma source(%dma_start3A_137 : memref<640x64xf32, #tpu.memory_space<vmem_shared>>) target(%dma_start3A_135 : memref<640x64xf32, #tpu.memory_space<hbm>>) target_semaphore(%run_scoped3A_132 : memref<!tpu.dma_semaphore, #tpu.memory_space<semaphore_mem>>)
        %dma_wait3A_138 = arith.constant 0 : i32
        %dma_wait3A_139 = tpu.memref_slice %arg5[%run_scoped3A, %mul3A_2, %dma_wait3A_138] : memref<2x10240x64xf32, #tpu.memory_space<hbm>> -> memref<1x640x64xf32, #tpu.memory_space<hbm>>
        %dma_wait3A_140 = tpu.memref_squeeze %dma_wait3A_139 : memref<1x640x64xf32, #tpu.memory_space<hbm>> -> memref<640x64xf32, #tpu.memory_space<hbm>>
        %dma_wait3A_141 = arith.constant 0 : i32
        %dma_wait3A_142 = tpu.memref_slice %arg6[%mul3A_2, %dma_wait3A_141] : memref<10240x64xf32, #tpu.memory_space<vmem_shared>> -> memref<640x64xf32, #tpu.memory_space<vmem_shared>>
        tpu.wait_dma2 semaphore(%run_scoped3A_132 : memref<!tpu.dma_semaphore, #tpu.memory_space<semaphore_mem>>) src(%dma_wait3A_142 : memref<640x64xf32, #tpu.memory_space<vmem_shared>>) dst(%dma_wait3A_140 : memref<640x64xf32, #tpu.memory_space<hbm>>)
        tpu.yield
      }) : () -> ()
    } else {
    }
    return
  }
}

#map = affine_map<(d0, d1) -> (0, 0)>
#map1 = affine_map<(d0, d1) -> (0, 0, 0)>
module attributes {stable_mosaic.version = 14 : i64} {
  func.func @_agg64(%arg0: i32, %arg1: i32, %arg2: memref<10000x64xf32, #tpu.memory_space<hbm>>, %arg3: memref<32x80x128xi32, #tpu.memory_space<hbm>>, %arg4: memref<32x80x128xi32, #tpu.memory_space<hbm>>, %arg5: memref<2x10240x64xf32, #tpu.memory_space<hbm>>, %arg6: memref<10240x64xf32, #tpu.memory_space<vmem_shared>>, %arg7: memref<10240x64xf32, #tpu.memory_space<vmem_shared>>, %arg8: memref<80x128xi32, #tpu.memory_space<vmem>>, %arg9: memref<80x128xi32, #tpu.memory_space<vmem>>, %arg10: memref<128x64xf32, #tpu.memory_space<vmem>>, %arg11: memref<128x64xf32, #tpu.memory_space<vmem>>, %arg12: memref<128x64xf32, #tpu.memory_space<vmem>>, %arg13: memref<!tpu.dma_semaphore, #tpu.memory_space<semaphore_mem>>, %arg14: memref<!tpu.dma_semaphore, #tpu.memory_space<semaphore_mem>>, %arg15: memref<!tpu.dma_semaphore, #tpu.memory_space<semaphore_mem>>) attributes {dimension_semantics = [#tpu.dimension_semantics<core_parallel>, #tpu.dimension_semantics<subcore_parallel>], iteration_bounds = array<i64: 2, 16>, scalar_prefetch = 0 : i64, scratch_operands = 10 : i64, tpu.core_type = #tpu.core_type<sc_vector_subcore>, window_params = [{transform_indices = #map}, {transform_indices = #map1}, {transform_indices = #map1}, {transform_indices = #map1}]} {
    %mul3A = arith.constant 2 : i32
    %mul3A_0 = arith.muli %arg1, %mul3A : i32
    %add3A = arith.addi %mul3A_0, %arg0 : i32
    %mul3A_1 = arith.constant 640 : i32
    %mul3A_2 = arith.muli %arg1, %mul3A_1 : i32
    %dma_start3A = arith.constant 0 : i32
    %dma_start3A_3 = arith.constant 0 : i32
    %dma_start3A_4 = tpu.memref_slice %arg3[%add3A, %dma_start3A, %dma_start3A_3] : memref<32x80x128xi32, #tpu.memory_space<hbm>> -> memref<1x80x128xi32, #tpu.memory_space<hbm>>
    %dma_start3A_5 = tpu.memref_squeeze %dma_start3A_4 : memref<1x80x128xi32, #tpu.memory_space<hbm>> -> memref<80x128xi32, #tpu.memory_space<hbm>>
    %dma_start3A_6 = arith.constant 0 : i32
    %dma_start3A_7 = arith.constant 0 : i32
    %dma_start3A_8 = tpu.memref_slice %arg3[%add3A, %dma_start3A_6, %dma_start3A_7] : memref<32x80x128xi32, #tpu.memory_space<hbm>> -> memref<1x80x128xi32, #tpu.memory_space<hbm>>
    %dma_start3A_9 = tpu.memref_squeeze %dma_start3A_8 : memref<1x80x128xi32, #tpu.memory_space<hbm>> -> memref<80x128xi32, #tpu.memory_space<hbm>>
    tpu.enqueue_dma source(%dma_start3A_9 : memref<80x128xi32, #tpu.memory_space<hbm>>) target(%arg8 : memref<80x128xi32, #tpu.memory_space<vmem>>) target_semaphore(%arg13 : memref<!tpu.dma_semaphore, #tpu.memory_space<semaphore_mem>>)
    %dma_start3A_10 = arith.constant 0 : i32
    %dma_start3A_11 = arith.constant 0 : i32
    %dma_start3A_12 = tpu.memref_slice %arg4[%add3A, %dma_start3A_10, %dma_start3A_11] : memref<32x80x128xi32, #tpu.memory_space<hbm>> -> memref<1x80x128xi32, #tpu.memory_space<hbm>>
    %dma_start3A_13 = tpu.memref_squeeze %dma_start3A_12 : memref<1x80x128xi32, #tpu.memory_space<hbm>> -> memref<80x128xi32, #tpu.memory_space<hbm>>
    %dma_start3A_14 = arith.constant 0 : i32
    %dma_start3A_15 = arith.constant 0 : i32
    %dma_start3A_16 = tpu.memref_slice %arg4[%add3A, %dma_start3A_14, %dma_start3A_15] : memref<32x80x128xi32, #tpu.memory_space<hbm>> -> memref<1x80x128xi32, #tpu.memory_space<hbm>>
    %dma_start3A_17 = tpu.memref_squeeze %dma_start3A_16 : memref<1x80x128xi32, #tpu.memory_space<hbm>> -> memref<80x128xi32, #tpu.memory_space<hbm>>
    tpu.enqueue_dma source(%dma_start3A_17 : memref<80x128xi32, #tpu.memory_space<hbm>>) target(%arg9 : memref<80x128xi32, #tpu.memory_space<vmem>>) target_semaphore(%arg13 : memref<!tpu.dma_semaphore, #tpu.memory_space<semaphore_mem>>)
    %scan3A = arith.constant 0 : i32
    %scan3A_18 = arith.constant 128 : i32
    %scan3A_19 = arith.addi %scan3A, %scan3A_18 : i32
    %scan3A_20 = arith.constant 1 : i32
    scf.for %scan3A_132 = %scan3A to %scan3A_19 step %scan3A_20  : i32 {
      %mul3A_133 = arith.constant 1 : i32
      %mul3A_134 = arith.muli %scan3A_132, %mul3A_133 : i32
      %add3A_135 = arith.constant 0 : i32
      %add3A_136 = arith.addi %add3A_135, %mul3A_134 : i32
      %broadcast_in_dim3A = arith.constant 0.000000e+00 : f32
      %broadcast_in_dim3A_137 = vector.broadcast %broadcast_in_dim3A : f32 to vector<16xf32>
      %swap3A = arith.index_cast %add3A_136 : i32 to index
      %swap3A_138 = arith.constant 0 : index
      %swap3A_139 = tpu.vector_load %arg10[%swap3A, %swap3A_138] {strides = array<i32>} : memref<128x64xf32, #tpu.memory_space<vmem>>, vector<1x16xf32>,
      %swap3A_140 = vector.shape_cast %swap3A_139 : vector<1x16xf32> to vector<16xf32>
      %swap3A_141 = vector.shape_cast %broadcast_in_dim3A_137 : vector<16xf32> to vector<1x16xf32>
      tpu.vector_store %arg10[%swap3A, %swap3A_138], %swap3A_141 {strides = array<i32>} : memref<128x64xf32, #tpu.memory_space<vmem>>, vector<1x16xf32>,
      %broadcast_in_dim3A_142 = arith.constant 0.000000e+00 : f32
      %broadcast_in_dim3A_143 = vector.broadcast %broadcast_in_dim3A_142 : f32 to vector<16xf32>
      %swap3A_144 = arith.index_cast %add3A_136 : i32 to index
      %swap3A_145 = arith.constant 16 : index
      %swap3A_146 = tpu.vector_load %arg10[%swap3A_144, %swap3A_145] {strides = array<i32>} : memref<128x64xf32, #tpu.memory_space<vmem>>, vector<1x16xf32>,
      %swap3A_147 = vector.shape_cast %swap3A_146 : vector<1x16xf32> to vector<16xf32>
      %swap3A_148 = vector.shape_cast %broadcast_in_dim3A_143 : vector<16xf32> to vector<1x16xf32>
      tpu.vector_store %arg10[%swap3A_144, %swap3A_145], %swap3A_148 {strides = array<i32>} : memref<128x64xf32, #tpu.memory_space<vmem>>, vector<1x16xf32>,
      %broadcast_in_dim3A_149 = arith.constant 0.000000e+00 : f32
      %broadcast_in_dim3A_150 = vector.broadcast %broadcast_in_dim3A_149 : f32 to vector<16xf32>
      %swap3A_151 = arith.index_cast %add3A_136 : i32 to index
      %swap3A_152 = arith.constant 32 : index
      %swap3A_153 = tpu.vector_load %arg10[%swap3A_151, %swap3A_152] {strides = array<i32>} : memref<128x64xf32, #tpu.memory_space<vmem>>, vector<1x16xf32>,
      %swap3A_154 = vector.shape_cast %swap3A_153 : vector<1x16xf32> to vector<16xf32>
      %swap3A_155 = vector.shape_cast %broadcast_in_dim3A_150 : vector<16xf32> to vector<1x16xf32>
      tpu.vector_store %arg10[%swap3A_151, %swap3A_152], %swap3A_155 {strides = array<i32>} : memref<128x64xf32, #tpu.memory_space<vmem>>, vector<1x16xf32>,
      %broadcast_in_dim3A_156 = arith.constant 0.000000e+00 : f32
      %broadcast_in_dim3A_157 = vector.broadcast %broadcast_in_dim3A_156 : f32 to vector<16xf32>
      %swap3A_158 = arith.index_cast %add3A_136 : i32 to index
      %swap3A_159 = arith.constant 48 : index
      %swap3A_160 = tpu.vector_load %arg10[%swap3A_158, %swap3A_159] {strides = array<i32>} : memref<128x64xf32, #tpu.memory_space<vmem>>, vector<1x16xf32>,
      %swap3A_161 = vector.shape_cast %swap3A_160 : vector<1x16xf32> to vector<16xf32>
      %swap3A_162 = vector.shape_cast %broadcast_in_dim3A_157 : vector<16xf32> to vector<1x16xf32>
      tpu.vector_store %arg10[%swap3A_158, %swap3A_159], %swap3A_162 {strides = array<i32>} : memref<128x64xf32, #tpu.memory_space<vmem>>, vector<1x16xf32>,
    }
    %scan3A_21 = arith.constant 128 : i32
    %add3A_22 = arith.constant 0 : i32
    %add3A_23 = arith.addi %mul3A_2, %add3A_22 : i32
    "tpu.region"() ({
      %run_scoped3A = tpu.sem_alloc : memref<!tpu.dma_semaphore, #tpu.memory_space<semaphore_mem>>
      %dma_start3A_132 = arith.constant 0 : i32
      %dma_start3A_133 = tpu.memref_slice %arg6[%add3A_23, %dma_start3A_132] : memref<10240x64xf32, #tpu.memory_space<vmem_shared>> -> memref<128x64xf32, #tpu.memory_space<vmem_shared>>
      %dma_start3A_134 = arith.constant 0 : i32
      %dma_start3A_135 = tpu.memref_slice %arg6[%add3A_23, %dma_start3A_134] : memref<10240x64xf32, #tpu.memory_space<vmem_shared>> -> memref<128x64xf32, #tpu.memory_space<vmem_shared>>
      tpu.enqueue_dma source(%arg10 : memref<128x64xf32, #tpu.memory_space<vmem>>) target(%dma_start3A_135 : memref<128x64xf32, #tpu.memory_space<vmem_shared>>) target_semaphore(%run_scoped3A : memref<!tpu.dma_semaphore, #tpu.memory_space<semaphore_mem>>)
      %dma_wait3A_136 = arith.constant 0 : i32
      %dma_wait3A_137 = tpu.memref_slice %arg6[%add3A_23, %dma_wait3A_136] : memref<10240x64xf32, #tpu.memory_space<vmem_shared>> -> memref<128x64xf32, #tpu.memory_space<vmem_shared>>
      %dma_wait3A_138 = arith.constant 0 : i32
      %dma_wait3A_139 = tpu.memref_slice %arg6[%add3A_23, %dma_wait3A_138] : memref<10240x64xf32, #tpu.memory_space<vmem_shared>> -> memref<128x64xf32, #tpu.memory_space<vmem_shared>>
      tpu.wait_dma2 semaphore(%run_scoped3A : memref<!tpu.dma_semaphore, #tpu.memory_space<semaphore_mem>>) src(%arg10 : memref<128x64xf32, #tpu.memory_space<vmem>>) dst(%dma_wait3A_139 : memref<128x64xf32, #tpu.memory_space<vmem_shared>>)
      tpu.yield
    }) : () -> ()
    %add3A_24 = arith.constant 128 : i32
    %add3A_25 = arith.addi %mul3A_2, %add3A_24 : i32
    "tpu.region"() ({
      %run_scoped3A = tpu.sem_alloc : memref<!tpu.dma_semaphore, #tpu.memory_space<semaphore_mem>>
      %dma_start3A_132 = arith.constant 0 : i32
      %dma_start3A_133 = tpu.memref_slice %arg6[%add3A_25, %dma_start3A_132] : memref<10240x64xf32, #tpu.memory_space<vmem_shared>> -> memref<128x64xf32, #tpu.memory_space<vmem_shared>>
      %dma_start3A_134 = arith.constant 0 : i32
      %dma_start3A_135 = tpu.memref_slice %arg6[%add3A_25, %dma_start3A_134] : memref<10240x64xf32, #tpu.memory_space<vmem_shared>> -> memref<128x64xf32, #tpu.memory_space<vmem_shared>>
      tpu.enqueue_dma source(%arg10 : memref<128x64xf32, #tpu.memory_space<vmem>>) target(%dma_start3A_135 : memref<128x64xf32, #tpu.memory_space<vmem_shared>>) target_semaphore(%run_scoped3A : memref<!tpu.dma_semaphore, #tpu.memory_space<semaphore_mem>>)
      %dma_wait3A_136 = arith.constant 0 : i32
      %dma_wait3A_137 = tpu.memref_slice %arg6[%add3A_25, %dma_wait3A_136] : memref<10240x64xf32, #tpu.memory_space<vmem_shared>> -> memref<128x64xf32, #tpu.memory_space<vmem_shared>>
      %dma_wait3A_138 = arith.constant 0 : i32
      %dma_wait3A_139 = tpu.memref_slice %arg6[%add3A_25, %dma_wait3A_138] : memref<10240x64xf32, #tpu.memory_space<vmem_shared>> -> memref<128x64xf32, #tpu.memory_space<vmem_shared>>
      tpu.wait_dma2 semaphore(%run_scoped3A : memref<!tpu.dma_semaphore, #tpu.memory_space<semaphore_mem>>) src(%arg10 : memref<128x64xf32, #tpu.memory_space<vmem>>) dst(%dma_wait3A_139 : memref<128x64xf32, #tpu.memory_space<vmem_shared>>)
      tpu.yield
    }) : () -> ()
    %add3A_26 = arith.constant 256 : i32
    %add3A_27 = arith.addi %mul3A_2, %add3A_26 : i32
    "tpu.region"() ({
      %run_scoped3A = tpu.sem_alloc : memref<!tpu.dma_semaphore, #tpu.memory_space<semaphore_mem>>
      %dma_start3A_132 = arith.constant 0 : i32
      %dma_start3A_133 = tpu.memref_slice %arg6[%add3A_27, %dma_start3A_132] : memref<10240x64xf32, #tpu.memory_space<vmem_shared>> -> memref<128x64xf32, #tpu.memory_space<vmem_shared>>
      %dma_start3A_134 = arith.constant 0 : i32
      %dma_start3A_135 = tpu.memref_slice %arg6[%add3A_27, %dma_start3A_134] : memref<10240x64xf32, #tpu.memory_space<vmem_shared>> -> memref<128x64xf32, #tpu.memory_space<vmem_shared>>
      tpu.enqueue_dma source(%arg10 : memref<128x64xf32, #tpu.memory_space<vmem>>) target(%dma_start3A_135 : memref<128x64xf32, #tpu.memory_space<vmem_shared>>) target_semaphore(%run_scoped3A : memref<!tpu.dma_semaphore, #tpu.memory_space<semaphore_mem>>)
      %dma_wait3A_136 = arith.constant 0 : i32
      %dma_wait3A_137 = tpu.memref_slice %arg6[%add3A_27, %dma_wait3A_136] : memref<10240x64xf32, #tpu.memory_space<vmem_shared>> -> memref<128x64xf32, #tpu.memory_space<vmem_shared>>
      %dma_wait3A_138 = arith.constant 0 : i32
      %dma_wait3A_139 = tpu.memref_slice %arg6[%add3A_27, %dma_wait3A_138] : memref<10240x64xf32, #tpu.memory_space<vmem_shared>> -> memref<128x64xf32, #tpu.memory_space<vmem_shared>>
      tpu.wait_dma2 semaphore(%run_scoped3A : memref<!tpu.dma_semaphore, #tpu.memory_space<semaphore_mem>>) src(%arg10 : memref<128x64xf32, #tpu.memory_space<vmem>>) dst(%dma_wait3A_139 : memref<128x64xf32, #tpu.memory_space<vmem_shared>>)
      tpu.yield
    }) : () -> ()
    %add3A_28 = arith.constant 384 : i32
    %add3A_29 = arith.addi %mul3A_2, %add3A_28 : i32
    "tpu.region"() ({
      %run_scoped3A = tpu.sem_alloc : memref<!tpu.dma_semaphore, #tpu.memory_space<semaphore_mem>>
      %dma_start3A_132 = arith.constant 0 : i32
      %dma_start3A_133 = tpu.memref_slice %arg6[%add3A_29, %dma_start3A_132] : memref<10240x64xf32, #tpu.memory_space<vmem_shared>> -> memref<128x64xf32, #tpu.memory_space<vmem_shared>>
      %dma_start3A_134 = arith.constant 0 : i32
      %dma_start3A_135 = tpu.memref_slice %arg6[%add3A_29, %dma_start3A_134] : memref<10240x64xf32, #tpu.memory_space<vmem_shared>> -> memref<128x64xf32, #tpu.memory_space<vmem_shared>>
      tpu.enqueue_dma source(%arg10 : memref<128x64xf32, #tpu.memory_space<vmem>>) target(%dma_start3A_135 : memref<128x64xf32, #tpu.memory_space<vmem_shared>>) target_semaphore(%run_scoped3A : memref<!tpu.dma_semaphore, #tpu.memory_space<semaphore_mem>>)
      %dma_wait3A_136 = arith.constant 0 : i32
      %dma_wait3A_137 = tpu.memref_slice %arg6[%add3A_29, %dma_wait3A_136] : memref<10240x64xf32, #tpu.memory_space<vmem_shared>> -> memref<128x64xf32, #tpu.memory_space<vmem_shared>>
      %dma_wait3A_138 = arith.constant 0 : i32
      %dma_wait3A_139 = tpu.memref_slice %arg6[%add3A_29, %dma_wait3A_138] : memref<10240x64xf32, #tpu.memory_space<vmem_shared>> -> memref<128x64xf32, #tpu.memory_space<vmem_shared>>
      tpu.wait_dma2 semaphore(%run_scoped3A : memref<!tpu.dma_semaphore, #tpu.memory_space<semaphore_mem>>) src(%arg10 : memref<128x64xf32, #tpu.memory_space<vmem>>) dst(%dma_wait3A_139 : memref<128x64xf32, #tpu.memory_space<vmem_shared>>)
      tpu.yield
    }) : () -> ()
    %add3A_30 = arith.constant 512 : i32
    %add3A_31 = arith.addi %mul3A_2, %add3A_30 : i32
    "tpu.region"() ({
      %run_scoped3A = tpu.sem_alloc : memref<!tpu.dma_semaphore, #tpu.memory_space<semaphore_mem>>
      %dma_start3A_132 = arith.constant 0 : i32
      %dma_start3A_133 = tpu.memref_slice %arg6[%add3A_31, %dma_start3A_132] : memref<10240x64xf32, #tpu.memory_space<vmem_shared>> -> memref<128x64xf32, #tpu.memory_space<vmem_shared>>
      %dma_start3A_134 = arith.constant 0 : i32
      %dma_start3A_135 = tpu.memref_slice %arg6[%add3A_31, %dma_start3A_134] : memref<10240x64xf32, #tpu.memory_space<vmem_shared>> -> memref<128x64xf32, #tpu.memory_space<vmem_shared>>
      tpu.enqueue_dma source(%arg10 : memref<128x64xf32, #tpu.memory_space<vmem>>) target(%dma_start3A_135 : memref<128x64xf32, #tpu.memory_space<vmem_shared>>) target_semaphore(%run_scoped3A : memref<!tpu.dma_semaphore, #tpu.memory_space<semaphore_mem>>)
      %dma_wait3A_136 = arith.constant 0 : i32
      %dma_wait3A_137 = tpu.memref_slice %arg6[%add3A_31, %dma_wait3A_136] : memref<10240x64xf32, #tpu.memory_space<vmem_shared>> -> memref<128x64xf32, #tpu.memory_space<vmem_shared>>
      %dma_wait3A_138 = arith.constant 0 : i32
      %dma_wait3A_139 = tpu.memref_slice %arg6[%add3A_31, %dma_wait3A_138] : memref<10240x64xf32, #tpu.memory_space<vmem_shared>> -> memref<128x64xf32, #tpu.memory_space<vmem_shared>>
      tpu.wait_dma2 semaphore(%run_scoped3A : memref<!tpu.dma_semaphore, #tpu.memory_space<semaphore_mem>>) src(%arg10 : memref<128x64xf32, #tpu.memory_space<vmem>>) dst(%dma_wait3A_139 : memref<128x64xf32, #tpu.memory_space<vmem_shared>>)
      tpu.yield
    }) : () -> ()
    %lt3A = arith.constant 15 : i32
    %lt3A_32 = arith.cmpi slt, %arg1, %lt3A : i32
    %convert_element_type3A = arith.extui %lt3A_32 : i1 to i32
    %cond3A = arith.constant 0 : i32
    %cond3A_33 = arith.cmpi ne, %convert_element_type3A, %cond3A : i32
    scf.if %cond3A_33 {
      "tpu.region"() ({
        %run_scoped3A = tpu.sem_alloc : memref<!tpu.dma_semaphore, #tpu.memory_space<semaphore_mem>>
        %dma_start3A_132 = arith.constant 0 : i32
        %dma_start3A_133 = tpu.memref_slice %arg7[%mul3A_2, %dma_start3A_132] : memref<10240x64xf32, #tpu.memory_space<vmem_shared>> -> memref<640x64xf32, #tpu.memory_space<vmem_shared>>
        %dma_start3A_134 = arith.constant 0 : i32
        %dma_start3A_135 = tpu.memref_slice %arg2[%mul3A_2, %dma_start3A_134] : memref<10000x64xf32, #tpu.memory_space<hbm>> -> memref<640x64xf32, #tpu.memory_space<hbm>>
        tpu.enqueue_dma source(%dma_start3A_135 : memref<640x64xf32, #tpu.memory_space<hbm>>) target(%dma_start3A_133 : memref<640x64xf32, #tpu.memory_space<vmem_shared>>) target_semaphore(%run_scoped3A : memref<!tpu.dma_semaphore, #tpu.memory_space<semaphore_mem>>)
        %dma_wait3A_136 = arith.constant 0 : i32
        %dma_wait3A_137 = tpu.memref_slice %arg7[%mul3A_2, %dma_wait3A_136] : memref<10240x64xf32, #tpu.memory_space<vmem_shared>> -> memref<640x64xf32, #tpu.memory_space<vmem_shared>>
        %dma_wait3A_138 = arith.constant 0 : i32
        %dma_wait3A_139 = tpu.memref_slice %arg2[%mul3A_2, %dma_wait3A_138] : memref<10000x64xf32, #tpu.memory_space<hbm>> -> memref<640x64xf32, #tpu.memory_space<hbm>>
        tpu.wait_dma2 semaphore(%run_scoped3A : memref<!tpu.dma_semaphore, #tpu.memory_space<semaphore_mem>>) src(%dma_wait3A_139 : memref<640x64xf32, #tpu.memory_space<hbm>>) dst(%dma_wait3A_137 : memref<640x64xf32, #tpu.memory_space<vmem_shared>>)
        tpu.yield
      }) : () -> ()
    } else {
    }
    %eq3A = arith.constant 15 : i32
    %eq3A_34 = arith.cmpi eq, %arg1, %eq3A : i32
    %convert_element_type3A_35 = arith.extui %eq3A_34 : i1 to i32
    %cond3A_36 = arith.constant 0 : i32
    %cond3A_37 = arith.cmpi ne, %convert_element_type3A_35, %cond3A_36 : i32
    scf.if %cond3A_37 {
      "tpu.region"() ({
        %run_scoped3A = tpu.sem_alloc : memref<!tpu.dma_semaphore, #tpu.memory_space<semaphore_mem>>
        %dma_start3A_132 = arith.constant 9600 : i32
        %dma_start3A_133 = arith.constant 0 : i32
        %dma_start3A_134 = tpu.memref_slice %arg7[%dma_start3A_132, %dma_start3A_133] : memref<10240x64xf32, #tpu.memory_space<vmem_shared>> -> memref<400x64xf32, #tpu.memory_space<vmem_shared>>
        %dma_start3A_135 = arith.constant 9600 : i32
        %dma_start3A_136 = arith.constant 0 : i32
        %dma_start3A_137 = tpu.memref_slice %arg2[%dma_start3A_135, %dma_start3A_136] : memref<10000x64xf32, #tpu.memory_space<hbm>> -> memref<400x64xf32, #tpu.memory_space<hbm>>
        tpu.enqueue_dma source(%dma_start3A_137 : memref<400x64xf32, #tpu.memory_space<hbm>>) target(%dma_start3A_134 : memref<400x64xf32, #tpu.memory_space<vmem_shared>>) target_semaphore(%run_scoped3A : memref<!tpu.dma_semaphore, #tpu.memory_space<semaphore_mem>>)
        %dma_wait3A_138 = arith.constant 9600 : i32
        %dma_wait3A_139 = arith.constant 0 : i32
        %dma_wait3A_140 = tpu.memref_slice %arg7[%dma_wait3A_138, %dma_wait3A_139] : memref<10240x64xf32, #tpu.memory_space<vmem_shared>> -> memref<400x64xf32, #tpu.memory_space<vmem_shared>>
        %dma_wait3A_141 = arith.constant 9600 : i32
        %dma_wait3A_142 = arith.constant 0 : i32
        %dma_wait3A_143 = tpu.memref_slice %arg2[%dma_wait3A_141, %dma_wait3A_142] : memref<10000x64xf32, #tpu.memory_space<hbm>> -> memref<400x64xf32, #tpu.memory_space<hbm>>
        tpu.wait_dma2 semaphore(%run_scoped3A : memref<!tpu.dma_semaphore, #tpu.memory_space<semaphore_mem>>) src(%dma_wait3A_143 : memref<400x64xf32, #tpu.memory_space<hbm>>) dst(%dma_wait3A_140 : memref<400x64xf32, #tpu.memory_space<vmem_shared>>)
        tpu.yield
      }) : () -> ()
    } else {
    }
    %dma_wait3A = arith.constant 0 : i32
    %dma_wait3A_38 = arith.constant 0 : i32
    %dma_wait3A_39 = tpu.memref_slice %arg3[%add3A, %dma_wait3A, %dma_wait3A_38] : memref<32x80x128xi32, #tpu.memory_space<hbm>> -> memref<1x80x128xi32, #tpu.memory_space<hbm>>
    %dma_wait3A_40 = tpu.memref_squeeze %dma_wait3A_39 : memref<1x80x128xi32, #tpu.memory_space<hbm>> -> memref<80x128xi32, #tpu.memory_space<hbm>>
    %dma_wait3A_41 = arith.constant 0 : i32
    %dma_wait3A_42 = arith.constant 0 : i32
    %dma_wait3A_43 = tpu.memref_slice %arg3[%add3A, %dma_wait3A_41, %dma_wait3A_42] : memref<32x80x128xi32, #tpu.memory_space<hbm>> -> memref<1x80x128xi32, #tpu.memory_space<hbm>>
    %dma_wait3A_44 = tpu.memref_squeeze %dma_wait3A_43 : memref<1x80x128xi32, #tpu.memory_space<hbm>> -> memref<80x128xi32, #tpu.memory_space<hbm>>
    tpu.wait_dma2 semaphore(%arg13 : memref<!tpu.dma_semaphore, #tpu.memory_space<semaphore_mem>>) src(%dma_wait3A_44 : memref<80x128xi32, #tpu.memory_space<hbm>>) dst(%arg8 : memref<80x128xi32, #tpu.memory_space<vmem>>)
    %dma_wait3A_45 = arith.constant 0 : i32
    %dma_wait3A_46 = arith.constant 0 : i32
    %dma_wait3A_47 = tpu.memref_slice %arg4[%add3A, %dma_wait3A_45, %dma_wait3A_46] : memref<32x80x128xi32, #tpu.memory_space<hbm>> -> memref<1x80x128xi32, #tpu.memory_space<hbm>>
    %dma_wait3A_48 = tpu.memref_squeeze %dma_wait3A_47 : memref<1x80x128xi32, #tpu.memory_space<hbm>> -> memref<80x128xi32, #tpu.memory_space<hbm>>
    %dma_wait3A_49 = arith.constant 0 : i32
    %dma_wait3A_50 = arith.constant 0 : i32
    %dma_wait3A_51 = tpu.memref_slice %arg4[%add3A, %dma_wait3A_49, %dma_wait3A_50] : memref<32x80x128xi32, #tpu.memory_space<hbm>> -> memref<1x80x128xi32, #tpu.memory_space<hbm>>
    %dma_wait3A_52 = tpu.memref_squeeze %dma_wait3A_51 : memref<1x80x128xi32, #tpu.memory_space<hbm>> -> memref<80x128xi32, #tpu.memory_space<hbm>>
    tpu.wait_dma2 semaphore(%arg13 : memref<!tpu.dma_semaphore, #tpu.memory_space<semaphore_mem>>) src(%dma_wait3A_52 : memref<80x128xi32, #tpu.memory_space<hbm>>) dst(%arg9 : memref<80x128xi32, #tpu.memory_space<vmem>>)
    %barrier3A = arith.constant 0 : index
    tpu.barrier barrier_id(%barrier3A)
    %dma_start3A_53 = arith.constant 0 : i32
    %dma_start3A_54 = arith.constant 0 : i32
    %dma_start3A_55 = tpu.memref_slice %arg8[%dma_start3A_53, %dma_start3A_54] : memref<80x128xi32, #tpu.memory_space<vmem>> -> memref<1x128xi32, #tpu.memory_space<vmem>>
    %dma_start3A_56 = tpu.memref_squeeze %dma_start3A_55 : memref<1x128xi32, #tpu.memory_space<vmem>> -> memref<128xi32, #tpu.memory_space<vmem>>
    %dma_start3A_57 = arith.constant 0 : i32
    %dma_start3A_58 = arith.constant 0 : i32
    %dma_start3A_59 = tpu.memref_slice %arg7[%dma_start3A_57, %dma_start3A_58] : memref<10240x64xf32, #tpu.memory_space<vmem_shared>> -> memref<10240x64xf32, #tpu.memory_space<vmem_shared>>
    tpu.enqueue_indirect_dma source(%dma_start3A_59 : memref<10240x64xf32, #tpu.memory_space<vmem_shared>>) target(%arg10 : memref<128x64xf32, #tpu.memory_space<vmem>>) offsets(%dma_start3A_56 : memref<128xi32, #tpu.memory_space<vmem>>) semaphore(%arg14 : memref<!tpu.dma_semaphore, #tpu.memory_space<semaphore_mem>>)
    %dma_start3A_60 = arith.constant 1 : i32
    %dma_start3A_61 = arith.constant 0 : i32
    %dma_start3A_62 = tpu.memref_slice %arg8[%dma_start3A_60, %dma_start3A_61] : memref<80x128xi32, #tpu.memory_space<vmem>> -> memref<1x128xi32, #tpu.memory_space<vmem>>
    %dma_start3A_63 = tpu.memref_squeeze %dma_start3A_62 : memref<1x128xi32, #tpu.memory_space<vmem>> -> memref<128xi32, #tpu.memory_space<vmem>>
    %dma_start3A_64 = arith.constant 0 : i32
    %dma_start3A_65 = arith.constant 0 : i32
    %dma_start3A_66 = tpu.memref_slice %arg7[%dma_start3A_64, %dma_start3A_65] : memref<10240x64xf32, #tpu.memory_space<vmem_shared>> -> memref<10240x64xf32, #tpu.memory_space<vmem_shared>>
    tpu.enqueue_indirect_dma source(%dma_start3A_66 : memref<10240x64xf32, #tpu.memory_space<vmem_shared>>) target(%arg11 : memref<128x64xf32, #tpu.memory_space<vmem>>) offsets(%dma_start3A_63 : memref<128xi32, #tpu.memory_space<vmem>>) semaphore(%arg14 : memref<!tpu.dma_semaphore, #tpu.memory_space<semaphore_mem>>)
    %scan3A_67 = arith.constant 0 : i32
    %scan3A_68 = arith.constant 26 : i32
    %scan3A_69 = arith.addi %scan3A_67, %scan3A_68 : i32
    %scan3A_70 = arith.constant 1 : i32
    scf.for %scan3A_132 = %scan3A_67 to %scan3A_69 step %scan3A_70  : i32 {
      %mul3A_133 = arith.constant 3 : i32
      %mul3A_134 = arith.muli %scan3A_132, %mul3A_133 : i32
      %add3A_135 = arith.constant 0 : i32
      %add3A_136 = arith.addi %add3A_135, %mul3A_134 : i32
      %add3A_137 = arith.constant 0 : i32
      %add3A_138 = arith.addi %add3A_136, %add3A_137 : i32
      %dma_wait3A_139 = arith.constant 0 : i32
      %dma_wait3A_140 = tpu.memref_slice %arg8[%add3A_138, %dma_wait3A_139] : memref<80x128xi32, #tpu.memory_space<vmem>> -> memref<1x128xi32, #tpu.memory_space<vmem>>
      %dma_wait3A_141 = tpu.memref_squeeze %dma_wait3A_140 : memref<1x128xi32, #tpu.memory_space<vmem>> -> memref<128xi32, #tpu.memory_space<vmem>>
      %dma_wait3A_142 = arith.constant 0 : i32
      %dma_wait3A_143 = arith.constant 0 : i32
      %dma_wait3A_144 = tpu.memref_slice %arg7[%dma_wait3A_142, %dma_wait3A_143] : memref<10240x64xf32, #tpu.memory_space<vmem_shared>> -> memref<10240x64xf32, #tpu.memory_space<vmem_shared>>
      tpu.wait_indirect_dma semaphore(%arg14 : memref<!tpu.dma_semaphore, #tpu.memory_space<semaphore_mem>>) src(%dma_wait3A_144 : memref<10240x64xf32, #tpu.memory_space<vmem_shared>>) dst(%arg10 : memref<128x64xf32, #tpu.memory_space<vmem>>)
      %dma_start3A_145 = arith.constant 0 : i32
      %dma_start3A_146 = tpu.memref_slice %arg9[%add3A_138, %dma_start3A_145] : memref<80x128xi32, #tpu.memory_space<vmem>> -> memref<1x128xi32, #tpu.memory_space<vmem>>
      %dma_start3A_147 = tpu.memref_squeeze %dma_start3A_146 : memref<1x128xi32, #tpu.memory_space<vmem>> -> memref<128xi32, #tpu.memory_space<vmem>>
      %dma_start3A_148 = arith.constant 0 : i32
      %dma_start3A_149 = arith.constant 0 : i32
      %dma_start3A_150 = tpu.memref_slice %arg6[%dma_start3A_148, %dma_start3A_149] : memref<10240x64xf32, #tpu.memory_space<vmem_shared>> -> memref<10240x64xf32, #tpu.memory_space<vmem_shared>>
      tpu.enqueue_indirect_dma source(%arg10 : memref<128x64xf32, #tpu.memory_space<vmem>>) target(%dma_start3A_150 : memref<10240x64xf32, #tpu.memory_space<vmem_shared>>) offsets(%dma_start3A_147 : memref<128xi32, #tpu.memory_space<vmem>>) semaphore(%arg15 : memref<!tpu.dma_semaphore, #tpu.memory_space<semaphore_mem>>) {add = true}
      %ge3A = arith.constant 1 : i32
      %ge3A_151 = arith.cmpi sge, %add3A_138, %ge3A : i32
      %convert_element_type3A_152 = arith.extui %ge3A_151 : i1 to i32
      %cond3A_153 = arith.constant 0 : i32
      %cond3A_154 = arith.cmpi ne, %convert_element_type3A_152, %cond3A_153 : i32
      scf.if %cond3A_154 {
        %sub3A = arith.constant 1 : i32
        %sub3A_214 = arith.subi %add3A_138, %sub3A : i32
        %dma_wait3A_215 = arith.constant 0 : i32
        %dma_wait3A_216 = tpu.memref_slice %arg9[%sub3A_214, %dma_wait3A_215] : memref<80x128xi32, #tpu.memory_space<vmem>> -> memref<1x128xi32, #tpu.memory_space<vmem>>
        %dma_wait3A_217 = tpu.memref_squeeze %dma_wait3A_216 : memref<1x128xi32, #tpu.memory_space<vmem>> -> memref<128xi32, #tpu.memory_space<vmem>>
        %dma_wait3A_218 = arith.constant 0 : i32
        %dma_wait3A_219 = arith.constant 0 : i32
        %dma_wait3A_220 = tpu.memref_slice %arg6[%dma_wait3A_218, %dma_wait3A_219] : memref<10240x64xf32, #tpu.memory_space<vmem_shared>> -> memref<10240x64xf32, #tpu.memory_space<vmem_shared>>
        tpu.wait_indirect_dma semaphore(%arg15 : memref<!tpu.dma_semaphore, #tpu.memory_space<semaphore_mem>>) src(%arg12 : memref<128x64xf32, #tpu.memory_space<vmem>>) dst(%dma_wait3A_220 : memref<10240x64xf32, #tpu.memory_space<vmem_shared>>)
      } else {
      }
      %add3A_155 = arith.constant 2 : i32
      %add3A_156 = arith.addi %add3A_138, %add3A_155 : i32
      %lt3A_157 = arith.constant 80 : i32
      %lt3A_158 = arith.cmpi slt, %add3A_156, %lt3A_157 : i32
      %convert_element_type3A_159 = arith.extui %lt3A_158 : i1 to i32
      %cond3A_160 = arith.constant 0 : i32
      %cond3A_161 = arith.cmpi ne, %convert_element_type3A_159, %cond3A_160 : i32
      scf.if %cond3A_161 {
        %add3A_214 = arith.constant 2 : i32
        %add3A_215 = arith.addi %add3A_138, %add3A_214 : i32
        %dma_start3A_216 = arith.constant 0 : i32
        %dma_start3A_217 = tpu.memref_slice %arg8[%add3A_215, %dma_start3A_216] : memref<80x128xi32, #tpu.memory_space<vmem>> -> memref<1x128xi32, #tpu.memory_space<vmem>>
        %dma_start3A_218 = tpu.memref_squeeze %dma_start3A_217 : memref<1x128xi32, #tpu.memory_space<vmem>> -> memref<128xi32, #tpu.memory_space<vmem>>
        %dma_start3A_219 = arith.constant 0 : i32
        %dma_start3A_220 = arith.constant 0 : i32
        %dma_start3A_221 = tpu.memref_slice %arg7[%dma_start3A_219, %dma_start3A_220] : memref<10240x64xf32, #tpu.memory_space<vmem_shared>> -> memref<10240x64xf32, #tpu.memory_space<vmem_shared>>
        tpu.enqueue_indirect_dma source(%dma_start3A_221 : memref<10240x64xf32, #tpu.memory_space<vmem_shared>>) target(%arg12 : memref<128x64xf32, #tpu.memory_space<vmem>>) offsets(%dma_start3A_218 : memref<128xi32, #tpu.memory_space<vmem>>) semaphore(%arg14 : memref<!tpu.dma_semaphore, #tpu.memory_space<semaphore_mem>>)
      } else {
      }
      %add3A_162 = arith.constant 1 : i32
      %add3A_163 = arith.addi %add3A_136, %add3A_162 : i32
      %dma_wait3A_164 = arith.constant 0 : i32
      %dma_wait3A_165 = tpu.memref_slice %arg8[%add3A_163, %dma_wait3A_164] : memref<80x128xi32, #tpu.memory_space<vmem>> -> memref<1x128xi32, #tpu.memory_space<vmem>>
      %dma_wait3A_166 = tpu.memref_squeeze %dma_wait3A_165 : memref<1x128xi32, #tpu.memory_space<vmem>> -> memref<128xi32, #tpu.memory_space<vmem>>
      %dma_wait3A_167 = arith.constant 0 : i32
      %dma_wait3A_168 = arith.constant 0 : i32
      %dma_wait3A_169 = tpu.memref_slice %arg7[%dma_wait3A_167, %dma_wait3A_168] : memref<10240x64xf32, #tpu.memory_space<vmem_shared>> -> memref<10240x64xf32, #tpu.memory_space<vmem_shared>>
      tpu.wait_indirect_dma semaphore(%arg14 : memref<!tpu.dma_semaphore, #tpu.memory_space<semaphore_mem>>) src(%dma_wait3A_169 : memref<10240x64xf32, #tpu.memory_space<vmem_shared>>) dst(%arg11 : memref<128x64xf32, #tpu.memory_space<vmem>>)
      %dma_start3A_170 = arith.constant 0 : i32
      %dma_start3A_171 = tpu.memref_slice %arg9[%add3A_163, %dma_start3A_170] : memref<80x128xi32, #tpu.memory_space<vmem>> -> memref<1x128xi32, #tpu.memory_space<vmem>>
      %dma_start3A_172 = tpu.memref_squeeze %dma_start3A_171 : memref<1x128xi32, #tpu.memory_space<vmem>> -> memref<128xi32, #tpu.memory_space<vmem>>
      %dma_start3A_173 = arith.constant 0 : i32
      %dma_start3A_174 = arith.constant 0 : i32
      %dma_start3A_175 = tpu.memref_slice %arg6[%dma_start3A_173, %dma_start3A_174] : memref<10240x64xf32, #tpu.memory_space<vmem_shared>> -> memref<10240x64xf32, #tpu.memory_space<vmem_shared>>
      tpu.enqueue_indirect_dma source(%arg11 : memref<128x64xf32, #tpu.memory_space<vmem>>) target(%dma_start3A_175 : memref<10240x64xf32, #tpu.memory_space<vmem_shared>>) offsets(%dma_start3A_172 : memref<128xi32, #tpu.memory_space<vmem>>) semaphore(%arg15 : memref<!tpu.dma_semaphore, #tpu.memory_space<semaphore_mem>>) {add = true}
      %ge3A_176 = arith.constant 1 : i32
      %ge3A_177 = arith.cmpi sge, %add3A_163, %ge3A_176 : i32
      %convert_element_type3A_178 = arith.extui %ge3A_177 : i1 to i32
      %cond3A_179 = arith.constant 0 : i32
      %cond3A_180 = arith.cmpi ne, %convert_element_type3A_178, %cond3A_179 : i32
      scf.if %cond3A_180 {
        %sub3A = arith.constant 1 : i32
        %sub3A_214 = arith.subi %add3A_163, %sub3A : i32
        %dma_wait3A_215 = arith.constant 0 : i32
        %dma_wait3A_216 = tpu.memref_slice %arg9[%sub3A_214, %dma_wait3A_215] : memref<80x128xi32, #tpu.memory_space<vmem>> -> memref<1x128xi32, #tpu.memory_space<vmem>>
        %dma_wait3A_217 = tpu.memref_squeeze %dma_wait3A_216 : memref<1x128xi32, #tpu.memory_space<vmem>> -> memref<128xi32, #tpu.memory_space<vmem>>
        %dma_wait3A_218 = arith.constant 0 : i32
        %dma_wait3A_219 = arith.constant 0 : i32
        %dma_wait3A_220 = tpu.memref_slice %arg6[%dma_wait3A_218, %dma_wait3A_219] : memref<10240x64xf32, #tpu.memory_space<vmem_shared>> -> memref<10240x64xf32, #tpu.memory_space<vmem_shared>>
        tpu.wait_indirect_dma semaphore(%arg15 : memref<!tpu.dma_semaphore, #tpu.memory_space<semaphore_mem>>) src(%arg10 : memref<128x64xf32, #tpu.memory_space<vmem>>) dst(%dma_wait3A_220 : memref<10240x64xf32, #tpu.memory_space<vmem_shared>>)
      } else {
      }
      %add3A_181 = arith.constant 2 : i32
      %add3A_182 = arith.addi %add3A_163, %add3A_181 : i32
      %lt3A_183 = arith.constant 80 : i32
      %lt3A_184 = arith.cmpi slt, %add3A_182, %lt3A_183 : i32
      %convert_element_type3A_185 = arith.extui %lt3A_184 : i1 to i32
      %cond3A_186 = arith.constant 0 : i32
      %cond3A_187 = arith.cmpi ne, %convert_element_type3A_185, %cond3A_186 : i32
      scf.if %cond3A_187 {
        %add3A_214 = arith.constant 2 : i32
        %add3A_215 = arith.addi %add3A_163, %add3A_214 : i32
        %dma_start3A_216 = arith.constant 0 : i32
        %dma_start3A_217 = tpu.memref_slice %arg8[%add3A_215, %dma_start3A_216] : memref<80x128xi32, #tpu.memory_space<vmem>> -> memref<1x128xi32, #tpu.memory_space<vmem>>
        %dma_start3A_218 = tpu.memref_squeeze %dma_start3A_217 : memref<1x128xi32, #tpu.memory_space<vmem>> -> memref<128xi32, #tpu.memory_space<vmem>>
        %dma_start3A_219 = arith.constant 0 : i32
        %dma_start3A_220 = arith.constant 0 : i32
        %dma_start3A_221 = tpu.memref_slice %arg7[%dma_start3A_219, %dma_start3A_220] : memref<10240x64xf32, #tpu.memory_space<vmem_shared>> -> memref<10240x64xf32, #tpu.memory_space<vmem_shared>>
        tpu.enqueue_indirect_dma source(%dma_start3A_221 : memref<10240x64xf32, #tpu.memory_space<vmem_shared>>) target(%arg10 : memref<128x64xf32, #tpu.memory_space<vmem>>) offsets(%dma_start3A_218 : memref<128xi32, #tpu.memory_space<vmem>>) semaphore(%arg14 : memref<!tpu.dma_semaphore, #tpu.memory_space<semaphore_mem>>)
      } else {
      }
      %add3A_188 = arith.constant 2 : i32
      %add3A_189 = arith.addi %add3A_136, %add3A_188 : i32
      %dma_wait3A_190 = arith.constant 0 : i32
      %dma_wait3A_191 = tpu.memref_slice %arg8[%add3A_189, %dma_wait3A_190] : memref<80x128xi32, #tpu.memory_space<vmem>> -> memref<1x128xi32, #tpu.memory_space<vmem>>
      %dma_wait3A_192 = tpu.memref_squeeze %dma_wait3A_191 : memref<1x128xi32, #tpu.memory_space<vmem>> -> memref<128xi32, #tpu.memory_space<vmem>>
      %dma_wait3A_193 = arith.constant 0 : i32
      %dma_wait3A_194 = arith.constant 0 : i32
      %dma_wait3A_195 = tpu.memref_slice %arg7[%dma_wait3A_193, %dma_wait3A_194] : memref<10240x64xf32, #tpu.memory_space<vmem_shared>> -> memref<10240x64xf32, #tpu.memory_space<vmem_shared>>
      tpu.wait_indirect_dma semaphore(%arg14 : memref<!tpu.dma_semaphore, #tpu.memory_space<semaphore_mem>>) src(%dma_wait3A_195 : memref<10240x64xf32, #tpu.memory_space<vmem_shared>>) dst(%arg12 : memref<128x64xf32, #tpu.memory_space<vmem>>)
      %dma_start3A_196 = arith.constant 0 : i32
      %dma_start3A_197 = tpu.memref_slice %arg9[%add3A_189, %dma_start3A_196] : memref<80x128xi32, #tpu.memory_space<vmem>> -> memref<1x128xi32, #tpu.memory_space<vmem>>
      %dma_start3A_198 = tpu.memref_squeeze %dma_start3A_197 : memref<1x128xi32, #tpu.memory_space<vmem>> -> memref<128xi32, #tpu.memory_space<vmem>>
      %dma_start3A_199 = arith.constant 0 : i32
      %dma_start3A_200 = arith.constant 0 : i32
      %dma_start3A_201 = tpu.memref_slice %arg6[%dma_start3A_199, %dma_start3A_200] : memref<10240x64xf32, #tpu.memory_space<vmem_shared>> -> memref<10240x64xf32, #tpu.memory_space<vmem_shared>>
      tpu.enqueue_indirect_dma source(%arg12 : memref<128x64xf32, #tpu.memory_space<vmem>>) target(%dma_start3A_201 : memref<10240x64xf32, #tpu.memory_space<vmem_shared>>) offsets(%dma_start3A_198 : memref<128xi32, #tpu.memory_space<vmem>>) semaphore(%arg15 : memref<!tpu.dma_semaphore, #tpu.memory_space<semaphore_mem>>) {add = true}
      %ge3A_202 = arith.constant 1 : i32
      %ge3A_203 = arith.cmpi sge, %add3A_189, %ge3A_202 : i32
      %convert_element_type3A_204 = arith.extui %ge3A_203 : i1 to i32
      %cond3A_205 = arith.constant 0 : i32
      %cond3A_206 = arith.cmpi ne, %convert_element_type3A_204, %cond3A_205 : i32
      scf.if %cond3A_206 {
        %sub3A = arith.constant 1 : i32
        %sub3A_214 = arith.subi %add3A_189, %sub3A : i32
        %dma_wait3A_215 = arith.constant 0 : i32
        %dma_wait3A_216 = tpu.memref_slice %arg9[%sub3A_214, %dma_wait3A_215] : memref<80x128xi32, #tpu.memory_space<vmem>> -> memref<1x128xi32, #tpu.memory_space<vmem>>
        %dma_wait3A_217 = tpu.memref_squeeze %dma_wait3A_216 : memref<1x128xi32, #tpu.memory_space<vmem>> -> memref<128xi32, #tpu.memory_space<vmem>>
        %dma_wait3A_218 = arith.constant 0 : i32
        %dma_wait3A_219 = arith.constant 0 : i32
        %dma_wait3A_220 = tpu.memref_slice %arg6[%dma_wait3A_218, %dma_wait3A_219] : memref<10240x64xf32, #tpu.memory_space<vmem_shared>> -> memref<10240x64xf32, #tpu.memory_space<vmem_shared>>
        tpu.wait_indirect_dma semaphore(%arg15 : memref<!tpu.dma_semaphore, #tpu.memory_space<semaphore_mem>>) src(%arg11 : memref<128x64xf32, #tpu.memory_space<vmem>>) dst(%dma_wait3A_220 : memref<10240x64xf32, #tpu.memory_space<vmem_shared>>)
      } else {
      }
      %add3A_207 = arith.constant 2 : i32
      %add3A_208 = arith.addi %add3A_189, %add3A_207 : i32
      %lt3A_209 = arith.constant 80 : i32
      %lt3A_210 = arith.cmpi slt, %add3A_208, %lt3A_209 : i32
      %convert_element_type3A_211 = arith.extui %lt3A_210 : i1 to i32
      %cond3A_212 = arith.constant 0 : i32
      %cond3A_213 = arith.cmpi ne, %convert_element_type3A_211, %cond3A_212 : i32
      scf.if %cond3A_213 {
        %add3A_214 = arith.constant 2 : i32
        %add3A_215 = arith.addi %add3A_189, %add3A_214 : i32
        %dma_start3A_216 = arith.constant 0 : i32
        %dma_start3A_217 = tpu.memref_slice %arg8[%add3A_215, %dma_start3A_216] : memref<80x128xi32, #tpu.memory_space<vmem>> -> memref<1x128xi32, #tpu.memory_space<vmem>>
        %dma_start3A_218 = tpu.memref_squeeze %dma_start3A_217 : memref<1x128xi32, #tpu.memory_space<vmem>> -> memref<128xi32, #tpu.memory_space<vmem>>
        %dma_start3A_219 = arith.constant 0 : i32
        %dma_start3A_220 = arith.constant 0 : i32
        %dma_start3A_221 = tpu.memref_slice %arg7[%dma_start3A_219, %dma_start3A_220] : memref<10240x64xf32, #tpu.memory_space<vmem_shared>> -> memref<10240x64xf32, #tpu.memory_space<vmem_shared>>
        tpu.enqueue_indirect_dma source(%dma_start3A_221 : memref<10240x64xf32, #tpu.memory_space<vmem_shared>>) target(%arg11 : memref<128x64xf32, #tpu.memory_space<vmem>>) offsets(%dma_start3A_218 : memref<128xi32, #tpu.memory_space<vmem>>) semaphore(%arg14 : memref<!tpu.dma_semaphore, #tpu.memory_space<semaphore_mem>>)
      } else {
      }
    }
    %scan3A_71 = arith.constant 26 : i32
    %dma_wait3A_72 = arith.constant 78 : i32
    %dma_wait3A_73 = arith.constant 0 : i32
    %dma_wait3A_74 = tpu.memref_slice %arg8[%dma_wait3A_72, %dma_wait3A_73] : memref<80x128xi32, #tpu.memory_space<vmem>> -> memref<1x128xi32, #tpu.memory_space<vmem>>
    %dma_wait3A_75 = tpu.memref_squeeze %dma_wait3A_74 : memref<1x128xi32, #tpu.memory_space<vmem>> -> memref<128xi32, #tpu.memory_space<vmem>>
    %dma_wait3A_76 = arith.constant 0 : i32
    %dma_wait3A_77 = arith.constant 0 : i32
    %dma_wait3A_78 = tpu.memref_slice %arg7[%dma_wait3A_76, %dma_wait3A_77] : memref<10240x64xf32, #tpu.memory_space<vmem_shared>> -> memref<10240x64xf32, #tpu.memory_space<vmem_shared>>
    tpu.wait_indirect_dma semaphore(%arg14 : memref<!tpu.dma_semaphore, #tpu.memory_space<semaphore_mem>>) src(%dma_wait3A_78 : memref<10240x64xf32, #tpu.memory_space<vmem_shared>>) dst(%arg10 : memref<128x64xf32, #tpu.memory_space<vmem>>)
    %dma_start3A_79 = arith.constant 78 : i32
    %dma_start3A_80 = arith.constant 0 : i32
    %dma_start3A_81 = tpu.memref_slice %arg9[%dma_start3A_79, %dma_start3A_80] : memref<80x128xi32, #tpu.memory_space<vmem>> -> memref<1x128xi32, #tpu.memory_space<vmem>>
    %dma_start3A_82 = tpu.memref_squeeze %dma_start3A_81 : memref<1x128xi32, #tpu.memory_space<vmem>> -> memref<128xi32, #tpu.memory_space<vmem>>
    %dma_start3A_83 = arith.constant 0 : i32
    %dma_start3A_84 = arith.constant 0 : i32
    %dma_start3A_85 = tpu.memref_slice %arg6[%dma_start3A_83, %dma_start3A_84] : memref<10240x64xf32, #tpu.memory_space<vmem_shared>> -> memref<10240x64xf32, #tpu.memory_space<vmem_shared>>
    tpu.enqueue_indirect_dma source(%arg10 : memref<128x64xf32, #tpu.memory_space<vmem>>) target(%dma_start3A_85 : memref<10240x64xf32, #tpu.memory_space<vmem_shared>>) offsets(%dma_start3A_82 : memref<128xi32, #tpu.memory_space<vmem>>) semaphore(%arg15 : memref<!tpu.dma_semaphore, #tpu.memory_space<semaphore_mem>>) {add = true}
    %dma_wait3A_86 = arith.constant 79 : i32
    %dma_wait3A_87 = arith.constant 0 : i32
    %dma_wait3A_88 = tpu.memref_slice %arg8[%dma_wait3A_86, %dma_wait3A_87] : memref<80x128xi32, #tpu.memory_space<vmem>> -> memref<1x128xi32, #tpu.memory_space<vmem>>
    %dma_wait3A_89 = tpu.memref_squeeze %dma_wait3A_88 : memref<1x128xi32, #tpu.memory_space<vmem>> -> memref<128xi32, #tpu.memory_space<vmem>>
    %dma_wait3A_90 = arith.constant 0 : i32
    %dma_wait3A_91 = arith.constant 0 : i32
    %dma_wait3A_92 = tpu.memref_slice %arg7[%dma_wait3A_90, %dma_wait3A_91] : memref<10240x64xf32, #tpu.memory_space<vmem_shared>> -> memref<10240x64xf32, #tpu.memory_space<vmem_shared>>
    tpu.wait_indirect_dma semaphore(%arg14 : memref<!tpu.dma_semaphore, #tpu.memory_space<semaphore_mem>>) src(%dma_wait3A_92 : memref<10240x64xf32, #tpu.memory_space<vmem_shared>>) dst(%arg11 : memref<128x64xf32, #tpu.memory_space<vmem>>)
    %dma_start3A_93 = arith.constant 79 : i32
    %dma_start3A_94 = arith.constant 0 : i32
    %dma_start3A_95 = tpu.memref_slice %arg9[%dma_start3A_93, %dma_start3A_94] : memref<80x128xi32, #tpu.memory_space<vmem>> -> memref<1x128xi32, #tpu.memory_space<vmem>>
    %dma_start3A_96 = tpu.memref_squeeze %dma_start3A_95 : memref<1x128xi32, #tpu.memory_space<vmem>> -> memref<128xi32, #tpu.memory_space<vmem>>
    %dma_start3A_97 = arith.constant 0 : i32
    %dma_start3A_98 = arith.constant 0 : i32
    %dma_start3A_99 = tpu.memref_slice %arg6[%dma_start3A_97, %dma_start3A_98] : memref<10240x64xf32, #tpu.memory_space<vmem_shared>> -> memref<10240x64xf32, #tpu.memory_space<vmem_shared>>
    tpu.enqueue_indirect_dma source(%arg11 : memref<128x64xf32, #tpu.memory_space<vmem>>) target(%dma_start3A_99 : memref<10240x64xf32, #tpu.memory_space<vmem_shared>>) offsets(%dma_start3A_96 : memref<128xi32, #tpu.memory_space<vmem>>) semaphore(%arg15 : memref<!tpu.dma_semaphore, #tpu.memory_space<semaphore_mem>>) {add = true}
    %dma_wait3A_100 = arith.constant 77 : i32
    %dma_wait3A_101 = arith.constant 0 : i32
    %dma_wait3A_102 = tpu.memref_slice %arg9[%dma_wait3A_100, %dma_wait3A_101] : memref<80x128xi32, #tpu.memory_space<vmem>> -> memref<1x128xi32, #tpu.memory_space<vmem>>
    %dma_wait3A_103 = tpu.memref_squeeze %dma_wait3A_102 : memref<1x128xi32, #tpu.memory_space<vmem>> -> memref<128xi32, #tpu.memory_space<vmem>>
    %dma_wait3A_104 = arith.constant 0 : i32
    %dma_wait3A_105 = arith.constant 0 : i32
    %dma_wait3A_106 = tpu.memref_slice %arg6[%dma_wait3A_104, %dma_wait3A_105] : memref<10240x64xf32, #tpu.memory_space<vmem_shared>> -> memref<10240x64xf32, #tpu.memory_space<vmem_shared>>
    tpu.wait_indirect_dma semaphore(%arg15 : memref<!tpu.dma_semaphore, #tpu.memory_space<semaphore_mem>>) src(%arg12 : memref<128x64xf32, #tpu.memory_space<vmem>>) dst(%dma_wait3A_106 : memref<10240x64xf32, #tpu.memory_space<vmem_shared>>)
    %dma_wait3A_107 = arith.constant 78 : i32
    %dma_wait3A_108 = arith.constant 0 : i32
    %dma_wait3A_109 = tpu.memref_slice %arg9[%dma_wait3A_107, %dma_wait3A_108] : memref<80x128xi32, #tpu.memory_space<vmem>> -> memref<1x128xi32, #tpu.memory_space<vmem>>
    %dma_wait3A_110 = tpu.memref_squeeze %dma_wait3A_109 : memref<1x128xi32, #tpu.memory_space<vmem>> -> memref<128xi32, #tpu.memory_space<vmem>>
    %dma_wait3A_111 = arith.constant 0 : i32
    %dma_wait3A_112 = arith.constant 0 : i32
    %dma_wait3A_113 = tpu.memref_slice %arg6[%dma_wait3A_111, %dma_wait3A_112] : memref<10240x64xf32, #tpu.memory_space<vmem_shared>> -> memref<10240x64xf32, #tpu.memory_space<vmem_shared>>
    tpu.wait_indirect_dma semaphore(%arg15 : memref<!tpu.dma_semaphore, #tpu.memory_space<semaphore_mem>>) src(%arg10 : memref<128x64xf32, #tpu.memory_space<vmem>>) dst(%dma_wait3A_113 : memref<10240x64xf32, #tpu.memory_space<vmem_shared>>)
    %dma_wait3A_114 = arith.constant 79 : i32
    %dma_wait3A_115 = arith.constant 0 : i32
    %dma_wait3A_116 = tpu.memref_slice %arg9[%dma_wait3A_114, %dma_wait3A_115] : memref<80x128xi32, #tpu.memory_space<vmem>> -> memref<1x128xi32, #tpu.memory_space<vmem>>
    %dma_wait3A_117 = tpu.memref_squeeze %dma_wait3A_116 : memref<1x128xi32, #tpu.memory_space<vmem>> -> memref<128xi32, #tpu.memory_space<vmem>>
    %dma_wait3A_118 = arith.constant 0 : i32
    %dma_wait3A_119 = arith.constant 0 : i32
    %dma_wait3A_120 = tpu.memref_slice %arg6[%dma_wait3A_118, %dma_wait3A_119] : memref<10240x64xf32, #tpu.memory_space<vmem_shared>> -> memref<10240x64xf32, #tpu.memory_space<vmem_shared>>
    tpu.wait_indirect_dma semaphore(%arg15 : memref<!tpu.dma_semaphore, #tpu.memory_space<semaphore_mem>>) src(%arg11 : memref<128x64xf32, #tpu.memory_space<vmem>>) dst(%dma_wait3A_120 : memref<10240x64xf32, #tpu.memory_space<vmem_shared>>)
    %barrier3A_121 = arith.constant 0 : index
    tpu.barrier barrier_id(%barrier3A_121)
    %eq3A_122 = arith.constant 0 : i32
    %eq3A_123 = arith.cmpi eq, %arg0, %eq3A_122 : i32
    %convert_element_type3A_124 = arith.extui %eq3A_123 : i1 to i32
    %cond3A_125 = arith.constant 0 : i32
    %cond3A_126 = arith.cmpi ne, %convert_element_type3A_124, %cond3A_125 : i32
    scf.if %cond3A_126 {
      %run_scoped3A = arith.constant 0 : i32
      "tpu.region"() ({
        %run_scoped3A_132 = tpu.sem_alloc : memref<!tpu.dma_semaphore, #tpu.memory_space<semaphore_mem>>
        %dma_start3A_133 = arith.constant 0 : i32
        %dma_start3A_134 = tpu.memref_slice %arg5[%run_scoped3A, %mul3A_2, %dma_start3A_133] : memref<2x10240x64xf32, #tpu.memory_space<hbm>> -> memref<1x640x64xf32, #tpu.memory_space<hbm>>
        %dma_start3A_135 = tpu.memref_squeeze %dma_start3A_134 : memref<1x640x64xf32, #tpu.memory_space<hbm>> -> memref<640x64xf32, #tpu.memory_space<hbm>>
        %dma_start3A_136 = arith.constant 0 : i32
        %dma_start3A_137 = tpu.memref_slice %arg6[%mul3A_2, %dma_start3A_136] : memref<10240x64xf32, #tpu.memory_space<vmem_shared>> -> memref<640x64xf32, #tpu.memory_space<vmem_shared>>
        tpu.enqueue_dma source(%dma_start3A_137 : memref<640x64xf32, #tpu.memory_space<vmem_shared>>) target(%dma_start3A_135 : memref<640x64xf32, #tpu.memory_space<hbm>>) target_semaphore(%run_scoped3A_132 : memref<!tpu.dma_semaphore, #tpu.memory_space<semaphore_mem>>)
        %dma_wait3A_138 = arith.constant 0 : i32
        %dma_wait3A_139 = tpu.memref_slice %arg5[%run_scoped3A, %mul3A_2, %dma_wait3A_138] : memref<2x10240x64xf32, #tpu.memory_space<hbm>> -> memref<1x640x64xf32, #tpu.memory_space<hbm>>
        %dma_wait3A_140 = tpu.memref_squeeze %dma_wait3A_139 : memref<1x640x64xf32, #tpu.memory_space<hbm>> -> memref<640x64xf32, #tpu.memory_space<hbm>>
        %dma_wait3A_141 = arith.constant 0 : i32
        %dma_wait3A_142 = tpu.memref_slice %arg6[%mul3A_2, %dma_wait3A_141] : memref<10240x64xf32, #tpu.memory_space<vmem_shared>> -> memref<640x64xf32, #tpu.memory_space<vmem_shared>>
        tpu.wait_dma2 semaphore(%run_scoped3A_132 : memref<!tpu.dma_semaphore, #tpu.memory_space<semaphore_mem>>) src(%dma_wait3A_142 : memref<640x64xf32, #tpu.memory_space<vmem_shared>>) dst(%dma_wait3A_140 : memref<640x64xf32, #tpu.memory_space<hbm>>)
        tpu.yield
      }) : () -> ()
    } else {
    }
    %eq3A_127 = arith.constant 1 : i32
    %eq3A_128 = arith.cmpi eq, %arg0, %eq3A_127 : i32
    %convert_element_type3A_129 = arith.extui %eq3A_128 : i1 to i32
    %cond3A_130 = arith.constant 0 : i32
    %cond3A_131 = arith.cmpi ne, %convert_element_type3A_129, %cond3A_130 : i32
    scf.if %cond3A_131 {
      %run_scoped3A = arith.constant 1 : i32
      "tpu.region"() ({
        %run_scoped3A_132 = tpu.sem_alloc : memref<!tpu.dma_semaphore, #tpu.memory_space<semaphore_mem>>
        %dma_start3A_133 = arith.constant 0 : i32
        %dma_start3A_134 = tpu.memref_slice %arg5[%run_scoped3A, %mul3A_2, %dma_start3A_133] : memref<2x10240x64xf32, #tpu.memory_space<hbm>> -> memref<1x640x64xf32, #tpu.memory_space<hbm>>
        %dma_start3A_135 = tpu.memref_squeeze %dma_start3A_134 : memref<1x640x64xf32, #tpu.memory_space<hbm>> -> memref<640x64xf32, #tpu.memory_space<hbm>>
        %dma_start3A_136 = arith.constant 0 : i32
        %dma_start3A_137 = tpu.memref_slice %arg6[%mul3A_2, %dma_start3A_136] : memref<10240x64xf32, #tpu.memory_space<vmem_shared>> -> memref<640x64xf32, #tpu.memory_space<vmem_shared>>
        tpu.enqueue_dma source(%dma_start3A_137 : memref<640x64xf32, #tpu.memory_space<vmem_shared>>) target(%dma_start3A_135 : memref<640x64xf32, #tpu.memory_space<hbm>>) target_semaphore(%run_scoped3A_132 : memref<!tpu.dma_semaphore, #tpu.memory_space<semaphore_mem>>)
        %dma_wait3A_138 = arith.constant 0 : i32
        %dma_wait3A_139 = tpu.memref_slice %arg5[%run_scoped3A, %mul3A_2, %dma_wait3A_138] : memref<2x10240x64xf32, #tpu.memory_space<hbm>> -> memref<1x640x64xf32, #tpu.memory_space<hbm>>
        %dma_wait3A_140 = tpu.memref_squeeze %dma_wait3A_139 : memref<1x640x64xf32, #tpu.memory_space<hbm>> -> memref<640x64xf32, #tpu.memory_space<hbm>>
        %dma_wait3A_141 = arith.constant 0 : i32
        %dma_wait3A_142 = tpu.memref_slice %arg6[%mul3A_2, %dma_wait3A_141] : memref<10240x64xf32, #tpu.memory_space<vmem_shared>> -> memref<640x64xf32, #tpu.memory_space<vmem_shared>>
        tpu.wait_dma2 semaphore(%run_scoped3A_132 : memref<!tpu.dma_semaphore, #tpu.memory_space<semaphore_mem>>) src(%dma_wait3A_142 : memref<640x64xf32, #tpu.memory_space<vmem_shared>>) dst(%dma_wait3A_140 : memref<640x64xf32, #tpu.memory_space<hbm>>)
        tpu.yield
      }) : () -> ()
    } else {
    }
    return
  }
}

module attributes {stable_mosaic.version = 14 : i64} {
  func.func @body(%arg0: i32, %arg1: memref<512x128xf32, #tpu.memory_space<vmem>>, %arg2: memref<128x64xf32, #tpu.memory_space<vmem>>, %arg3: memref<2x512x16xf32, #tpu.memory_space<vmem>>, %arg4: memref<512x64xf32, #tpu.memory_space<vmem>>, %arg5: memref<512x1xf32, #tpu.memory_space<vmem>>) attributes {dimension_semantics = [#tpu.dimension_semantics<arbitrary>], iteration_bounds = array<i64: 20>, scalar_prefetch = 0 : i64, scratch_operands = 0 : i64, tpu.core_type = #tpu.core_type<tc>, window_params = [{transform_indices = @transform_0, window_bounds = array<i64: 512, 128>}, {pipeline_mode = #tpu.pipeline_mode<synchronous>, transform_indices = @transform_1, window_bounds = array<i64: 128, 64>}, {transform_indices = @transform_2, window_bounds = array<i64: 2, 512, 16>}, {transform_indices = @transform_3, window_bounds = array<i64: 512, 64>}, {transform_indices = @transform_4, window_bounds = array<i64: 512, 1>}]} {
    %get3A = arith.constant 0 : index
    %get3A_0 = arith.constant 0 : index
    %get3A_1 = arith.constant 0 : index
    %get3A_2 = vector.load %arg3[%get3A, %get3A_0, %get3A_1] : memref<2x512x16xf32, #tpu.memory_space<vmem>>, vector<2x512x16xf32>
    %slice3A = vector.extract_strided_slice %get3A_2 {offsets = [0, 0, 0], sizes = [1, 512, 1], strides = [1, 1, 1]} : vector<2x512x16xf32> to vector<1x512x1xf32>
    %squeeze3A = vector.shape_cast %slice3A : vector<1x512x1xf32> to vector<512xf32>
    %slice3A_3 = vector.extract_strided_slice %get3A_2 {offsets = [1, 0, 0], sizes = [1, 512, 1], strides = [1, 1, 1]} : vector<2x512x16xf32> to vector<1x512x1xf32>
    %squeeze3A_4 = vector.shape_cast %slice3A_3 : vector<1x512x1xf32> to vector<512xf32>
    %add3A = arith.addf %squeeze3A, %squeeze3A_4 : vector<512xf32>
    %add3A_5 = arith.constant 1.000000e+00 : f32
    %add3A_6 = vector.broadcast %add3A_5 : f32 to vector<512xf32>
    %add3A_7 = arith.addf %add3A, %add3A_6 : vector<512xf32>
    %rsqrt3A = math.rsqrt %add3A_7 : vector<512xf32>
    %broadcast_in_dim3A = vector.shape_cast %rsqrt3A : vector<512xf32> to vector<512x1xf32>
    %swap3A = arith.constant 0 : index
    %swap3A_8 = arith.constant 0 : index
    %swap3A_9 = vector.load %arg5[%swap3A, %swap3A_8] : memref<512x1xf32, #tpu.memory_space<vmem>>, vector<512x1xf32>
    tpu.vector_store %arg5[%swap3A, %swap3A_8], %broadcast_in_dim3A {strides = array<i32>} : memref<512x1xf32, #tpu.memory_space<vmem>>, vector<512x1xf32>,
    %get3A_10 = arith.constant 0 : index
    %get3A_11 = arith.constant 0 : index
    %get3A_12 = vector.load %arg1[%get3A_10, %get3A_11] : memref<512x128xf32, #tpu.memory_space<vmem>>, vector<512x128xf32>
    %get3A_13 = arith.constant 0 : index
    %get3A_14 = arith.constant 0 : index
    %get3A_15 = vector.load %arg2[%get3A_13, %get3A_14] : memref<128x64xf32, #tpu.memory_space<vmem>>, vector<128x64xf32>
    %dot_general3A = arith.constant dense<0.000000e+00> : vector<512x64xf32>
    %dot_general3A_16 = tpu.matmul %get3A_12, %get3A_15, %dot_general3A {dimension_numbers = #tpu.dot_dimension_numbers<[1], [0], [0], [1], [0, 0, 1, 1], [], []>, transpose_lhs_hint = false} : vector<512x128xf32>, vector<128x64xf32>, vector<512x64xf32> -> vector<512x64xf32>
    %mul3A = vector.broadcast %broadcast_in_dim3A : vector<512x1xf32> to vector<512x64xf32>
    %mul3A_17 = arith.mulf %dot_general3A_16, %mul3A : vector<512x64xf32>
    %swap3A_18 = arith.constant 0 : index
    %swap3A_19 = arith.constant 0 : index
    %swap3A_20 = vector.load %arg4[%swap3A_18, %swap3A_19] : memref<512x64xf32, #tpu.memory_space<vmem>>, vector<512x64xf32>
    tpu.vector_store %arg4[%swap3A_18, %swap3A_19], %mul3A_17 {strides = array<i32>} : memref<512x64xf32, #tpu.memory_space<vmem>>, vector<512x64xf32>,
    return
  }
  func.func @transform_0(%arg0: i32) -> (i32, i32) {
    %c0_i32 = arith.constant 0 : i32
    %c0_i32_0 = arith.constant 0 : i32
    return %arg0, %c0_i32 : i32, i32
  }
  func.func @transform_1(%arg0: i32) -> (i32, i32) {
    %c0_i32 = arith.constant 0 : i32
    %c0_i32_0 = arith.constant 0 : i32
    %c0_i32_1 = arith.constant 0 : i32
    return %c0_i32, %c0_i32_0 : i32, i32
  }
  func.func @transform_2(%arg0: i32) -> (i32, i32, i32) {
    %c0_i32 = arith.constant 0 : i32
    %c0_i32_0 = arith.constant 0 : i32
    %c0_i32_1 = arith.constant 0 : i32
    return %c0_i32, %arg0, %c0_i32_0 : i32, i32, i32
  }
  func.func @transform_3(%arg0: i32) -> (i32, i32) {
    %c0_i32 = arith.constant 0 : i32
    %c0_i32_0 = arith.constant 0 : i32
    return %arg0, %c0_i32 : i32, i32
  }
  func.func @transform_4(%arg0: i32) -> (i32, i32) {
    %c0_i32 = arith.constant 0 : i32
    %c0_i32_0 = arith.constant 0 : i32
    return %arg0, %c0_i32 : i32, i32
  }
}

module attributes {stable_mosaic.version = 14 : i64} {
  func.func @body(%arg0: i32, %arg1: memref<2x512x64xf32, #tpu.memory_space<vmem>>, %arg2: memref<512x64xf32, #tpu.memory_space<vmem>>, %arg3: memref<512x1xf32, #tpu.memory_space<vmem>>, %arg4: memref<1x64xf32, #tpu.memory_space<vmem>>, %arg5: memref<1x64xf32, #tpu.memory_space<vmem>>, %arg6: memref<1x64xf32, #tpu.memory_space<vmem>>, %arg7: memref<512x64xf32, #tpu.memory_space<vmem>>) attributes {dimension_semantics = [#tpu.dimension_semantics<arbitrary>], iteration_bounds = array<i64: 20>, scalar_prefetch = 0 : i64, scratch_operands = 0 : i64, tpu.core_type = #tpu.core_type<tc>, window_params = [{transform_indices = @transform_0, window_bounds = array<i64: 2, 512, 64>}, {transform_indices = @transform_1, window_bounds = array<i64: 512, 64>}, {transform_indices = @transform_2, window_bounds = array<i64: 512, 1>}, {pipeline_mode = #tpu.pipeline_mode<synchronous>, transform_indices = @transform_3, window_bounds = array<i64: 1, 64>}, {pipeline_mode = #tpu.pipeline_mode<synchronous>, transform_indices = @transform_4, window_bounds = array<i64: 1, 64>}, {pipeline_mode = #tpu.pipeline_mode<synchronous>, transform_indices = @transform_5, window_bounds = array<i64: 1, 64>}, {transform_indices = @transform_6, window_bounds = array<i64: 512, 64>}]} {
    %get3A = arith.constant 0 : index
    %get3A_0 = arith.constant 0 : index
    %get3A_1 = arith.constant 0 : index
    %get3A_2 = vector.load %arg1[%get3A, %get3A_0, %get3A_1] : memref<2x512x64xf32, #tpu.memory_space<vmem>>, vector<2x512x64xf32>
    %get3A_3 = arith.constant 0 : index
    %get3A_4 = arith.constant 0 : index
    %get3A_5 = vector.load %arg3[%get3A_3, %get3A_4] : memref<512x1xf32, #tpu.memory_space<vmem>>, vector<512x1xf32>
    %slice3A = vector.extract_strided_slice %get3A_2 {offsets = [0, 0, 0], sizes = [1, 512, 64], strides = [1, 1, 1]} : vector<2x512x64xf32> to vector<1x512x64xf32>
    %squeeze3A = vector.shape_cast %slice3A : vector<1x512x64xf32> to vector<512x64xf32>
    %slice3A_6 = vector.extract_strided_slice %get3A_2 {offsets = [1, 0, 0], sizes = [1, 512, 64], strides = [1, 1, 1]} : vector<2x512x64xf32> to vector<1x512x64xf32>
    %squeeze3A_7 = vector.shape_cast %slice3A_6 : vector<1x512x64xf32> to vector<512x64xf32>
    %add3A = arith.addf %squeeze3A, %squeeze3A_7 : vector<512x64xf32>
    %get3A_8 = arith.constant 0 : index
    %get3A_9 = arith.constant 0 : index
    %get3A_10 = vector.load %arg2[%get3A_8, %get3A_9] : memref<512x64xf32, #tpu.memory_space<vmem>>, vector<512x64xf32>
    %add3A_11 = arith.addf %add3A, %get3A_10 : vector<512x64xf32>
    %mul3A = vector.broadcast %get3A_5 : vector<512x1xf32> to vector<512x64xf32>
    %mul3A_12 = arith.mulf %add3A_11, %mul3A : vector<512x64xf32>
    %get3A_13 = arith.constant 0 : index
    %get3A_14 = arith.constant 0 : index
    %get3A_15 = vector.load %arg4[%get3A_13, %get3A_14] : memref<1x64xf32, #tpu.memory_space<vmem>>, vector<1x64xf32>
    %add3A_16 = vector.broadcast %get3A_15 : vector<1x64xf32> to vector<512x64xf32>
    %add3A_17 = arith.addf %mul3A_12, %add3A_16 : vector<512x64xf32>
    %get3A_18 = arith.constant 0 : index
    %get3A_19 = arith.constant 0 : index
    %get3A_20 = vector.load %arg5[%get3A_18, %get3A_19] : memref<1x64xf32, #tpu.memory_space<vmem>>, vector<1x64xf32>
    %get3A_21 = arith.constant 0 : index
    %get3A_22 = arith.constant 0 : index
    %get3A_23 = vector.load %arg6[%get3A_21, %get3A_22] : memref<1x64xf32, #tpu.memory_space<vmem>>, vector<1x64xf32>
    %reduce_sum3A = arith.constant dense<0.000000e+00> : vector<512xf32>
    %reduce_sum3A_24 = vector.multi_reduction <add>, %add3A_17, %reduce_sum3A [1] : vector<512x64xf32> to vector<512xf32>
    %broadcast_in_dim3A = vector.shape_cast %reduce_sum3A_24 : vector<512xf32> to vector<512x1xf32>
    %div3A = arith.constant 6.400000e+01 : f32
    %div3A_25 = vector.broadcast %div3A : f32 to vector<512x1xf32>
    %div3A_26 = arith.divf %broadcast_in_dim3A, %div3A_25 : vector<512x1xf32>
    %jit3A = arith.constant 0 : i32
    %reduce_sum3A_27 = arith.constant dense<0.000000e+00> : vector<512xf32>
    %reduce_sum3A_28 = vector.multi_reduction <add>, %add3A_17, %reduce_sum3A_27 [1] : vector<512x64xf32> to vector<512xf32>
    %broadcast_in_dim3A_29 = vector.shape_cast %reduce_sum3A_28 : vector<512xf32> to vector<512x1xf32>
    %div3A_30 = arith.constant 6.400000e+01 : f32
    %div3A_31 = vector.broadcast %div3A_30 : f32 to vector<512x1xf32>
    %div3A_32 = arith.divf %broadcast_in_dim3A_29, %div3A_31 : vector<512x1xf32>
    %sub3A = vector.broadcast %div3A_32 : vector<512x1xf32> to vector<512x64xf32>
    %sub3A_33 = arith.subf %add3A_17, %sub3A : vector<512x64xf32>
    %square3A = arith.mulf %sub3A_33, %sub3A_33 : vector<512x64xf32>
    %convert_element_type3A = arith.sitofp %jit3A : i32 to f32
    %sub3A_34 = arith.constant 6.400000e+01 : f32
    %sub3A_35 = arith.subf %sub3A_34, %convert_element_type3A : f32
    %reduce_sum3A_36 = arith.constant dense<0.000000e+00> : vector<512xf32>
    %reduce_sum3A_37 = vector.multi_reduction <add>, %square3A, %reduce_sum3A_36 [1] : vector<512x64xf32> to vector<512xf32>
    %broadcast_in_dim3A_38 = vector.shape_cast %reduce_sum3A_37 : vector<512xf32> to vector<512x1xf32>
    %div3A_39 = vector.broadcast %sub3A_35 : f32 to vector<512x1xf32>
    %div3A_40 = arith.divf %broadcast_in_dim3A_38, %div3A_39 : vector<512x1xf32>
    %gt3A = arith.constant 0.000000e+00 : f32
    %gt3A_41 = arith.cmpf ogt, %sub3A_35, %gt3A : f32
    %jit3A_42 = arith.constant 0x7FC00000 : f32
    %broadcast_in_dim3A_43 = vector.broadcast %jit3A_42 : f32 to vector<512x1xf32>
    %select_n3A = arith.select %gt3A_41, %div3A_40, %broadcast_in_dim3A_43 : vector<512x1xf32>
    %sub3A_44 = vector.broadcast %div3A_26 : vector<512x1xf32> to vector<512x64xf32>
    %sub3A_45 = arith.subf %add3A_17, %sub3A_44 : vector<512x64xf32>
    %add3A_46 = arith.constant 9.99999974E-6 : f32
    %add3A_47 = vector.broadcast %add3A_46 : f32 to vector<512x1xf32>
    %add3A_48 = arith.addf %select_n3A, %add3A_47 : vector<512x1xf32>
    %sqrt3A = math.sqrt %add3A_48 : vector<512x1xf32>
    %div3A_49 = vector.broadcast %sqrt3A : vector<512x1xf32> to vector<512x64xf32>
    %div3A_50 = arith.divf %sub3A_45, %div3A_49 : vector<512x64xf32>
    %mul3A_51 = vector.broadcast %get3A_20 : vector<1x64xf32> to vector<512x64xf32>
    %mul3A_52 = arith.mulf %div3A_50, %mul3A_51 : vector<512x64xf32>
    %add3A_53 = vector.broadcast %get3A_23 : vector<1x64xf32> to vector<512x64xf32>
    %add3A_54 = arith.addf %mul3A_52, %add3A_53 : vector<512x64xf32>
    %max3A = arith.constant 0.000000e+00 : f32
    %max3A_55 = vector.broadcast %max3A : f32 to vector<512x64xf32>
    %max3A_56 = arith.maximumf %add3A_54, %max3A_55 : vector<512x64xf32>
    %mul3A_57 = vector.broadcast %get3A_5 : vector<512x1xf32> to vector<512x64xf32>
    %mul3A_58 = arith.mulf %max3A_56, %mul3A_57 : vector<512x64xf32>
    %swap3A = arith.constant 0 : index
    %swap3A_59 = arith.constant 0 : index
    %swap3A_60 = vector.load %arg7[%swap3A, %swap3A_59] : memref<512x64xf32, #tpu.memory_space<vmem>>, vector<512x64xf32>
    tpu.vector_store %arg7[%swap3A, %swap3A_59], %mul3A_58 {strides = array<i32>} : memref<512x64xf32, #tpu.memory_space<vmem>>, vector<512x64xf32>,
    return
  }
  func.func @transform_0(%arg0: i32) -> (i32, i32, i32) {
    %c0_i32 = arith.constant 0 : i32
    %c0_i32_0 = arith.constant 0 : i32
    %c0_i32_1 = arith.constant 0 : i32
    return %c0_i32, %arg0, %c0_i32_0 : i32, i32, i32
  }
  func.func @transform_1(%arg0: i32) -> (i32, i32) {
    %c0_i32 = arith.constant 0 : i32
    %c0_i32_0 = arith.constant 0 : i32
    return %arg0, %c0_i32 : i32, i32
  }
  func.func @transform_2(%arg0: i32) -> (i32, i32) {
    %c0_i32 = arith.constant 0 : i32
    %c0_i32_0 = arith.constant 0 : i32
    return %arg0, %c0_i32 : i32, i32
  }
  func.func @transform_3(%arg0: i32) -> (i32, i32) {
    %c0_i32 = arith.constant 0 : i32
    %c0_i32_0 = arith.constant 0 : i32
    %c0_i32_1 = arith.constant 0 : i32
    return %c0_i32, %c0_i32_0 : i32, i32
  }
  func.func @transform_4(%arg0: i32) -> (i32, i32) {
    %c0_i32 = arith.constant 0 : i32
    %c0_i32_0 = arith.constant 0 : i32
    %c0_i32_1 = arith.constant 0 : i32
    return %c0_i32, %c0_i32_0 : i32, i32
  }
  func.func @transform_5(%arg0: i32) -> (i32, i32) {
    %c0_i32 = arith.constant 0 : i32
    %c0_i32_0 = arith.constant 0 : i32
    %c0_i32_1 = arith.constant 0 : i32
    return %c0_i32, %c0_i32_0 : i32, i32
  }
  func.func @transform_6(%arg0: i32) -> (i32, i32) {
    %c0_i32 = arith.constant 0 : i32
    %c0_i32_0 = arith.constant 0 : i32
    return %arg0, %c0_i32 : i32, i32
  }
}

module attributes {stable_mosaic.version = 14 : i64} {
  func.func @body(%arg0: i32, %arg1: memref<2x512x64xf32, #tpu.memory_space<vmem>>, %arg2: memref<512x64xf32, #tpu.memory_space<vmem>>, %arg3: memref<512x1xf32, #tpu.memory_space<vmem>>, %arg4: memref<64x128xf32, #tpu.memory_space<vmem>>, %arg5: memref<1x128xf32, #tpu.memory_space<vmem>>, %arg6: memref<1x128xf32, #tpu.memory_space<vmem>>, %arg7: memref<1x128xf32, #tpu.memory_space<vmem>>, %arg8: memref<128x128xf32, #tpu.memory_space<vmem>>, %arg9: memref<512x64xf32, #tpu.memory_space<vmem>>, %arg10: memref<512x64xf32, #tpu.memory_space<vmem>>) attributes {dimension_semantics = [#tpu.dimension_semantics<arbitrary>], iteration_bounds = array<i64: 20>, scalar_prefetch = 0 : i64, scratch_operands = 0 : i64, tpu.core_type = #tpu.core_type<tc>, window_params = [{transform_indices = @transform_0, window_bounds = array<i64: 2, 512, 64>}, {transform_indices = @transform_1, window_bounds = array<i64: 512, 64>}, {transform_indices = @transform_2, window_bounds = array<i64: 512, 1>}, {pipeline_mode = #tpu.pipeline_mode<synchronous>, transform_indices = @transform_3, window_bounds = array<i64: 64, 128>}, {pipeline_mode = #tpu.pipeline_mode<synchronous>, transform_indices = @transform_4, window_bounds = array<i64: 1, 128>}, {pipeline_mode = #tpu.pipeline_mode<synchronous>, transform_indices = @transform_5, window_bounds = array<i64: 1, 128>}, {pipeline_mode = #tpu.pipeline_mode<synchronous>, transform_indices = @transform_6, window_bounds = array<i64: 1, 128>}, {pipeline_mode = #tpu.pipeline_mode<synchronous>, transform_indices = @transform_7, window_bounds = array<i64: 128, 128>}, {transform_indices = @transform_8, window_bounds = array<i64: 512, 64>}, {transform_indices = @transform_9, window_bounds = array<i64: 512, 64>}]} {
    %get3A = arith.constant 0 : index
    %get3A_0 = arith.constant 0 : index
    %get3A_1 = arith.constant 0 : index
    %get3A_2 = vector.load %arg1[%get3A, %get3A_0, %get3A_1] : memref<2x512x64xf32, #tpu.memory_space<vmem>>, vector<2x512x64xf32>
    %get3A_3 = arith.constant 0 : index
    %get3A_4 = arith.constant 0 : index
    %get3A_5 = vector.load %arg3[%get3A_3, %get3A_4] : memref<512x1xf32, #tpu.memory_space<vmem>>, vector<512x1xf32>
    %slice3A = vector.extract_strided_slice %get3A_2 {offsets = [0, 0, 0], sizes = [1, 512, 64], strides = [1, 1, 1]} : vector<2x512x64xf32> to vector<1x512x64xf32>
    %squeeze3A = vector.shape_cast %slice3A : vector<1x512x64xf32> to vector<512x64xf32>
    %slice3A_6 = vector.extract_strided_slice %get3A_2 {offsets = [1, 0, 0], sizes = [1, 512, 64], strides = [1, 1, 1]} : vector<2x512x64xf32> to vector<1x512x64xf32>
    %squeeze3A_7 = vector.shape_cast %slice3A_6 : vector<1x512x64xf32> to vector<512x64xf32>
    %add3A = arith.addf %squeeze3A, %squeeze3A_7 : vector<512x64xf32>
    %get3A_8 = arith.constant 0 : index
    %get3A_9 = arith.constant 0 : index
    %get3A_10 = vector.load %arg2[%get3A_8, %get3A_9] : memref<512x64xf32, #tpu.memory_space<vmem>>, vector<512x64xf32>
    %add3A_11 = arith.addf %add3A, %get3A_10 : vector<512x64xf32>
    %mul3A = vector.broadcast %get3A_5 : vector<512x1xf32> to vector<512x64xf32>
    %mul3A_12 = arith.mulf %add3A_11, %mul3A : vector<512x64xf32>
    %get3A_13 = arith.constant 0 : index
    %get3A_14 = arith.constant 0 : index
    %get3A_15 = vector.load %arg4[%get3A_13, %get3A_14] : memref<64x128xf32, #tpu.memory_space<vmem>>, vector<64x128xf32>
    %dot_general3A = arith.constant dense<0.000000e+00> : vector<512x128xf32>
    %dot_general3A_16 = tpu.matmul %mul3A_12, %get3A_15, %dot_general3A {dimension_numbers = #tpu.dot_dimension_numbers<[1], [0], [0], [1], [0, 0, 1, 1], [], []>, transpose_lhs_hint = false} : vector<512x64xf32>, vector<64x128xf32>, vector<512x128xf32> -> vector<512x128xf32>
    %get3A_17 = arith.constant 0 : index
    %get3A_18 = arith.constant 0 : index
    %get3A_19 = vector.load %arg5[%get3A_17, %get3A_18] : memref<1x128xf32, #tpu.memory_space<vmem>>, vector<1x128xf32>
    %add3A_20 = vector.broadcast %get3A_19 : vector<1x128xf32> to vector<512x128xf32>
    %add3A_21 = arith.addf %dot_general3A_16, %add3A_20 : vector<512x128xf32>
    %get3A_22 = arith.constant 0 : index
    %get3A_23 = arith.constant 0 : index
    %get3A_24 = vector.load %arg6[%get3A_22, %get3A_23] : memref<1x128xf32, #tpu.memory_space<vmem>>, vector<1x128xf32>
    %get3A_25 = arith.constant 0 : index
    %get3A_26 = arith.constant 0 : index
    %get3A_27 = vector.load %arg7[%get3A_25, %get3A_26] : memref<1x128xf32, #tpu.memory_space<vmem>>, vector<1x128xf32>
    %reduce_sum3A = arith.constant dense<0.000000e+00> : vector<512xf32>
    %reduce_sum3A_28 = vector.multi_reduction <add>, %add3A_21, %reduce_sum3A [1] : vector<512x128xf32> to vector<512xf32>
    %broadcast_in_dim3A = vector.shape_cast %reduce_sum3A_28 : vector<512xf32> to vector<512x1xf32>
    %div3A = arith.constant 1.280000e+02 : f32
    %div3A_29 = vector.broadcast %div3A : f32 to vector<512x1xf32>
    %div3A_30 = arith.divf %broadcast_in_dim3A, %div3A_29 : vector<512x1xf32>
    %jit3A = arith.constant 0 : i32
    %reduce_sum3A_31 = arith.constant dense<0.000000e+00> : vector<512xf32>
    %reduce_sum3A_32 = vector.multi_reduction <add>, %add3A_21, %reduce_sum3A_31 [1] : vector<512x128xf32> to vector<512xf32>
    %broadcast_in_dim3A_33 = vector.shape_cast %reduce_sum3A_32 : vector<512xf32> to vector<512x1xf32>
    %div3A_34 = arith.constant 1.280000e+02 : f32
    %div3A_35 = vector.broadcast %div3A_34 : f32 to vector<512x1xf32>
    %div3A_36 = arith.divf %broadcast_in_dim3A_33, %div3A_35 : vector<512x1xf32>
    %sub3A = vector.broadcast %div3A_36 : vector<512x1xf32> to vector<512x128xf32>
    %sub3A_37 = arith.subf %add3A_21, %sub3A : vector<512x128xf32>
    %square3A = arith.mulf %sub3A_37, %sub3A_37 : vector<512x128xf32>
    %convert_element_type3A = arith.sitofp %jit3A : i32 to f32
    %sub3A_38 = arith.constant 1.280000e+02 : f32
    %sub3A_39 = arith.subf %sub3A_38, %convert_element_type3A : f32
    %reduce_sum3A_40 = arith.constant dense<0.000000e+00> : vector<512xf32>
    %reduce_sum3A_41 = vector.multi_reduction <add>, %square3A, %reduce_sum3A_40 [1] : vector<512x128xf32> to vector<512xf32>
    %broadcast_in_dim3A_42 = vector.shape_cast %reduce_sum3A_41 : vector<512xf32> to vector<512x1xf32>
    %div3A_43 = vector.broadcast %sub3A_39 : f32 to vector<512x1xf32>
    %div3A_44 = arith.divf %broadcast_in_dim3A_42, %div3A_43 : vector<512x1xf32>
    %gt3A = arith.constant 0.000000e+00 : f32
    %gt3A_45 = arith.cmpf ogt, %sub3A_39, %gt3A : f32
    %jit3A_46 = arith.constant 0x7FC00000 : f32
    %broadcast_in_dim3A_47 = vector.broadcast %jit3A_46 : f32 to vector<512x1xf32>
    %select_n3A = arith.select %gt3A_45, %div3A_44, %broadcast_in_dim3A_47 : vector<512x1xf32>
    %sub3A_48 = vector.broadcast %div3A_30 : vector<512x1xf32> to vector<512x128xf32>
    %sub3A_49 = arith.subf %add3A_21, %sub3A_48 : vector<512x128xf32>
    %add3A_50 = arith.constant 9.99999974E-6 : f32
    %add3A_51 = vector.broadcast %add3A_50 : f32 to vector<512x1xf32>
    %add3A_52 = arith.addf %select_n3A, %add3A_51 : vector<512x1xf32>
    %sqrt3A = math.sqrt %add3A_52 : vector<512x1xf32>
    %div3A_53 = vector.broadcast %sqrt3A : vector<512x1xf32> to vector<512x128xf32>
    %div3A_54 = arith.divf %sub3A_49, %div3A_53 : vector<512x128xf32>
    %mul3A_55 = vector.broadcast %get3A_24 : vector<1x128xf32> to vector<512x128xf32>
    %mul3A_56 = arith.mulf %div3A_54, %mul3A_55 : vector<512x128xf32>
    %add3A_57 = vector.broadcast %get3A_27 : vector<1x128xf32> to vector<512x128xf32>
    %add3A_58 = arith.addf %mul3A_56, %add3A_57 : vector<512x128xf32>
    %max3A = arith.constant 0.000000e+00 : f32
    %max3A_59 = vector.broadcast %max3A : f32 to vector<512x128xf32>
    %max3A_60 = arith.maximumf %add3A_58, %max3A_59 : vector<512x128xf32>
    %get3A_61 = arith.constant 0 : index
    %get3A_62 = arith.constant 0 : index
    %get3A_63 = vector.load %arg8[%get3A_61, %get3A_62] : memref<128x128xf32, #tpu.memory_space<vmem>>, vector<128x128xf32>
    %dot_general3A_64 = arith.constant dense<0.000000e+00> : vector<512x128xf32>
    %dot_general3A_65 = tpu.matmul %max3A_60, %get3A_63, %dot_general3A_64 {dimension_numbers = #tpu.dot_dimension_numbers<[1], [0], [0], [1], [0, 0, 1, 1], [], []>, transpose_lhs_hint = false} : vector<512x128xf32>, vector<128x128xf32>, vector<512x128xf32> -> vector<512x128xf32>
    %mul3A_66 = vector.broadcast %get3A_5 : vector<512x1xf32> to vector<512x128xf32>
    %mul3A_67 = arith.mulf %dot_general3A_65, %mul3A_66 : vector<512x128xf32>
    %slice3A_68 = vector.extract_strided_slice %mul3A_67 {offsets = [0, 0], sizes = [512, 64], strides = [1, 1]} : vector<512x128xf32> to vector<512x64xf32>
    %swap3A = arith.constant 0 : index
    %swap3A_69 = arith.constant 0 : index
    %swap3A_70 = vector.load %arg9[%swap3A, %swap3A_69] : memref<512x64xf32, #tpu.memory_space<vmem>>, vector<512x64xf32>
    tpu.vector_store %arg9[%swap3A, %swap3A_69], %slice3A_68 {strides = array<i32>} : memref<512x64xf32, #tpu.memory_space<vmem>>, vector<512x64xf32>,
    %slice3A_71 = vector.extract_strided_slice %mul3A_67 {offsets = [0, 64], sizes = [512, 64], strides = [1, 1]} : vector<512x128xf32> to vector<512x64xf32>
    %swap3A_72 = arith.constant 0 : index
    %swap3A_73 = arith.constant 0 : index
    %swap3A_74 = vector.load %arg10[%swap3A_72, %swap3A_73] : memref<512x64xf32, #tpu.memory_space<vmem>>, vector<512x64xf32>
    tpu.vector_store %arg10[%swap3A_72, %swap3A_73], %slice3A_71 {strides = array<i32>} : memref<512x64xf32, #tpu.memory_space<vmem>>, vector<512x64xf32>,
    return
  }
  func.func @transform_0(%arg0: i32) -> (i32, i32, i32) {
    %c0_i32 = arith.constant 0 : i32
    %c0_i32_0 = arith.constant 0 : i32
    %c0_i32_1 = arith.constant 0 : i32
    return %c0_i32, %arg0, %c0_i32_0 : i32, i32, i32
  }
  func.func @transform_1(%arg0: i32) -> (i32, i32) {
    %c0_i32 = arith.constant 0 : i32
    %c0_i32_0 = arith.constant 0 : i32
    return %arg0, %c0_i32 : i32, i32
  }
  func.func @transform_2(%arg0: i32) -> (i32, i32) {
    %c0_i32 = arith.constant 0 : i32
    %c0_i32_0 = arith.constant 0 : i32
    return %arg0, %c0_i32 : i32, i32
  }
  func.func @transform_3(%arg0: i32) -> (i32, i32) {
    %c0_i32 = arith.constant 0 : i32
    %c0_i32_0 = arith.constant 0 : i32
    %c0_i32_1 = arith.constant 0 : i32
    return %c0_i32, %c0_i32_0 : i32, i32
  }
  func.func @transform_4(%arg0: i32) -> (i32, i32) {
    %c0_i32 = arith.constant 0 : i32
    %c0_i32_0 = arith.constant 0 : i32
    %c0_i32_1 = arith.constant 0 : i32
    return %c0_i32, %c0_i32_0 : i32, i32
  }
  func.func @transform_5(%arg0: i32) -> (i32, i32) {
    %c0_i32 = arith.constant 0 : i32
    %c0_i32_0 = arith.constant 0 : i32
    %c0_i32_1 = arith.constant 0 : i32
    return %c0_i32, %c0_i32_0 : i32, i32
  }
  func.func @transform_6(%arg0: i32) -> (i32, i32) {
    %c0_i32 = arith.constant 0 : i32
    %c0_i32_0 = arith.constant 0 : i32
    %c0_i32_1 = arith.constant 0 : i32
    return %c0_i32, %c0_i32_0 : i32, i32
  }
  func.func @transform_7(%arg0: i32) -> (i32, i32) {
    %c0_i32 = arith.constant 0 : i32
    %c0_i32_0 = arith.constant 0 : i32
    %c0_i32_1 = arith.constant 0 : i32
    return %c0_i32, %c0_i32_0 : i32, i32
  }
  func.func @transform_8(%arg0: i32) -> (i32, i32) {
    %c0_i32 = arith.constant 0 : i32
    %c0_i32_0 = arith.constant 0 : i32
    return %arg0, %c0_i32 : i32, i32
  }
  func.func @transform_9(%arg0: i32) -> (i32, i32) {
    %c0_i32 = arith.constant 0 : i32
    %c0_i32_0 = arith.constant 0 : i32
    return %arg0, %c0_i32 : i32, i32
  }
}

module attributes {stable_mosaic.version = 14 : i64} {
  func.func @body(%arg0: i32, %arg1: memref<2x512x64xf32, #tpu.memory_space<vmem>>, %arg2: memref<2x512x64xf32, #tpu.memory_space<vmem>>, %arg3: memref<512x64xf32, #tpu.memory_space<vmem>>, %arg4: memref<512x64xf32, #tpu.memory_space<vmem>>, %arg5: memref<512x1xf32, #tpu.memory_space<vmem>>, %arg6: memref<1x128xf32, #tpu.memory_space<vmem>>, %arg7: memref<1x128xf32, #tpu.memory_space<vmem>>, %arg8: memref<1x128xf32, #tpu.memory_space<vmem>>, %arg9: memref<128x128xf32, #tpu.memory_space<vmem>>, %arg10: memref<1x128xf32, #tpu.memory_space<vmem>>, %arg11: memref<128x32xf32, #tpu.memory_space<vmem>>, %arg12: memref<1x32xf32, #tpu.memory_space<vmem>>, %arg13: memref<32x1xf32, #tpu.memory_space<vmem>>, %arg14: memref<1x1xf32, #tpu.memory_space<vmem>>, %arg15: memref<512x1xf32, #tpu.memory_space<vmem>>) attributes {dimension_semantics = [#tpu.dimension_semantics<arbitrary>], iteration_bounds = array<i64: 20>, scalar_prefetch = 0 : i64, scratch_operands = 0 : i64, tpu.core_type = #tpu.core_type<tc>, window_params = [{transform_indices = @transform_0, window_bounds = array<i64: 2, 512, 64>}, {transform_indices = @transform_1, window_bounds = array<i64: 2, 512, 64>}, {transform_indices = @transform_2, window_bounds = array<i64: 512, 64>}, {transform_indices = @transform_3, window_bounds = array<i64: 512, 64>}, {transform_indices = @transform_4, window_bounds = array<i64: 512, 1>}, {pipeline_mode = #tpu.pipeline_mode<synchronous>, transform_indices = @transform_5, window_bounds = array<i64: 1, 128>}, {pipeline_mode = #tpu.pipeline_mode<synchronous>, transform_indices = @transform_6, window_bounds = array<i64: 1, 128>}, {pipeline_mode = #tpu.pipeline_mode<synchronous>, transform_indices = @transform_7, window_bounds = array<i64: 1, 128>}, {pipeline_mode = #tpu.pipeline_mode<synchronous>, transform_indices = @transform_8, window_bounds = array<i64: 128, 128>}, {pipeline_mode = #tpu.pipeline_mode<synchronous>, transform_indices = @transform_9, window_bounds = array<i64: 1, 128>}, {pipeline_mode = #tpu.pipeline_mode<synchronous>, transform_indices = @transform_10, window_bounds = array<i64: 128, 32>}, {pipeline_mode = #tpu.pipeline_mode<synchronous>, transform_indices = @transform_11, window_bounds = array<i64: 1, 32>}, {pipeline_mode = #tpu.pipeline_mode<synchronous>, transform_indices = @transform_12, window_bounds = array<i64: 32, 1>}, {pipeline_mode = #tpu.pipeline_mode<synchronous>, transform_indices = @transform_13, window_bounds = array<i64: 1, 1>}, {transform_indices = @transform_14, window_bounds = array<i64: 512, 1>}]} {
    %get3A = arith.constant 0 : index
    %get3A_0 = arith.constant 0 : index
    %get3A_1 = arith.constant 0 : index
    %get3A_2 = vector.load %arg1[%get3A, %get3A_0, %get3A_1] : memref<2x512x64xf32, #tpu.memory_space<vmem>>, vector<2x512x64xf32>
    %get3A_3 = arith.constant 0 : index
    %get3A_4 = arith.constant 0 : index
    %get3A_5 = arith.constant 0 : index
    %get3A_6 = vector.load %arg2[%get3A_3, %get3A_4, %get3A_5] : memref<2x512x64xf32, #tpu.memory_space<vmem>>, vector<2x512x64xf32>
    %get3A_7 = arith.constant 0 : index
    %get3A_8 = arith.constant 0 : index
    %get3A_9 = vector.load %arg5[%get3A_7, %get3A_8] : memref<512x1xf32, #tpu.memory_space<vmem>>, vector<512x1xf32>
    %slice3A = vector.extract_strided_slice %get3A_2 {offsets = [0, 0, 0], sizes = [1, 512, 64], strides = [1, 1, 1]} : vector<2x512x64xf32> to vector<1x512x64xf32>
    %squeeze3A = vector.shape_cast %slice3A : vector<1x512x64xf32> to vector<512x64xf32>
    %slice3A_10 = vector.extract_strided_slice %get3A_2 {offsets = [1, 0, 0], sizes = [1, 512, 64], strides = [1, 1, 1]} : vector<2x512x64xf32> to vector<1x512x64xf32>
    %squeeze3A_11 = vector.shape_cast %slice3A_10 : vector<1x512x64xf32> to vector<512x64xf32>
    %add3A = arith.addf %squeeze3A, %squeeze3A_11 : vector<512x64xf32>
    %get3A_12 = arith.constant 0 : index
    %get3A_13 = arith.constant 0 : index
    %get3A_14 = vector.load %arg3[%get3A_12, %get3A_13] : memref<512x64xf32, #tpu.memory_space<vmem>>, vector<512x64xf32>
    %add3A_15 = arith.addf %add3A, %get3A_14 : vector<512x64xf32>
    %slice3A_16 = vector.extract_strided_slice %get3A_6 {offsets = [0, 0, 0], sizes = [1, 512, 64], strides = [1, 1, 1]} : vector<2x512x64xf32> to vector<1x512x64xf32>
    %squeeze3A_17 = vector.shape_cast %slice3A_16 : vector<1x512x64xf32> to vector<512x64xf32>
    %slice3A_18 = vector.extract_strided_slice %get3A_6 {offsets = [1, 0, 0], sizes = [1, 512, 64], strides = [1, 1, 1]} : vector<2x512x64xf32> to vector<1x512x64xf32>
    %squeeze3A_19 = vector.shape_cast %slice3A_18 : vector<1x512x64xf32> to vector<512x64xf32>
    %add3A_20 = arith.addf %squeeze3A_17, %squeeze3A_19 : vector<512x64xf32>
    %get3A_21 = arith.constant 0 : index
    %get3A_22 = arith.constant 0 : index
    %get3A_23 = vector.load %arg4[%get3A_21, %get3A_22] : memref<512x64xf32, #tpu.memory_space<vmem>>, vector<512x64xf32>
    %add3A_24 = arith.addf %add3A_20, %get3A_23 : vector<512x64xf32>
    %concatenate3A = tpu.concatenate %add3A_15, %add3A_24 in 1 : vector<512x64xf32>, vector<512x64xf32> -> vector<512x128xf32>
    %mul3A = vector.broadcast %get3A_9 : vector<512x1xf32> to vector<512x128xf32>
    %mul3A_25 = arith.mulf %concatenate3A, %mul3A : vector<512x128xf32>
    %get3A_26 = arith.constant 0 : index
    %get3A_27 = arith.constant 0 : index
    %get3A_28 = vector.load %arg6[%get3A_26, %get3A_27] : memref<1x128xf32, #tpu.memory_space<vmem>>, vector<1x128xf32>
    %add3A_29 = vector.broadcast %get3A_28 : vector<1x128xf32> to vector<512x128xf32>
    %add3A_30 = arith.addf %mul3A_25, %add3A_29 : vector<512x128xf32>
    %get3A_31 = arith.constant 0 : index
    %get3A_32 = arith.constant 0 : index
    %get3A_33 = vector.load %arg7[%get3A_31, %get3A_32] : memref<1x128xf32, #tpu.memory_space<vmem>>, vector<1x128xf32>
    %get3A_34 = arith.constant 0 : index
    %get3A_35 = arith.constant 0 : index
    %get3A_36 = vector.load %arg8[%get3A_34, %get3A_35] : memref<1x128xf32, #tpu.memory_space<vmem>>, vector<1x128xf32>
    %reduce_sum3A = arith.constant dense<0.000000e+00> : vector<512xf32>
    %reduce_sum3A_37 = vector.multi_reduction <add>, %add3A_30, %reduce_sum3A [1] : vector<512x128xf32> to vector<512xf32>
    %broadcast_in_dim3A = vector.shape_cast %reduce_sum3A_37 : vector<512xf32> to vector<512x1xf32>
    %div3A = arith.constant 1.280000e+02 : f32
    %div3A_38 = vector.broadcast %div3A : f32 to vector<512x1xf32>
    %div3A_39 = arith.divf %broadcast_in_dim3A, %div3A_38 : vector<512x1xf32>
    %jit3A = arith.constant 0 : i32
    %reduce_sum3A_40 = arith.constant dense<0.000000e+00> : vector<512xf32>
    %reduce_sum3A_41 = vector.multi_reduction <add>, %add3A_30, %reduce_sum3A_40 [1] : vector<512x128xf32> to vector<512xf32>
    %broadcast_in_dim3A_42 = vector.shape_cast %reduce_sum3A_41 : vector<512xf32> to vector<512x1xf32>
    %div3A_43 = arith.constant 1.280000e+02 : f32
    %div3A_44 = vector.broadcast %div3A_43 : f32 to vector<512x1xf32>
    %div3A_45 = arith.divf %broadcast_in_dim3A_42, %div3A_44 : vector<512x1xf32>
    %sub3A = vector.broadcast %div3A_45 : vector<512x1xf32> to vector<512x128xf32>
    %sub3A_46 = arith.subf %add3A_30, %sub3A : vector<512x128xf32>
    %square3A = arith.mulf %sub3A_46, %sub3A_46 : vector<512x128xf32>
    %convert_element_type3A = arith.sitofp %jit3A : i32 to f32
    %sub3A_47 = arith.constant 1.280000e+02 : f32
    %sub3A_48 = arith.subf %sub3A_47, %convert_element_type3A : f32
    %reduce_sum3A_49 = arith.constant dense<0.000000e+00> : vector<512xf32>
    %reduce_sum3A_50 = vector.multi_reduction <add>, %square3A, %reduce_sum3A_49 [1] : vector<512x128xf32> to vector<512xf32>
    %broadcast_in_dim3A_51 = vector.shape_cast %reduce_sum3A_50 : vector<512xf32> to vector<512x1xf32>
    %div3A_52 = vector.broadcast %sub3A_48 : f32 to vector<512x1xf32>
    %div3A_53 = arith.divf %broadcast_in_dim3A_51, %div3A_52 : vector<512x1xf32>
    %gt3A = arith.constant 0.000000e+00 : f32
    %gt3A_54 = arith.cmpf ogt, %sub3A_48, %gt3A : f32
    %jit3A_55 = arith.constant 0x7FC00000 : f32
    %broadcast_in_dim3A_56 = vector.broadcast %jit3A_55 : f32 to vector<512x1xf32>
    %select_n3A = arith.select %gt3A_54, %div3A_53, %broadcast_in_dim3A_56 : vector<512x1xf32>
    %sub3A_57 = vector.broadcast %div3A_39 : vector<512x1xf32> to vector<512x128xf32>
    %sub3A_58 = arith.subf %add3A_30, %sub3A_57 : vector<512x128xf32>
    %add3A_59 = arith.constant 9.99999974E-6 : f32
    %add3A_60 = vector.broadcast %add3A_59 : f32 to vector<512x1xf32>
    %add3A_61 = arith.addf %select_n3A, %add3A_60 : vector<512x1xf32>
    %sqrt3A = math.sqrt %add3A_61 : vector<512x1xf32>
    %div3A_62 = vector.broadcast %sqrt3A : vector<512x1xf32> to vector<512x128xf32>
    %div3A_63 = arith.divf %sub3A_58, %div3A_62 : vector<512x128xf32>
    %mul3A_64 = vector.broadcast %get3A_33 : vector<1x128xf32> to vector<512x128xf32>
    %mul3A_65 = arith.mulf %div3A_63, %mul3A_64 : vector<512x128xf32>
    %add3A_66 = vector.broadcast %get3A_36 : vector<1x128xf32> to vector<512x128xf32>
    %add3A_67 = arith.addf %mul3A_65, %add3A_66 : vector<512x128xf32>
    %max3A = arith.constant 0.000000e+00 : f32
    %max3A_68 = vector.broadcast %max3A : f32 to vector<512x128xf32>
    %max3A_69 = arith.maximumf %add3A_67, %max3A_68 : vector<512x128xf32>
    %get3A_70 = arith.constant 0 : index
    %get3A_71 = arith.constant 0 : index
    %get3A_72 = vector.load %arg9[%get3A_70, %get3A_71] : memref<128x128xf32, #tpu.memory_space<vmem>>, vector<128x128xf32>
    %dot_general3A = arith.constant dense<0.000000e+00> : vector<512x128xf32>
    %dot_general3A_73 = tpu.matmul %max3A_69, %get3A_72, %dot_general3A {dimension_numbers = #tpu.dot_dimension_numbers<[1], [0], [0], [1], [0, 0, 1, 1], [], []>, transpose_lhs_hint = false} : vector<512x128xf32>, vector<128x128xf32>, vector<512x128xf32> -> vector<512x128xf32>
    %get3A_74 = arith.constant 0 : index
    %get3A_75 = arith.constant 0 : index
    %get3A_76 = vector.load %arg10[%get3A_74, %get3A_75] : memref<1x128xf32, #tpu.memory_space<vmem>>, vector<1x128xf32>
    %add3A_77 = vector.broadcast %get3A_76 : vector<1x128xf32> to vector<512x128xf32>
    %add3A_78 = arith.addf %dot_general3A_73, %add3A_77 : vector<512x128xf32>
    %max3A_79 = arith.constant 0.000000e+00 : f32
    %max3A_80 = vector.broadcast %max3A_79 : f32 to vector<512x128xf32>
    %max3A_81 = arith.maximumf %add3A_78, %max3A_80 : vector<512x128xf32>
    %get3A_82 = arith.constant 0 : index
    %get3A_83 = arith.constant 0 : index
    %get3A_84 = vector.load %arg11[%get3A_82, %get3A_83] : memref<128x32xf32, #tpu.memory_space<vmem>>, vector<128x32xf32>
    %dot_general3A_85 = arith.constant dense<0.000000e+00> : vector<512x32xf32>
    %dot_general3A_86 = tpu.matmul %max3A_81, %get3A_84, %dot_general3A_85 {dimension_numbers = #tpu.dot_dimension_numbers<[1], [0], [0], [1], [0, 0, 1, 1], [], []>, transpose_lhs_hint = false} : vector<512x128xf32>, vector<128x32xf32>, vector<512x32xf32> -> vector<512x32xf32>
    %get3A_87 = arith.constant 0 : index
    %get3A_88 = arith.constant 0 : index
    %get3A_89 = vector.load %arg12[%get3A_87, %get3A_88] : memref<1x32xf32, #tpu.memory_space<vmem>>, vector<1x32xf32>
    %add3A_90 = vector.broadcast %get3A_89 : vector<1x32xf32> to vector<512x32xf32>
    %add3A_91 = arith.addf %dot_general3A_86, %add3A_90 : vector<512x32xf32>
    %max3A_92 = arith.constant 0.000000e+00 : f32
    %max3A_93 = vector.broadcast %max3A_92 : f32 to vector<512x32xf32>
    %max3A_94 = arith.maximumf %add3A_91, %max3A_93 : vector<512x32xf32>
    %get3A_95 = arith.constant 0 : index
    %get3A_96 = arith.constant 0 : index
    %get3A_97 = vector.load %arg13[%get3A_95, %get3A_96] : memref<32x1xf32, #tpu.memory_space<vmem>>, vector<32x1xf32>
    %dot_general3A_98 = arith.constant dense<0.000000e+00> : vector<512x1xf32>
    %dot_general3A_99 = tpu.matmul %max3A_94, %get3A_97, %dot_general3A_98 {dimension_numbers = #tpu.dot_dimension_numbers<[1], [0], [0], [1], [0, 0, 1, 1], [], []>, transpose_lhs_hint = false} : vector<512x32xf32>, vector<32x1xf32>, vector<512x1xf32> -> vector<512x1xf32>
    %get3A_100 = arith.constant 0 : index
    %get3A_101 = arith.constant 0 : index
    %get3A_102 = vector.load %arg14[%get3A_100, %get3A_101] : memref<1x1xf32, #tpu.memory_space<vmem>>, vector<1x1xf32>
    %add3A_103 = vector.broadcast %get3A_102 : vector<1x1xf32> to vector<512x1xf32>
    %add3A_104 = arith.addf %dot_general3A_99, %add3A_103 : vector<512x1xf32>
    %swap3A = arith.constant 0 : index
    %swap3A_105 = arith.constant 0 : index
    %swap3A_106 = vector.load %arg15[%swap3A, %swap3A_105] : memref<512x1xf32, #tpu.memory_space<vmem>>, vector<512x1xf32>
    tpu.vector_store %arg15[%swap3A, %swap3A_105], %add3A_104 {strides = array<i32>} : memref<512x1xf32, #tpu.memory_space<vmem>>, vector<512x1xf32>,
    return
  }
  func.func @transform_0(%arg0: i32) -> (i32, i32, i32) {
    %c0_i32 = arith.constant 0 : i32
    %c0_i32_0 = arith.constant 0 : i32
    %c0_i32_1 = arith.constant 0 : i32
    return %c0_i32, %arg0, %c0_i32_0 : i32, i32, i32
  }
  func.func @transform_1(%arg0: i32) -> (i32, i32, i32) {
    %c0_i32 = arith.constant 0 : i32
    %c0_i32_0 = arith.constant 0 : i32
    %c0_i32_1 = arith.constant 0 : i32
    return %c0_i32, %arg0, %c0_i32_0 : i32, i32, i32
  }
  func.func @transform_2(%arg0: i32) -> (i32, i32) {
    %c0_i32 = arith.constant 0 : i32
    %c0_i32_0 = arith.constant 0 : i32
    return %arg0, %c0_i32 : i32, i32
  }
  func.func @transform_3(%arg0: i32) -> (i32, i32) {
    %c0_i32 = arith.constant 0 : i32
    %c0_i32_0 = arith.constant 0 : i32
    return %arg0, %c0_i32 : i32, i32
  }
  func.func @transform_4(%arg0: i32) -> (i32, i32) {
    %c0_i32 = arith.constant 0 : i32
    %c0_i32_0 = arith.constant 0 : i32
    return %arg0, %c0_i32 : i32, i32
  }
  func.func @transform_5(%arg0: i32) -> (i32, i32) {
    %c0_i32 = arith.constant 0 : i32
    %c0_i32_0 = arith.constant 0 : i32
    %c0_i32_1 = arith.constant 0 : i32
    return %c0_i32, %c0_i32_0 : i32, i32
  }
  func.func @transform_6(%arg0: i32) -> (i32, i32) {
    %c0_i32 = arith.constant 0 : i32
    %c0_i32_0 = arith.constant 0 : i32
    %c0_i32_1 = arith.constant 0 : i32
    return %c0_i32, %c0_i32_0 : i32, i32
  }
  func.func @transform_7(%arg0: i32) -> (i32, i32) {
    %c0_i32 = arith.constant 0 : i32
    %c0_i32_0 = arith.constant 0 : i32
    %c0_i32_1 = arith.constant 0 : i32
    return %c0_i32, %c0_i32_0 : i32, i32
  }
  func.func @transform_8(%arg0: i32) -> (i32, i32) {
    %c0_i32 = arith.constant 0 : i32
    %c0_i32_0 = arith.constant 0 : i32
    %c0_i32_1 = arith.constant 0 : i32
    return %c0_i32, %c0_i32_0 : i32, i32
  }
  func.func @transform_9(%arg0: i32) -> (i32, i32) {
    %c0_i32 = arith.constant 0 : i32
    %c0_i32_0 = arith.constant 0 : i32
    %c0_i32_1 = arith.constant 0 : i32
    return %c0_i32, %c0_i32_0 : i32, i32
  }
  func.func @transform_10(%arg0: i32) -> (i32, i32) {
    %c0_i32 = arith.constant 0 : i32
    %c0_i32_0 = arith.constant 0 : i32
    %c0_i32_1 = arith.constant 0 : i32
    return %c0_i32, %c0_i32_0 : i32, i32
  }
  func.func @transform_11(%arg0: i32) -> (i32, i32) {
    %c0_i32 = arith.constant 0 : i32
    %c0_i32_0 = arith.constant 0 : i32
    %c0_i32_1 = arith.constant 0 : i32
    return %c0_i32, %c0_i32_0 : i32, i32
  }
  func.func @transform_12(%arg0: i32) -> (i32, i32) {
    %c0_i32 = arith.constant 0 : i32
    %c0_i32_0 = arith.constant 0 : i32
    %c0_i32_1 = arith.constant 0 : i32
    return %c0_i32, %c0_i32_0 : i32, i32
  }
  func.func @transform_13(%arg0: i32) -> (i32, i32) {
    %c0_i32 = arith.constant 0 : i32
    %c0_i32_0 = arith.constant 0 : i32
    %c0_i32_1 = arith.constant 0 : i32
    return %c0_i32, %c0_i32_0 : i32, i32
  }
  func.func @transform_14(%arg0: i32) -> (i32, i32) {
    %c0_i32 = arith.constant 0 : i32
    %c0_i32_0 = arith.constant 0 : i32
    return %arg0, %c0_i32 : i32, i32
  }
}

</mosaic_0001>

<sc_bundles>
// kernel: kernel.11.cloned.1.call-start
scs
__scs_entry_jumppad:
0x0: {  	(pc) =	sbr.rel $0x88, $3  }
0x1: {  	(tag) =	ssettag $0x0;
	lr =	simm.s32 $0x1  }
0x2: {  	[smem:$0x3F8D] =	sst lr;
	_ =	strace $0xD0000000  }
0x3: {  	_ = 	snop  }
0x4: {  	_ = 	snop  }
0x5: {  	_ = 	snop  }
0x6: {  	_ = 	snop  }
0x7: {  	_ = 	snop  }
__scs_overlays_trampoline_lowered:
0x8: {  	[smem:$0x3F9C] =	sst s0  }
0x9: {  	[smem:$0x3F9D] =	sst s1  }
0xa: {  	[smem:$0x3F9E] =	sst s2  }
0xb: {  	[smem:$0x3F9F] =	sst s3  }
0xc: {  	[smem:$0x3FA0] =	sst s4  }
0xd: {  	[smem:$0x3FA1] =	sst s5  }
0xe: {  	[smem:$0x3FA2] =	sst s6  }
0xf: {  	[smem:$0x3FA3] =	sst s7  }
0x10: {  	[smem:$0x3FA4] =	sst s8  }
0x11: {  	[smem:$0x3FA5] =	sst s9;
	s0 =	simm.s32 @!p0 $0x0  }
0x12: {  	s1 =	sld [smem:$0x3F8B];
	s0 =	simm.s32 @p0 $0x1  }
0x13: {  	[smem:$0x3FA6] =	sst s0;
	s0 =	simm.s32 @!p1 $0x0  }
0x14: {  	s2 =	sld [smem:$0x3F8A];
	s0 =	simm.s32 @p1 $0x1  }
0x15: {  	[smem:$0x3FA7] =	sst s0;
	s0 =	simm.s32 @!p2 $0x0  }
0x16: {  	s3 =	sld [smem:$0x3FDB];
	s0 =	simm.s32 @p2 $0x1  }
0x17: {  	s4 =	simm.s32 $0x1BF5;
	[smem:$0x3FA9] =	sst s0  }
0x18: {  	s0 =	sld [smem:$0x3F8C];
	_ =	swait.ge [sflag:s4], $0x0  }
0x19: {  	s7 =	sld [smem:$0x3F8D]  }
0x1a: {  	s8 =	sadd.s32 $0xFFFFE003, lr  }
0x1b: {  	s9 =	sadd.s32 $0xFFFFFEF7, lr;
	s5 =	simm.s32 $0xFFFFFFFF;
	p2 =	slt.u32 s8, $0xFFFFF086  }
0x1c: {  	p1 =	slt.u32 s9, $0xF7A;
	s5 =	simm.s32 @!p2 $0x0  }
0x1d: {  	s5 =	simm.s32 @p1 $0x1;
	p0 =	seq.s32 s7, s2  }
0x1e: {  	s7 =	smul.u32 @!p0 $0xF7A, s2;
	p2 =	seq.s32 @!p0 s5, $0x0  }
0x1f: {  	s9 =	smul.u32 $0xF7A, s1;
	s8 =	simm.s32 @!p0 $0x1BF5;
	p2 =	por !p2, p0  }
0x20: {  	[sflag:s8] =	ssyncset.s32 @!p0 $0xFFFFF086;
	s6 =	sadd.s32 @!p0 s3, s7;
	s7 =	simm.s32 @!p0 $0x108  }
0x21: {  	s3 =	sadd.s32 s3, s9;
	s6 =	sadd.s32 @!p0 $0x88, s6;
	s7 =	simm.s32 @p2 $0x1082  }
0x22: {  	[simem:s7], [sflag:s8] =	dma.local @!p0 [hbm:s6], $0xF7A  }
0x23: {  	s9 =	sor.u32 $0xD0000000, s2;
	s6 =	simm.s32 $0x108;
	_ =	swait.ge @!p0 [sflag:s8], $0x0  }
0x24: {  	s3 =	sadd.s32 $0x88, s3;
	s6 =	simm.s32 @!p1 $0x1082;
	[sflag:s4] =	ssyncset.s32 $0xFFFFF086  }
0x25: {  	[simem:s6], [sflag:s4] =	dma.local [hbm:s3], $0xF7A  }
0x26: {  	[smem:$0x3F8D] =	sst s1;
	(tag) =	ssettag s2;
	_ =	strace s9  }
0x27: {  	s1 =	sld [smem:$0x3F9D]  }
0x28: {  	s2 =	sld [smem:$0x3F9E]  }
0x29: {  	s4 =	sld [smem:$0x3FA0]  }
0x2a: {  	p0 =	seq.s32 s5, $0x0;
	s5 =	sld [smem:$0x3FA1]  }
0x2b: {  	s6 =	sld [smem:$0x3FA2]  }
0x2c: {  	s7 =	sld [smem:$0x3FA3]  }
0x2d: {  	s3 =	simm.s32 $0x108;
	s8 =	sld [smem:$0x3FA4]  }
0x2e: {  	s3 =	simm.s32 @!p0 $0x1082;
	s9 =	sld [smem:$0x3FA5]  }
0x2f: {  	lr =	sadd.s32 s0, s3;
	s0 =	sld [smem:$0x3F9C]  }
0x30: {  	s3 =	sld [smem:$0x3F9F]  }
0x31: {  	[smem:$0x3FA8] =	sst s10  }
0x32: {  	s10 =	sld [smem:$0x3FA6];
	_ =	sdelay $0x3  }
0x33: {  	p0 =	seq.s32 s10, $0x1;
	s10 =	sld [smem:$0x3FA8];
	_ =	sdelay $0x3  }
0x34: {  	[smem:$0x3FA8] =	sst s10  }
0x35: {  	s10 =	sld [smem:$0x3FA7];
	_ =	sdelay $0x3  }
0x36: {  	p1 =	seq.s32 s10, $0x1;
	s10 =	sld [smem:$0x3FA8];
	_ =	sdelay $0x3  }
0x37: {  	[smem:$0x3FA8] =	sst s10  }
0x38: {  	s10 =	sld [smem:$0x3FA9]  }
0x39: {  	_ = 	snop;
	(pc) =	sbr.ind lr, $3  }
0x3a: {  	_ = 	snop  }
0x3b: {  	_ = 	snop  }
0x3c: {  	p2 =	seq.s32 s10, $0x1;
	s10 =	sld [smem:$0x3FA8]  }
0x3d: {  	_ =	shalt  }
0x3e: {  	_ =	shalt  }
0x3f: {  	_ =	shalt  }
0x40: {  	_ =	shalt  }
0x41: {  	_ =	shalt  }
0x42: {  	_ =	shalt  }
0x43: {  	_ =	shalt  }
0x44: {  	_ =	shalt  }
0x45: {  	_ =	shalt  }
0x46: {  	_ =	shalt  }
0x47: {  	_ =	shalt  }
0x48: {  	_ =	shalt  }
0x49: {  	_ =	shalt  }
0x4a: {  	_ =	shalt  }
0x4b: {  	_ =	shalt  }
0x4c: {  	_ =	shalt  }
0x4d: {  	_ =	shalt  }
0x4e: {  	_ =	shalt  }
0x4f: {  	_ =	shalt  }
0x50: {  	_ =	shalt  }
0x51: {  	_ =	shalt  }
0x52: {  	_ =	shalt  }
0x53: {  	_ =	shalt  }
0x54: {  	_ =	shalt  }
0x55: {  	_ =	shalt  }
0x56: {  	_ =	shalt  }
0x57: {  	_ =	shalt  }
0x58: {  	_ =	shalt  }
0x59: {  	_ =	shalt  }
0x5a: {  	_ =	shalt  }
0x5b: {  	_ =	shalt  }
0x5c: {  	_ =	shalt  }
0x5d: {  	_ =	shalt  }
0x5e: {  	_ =	shalt  }
0x5f: {  	_ =	shalt  }
0x60: {  	_ =	shalt  }
0x61: {  	_ =	shalt  }
0x62: {  	_ =	shalt  }
0x63: {  	_ =	shalt  }
0x64: {  	_ =	shalt  }
0x65: {  	_ =	shalt  }
0x66: {  	_ =	shalt  }
0x67: {  	_ =	shalt  }
0x68: {  	_ =	shalt  }
0x69: {  	_ =	shalt  }
0x6a: {  	_ =	shalt  }
0x6b: {  	_ =	shalt  }
0x6c: {  	_ =	shalt  }
0x6d: {  	_ =	shalt  }
0x6e: {  	_ =	shalt  }
0x6f: {  	_ =	shalt  }
0x70: {  	_ =	shalt  }
0x71: {  	_ =	shalt  }
0x72: {  	_ =	shalt  }
0x73: {  	_ =	shalt  }
0x74: {  	_ =	shalt  }
0x75: {  	_ =	shalt  }
0x76: {  	_ =	shalt  }
0x77: {  	_ =	shalt  }
0x78: {  	_ =	shalt  }
0x79: {  	_ =	shalt  }
0x7a: {  	_ =	shalt  }
0x7b: {  	_ =	shalt  }
0x7c: {  	_ =	shalt  }
0x7d: {  	_ =	shalt  }
0x7e: {  	_ =	shalt  }
0x7f: {  	_ =	shalt  }
0x80: {  	_ =	shalt  }
0x81: {  	_ =	shalt  }
0x82: {  	_ =	shalt  }
0x83: {  	_ =	shalt  }
0x84: {  	_ =	shalt  }
0x85: {  	_ =	shalt  }
0x86: {  	_ =	shalt  }
0x87: {  	_ =	shalt  }
.Lfunc_end0:
.L_simem_size_0:
called_computation_lowered:
.L_overlay_start_0:
0x88: {  	s2 =	sld [smem:$0x3FD9]  }
0x89: {  	s3 =	sld [smem:$0x3FFE];
	_ =	sdelay $0x1  }
0x8a: {  	s1 =	srdreg.scid  }
0x8b: {  	s0 =	sand.u32 $0x1, s1  }
0x8c: {  	s16 =	sshll.u32 s0, $0xA;
	s2 =	sadd.s32 s3, s2  }
0x8d: {  	s2 =	sadd.s32 s2, s16  }
0x8e: {  	[smem:$0x3FB4] =	sst s2  }
0x8f: {  	_ = 	snop  }
0x90: {  	(tm) =	ssettm $0x1  }
0x91: {  	s17 =	sld [smem:$0x3FFB];
	_ =	sdelay $0x3  }
0x92: {  	_ =	strace s17  }
0x93: {  	s2 =	sld [smem:$0x3FFC];
	_ =	sdelay $0x3  }
0x94: {  	_ =	strace s2  }
0x95: {  	s2 =	sld [smem:$0x3FFD];
	_ =	sdelay $0x3  }
0x96: {  	_ =	strace s2  }
0x97: {  	_ =	strace $0x8FFFFFFF  }
0x98: {  	s18 =	sld [smem:$0x3FDB];
	_ =	sdelay $0x1  }
0x99: {  	s19 =	simm.s32 $_scs_section_size  }
0x9a: {  	s4 =	simm.s32 $_size__tile_overlayer_lowered;
	s5 =	simm.s32 $_tile_overlayer_lowered  }
0x9b: {  	s22 =	simm.s32 $0x1BFF;
	s21 =	sshll.u32 s5, $0x1;
	s2 =	sadd.s32 s19, s18  }
0x9c: {  	s6 =	simm.s32 $0x0;
	s20 =	sshll.u32 s4, $0x1;
	s4 =	sadd.s32 s21, s2  }
0x9d: {  	[timem:s6], [sflag:s22] =	dma.local [hbm:s4], s20  }
0x9e: {  	_ =	swait.ge [sflag:s22], s20  }
0x9f: {  	s3 =	ssub.s32 $0x0, s20;
	[sflag:s22] =	ssyncset.done $0x0  }
0xa0: {  	[sflag:s22] =	ssyncadd.s32 s3;
	_ =	sdelay $0x1  }
0xa1: {  	s23 =	simm.s32 $0x1B8B  }
0xa2: {  	_ =	swait.ge [sflag:s23], $0x1  }
0xa3: {  	[sflag:s23] =	ssyncset.done $0x0  }
0xa4: {  	s25 =	simm.s32 $0x1B8E;
	s24 =	sld [smem:$0x3FFE];
	[sflag:s23] =	ssyncadd.s32 $0xFFFFFFFF  }
0xa5: {  	s26 =	simm.s32 $execute0_lowered;
	[smem:$0x3FD2] =	sst s25  }
0xa6: {  	s4 =	sshll.u32 s26, $0x1;
	_ =	strace $0x80000046;
	[dreg:$0x1] =	wrdreg $0xFFFFFFFF  }
0xa7: {  	s28 =	simm.s32 $_size_execute0_lowered;
	s2 =	sadd.s32 s2, s4;
	[dreg:$0x0] =	wrdreg $0x0  }
0xa8: {  	s4 =	sshll.u32 s28, $0x1;
	[dreg:$0x2] =	wrdreg s2  }
0xa9: {  	[dreg:$0x3] =	wrdreg s4  }
0xaa: {  	[dreg:$0x4] =	wrdreg $0xC0  }
0xab: {  	_ =	task [dreg:s6], $0x5FFFF  }
0xac: {  	[dreg:$0x1] =	wrdreg $0xFFFFFFFF  }
0xad: {  	[dreg:$0x0] =	wrdreg $0x60  }
0xae: {  	[dreg:$0x2] =	wrdreg s24  }
0xaf: {  	[dreg:$0x3] =	wrdreg $0x0  }
0xb0: {  	[dreg:$0x4] =	wrdreg $0x9  }
0xb1: {  	_ =	task.clear_ibuf [dreg:s6], $0x5FFFF;
	_ =	strace $0x90000046  }
0xb2: {  	s29 =	simm.s32 $0x9;
	_ =	strace $0x80000048  }
0xb3: {  	_ =	swait.ge [sflag:s29], $0x1  }
0xb4: {  	[sflag:s29] =	ssyncadd.s32 $0xFFFFFFFF  }
0xb5: {  	_ =	strace $0x90000048  }
0xb6: {  	_ =	sfence  }
0xb7: {  	s30 =	sld [smem:$0x0];
	_ =	sdelay $0x2  }
0xb8: {  	s31 =	sshll.u32 s1, $0xD;
	s1 =	sshrl.u32 s1, $0x2  }
0xb9: {  	s3 =	sand.u32 $0x4000, s31;
	s1 =	sadd.s32 s1, s30  }
0xba: {  	s0 =	sor.u32 s3, s0;
	s1 =	sshll.u32 s1, $0x11  }
0xbb: {  	s0 =	sor.u32 s1, s0  }
0xbc: {  	s0 =	sadd.s32 $0x8F2B, s0  }
0xbd: {  	[sflag:s0] =	ssyncadd.remote.s32 $0x1  }
0xbe: {  	_ =	sfence.sel $0xFFFF  }
0xbf: {  	[dreg:$0x0] =	wrdreg $0xFFFFFFFF;
	(pc) =	sbr.abs _section_cstart, $3  }
0xc0: {  	[dreg:$0x1] =	wrdreg $0xFFFFFFFF  }
0xc1: {  	_ =	task.clear_ibuf [dreg:s6], $0x2FFFF;
	_ =	strace $0x9FFFFFFF  }
0xc2: {  	(tm) =	ssettm $0x7FFFFFFF  }
0xc3: {  	_ =	shalt  }
tec
execute0_lowered:
.L_overlay_start_1:
0x0: {  	(tag) =	ssettag $0x1  }
0x1: {  	s5 =	rddreg [dreg:$0x0]  }
0x2: {  	s2 =	rddreg [dreg:$0x1]  }
0x3: {  	s3 =	srdreg.scid;
	s1 =	stileid.u32  }
0x4: {  	s0 =	rddreg [dreg:$0x2];
	s13 =	simm.s32 $0x1;
	s14 =	simm.s32 $0x2800  }
0x5: {  	s15 =	simm.s32 $0x80;
	s16 =	simm.s32 $0x5800;
	s6 =	sand.u32 $0x1, s3  }
0x6: {  	s4 =	sshll.u32 s1, $0x1;
	s3 =	simm.s32 $0x0;
	s7 =	smul.u32 $0x2800, s1  }
0x7: {  	s10 =	smul.u32 $0xA000, s1;
	s17 =	sshll.u32 s1, $0x6;
	s4 =	sor.u32 s6, s4  }
0x8: {  	[smem:$0x7FF] =	sst s3;
	p0 =	seq.s32 s6, $0x1;
	s6 =	ssub.s32 $0x2, s6  }
0x9: {  	s17 =	sor.u32 $0x1C01, s17;
	s8 =	smul.u32 $0x500, s4;
	s9 =	sadd.s32 $0x28000, s7  }
0xa: {  	s4 =	sadd.s32 s7, s2;
	_ =	strace $0x80000047;
	s30 =	sshrl.u32 s6, $0x1  }
0xb: {  	s29 =	sshrl.u32 s10, $0x2;
	s7 =	smov.u32 @p0 s9;
	s31 =	ssub.s32 s6, s30  }
0xc: {  	s11 =	sadd.s32 s8, s5;
	s7 =	sshrl.u32 s7, $0x3;
	s8 =	sadd.s32 s29, s2  }
0xd: {  	s10 =	smax.u32 s31, $0x1;
	s12 =	sadd.s32 s7, s5;
	s5 =	sadd.s32 $0x800, s8  }
0xe: {  	s6 =	sadd.s32 $0x1000, s8;
	s7 =	sadd.s32 $0x1800, s8;
	s8 =	sadd.s32 $0x2000, s8  }
0xf: {  	v0 =	vimm.f32 $0.0e+00;
	v1 =	vimm.f32 $1.000000000e+00;
	s9 =	sadd.s32 $0x4400, s11;
	s11 =	sadd.s32 $0xE400, s12;
	s12 =	simm.s32 $0x5000  }
.LBB2_1:
0x10: {  	s18 =	simm.s32 $0x0  }
.LBB2_2:
0x11: {  	p0 =	sne.s32 s18, $0x1FC0  }
.Ltmp0:
0x12: {  	_ = 	snop;
	(pc) =	sbr.rel @p0 .LBB2_2-.Ltmp0, $3  }
0x13: {  	_ =	sdelay $0x1  }
0x14: {  	s19 =	sshra.s32 s18, $0x2  }
0x15: {  	s18 =	sadd.s32 $0x40, s18;
	[tilespmem:s19+$0x5000] =	vst v0  }
0x16: {  	s18 =	simm.s32 $0x40;
	s19 =	simm.s32 $0x0  }
.LBB2_4:
0x17: {  	p0 =	sne.s32 s18, $0x1FC0;
	[tilespmem:s19+$0x5800] =	vst v1;
	s19 =	smov.u32 s18;
	s18 =	sadd.s32 $0x40, s18  }
.Ltmp1:
0x18: {  	(pc) =	sbr.rel @p0 .LBB2_4-.Ltmp1, $2  }
0x19: {  	_ =	sdelay $0x2  }
0x1a: {  	s19 =	sshra.s32 s19, $0x2  }
0x1b: {  	[tilespmem:s19+$0x5800] =	vst v1  }
0x1c: {  	[spmem:s4] =	stream.linear.scatter [tilespmem:s12], [sflag:$0x1], $0x800, $0x38;
	[tilespmem:$0x6000] =	vst v63  }
0x1d: {  	_ =	swait.ge [sflag:s13], $0x800  }
0x1e: {  	[sflag:s13] =	ssyncset.done $0x0  }
0x1f: {  	[sflag:s13] =	ssyncadd.s32 $0xFFFFF800  }
0x20: {  	[spmem:s5] =	stream.linear.scatter [tilespmem:s12], [sflag:$0x1], $0x800, $0x38;
	[tilespmem:$0x6000] =	vst v63  }
0x21: {  	_ =	swait.ge [sflag:s13], $0x800  }
0x22: {  	[sflag:s13] =	ssyncset.done $0x0  }
0x23: {  	[sflag:s13] =	ssyncadd.s32 $0xFFFFF800  }
0x24: {  	[spmem:s6] =	stream.linear.scatter [tilespmem:s12], [sflag:$0x1], $0x800, $0x38;
	[tilespmem:$0x6000] =	vst v63  }
0x25: {  	_ =	swait.ge [sflag:s13], $0x800  }
0x26: {  	[sflag:s13] =	ssyncset.done $0x0  }
0x27: {  	[sflag:s13] =	ssyncadd.s32 $0xFFFFF800  }
0x28: {  	[spmem:s7] =	stream.linear.scatter [tilespmem:s12], [sflag:$0x1], $0x800, $0x38;
	[tilespmem:$0x6000] =	vst v63  }
0x29: {  	_ =	swait.ge [sflag:s13], $0x800  }
0x2a: {  	[sflag:s13] =	ssyncset.done $0x0  }
0x2b: {  	[sflag:s13] =	ssyncadd.s32 $0xFFFFF800  }
0x2c: {  	[spmem:s8] =	stream.linear.scatter [tilespmem:s12], [sflag:$0x1], $0x800, $0x38;
	[tilespmem:$0x6000] =	vst v63  }
0x2d: {  	_ =	swait.ge [sflag:s13], $0x800  }
0x2e: {  	[sflag:s13] =	ssyncset.done $0x0  }
0x2f: {  	s18 =	simm.s32 $0x0;
	[sflag:s13] =	ssyncadd.s32 $0xFFFFF800  }
0x30: {  	[tilespmem:s14], [sflag:$0x1] =	stream.linear.gather [hbm4b:s9+s18], $0x2800, $0x38;
	[tilespmem:$0x6000] =	vst v63  }
0x31: {  	_ =	swait.ge [sflag:s13], $0x2800  }
0x32: {  	[sflag:s13] =	ssyncset.done $0x0  }
0x33: {  	[sflag:s13] =	ssyncadd.s32 $0xFFFFD800  }
0x34: {  	s31 =	simm.s32 $0x2800;
	[bflag:$0x0] =	sbarrier.arrive $0xFFFF  }
0x35: {  	[spmem:s2] =	stream.indirect.scatter.add.f32 [tilespmem:s16], [sflag:$0x1], $0x10, s31, s15, $0xb8;
	[tilespmem:$0x6000] =	vst v63  }
0x36: {  	s18 =	simm.s32 $0x200;
	_ =	swait.ge [sflag:s13], $0x800  }
.LBB2_6:
0x37: {  	s19 =	sshra.s32 s18, $0x2;
	[sflag:s13] =	ssyncset.done $0x0;
	p0 =	sne.s32 s18, $0x9E00  }
.Ltmp2:
0x38: {  	s19 =	sadd.s32 $0x2800, s19;
	[sflag:s13] =	ssyncadd.s32 $0xFFFFF800;
	(pc) =	sbr.rel @p0 .LBB2_6-.Ltmp2, $3  }
0x39: {  	[spmem:s2] =	stream.indirect.scatter.add.f32 [tilespmem:s16], [sflag:$0x1], $0x10, s19, s15, $0xb8;
	[tilespmem:$0x6000] =	vst v63  }
0x3a: {  	s18 =	sadd.s32 $0x200, s18;
	_ =	sdelay $0x1  }
0x3b: {  	_ =	swait.ge [sflag:s13], $0x800  }
0x3c: {  	[sflag:s13] =	ssyncset.done $0x0;
	s3 =	sadd.s32 $0x1, s3  }
0x3d: {  	[sflag:s13] =	ssyncadd.s32 $0xFFFFF800;
	p0 =	sne.s32 s3, s10  }
.Ltmp3:
0x3e: {  	s18 =	sshrl.u32 s4, $0x3;
	[bflag:$0x0] =	sbarrier.arrive $0xFFFF;
	(pc) =	sbr.rel @p0 .LBB2_1-.Ltmp3, $4  }
0x3f: {  	[hbm:s11], [sflag:s17] =	dma.local [spmem:s18], $0x500  }
0x40: {  	_ =	swait.ge [sflag:s13], $0x500  }
0x41: {  	[sflag:s13] =	ssyncset.done $0x0  }
0x42: {  	[sflag:s13] =	ssyncadd.s32 $0xFFFFFB00  }
0x43: {  	_ =	sfence.sel $0x180000  }
0x44: {  	[bflag:$0x0] =	sbarrier.arrive $0xFFFF  }
0x45: {  	p0 =	sne.s32 s1, $0x0;
	_ =	strace $0x90000047  }
0x46: {  	s0 =	sadd.s32 @!p0 $0x100000, s0;
	[bflag:$0x2] =	sbarrier.arrive $0xFFFF  }
0x47: {  	[sflag:s0] =	ssyncadd.tile.s32 @!p0 $0x1;
	_ =	shalt  }
.Lfunc_end2:
_tile_overlayer_lowered:
.L_overlay_start_2:
0x48: {  	(tag) =	ssettag $0x2  }
0x49: {  	s0 =	rddreg [dreg:$0x0];
	s2 =	stileid.u32  }
0x4a: {  	s1 =	rddreg [dreg:$0x1];
	p0 =	sne.s32 s2, $0x0  }
0x4b: {  	s3 =	rddreg [dreg:$0x2];
	[bflag:$0x3] =	sbarrier.arrive $0xFFFF;
	s2 =	simm.s32 @!p0 $0x1C01  }
0x4c: {  	[timem:s3], [sflag:s2] =	dma.local @!p0 [hbm:s0], s1  }
0x4d: {  	s0 =	simm.s32 @!p0 $0x1  }
0x4e: {  	_ =	swait.ge @!p0 [sflag:s0], s1  }
0x4f: {  	s1 =	ssub.s32 @!p0 $0x0, s1;
	[sflag:s0] =	ssyncset.done @!p0 $0x0  }
0x50: {  	[sflag:s0] =	ssyncadd.s32 @!p0 s1  }
0x51: {  	[bflag:$0x3] =	sbarrier.arrive $0xFFFF  }
0x52: {  	_ =	shalt  }

// kernel: kernel.14.cloned.1.call-start
scs
__scs_entry_jumppad:
0x0: {  	(pc) =	sbr.rel $0x88, $3  }
0x1: {  	(tag) =	ssettag $0x0;
	lr =	simm.s32 $0x1  }
0x2: {  	[smem:$0x3F8D] =	sst lr;
	_ =	strace $0xD0000000  }
0x3: {  	_ = 	snop  }
0x4: {  	_ = 	snop  }
0x5: {  	_ = 	snop  }
0x6: {  	_ = 	snop  }
0x7: {  	_ = 	snop  }
__scs_overlays_trampoline_lowered:
0x8: {  	[smem:$0x3F9C] =	sst s0  }
0x9: {  	[smem:$0x3F9D] =	sst s1  }
0xa: {  	[smem:$0x3F9E] =	sst s2  }
0xb: {  	[smem:$0x3F9F] =	sst s3  }
0xc: {  	[smem:$0x3FA0] =	sst s4  }
0xd: {  	[smem:$0x3FA1] =	sst s5  }
0xe: {  	[smem:$0x3FA2] =	sst s6  }
0xf: {  	[smem:$0x3FA3] =	sst s7  }
0x10: {  	[smem:$0x3FA4] =	sst s8  }
0x11: {  	[smem:$0x3FA5] =	sst s9;
	s0 =	simm.s32 @!p0 $0x0  }
0x12: {  	s1 =	sld [smem:$0x3F8B];
	s0 =	simm.s32 @p0 $0x1  }
0x13: {  	[smem:$0x3FA6] =	sst s0;
	s0 =	simm.s32 @!p1 $0x0  }
0x14: {  	s2 =	sld [smem:$0x3F8A];
	s0 =	simm.s32 @p1 $0x1  }
0x15: {  	[smem:$0x3FA7] =	sst s0;
	s0 =	simm.s32 @!p2 $0x0  }
0x16: {  	s3 =	sld [smem:$0x3FDB];
	s0 =	simm.s32 @p2 $0x1  }
0x17: {  	s4 =	simm.s32 $0x1BF5;
	[smem:$0x3FA9] =	sst s0  }
0x18: {  	s0 =	sld [smem:$0x3F8C];
	_ =	swait.ge [sflag:s4], $0x0  }
0x19: {  	s7 =	sld [smem:$0x3F8D]  }
0x1a: {  	s8 =	sadd.s32 $0xFFFFE003, lr  }
0x1b: {  	s9 =	sadd.s32 $0xFFFFFEF7, lr;
	s5 =	simm.s32 $0xFFFFFFFF;
	p2 =	slt.u32 s8, $0xFFFFF086  }
0x1c: {  	p1 =	slt.u32 s9, $0xF7A;
	s5 =	simm.s32 @!p2 $0x0  }
0x1d: {  	s5 =	simm.s32 @p1 $0x1;
	p0 =	seq.s32 s7, s2  }
0x1e: {  	s7 =	smul.u32 @!p0 $0xF7A, s2;
	p2 =	seq.s32 @!p0 s5, $0x0  }
0x1f: {  	s9 =	smul.u32 $0xF7A, s1;
	s8 =	simm.s32 @!p0 $0x1BF5;
	p2 =	por !p2, p0  }
0x20: {  	[sflag:s8] =	ssyncset.s32 @!p0 $0xFFFFF086;
	s6 =	sadd.s32 @!p0 s3, s7;
	s7 =	simm.s32 @!p0 $0x108  }
0x21: {  	s3 =	sadd.s32 s3, s9;
	s6 =	sadd.s32 @!p0 $0x88, s6;
	s7 =	simm.s32 @p2 $0x1082  }
0x22: {  	[simem:s7], [sflag:s8] =	dma.local @!p0 [hbm:s6], $0xF7A  }
0x23: {  	s9 =	sor.u32 $0xD0000000, s2;
	s6 =	simm.s32 $0x108;
	_ =	swait.ge @!p0 [sflag:s8], $0x0  }
0x24: {  	s3 =	sadd.s32 $0x88, s3;
	s6 =	simm.s32 @!p1 $0x1082;
	[sflag:s4] =	ssyncset.s32 $0xFFFFF086  }
0x25: {  	[simem:s6], [sflag:s4] =	dma.local [hbm:s3], $0xF7A  }
0x26: {  	[smem:$0x3F8D] =	sst s1;
	(tag) =	ssettag s2;
	_ =	strace s9  }
0x27: {  	s1 =	sld [smem:$0x3F9D]  }
0x28: {  	s2 =	sld [smem:$0x3F9E]  }
0x29: {  	s4 =	sld [smem:$0x3FA0]  }
0x2a: {  	p0 =	seq.s32 s5, $0x0;
	s5 =	sld [smem:$0x3FA1]  }
0x2b: {  	s6 =	sld [smem:$0x3FA2]  }
0x2c: {  	s7 =	sld [smem:$0x3FA3]  }
0x2d: {  	s3 =	simm.s32 $0x108;
	s8 =	sld [smem:$0x3FA4]  }
0x2e: {  	s3 =	simm.s32 @!p0 $0x1082;
	s9 =	sld [smem:$0x3FA5]  }
0x2f: {  	lr =	sadd.s32 s0, s3;
	s0 =	sld [smem:$0x3F9C]  }
0x30: {  	s3 =	sld [smem:$0x3F9F]  }
0x31: {  	[smem:$0x3FA8] =	sst s10  }
0x32: {  	s10 =	sld [smem:$0x3FA6];
	_ =	sdelay $0x3  }
0x33: {  	p0 =	seq.s32 s10, $0x1;
	s10 =	sld [smem:$0x3FA8];
	_ =	sdelay $0x3  }
0x34: {  	[smem:$0x3FA8] =	sst s10  }
0x35: {  	s10 =	sld [smem:$0x3FA7];
	_ =	sdelay $0x3  }
0x36: {  	p1 =	seq.s32 s10, $0x1;
	s10 =	sld [smem:$0x3FA8];
	_ =	sdelay $0x3  }
0x37: {  	[smem:$0x3FA8] =	sst s10  }
0x38: {  	s10 =	sld [smem:$0x3FA9]  }
0x39: {  	_ = 	snop;
	(pc) =	sbr.ind lr, $3  }
0x3a: {  	_ = 	snop  }
0x3b: {  	_ = 	snop  }
0x3c: {  	p2 =	seq.s32 s10, $0x1;
	s10 =	sld [smem:$0x3FA8]  }
0x3d: {  	_ =	shalt  }
0x3e: {  	_ =	shalt  }
0x3f: {  	_ =	shalt  }
0x40: {  	_ =	shalt  }
0x41: {  	_ =	shalt  }
0x42: {  	_ =	shalt  }
0x43: {  	_ =	shalt  }
0x44: {  	_ =	shalt  }
0x45: {  	_ =	shalt  }
0x46: {  	_ =	shalt  }
0x47: {  	_ =	shalt  }
0x48: {  	_ =	shalt  }
0x49: {  	_ =	shalt  }
0x4a: {  	_ =	shalt  }
0x4b: {  	_ =	shalt  }
0x4c: {  	_ =	shalt  }
0x4d: {  	_ =	shalt  }
0x4e: {  	_ =	shalt  }
0x4f: {  	_ =	shalt  }
0x50: {  	_ =	shalt  }
0x51: {  	_ =	shalt  }
0x52: {  	_ =	shalt  }
0x53: {  	_ =	shalt  }
0x54: {  	_ =	shalt  }
0x55: {  	_ =	shalt  }
0x56: {  	_ =	shalt  }
0x57: {  	_ =	shalt  }
0x58: {  	_ =	shalt  }
0x59: {  	_ =	shalt  }
0x5a: {  	_ =	shalt  }
0x5b: {  	_ =	shalt  }
0x5c: {  	_ =	shalt  }
0x5d: {  	_ =	shalt  }
0x5e: {  	_ =	shalt  }
0x5f: {  	_ =	shalt  }
0x60: {  	_ =	shalt  }
0x61: {  	_ =	shalt  }
0x62: {  	_ =	shalt  }
0x63: {  	_ =	shalt  }
0x64: {  	_ =	shalt  }
0x65: {  	_ =	shalt  }
0x66: {  	_ =	shalt  }
0x67: {  	_ =	shalt  }
0x68: {  	_ =	shalt  }
0x69: {  	_ =	shalt  }
0x6a: {  	_ =	shalt  }
0x6b: {  	_ =	shalt  }
0x6c: {  	_ =	shalt  }
0x6d: {  	_ =	shalt  }
0x6e: {  	_ =	shalt  }
0x6f: {  	_ =	shalt  }
0x70: {  	_ =	shalt  }
0x71: {  	_ =	shalt  }
0x72: {  	_ =	shalt  }
0x73: {  	_ =	shalt  }
0x74: {  	_ =	shalt  }
0x75: {  	_ =	shalt  }
0x76: {  	_ =	shalt  }
0x77: {  	_ =	shalt  }
0x78: {  	_ =	shalt  }
0x79: {  	_ =	shalt  }
0x7a: {  	_ =	shalt  }
0x7b: {  	_ =	shalt  }
0x7c: {  	_ =	shalt  }
0x7d: {  	_ =	shalt  }
0x7e: {  	_ =	shalt  }
0x7f: {  	_ =	shalt  }
0x80: {  	_ =	shalt  }
0x81: {  	_ =	shalt  }
0x82: {  	_ =	shalt  }
0x83: {  	_ =	shalt  }
0x84: {  	_ =	shalt  }
0x85: {  	_ =	shalt  }
0x86: {  	_ =	shalt  }
0x87: {  	_ =	shalt  }
.Lfunc_end0:
.L_simem_size_0:
called_computation.1_lowered:
.L_overlay_start_0:
0x88: {  	s2 =	sld [smem:$0x3FD9]  }
0x89: {  	s3 =	sld [smem:$0x3FFE];
	_ =	sdelay $0x1  }
0x8a: {  	s1 =	srdreg.scid  }
0x8b: {  	s0 =	sand.u32 $0x1, s1  }
0x8c: {  	s16 =	sshll.u32 s0, $0xA;
	s2 =	sadd.s32 s3, s2  }
0x8d: {  	s2 =	sadd.s32 s2, s16  }
0x8e: {  	[smem:$0x3FB4] =	sst s2  }
0x8f: {  	_ = 	snop  }
0x90: {  	(tm) =	ssettm $0x1  }
0x91: {  	s17 =	sld [smem:$0x3FFB];
	_ =	sdelay $0x3  }
0x92: {  	_ =	strace s17  }
0x93: {  	s2 =	sld [smem:$0x3FFC];
	_ =	sdelay $0x3  }
0x94: {  	_ =	strace s2  }
0x95: {  	s2 =	sld [smem:$0x3FFD];
	_ =	sdelay $0x3  }
0x96: {  	_ =	strace s2  }
0x97: {  	_ =	strace $0x8FFFFFFF  }
0x98: {  	s18 =	sld [smem:$0x3FDB];
	_ =	sdelay $0x1  }
0x99: {  	s19 =	simm.s32 $_scs_section_size  }
0x9a: {  	s4 =	simm.s32 $_size__tile_overlayer_lowered;
	s5 =	simm.s32 $_tile_overlayer_lowered  }
0x9b: {  	s22 =	simm.s32 $0x1BFF;
	s21 =	sshll.u32 s5, $0x1;
	s2 =	sadd.s32 s19, s18  }
0x9c: {  	s6 =	simm.s32 $0x0;
	s20 =	sshll.u32 s4, $0x1;
	s4 =	sadd.s32 s21, s2  }
0x9d: {  	[timem:s6], [sflag:s22] =	dma.local [hbm:s4], s20  }
0x9e: {  	_ =	swait.ge [sflag:s22], s20  }
0x9f: {  	s3 =	ssub.s32 $0x0, s20;
	[sflag:s22] =	ssyncset.done $0x0  }
0xa0: {  	[sflag:s22] =	ssyncadd.s32 s3;
	_ =	sdelay $0x1  }
0xa1: {  	s23 =	simm.s32 $0x1B8B  }
0xa2: {  	_ =	swait.ge [sflag:s23], $0x1  }
0xa3: {  	[sflag:s23] =	ssyncset.done $0x0  }
0xa4: {  	s25 =	simm.s32 $0x1B8E;
	s24 =	sld [smem:$0x3FFE];
	[sflag:s23] =	ssyncadd.s32 $0xFFFFFFFF  }
0xa5: {  	s26 =	simm.s32 $execute0_lowered;
	[smem:$0x3FD2] =	sst s25  }
0xa6: {  	s4 =	sshll.u32 s26, $0x1;
	_ =	strace $0x80000049;
	[dreg:$0x1] =	wrdreg $0xFFFFFFFF  }
0xa7: {  	s28 =	simm.s32 $_size_execute0_lowered;
	s2 =	sadd.s32 s2, s4;
	[dreg:$0x0] =	wrdreg $0x0  }
0xa8: {  	s4 =	sshll.u32 s28, $0x1;
	[dreg:$0x2] =	wrdreg s2  }
0xa9: {  	[dreg:$0x3] =	wrdreg s4  }
0xaa: {  	[dreg:$0x4] =	wrdreg $0xC0  }
0xab: {  	_ =	task [dreg:s6], $0x5FFFF  }
0xac: {  	[dreg:$0x1] =	wrdreg $0xFFFFFFFF  }
0xad: {  	[dreg:$0x0] =	wrdreg $0x60  }
0xae: {  	[dreg:$0x2] =	wrdreg s24  }
0xaf: {  	[dreg:$0x3] =	wrdreg $0x0  }
0xb0: {  	[dreg:$0x4] =	wrdreg $0xA0000  }
0xb1: {  	[dreg:$0x5] =	wrdreg $0x9  }
0xb2: {  	_ =	task.clear_ibuf [dreg:s6], $0x6FFFF;
	_ =	strace $0x90000049  }
0xb3: {  	s29 =	simm.s32 $0x9;
	_ =	strace $0x8000004B  }
0xb4: {  	_ =	swait.ge [sflag:s29], $0x1  }
0xb5: {  	[sflag:s29] =	ssyncadd.s32 $0xFFFFFFFF  }
0xb6: {  	_ =	strace $0x9000004B  }
0xb7: {  	_ =	sfence  }
0xb8: {  	s30 =	sld [smem:$0x0];
	_ =	sdelay $0x2  }
0xb9: {  	s31 =	sshll.u32 s1, $0xD;
	s1 =	sshrl.u32 s1, $0x2  }
0xba: {  	s3 =	sand.u32 $0x4000, s31;
	s1 =	sadd.s32 s1, s30  }
0xbb: {  	s0 =	sor.u32 s3, s0;
	s1 =	sshll.u32 s1, $0x11  }
0xbc: {  	s0 =	sor.u32 s1, s0  }
0xbd: {  	s0 =	sadd.s32 $0x8F2B, s0  }
0xbe: {  	[sflag:s0] =	ssyncadd.remote.s32 $0x1  }
0xbf: {  	_ =	sfence.sel $0xFFFF  }
0xc0: {  	[dreg:$0x0] =	wrdreg $0xFFFFFFFF;
	(pc) =	sbr.abs _section_cstart, $3  }
0xc1: {  	[dreg:$0x1] =	wrdreg $0xFFFFFFFF  }
0xc2: {  	_ =	task.clear_ibuf [dreg:s6], $0x2FFFF;
	_ =	strace $0x9FFFFFFF  }
0xc3: {  	(tm) =	ssettm $0x7FFFFFFF  }
tec
execute0_lowered:
.L_overlay_start_1:
0x0: {  	(tag) =	ssettag $0x1  }
0x1: {  	s0 =	rddreg [dreg:$0x0]  }
0x2: {  	s2 =	rddreg [dreg:$0x1]  }
0x3: {  	s3 =	rddreg [dreg:$0x2];
	s1 =	stileid.u32;
	s4 =	simm.s32 $0x0  }
0x4: {  	s5 =	srdreg.scid;
	s16 =	simm.s32 $0x14000;
	s17 =	simm.s32 $0x16800  }
0x5: {  	s18 =	simm.s32 $0x19000;
	s19 =	simm.s32 $0x4;
	s22 =	simm.s32 $0x1  }
0x6: {  	s23 =	simm.s32 $0x80;
	s25 =	simm.s32 $0x1B000;
	s26 =	simm.s32 $0x2  }
0x7: {  	s29 =	simm.s32 $0x1D000;
	s31 =	simm.s32 $0x3;
	s24 =	simm.s32 $0x0  }
0x8: {  	s12 =	smul.u32 $0xA000, s1;
	[smem:$0x7FF] =	sst s4;
	s5 =	sand.u32 $0x1, s5  }
0x9: {  	s6 =	sshll.u32 s1, $0x1;
	s9 =	smul.u32 $0x28000, s1;
	s20 =	sadd.s32 $0x96000, s3  }
0xa: {  	_ =	strace $0x8000004A;
	s6 =	sor.u32 s5, s6;
	p0 =	seq.s32 s5, $0x1  }
0xb: {  	s5 =	ssub.s32 $0x2, s5;
	s7 =	sshrl.u32 s12, $0x3;
	s6 =	smul.u32 $0x500, s6  }
0xc: {  	s28 =	sshrl.u32 s5, $0x1;
	s30 =	sshrl.u32 s9, $0x2;
	s21 =	sadd.s32 s12, s3  }
0xd: {  	s13 =	sadd.s32 s7, s0;
	s8 =	sadd.s32 $0x14000, s7;
	s14 =	ssub.s32 s5, s28  }
0xe: {  	s11 =	sadd.s32 s30, s2;
	s6 =	sadd.s32 s6, s0;
	s7 =	smov.u32 @p0 s8  }
0xf: {  	s8 =	sadd.s32 $0x2000, s11;
	s9 =	sadd.s32 $0x4000, s11;
	s10 =	sadd.s32 $0x6000, s11  }
0x10: {  	s11 =	sadd.s32 $0x8000, s11;
	s14 =	smax.u32 s14, $0x1;
	p0 =	seq.s32 s1, $0xF  }
0x11: {  	s15 =	sadd.s32 s7, s0;
	s5 =	sadd.s32 $0x18400, s6;
	s6 =	sadd.s32 $0x4400, s6  }
0x12: {  	s7 =	sadd.s32 s12, s2;
	s12 =	sadd.s32 $0x22400, s13;
	s13 =	sadd.s32 $0x35000, s0  }
0x13: {  	v0 =	vimm.f32 $0.0e+00;
	s20 =	sshrl.u32 @p0 s20, $0x3;
	s21 =	sshrl.u32 @!p0 s21, $0x3;
	s15 =	sadd.s32 $0x35E00, s15  }
.LBB2_1:
0x14: {  	[tilespmem:s16], [sflag:$0x1] =	stream.linear.gather [hbm4b:s5+s4], $0x2800, $0x38;
	[tilespmem:$0x1F000] =	vst v63  }
0x15: {  	s30 =	simm.s32 $0x100;
	s28 =	simm.s32 $0x0  }
0x16: {  	[tilespmem:s17], [sflag:$0x1] =	stream.linear.gather [hbm4b:s6+s4], $0x2800, $0x38;
	[tilespmem:$0x1F000] =	vst v63  }
.LBB2_2:
0x17: {  	p1 =	sne.s32 s30, $0x7F00;
	[tilespmem:s28+$0x19030] =	vst v0;
	s0 =	smov.u32 s30;
	s30 =	sadd.s32 $0x100, s30  }
.Ltmp0:
0x18: {  	[tilespmem:s28+$0x19020] =	vst v0;
	(pc) =	sbr.rel @p1 .LBB2_2-.Ltmp0, $3  }
0x19: {  	[tilespmem:s28+$0x19000] =	vst v0  }
0x1a: {  	[tilespmem:s28+$0x19010] =	vst v0;
	_ =	sdelay $0x1  }
0x1b: {  	s28 =	sshra.s32 s0, $0x2  }
0x1c: {  	[tilespmem:s28+$0x19030] =	vst v0  }
0x1d: {  	[tilespmem:s28+$0x19020] =	vst v0  }
0x1e: {  	[tilespmem:s28+$0x19000] =	vst v0  }
0x1f: {  	[tilespmem:s28+$0x19010] =	vst v0  }
0x20: {  	[spmem:s7] =	stream.linear.scatter [tilespmem:s18], [sflag:$0x4], $0x2000, $0x38;
	[tilespmem:$0x1F000] =	vst v63  }
0x21: {  	_ =	swait.ge [sflag:s19], $0x2000  }
0x22: {  	[sflag:s19] =	ssyncset.done $0x0  }
0x23: {  	[sflag:s19] =	ssyncadd.s32 $0xFFFFE000  }
0x24: {  	[spmem:s8] =	stream.linear.scatter [tilespmem:s18], [sflag:$0x4], $0x2000, $0x38;
	[tilespmem:$0x1F000] =	vst v63  }
0x25: {  	_ =	swait.ge [sflag:s19], $0x2000  }
0x26: {  	[sflag:s19] =	ssyncset.done $0x0  }
0x27: {  	[sflag:s19] =	ssyncadd.s32 $0xFFFFE000  }
0x28: {  	[spmem:s9] =	stream.linear.scatter [tilespmem:s18], [sflag:$0x4], $0x2000, $0x38;
	[tilespmem:$0x1F000] =	vst v63  }
0x29: {  	_ =	swait.ge [sflag:s19], $0x2000  }
0x2a: {  	[sflag:s19] =	ssyncset.done $0x0  }
0x2b: {  	[sflag:s19] =	ssyncadd.s32 $0xFFFFE000  }
0x2c: {  	[spmem:s10] =	stream.linear.scatter [tilespmem:s18], [sflag:$0x4], $0x2000, $0x38;
	[tilespmem:$0x1F000] =	vst v63  }
0x2d: {  	_ =	swait.ge [sflag:s19], $0x2000  }
0x2e: {  	[sflag:s19] =	ssyncset.done $0x0  }
0x2f: {  	[sflag:s19] =	ssyncadd.s32 $0xFFFFE000  }
0x30: {  	[spmem:s11] =	stream.linear.scatter [tilespmem:s18], [sflag:$0x4], $0x2000, $0x38;
	[tilespmem:$0x1F000] =	vst v63  }
0x31: {  	_ =	swait.ge [sflag:s19], $0x2000  }
0x32: {  	[sflag:s19] =	ssyncset.done $0x0  }
0x33: {  	s0 =	simm.s32 @p0 $0x1FC4;
	[sflag:s19] =	ssyncadd.s32 $0xFFFFE000  }
0x34: {  	[spmem:s20], [sflag:s0] =	dma.local @p0 [hbm:s13], $0xC80  }
0x35: {  	s0 =	simm.s32 @p0 $0x4  }
0x36: {  	_ =	swait.ge @p0 [sflag:s0], $0xC80  }
0x37: {  	s28 =	sshll.u32 @!p0 s1, $0x6;
	[sflag:s0] =	ssyncset.done @p0 $0x0  }
0x38: {  	[sflag:s0] =	ssyncadd.s32 @p0 $0xFFFFF380;
	s0 =	sor.u32 @!p0 $0x1C04, s28  }
0x39: {  	[spmem:s21], [sflag:s0] =	dma.local @!p0 [hbm:s12], $0x1400  }
0x3a: {  	s0 =	simm.s32 @!p0 $0x4  }
0x3b: {  	_ =	swait.ge @!p0 [sflag:s0], $0x1400  }
0x3c: {  	[sflag:s0] =	ssyncset.done @!p0 $0x0  }
0x3d: {  	[sflag:s0] =	ssyncadd.s32 @!p0 $0xFFFFEC00  }
0x3e: {  	_ =	swait.ge [sflag:s22], $0x2800  }
0x3f: {  	[sflag:s22] =	ssyncset.done $0x0  }
0x40: {  	[sflag:s22] =	ssyncadd.s32 $0xFFFFD800  }
0x41: {  	_ =	swait.ge [sflag:s22], $0x2800  }
0x42: {  	[sflag:s22] =	ssyncset.done $0x0  }
0x43: {  	[sflag:s22] =	ssyncadd.s32 $0xFFFFD800  }
0x44: {  	[bflag:$0x0] =	sbarrier.arrive $0xFFFF  }
0x45: {  	[tilespmem:s18], [sflag:$0x2] =	stream.indirect.gather [spmem:s3], $0x40, s16, s23, $0xb8;
	[tilespmem:$0x1F000] =	vst v63  }
0x46: {  	s0 =	simm.s32 $0x14080  }
0x47: {  	[tilespmem:s25], [sflag:$0x2] =	stream.indirect.gather [spmem:s3], $0x40, s0, s23, $0xb8;
	[tilespmem:$0x1F000] =	vst v63  }
0x48: {  	_ =	swait.ge [sflag:s26], $0x2000  }
0x49: {  	[sflag:s26] =	ssyncset.done $0x0  }
0x4a: {  	[sflag:s26] =	ssyncadd.s32 $0xFFFFE000  }
0x4b: {  	[spmem:s2] =	stream.indirect.scatter.add.f32 [tilespmem:s18], [sflag:$0x3], $0x40, s17, s23, $0xb8;
	[tilespmem:$0x1F000] =	vst v63  }
0x4c: {  	s0 =	simm.s32 $0x14100  }
0x4d: {  	[tilespmem:s29], [sflag:$0x2] =	stream.indirect.gather [spmem:s3], $0x40, s0, s23, $0xb8;
	[tilespmem:$0x1F000] =	vst v63  }
0x4e: {  	_ =	swait.ge [sflag:s26], $0x2000  }
0x4f: {  	[sflag:s26] =	ssyncset.done $0x0  }
0x50: {  	s0 =	simm.s32 $0x16880;
	[sflag:s26] =	ssyncadd.s32 $0xFFFFE000  }
0x51: {  	[spmem:s2] =	stream.indirect.scatter.add.f32 [tilespmem:s25], [sflag:$0x3], $0x40, s0, s23, $0xb8;
	[tilespmem:$0x1F000] =	vst v63  }
0x52: {  	_ =	swait.ge [sflag:s31], $0x2000  }
0x53: {  	[sflag:s31] =	ssyncset.done $0x0  }
0x54: {  	s0 =	simm.s32 $0x14180;
	[sflag:s31] =	ssyncadd.s32 $0xFFFFE000  }
0x55: {  	[tilespmem:s18], [sflag:$0x2] =	stream.indirect.gather [spmem:s3], $0x40, s0, s23, $0xb8;
	[tilespmem:$0x1F000] =	vst v63  }
0x56: {  	_ =	swait.ge [sflag:s26], $0x2000  }
0x57: {  	[sflag:s26] =	ssyncset.done $0x0  }
0x58: {  	s0 =	simm.s32 $0x16900;
	[sflag:s26] =	ssyncadd.s32 $0xFFFFE000  }
0x59: {  	[spmem:s2] =	stream.indirect.scatter.add.f32 [tilespmem:s29], [sflag:$0x3], $0x40, s0, s23, $0xb8;
	[tilespmem:$0x1F000] =	vst v63  }
0x5a: {  	_ =	swait.ge [sflag:s31], $0x2000  }
0x5b: {  	[sflag:s31] =	ssyncset.done $0x0  }
0x5c: {  	s0 =	simm.s32 $0x14200;
	[sflag:s31] =	ssyncadd.s32 $0xFFFFE000  }
0x5d: {  	[tilespmem:s25], [sflag:$0x2] =	stream.indirect.gather [spmem:s3], $0x40, s0, s23, $0xb8;
	[tilespmem:$0x1F000] =	vst v63  }
0x5e: {  	_ =	swait.ge [sflag:s26], $0x2000  }
0x5f: {  	[sflag:s26] =	ssyncset.done $0x0  }
0x60: {  	s0 =	simm.s32 $0x16980;
	[sflag:s26] =	ssyncadd.s32 $0xFFFFE000  }
0x61: {  	[spmem:s2] =	stream.indirect.scatter.add.f32 [tilespmem:s18], [sflag:$0x3], $0x40, s0, s23, $0xb8;
	[tilespmem:$0x1F000] =	vst v63  }
0x62: {  	_ =	swait.ge [sflag:s31], $0x2000  }
0x63: {  	[sflag:s31] =	ssyncset.done $0x0  }
0x64: {  	s0 =	simm.s32 $0x14280;
	[sflag:s31] =	ssyncadd.s32 $0xFFFFE000  }
0x65: {  	[tilespmem:s29], [sflag:$0x2] =	stream.indirect.gather [spmem:s3], $0x40, s0, s23, $0xb8;
	[tilespmem:$0x1F000] =	vst v63  }
0x66: {  	_ =	swait.ge [sflag:s26], $0x2000  }
0x67: {  	[sflag:s26] =	ssyncset.done $0x0  }
0x68: {  	s0 =	simm.s32 $0x16A00;
	[sflag:s26] =	ssyncadd.s32 $0xFFFFE000  }
0x69: {  	[spmem:s2] =	stream.indirect.scatter.add.f32 [tilespmem:s25], [sflag:$0x3], $0x40, s0, s23, $0xb8;
	[tilespmem:$0x1F000] =	vst v63  }
0x6a: {  	_ =	swait.ge [sflag:s31], $0x2000  }
0x6b: {  	[sflag:s31] =	ssyncset.done $0x0  }
0x6c: {  	s0 =	simm.s32 $0x14300;
	[sflag:s31] =	ssyncadd.s32 $0xFFFFE000  }
0x6d: {  	[tilespmem:s18], [sflag:$0x2] =	stream.indirect.gather [spmem:s3], $0x40, s0, s23, $0xb8;
	[tilespmem:$0x1F000] =	vst v63  }
0x6e: {  	_ =	swait.ge [sflag:s26], $0x2000  }
0x6f: {  	[sflag:s26] =	ssyncset.done $0x0  }
0x70: {  	s0 =	simm.s32 $0x16A80;
	[sflag:s26] =	ssyncadd.s32 $0xFFFFE000  }
0x71: {  	[spmem:s2] =	stream.indirect.scatter.add.f32 [tilespmem:s29], [sflag:$0x3], $0x40, s0, s23, $0xb8;
	[tilespmem:$0x1F000] =	vst v63  }
0x72: {  	_ =	swait.ge [sflag:s31], $0x2000  }
0x73: {  	[sflag:s31] =	ssyncset.done $0x0  }
0x74: {  	s30 =	simm.s32 $0x14380;
	s28 =	simm.s32 $0x600;
	[sflag:s31] =	ssyncadd.s32 $0xFFFFE000  }
.LBB2_4:
0x75: {  	[tilespmem:s25], [sflag:$0x2] =	stream.indirect.gather [spmem:s3], $0x40, s30, s23, $0xb8;
	[tilespmem:$0x1F000] =	vst v63  }
0x76: {  	s0 =	smov.u32 s28  }
0x77: {  	p1 =	sne.s32 s28, $0x9000;
	s28 =	sadd.s32 $0x600, s28;
	_ =	swait.ge [sflag:s26], $0x2000  }
0x78: {  	s0 =	sshra.s32 s0, $0x2;
	[sflag:s26] =	ssyncset.done $0x0  }
0x79: {  	s30 =	sadd.s32 $0x16980, s0;
	[sflag:s26] =	ssyncadd.s32 $0xFFFFE000  }
0x7a: {  	[spmem:s2] =	stream.indirect.scatter.add.f32 [tilespmem:s18], [sflag:$0x3], $0x40, s30, s23, $0xb8;
	[tilespmem:$0x1F000] =	vst v63  }
0x7b: {  	_ =	swait.ge [sflag:s31], $0x2000  }
0x7c: {  	[sflag:s31] =	ssyncset.done $0x0  }
0x7d: {  	s30 =	sadd.s32 $0x14280, s0;
	[sflag:s31] =	ssyncadd.s32 $0xFFFFE000  }
0x7e: {  	[tilespmem:s29], [sflag:$0x2] =	stream.indirect.gather [spmem:s3], $0x40, s30, s23, $0xb8;
	[tilespmem:$0x1F000] =	vst v63  }
0x7f: {  	_ =	swait.ge [sflag:s26], $0x2000  }
0x80: {  	[sflag:s26] =	ssyncset.done $0x0  }
0x81: {  	s30 =	sadd.s32 $0x16A00, s0;
	[sflag:s26] =	ssyncadd.s32 $0xFFFFE000  }
0x82: {  	[spmem:s2] =	stream.indirect.scatter.add.f32 [tilespmem:s25], [sflag:$0x3], $0x40, s30, s23, $0xb8;
	[tilespmem:$0x1F000] =	vst v63  }
0x83: {  	_ =	swait.ge [sflag:s31], $0x2000  }
0x84: {  	[sflag:s31] =	ssyncset.done $0x0  }
0x85: {  	s30 =	sadd.s32 $0x14300, s0;
	[sflag:s31] =	ssyncadd.s32 $0xFFFFE000  }
0x86: {  	[tilespmem:s18], [sflag:$0x2] =	stream.indirect.gather [spmem:s3], $0x40, s30, s23, $0xb8;
	[tilespmem:$0x1F000] =	vst v63  }
0x87: {  	_ =	swait.ge [sflag:s26], $0x2000  }
0x88: {  	[sflag:s26] =	ssyncset.done $0x0  }
.Ltmp1:
0x89: {  	s30 =	sadd.s32 $0x16A80, s0;
	[sflag:s26] =	ssyncadd.s32 $0xFFFFE000;
	(pc) =	sbr.rel @p1 .LBB2_4-.Ltmp1, $4  }
0x8a: {  	[spmem:s2] =	stream.indirect.scatter.add.f32 [tilespmem:s29], [sflag:$0x3], $0x40, s30, s23, $0xb8;
	[tilespmem:$0x1F000] =	vst v63  }
0x8b: {  	_ =	swait.ge [sflag:s31], $0x2000  }
0x8c: {  	[sflag:s31] =	ssyncset.done $0x0  }
0x8d: {  	s30 =	sadd.s32 $0x14380, s0;
	[sflag:s31] =	ssyncadd.s32 $0xFFFFE000  }
0x8e: {  	[tilespmem:s25], [sflag:$0x2] =	stream.indirect.gather [spmem:s3], $0x40, s30, s23, $0xb8;
	[tilespmem:$0x1F000] =	vst v63  }
0x8f: {  	_ =	swait.ge [sflag:s26], $0x2000  }
0x90: {  	[sflag:s26] =	ssyncset.done $0x0  }
0x91: {  	s0 =	simm.s32 $0x18F00;
	[sflag:s26] =	ssyncadd.s32 $0xFFFFE000  }
0x92: {  	[spmem:s2] =	stream.indirect.scatter.add.f32 [tilespmem:s18], [sflag:$0x3], $0x40, s0, s23, $0xb8;
	[tilespmem:$0x1F000] =	vst v63  }
0x93: {  	_ =	swait.ge [sflag:s26], $0x2000  }
0x94: {  	[sflag:s26] =	ssyncset.done $0x0  }
0x95: {  	s28 =	simm.s32 $0x18F80;
	[sflag:s26] =	ssyncadd.s32 $0xFFFFE000  }
0x96: {  	[spmem:s2] =	stream.indirect.scatter.add.f32 [tilespmem:s25], [sflag:$0x3], $0x40, s28, s23, $0xb8;
	[tilespmem:$0x1F000] =	vst v63  }
0x97: {  	_ =	swait.ge [sflag:s31], $0x2000  }
0x98: {  	[sflag:s31] =	ssyncset.done $0x0  }
0x99: {  	[sflag:s31] =	ssyncadd.s32 $0xFFFFE000  }
0x9a: {  	_ =	swait.ge [sflag:s31], $0x2000  }
0x9b: {  	[sflag:s31] =	ssyncset.done $0x0  }
0x9c: {  	[sflag:s31] =	ssyncadd.s32 $0xFFFFE000  }
0x9d: {  	_ =	swait.ge [sflag:s31], $0x2000  }
0x9e: {  	s30 =	sshll.u32 s1, $0x6;
	s24 =	sadd.s32 $0x1, s24;
	[sflag:s31] =	ssyncset.done $0x0  }
0x9f: {  	p1 =	sne.s32 s24, s14;
	s0 =	sor.u32 $0x1C04, s30;
	[sflag:s31] =	ssyncadd.s32 $0xFFFFE000  }
.Ltmp2:
0xa0: {  	s28 =	sshrl.u32 s7, $0x3;
	[bflag:$0x0] =	sbarrier.arrive $0xFFFF;
	(pc) =	sbr.rel @p1 .LBB2_1-.Ltmp2, $4  }
0xa1: {  	[hbm:s15], [sflag:s0] =	dma.local [spmem:s28], $0x1400  }
0xa2: {  	_ =	swait.ge [sflag:s19], $0x1400  }
0xa3: {  	[sflag:s19] =	ssyncset.done $0x0  }
0xa4: {  	[sflag:s19] =	ssyncadd.s32 $0xFFFFEC00  }
0xa5: {  	_ =	sfence.sel $0x180000  }
0xa6: {  	[bflag:$0x0] =	sbarrier.arrive $0xFFFF  }
0xa7: {  	_ =	strace $0x9000004A  }
0xa8: {  	[bflag:$0x2] =	sbarrier.arrive $0xFFFF  }
0xa9: {  	p0 =	sne.s32 s1, $0x0;
	s0 =	rddreg [dreg:$0x3]  }
0xaa: {  	s0 =	sadd.s32 @!p0 $0x100000, s0  }
0xab: {  	[sflag:s0] =	ssyncadd.tile.s32 @!p0 $0x1;
	_ =	shalt  }
.Lfunc_end2:
_tile_overlayer_lowered:
.L_overlay_start_2:
0xac: {  	(tag) =	ssettag $0x2  }
0xad: {  	s0 =	rddreg [dreg:$0x0];
	s2 =	stileid.u32  }
0xae: {  	s1 =	rddreg [dreg:$0x1];
	p0 =	sne.s32 s2, $0x0  }
0xaf: {  	s3 =	rddreg [dreg:$0x2];
	[bflag:$0x3] =	sbarrier.arrive $0xFFFF;
	s2 =	simm.s32 @!p0 $0x1C04  }
0xb0: {  	[timem:s3], [sflag:s2] =	dma.local @!p0 [hbm:s0], s1  }
0xb1: {  	s0 =	simm.s32 @!p0 $0x4  }
0xb2: {  	_ =	swait.ge @!p0 [sflag:s0], s1  }
0xb3: {  	s1 =	ssub.s32 @!p0 $0x0, s1;
	[sflag:s0] =	ssyncset.done @!p0 $0x0  }
0xb4: {  	[sflag:s0] =	ssyncadd.s32 @!p0 s1  }
0xb5: {  	[bflag:$0x3] =	sbarrier.arrive $0xFFFF  }
0xb6: {  	_ =	shalt  }

// kernel: kernel.17.cloned.1.call-start
scs
__scs_entry_jumppad:
0x0: {  	(pc) =	sbr.rel $0x88, $3  }
0x1: {  	(tag) =	ssettag $0x0;
	lr =	simm.s32 $0x1  }
0x2: {  	[smem:$0x3F8D] =	sst lr;
	_ =	strace $0xD0000000  }
0x3: {  	_ = 	snop  }
0x4: {  	_ = 	snop  }
0x5: {  	_ = 	snop  }
0x6: {  	_ = 	snop  }
0x7: {  	_ = 	snop  }
__scs_overlays_trampoline_lowered:
0x8: {  	[smem:$0x3F9C] =	sst s0  }
0x9: {  	[smem:$0x3F9D] =	sst s1  }
0xa: {  	[smem:$0x3F9E] =	sst s2  }
0xb: {  	[smem:$0x3F9F] =	sst s3  }
0xc: {  	[smem:$0x3FA0] =	sst s4  }
0xd: {  	[smem:$0x3FA1] =	sst s5  }
0xe: {  	[smem:$0x3FA2] =	sst s6  }
0xf: {  	[smem:$0x3FA3] =	sst s7  }
0x10: {  	[smem:$0x3FA4] =	sst s8  }
0x11: {  	[smem:$0x3FA5] =	sst s9;
	s0 =	simm.s32 @!p0 $0x0  }
0x12: {  	s1 =	sld [smem:$0x3F8B];
	s0 =	simm.s32 @p0 $0x1  }
0x13: {  	[smem:$0x3FA6] =	sst s0;
	s0 =	simm.s32 @!p1 $0x0  }
0x14: {  	s2 =	sld [smem:$0x3F8A];
	s0 =	simm.s32 @p1 $0x1  }
0x15: {  	[smem:$0x3FA7] =	sst s0;
	s0 =	simm.s32 @!p2 $0x0  }
0x16: {  	s3 =	sld [smem:$0x3FDB];
	s0 =	simm.s32 @p2 $0x1  }
0x17: {  	s4 =	simm.s32 $0x1BF5;
	[smem:$0x3FA9] =	sst s0  }
0x18: {  	s0 =	sld [smem:$0x3F8C];
	_ =	swait.ge [sflag:s4], $0x0  }
0x19: {  	s7 =	sld [smem:$0x3F8D]  }
0x1a: {  	s8 =	sadd.s32 $0xFFFFE003, lr  }
0x1b: {  	s9 =	sadd.s32 $0xFFFFFEF7, lr;
	s5 =	simm.s32 $0xFFFFFFFF;
	p2 =	slt.u32 s8, $0xFFFFF086  }
0x1c: {  	p1 =	slt.u32 s9, $0xF7A;
	s5 =	simm.s32 @!p2 $0x0  }
0x1d: {  	s5 =	simm.s32 @p1 $0x1;
	p0 =	seq.s32 s7, s2  }
0x1e: {  	s7 =	smul.u32 @!p0 $0xF7A, s2;
	p2 =	seq.s32 @!p0 s5, $0x0  }
0x1f: {  	s9 =	smul.u32 $0xF7A, s1;
	s8 =	simm.s32 @!p0 $0x1BF5;
	p2 =	por !p2, p0  }
0x20: {  	[sflag:s8] =	ssyncset.s32 @!p0 $0xFFFFF086;
	s6 =	sadd.s32 @!p0 s3, s7;
	s7 =	simm.s32 @!p0 $0x108  }
0x21: {  	s3 =	sadd.s32 s3, s9;
	s6 =	sadd.s32 @!p0 $0x88, s6;
	s7 =	simm.s32 @p2 $0x1082  }
0x22: {  	[simem:s7], [sflag:s8] =	dma.local @!p0 [hbm:s6], $0xF7A  }
0x23: {  	s9 =	sor.u32 $0xD0000000, s2;
	s6 =	simm.s32 $0x108;
	_ =	swait.ge @!p0 [sflag:s8], $0x0  }
0x24: {  	s3 =	sadd.s32 $0x88, s3;
	s6 =	simm.s32 @!p1 $0x1082;
	[sflag:s4] =	ssyncset.s32 $0xFFFFF086  }
0x25: {  	[simem:s6], [sflag:s4] =	dma.local [hbm:s3], $0xF7A  }
0x26: {  	[smem:$0x3F8D] =	sst s1;
	(tag) =	ssettag s2;
	_ =	strace s9  }
0x27: {  	s1 =	sld [smem:$0x3F9D]  }
0x28: {  	s2 =	sld [smem:$0x3F9E]  }
0x29: {  	s4 =	sld [smem:$0x3FA0]  }
0x2a: {  	p0 =	seq.s32 s5, $0x0;
	s5 =	sld [smem:$0x3FA1]  }
0x2b: {  	s6 =	sld [smem:$0x3FA2]  }
0x2c: {  	s7 =	sld [smem:$0x3FA3]  }
0x2d: {  	s3 =	simm.s32 $0x108;
	s8 =	sld [smem:$0x3FA4]  }
0x2e: {  	s3 =	simm.s32 @!p0 $0x1082;
	s9 =	sld [smem:$0x3FA5]  }
0x2f: {  	lr =	sadd.s32 s0, s3;
	s0 =	sld [smem:$0x3F9C]  }
0x30: {  	s3 =	sld [smem:$0x3F9F]  }
0x31: {  	[smem:$0x3FA8] =	sst s10  }
0x32: {  	s10 =	sld [smem:$0x3FA6];
	_ =	sdelay $0x3  }
0x33: {  	p0 =	seq.s32 s10, $0x1;
	s10 =	sld [smem:$0x3FA8];
	_ =	sdelay $0x3  }
0x34: {  	[smem:$0x3FA8] =	sst s10  }
0x35: {  	s10 =	sld [smem:$0x3FA7];
	_ =	sdelay $0x3  }
0x36: {  	p1 =	seq.s32 s10, $0x1;
	s10 =	sld [smem:$0x3FA8];
	_ =	sdelay $0x3  }
0x37: {  	[smem:$0x3FA8] =	sst s10  }
0x38: {  	s10 =	sld [smem:$0x3FA9]  }
0x39: {  	_ = 	snop;
	(pc) =	sbr.ind lr, $3  }
0x3a: {  	_ = 	snop  }
0x3b: {  	_ = 	snop  }
0x3c: {  	p2 =	seq.s32 s10, $0x1;
	s10 =	sld [smem:$0x3FA8]  }
0x3d: {  	_ =	shalt  }
0x3e: {  	_ =	shalt  }
0x3f: {  	_ =	shalt  }
0x40: {  	_ =	shalt  }
0x41: {  	_ =	shalt  }
0x42: {  	_ =	shalt  }
0x43: {  	_ =	shalt  }
0x44: {  	_ =	shalt  }
0x45: {  	_ =	shalt  }
0x46: {  	_ =	shalt  }
0x47: {  	_ =	shalt  }
0x48: {  	_ =	shalt  }
0x49: {  	_ =	shalt  }
0x4a: {  	_ =	shalt  }
0x4b: {  	_ =	shalt  }
0x4c: {  	_ =	shalt  }
0x4d: {  	_ =	shalt  }
0x4e: {  	_ =	shalt  }
0x4f: {  	_ =	shalt  }
0x50: {  	_ =	shalt  }
0x51: {  	_ =	shalt  }
0x52: {  	_ =	shalt  }
0x53: {  	_ =	shalt  }
0x54: {  	_ =	shalt  }
0x55: {  	_ =	shalt  }
0x56: {  	_ =	shalt  }
0x57: {  	_ =	shalt  }
0x58: {  	_ =	shalt  }
0x59: {  	_ =	shalt  }
0x5a: {  	_ =	shalt  }
0x5b: {  	_ =	shalt  }
0x5c: {  	_ =	shalt  }
0x5d: {  	_ =	shalt  }
0x5e: {  	_ =	shalt  }
0x5f: {  	_ =	shalt  }
0x60: {  	_ =	shalt  }
0x61: {  	_ =	shalt  }
0x62: {  	_ =	shalt  }
0x63: {  	_ =	shalt  }
0x64: {  	_ =	shalt  }
0x65: {  	_ =	shalt  }
0x66: {  	_ =	shalt  }
0x67: {  	_ =	shalt  }
0x68: {  	_ =	shalt  }
0x69: {  	_ =	shalt  }
0x6a: {  	_ =	shalt  }
0x6b: {  	_ =	shalt  }
0x6c: {  	_ =	shalt  }
0x6d: {  	_ =	shalt  }
0x6e: {  	_ =	shalt  }
0x6f: {  	_ =	shalt  }
0x70: {  	_ =	shalt  }
0x71: {  	_ =	shalt  }
0x72: {  	_ =	shalt  }
0x73: {  	_ =	shalt  }
0x74: {  	_ =	shalt  }
0x75: {  	_ =	shalt  }
0x76: {  	_ =	shalt  }
0x77: {  	_ =	shalt  }
0x78: {  	_ =	shalt  }
0x79: {  	_ =	shalt  }
0x7a: {  	_ =	shalt  }
0x7b: {  	_ =	shalt  }
0x7c: {  	_ =	shalt  }
0x7d: {  	_ =	shalt  }
0x7e: {  	_ =	shalt  }
0x7f: {  	_ =	shalt  }
0x80: {  	_ =	shalt  }
0x81: {  	_ =	shalt  }
0x82: {  	_ =	shalt  }
0x83: {  	_ =	shalt  }
0x84: {  	_ =	shalt  }
0x85: {  	_ =	shalt  }
0x86: {  	_ =	shalt  }
0x87: {  	_ =	shalt  }
.Lfunc_end0:
.L_simem_size_0:
called_computation.2_lowered:
.L_overlay_start_0:
0x88: {  	s2 =	sld [smem:$0x3FD9]  }
0x89: {  	s3 =	sld [smem:$0x3FFE];
	_ =	sdelay $0x1  }
0x8a: {  	s1 =	srdreg.scid  }
0x8b: {  	s0 =	sand.u32 $0x1, s1  }
0x8c: {  	s16 =	sshll.u32 s0, $0xA;
	s2 =	sadd.s32 s3, s2  }
0x8d: {  	s2 =	sadd.s32 s2, s16  }
0x8e: {  	[smem:$0x3FB4] =	sst s2  }
0x8f: {  	_ = 	snop  }
0x90: {  	(tm) =	ssettm $0x1  }
0x91: {  	s17 =	sld [smem:$0x3FFB];
	_ =	sdelay $0x3  }
0x92: {  	_ =	strace s17  }
0x93: {  	s2 =	sld [smem:$0x3FFC];
	_ =	sdelay $0x3  }
0x94: {  	_ =	strace s2  }
0x95: {  	s2 =	sld [smem:$0x3FFD];
	_ =	sdelay $0x3  }
0x96: {  	_ =	strace s2  }
0x97: {  	_ =	strace $0x8FFFFFFF  }
0x98: {  	s18 =	sld [smem:$0x3FDB];
	_ =	sdelay $0x1  }
0x99: {  	s19 =	simm.s32 $_scs_section_size  }
0x9a: {  	s4 =	simm.s32 $_size__tile_overlayer_lowered;
	s5 =	simm.s32 $_tile_overlayer_lowered  }
0x9b: {  	s22 =	simm.s32 $0x1BFF;
	s21 =	sshll.u32 s5, $0x1;
	s2 =	sadd.s32 s19, s18  }
0x9c: {  	s6 =	simm.s32 $0x0;
	s20 =	sshll.u32 s4, $0x1;
	s4 =	sadd.s32 s21, s2  }
0x9d: {  	[timem:s6], [sflag:s22] =	dma.local [hbm:s4], s20  }
0x9e: {  	_ =	swait.ge [sflag:s22], s20  }
0x9f: {  	s3 =	ssub.s32 $0x0, s20;
	[sflag:s22] =	ssyncset.done $0x0  }
0xa0: {  	[sflag:s22] =	ssyncadd.s32 s3;
	_ =	sdelay $0x1  }
0xa1: {  	s23 =	simm.s32 $0x1B8B  }
0xa2: {  	_ =	swait.ge [sflag:s23], $0x1  }
0xa3: {  	[sflag:s23] =	ssyncset.done $0x0  }
0xa4: {  	s25 =	simm.s32 $0x1B8E;
	s24 =	sld [smem:$0x3FFE];
	[sflag:s23] =	ssyncadd.s32 $0xFFFFFFFF  }
0xa5: {  	s26 =	simm.s32 $execute0_lowered;
	[smem:$0x3FD2] =	sst s25  }
0xa6: {  	s4 =	sshll.u32 s26, $0x1;
	_ =	strace $0x8000004C;
	[dreg:$0x1] =	wrdreg $0xFFFFFFFF  }
0xa7: {  	s28 =	simm.s32 $_size_execute0_lowered;
	s2 =	sadd.s32 s2, s4;
	[dreg:$0x0] =	wrdreg $0x0  }
0xa8: {  	s4 =	sshll.u32 s28, $0x1;
	[dreg:$0x2] =	wrdreg s2  }
0xa9: {  	[dreg:$0x3] =	wrdreg s4  }
0xaa: {  	[dreg:$0x4] =	wrdreg $0xC0  }
0xab: {  	_ =	task [dreg:s6], $0x5FFFF  }
0xac: {  	[dreg:$0x1] =	wrdreg $0xFFFFFFFF  }
0xad: {  	[dreg:$0x0] =	wrdreg $0x60  }
0xae: {  	[dreg:$0x2] =	wrdreg s24  }
0xaf: {  	[dreg:$0x3] =	wrdreg $0x0  }
0xb0: {  	[dreg:$0x4] =	wrdreg $0xA0000  }
0xb1: {  	[dreg:$0x5] =	wrdreg $0x9  }
0xb2: {  	_ =	task.clear_ibuf [dreg:s6], $0x6FFFF;
	_ =	strace $0x9000004C  }
0xb3: {  	s29 =	simm.s32 $0x9;
	_ =	strace $0x8000004E  }
0xb4: {  	_ =	swait.ge [sflag:s29], $0x1  }
0xb5: {  	[sflag:s29] =	ssyncadd.s32 $0xFFFFFFFF  }
0xb6: {  	_ =	strace $0x9000004E  }
0xb7: {  	_ =	sfence  }
0xb8: {  	s30 =	sld [smem:$0x0];
	_ =	sdelay $0x2  }
0xb9: {  	s31 =	sshll.u32 s1, $0xD;
	s1 =	sshrl.u32 s1, $0x2  }
0xba: {  	s3 =	sand.u32 $0x4000, s31;
	s1 =	sadd.s32 s1, s30  }
0xbb: {  	s0 =	sor.u32 s3, s0;
	s1 =	sshll.u32 s1, $0x11  }
0xbc: {  	s0 =	sor.u32 s1, s0  }
0xbd: {  	s0 =	sadd.s32 $0x8F2B, s0  }
0xbe: {  	[sflag:s0] =	ssyncadd.remote.s32 $0x1  }
0xbf: {  	_ =	sfence.sel $0xFFFF  }
0xc0: {  	[dreg:$0x0] =	wrdreg $0xFFFFFFFF;
	(pc) =	sbr.abs _section_cstart, $3  }
0xc1: {  	[dreg:$0x1] =	wrdreg $0xFFFFFFFF  }
0xc2: {  	_ =	task.clear_ibuf [dreg:s6], $0x2FFFF;
	_ =	strace $0x9FFFFFFF  }
0xc3: {  	(tm) =	ssettm $0x7FFFFFFF  }
tec
execute0_lowered:
.L_overlay_start_1:
0x0: {  	(tag) =	ssettag $0x1  }
0x1: {  	s0 =	rddreg [dreg:$0x0]  }
0x2: {  	s2 =	rddreg [dreg:$0x1]  }
0x3: {  	s3 =	rddreg [dreg:$0x2];
	s1 =	stileid.u32;
	s4 =	simm.s32 $0x0  }
0x4: {  	s5 =	srdreg.scid;
	s16 =	simm.s32 $0x14000;
	s17 =	simm.s32 $0x16800  }
0x5: {  	s18 =	simm.s32 $0x19000;
	s19 =	simm.s32 $0x4;
	s22 =	simm.s32 $0x1  }
0x6: {  	s23 =	simm.s32 $0x80;
	s25 =	simm.s32 $0x1B000;
	s26 =	simm.s32 $0x2  }
0x7: {  	s29 =	simm.s32 $0x1D000;
	s31 =	simm.s32 $0x3;
	s24 =	simm.s32 $0x0  }
0x8: {  	s12 =	smul.u32 $0xA000, s1;
	[smem:$0x7FF] =	sst s4;
	s5 =	sand.u32 $0x1, s5  }
0x9: {  	s6 =	sshll.u32 s1, $0x1;
	s9 =	smul.u32 $0x28000, s1;
	s20 =	sadd.s32 $0x96000, s3  }
0xa: {  	_ =	strace $0x8000004D;
	s6 =	sor.u32 s5, s6;
	p0 =	seq.s32 s5, $0x1  }
0xb: {  	s5 =	ssub.s32 $0x2, s5;
	s7 =	sshrl.u32 s12, $0x3;
	s6 =	smul.u32 $0x500, s6  }
0xc: {  	s28 =	sshrl.u32 s5, $0x1;
	s30 =	sshrl.u32 s9, $0x2;
	s21 =	sadd.s32 s12, s3  }
0xd: {  	s13 =	sadd.s32 s7, s0;
	s8 =	sadd.s32 $0x14000, s7;
	s14 =	ssub.s32 s5, s28  }
0xe: {  	s11 =	sadd.s32 s30, s2;
	s6 =	sadd.s32 s6, s0;
	s7 =	smov.u32 @p0 s8  }
0xf: {  	s8 =	sadd.s32 $0x2000, s11;
	s9 =	sadd.s32 $0x4000, s11;
	s10 =	sadd.s32 $0x6000, s11  }
0x10: {  	s11 =	sadd.s32 $0x8000, s11;
	s14 =	smax.u32 s14, $0x1;
	p0 =	seq.s32 s1, $0xF  }
0x11: {  	s15 =	sadd.s32 s7, s0;
	s5 =	sadd.s32 $0x18400, s6;
	s6 =	sadd.s32 $0x4400, s6  }
0x12: {  	s7 =	sadd.s32 s12, s2;
	s12 =	sadd.s32 $0x22400, s13;
	s13 =	sadd.s32 $0x35000, s0  }
0x13: {  	v0 =	vimm.f32 $0.0e+00;
	s20 =	sshrl.u32 @p0 s20, $0x3;
	s21 =	sshrl.u32 @!p0 s21, $0x3;
	s15 =	sadd.s32 $0x35E00, s15  }
.LBB2_1:
0x14: {  	[tilespmem:s16], [sflag:$0x1] =	stream.linear.gather [hbm4b:s5+s4], $0x2800, $0x38;
	[tilespmem:$0x1F000] =	vst v63  }
0x15: {  	s30 =	simm.s32 $0x100;
	s28 =	simm.s32 $0x0  }
0x16: {  	[tilespmem:s17], [sflag:$0x1] =	stream.linear.gather [hbm4b:s6+s4], $0x2800, $0x38;
	[tilespmem:$0x1F000] =	vst v63  }
.LBB2_2:
0x17: {  	p1 =	sne.s32 s30, $0x7F00;
	[tilespmem:s28+$0x19030] =	vst v0;
	s0 =	smov.u32 s30;
	s30 =	sadd.s32 $0x100, s30  }
.Ltmp0:
0x18: {  	[tilespmem:s28+$0x19020] =	vst v0;
	(pc) =	sbr.rel @p1 .LBB2_2-.Ltmp0, $3  }
0x19: {  	[tilespmem:s28+$0x19000] =	vst v0  }
0x1a: {  	[tilespmem:s28+$0x19010] =	vst v0;
	_ =	sdelay $0x1  }
0x1b: {  	s28 =	sshra.s32 s0, $0x2  }
0x1c: {  	[tilespmem:s28+$0x19030] =	vst v0  }
0x1d: {  	[tilespmem:s28+$0x19020] =	vst v0  }
0x1e: {  	[tilespmem:s28+$0x19000] =	vst v0  }
0x1f: {  	[tilespmem:s28+$0x19010] =	vst v0  }
0x20: {  	[spmem:s7] =	stream.linear.scatter [tilespmem:s18], [sflag:$0x4], $0x2000, $0x38;
	[tilespmem:$0x1F000] =	vst v63  }
0x21: {  	_ =	swait.ge [sflag:s19], $0x2000  }
0x22: {  	[sflag:s19] =	ssyncset.done $0x0  }
0x23: {  	[sflag:s19] =	ssyncadd.s32 $0xFFFFE000  }
0x24: {  	[spmem:s8] =	stream.linear.scatter [tilespmem:s18], [sflag:$0x4], $0x2000, $0x38;
	[tilespmem:$0x1F000] =	vst v63  }
0x25: {  	_ =	swait.ge [sflag:s19], $0x2000  }
0x26: {  	[sflag:s19] =	ssyncset.done $0x0  }
0x27: {  	[sflag:s19] =	ssyncadd.s32 $0xFFFFE000  }
0x28: {  	[spmem:s9] =	stream.linear.scatter [tilespmem:s18], [sflag:$0x4], $0x2000, $0x38;
	[tilespmem:$0x1F000] =	vst v63  }
0x29: {  	_ =	swait.ge [sflag:s19], $0x2000  }
0x2a: {  	[sflag:s19] =	ssyncset.done $0x0  }
0x2b: {  	[sflag:s19] =	ssyncadd.s32 $0xFFFFE000  }
0x2c: {  	[spmem:s10] =	stream.linear.scatter [tilespmem:s18], [sflag:$0x4], $0x2000, $0x38;
	[tilespmem:$0x1F000] =	vst v63  }
0x2d: {  	_ =	swait.ge [sflag:s19], $0x2000  }
0x2e: {  	[sflag:s19] =	ssyncset.done $0x0  }
0x2f: {  	[sflag:s19] =	ssyncadd.s32 $0xFFFFE000  }
0x30: {  	[spmem:s11] =	stream.linear.scatter [tilespmem:s18], [sflag:$0x4], $0x2000, $0x38;
	[tilespmem:$0x1F000] =	vst v63  }
0x31: {  	_ =	swait.ge [sflag:s19], $0x2000  }
0x32: {  	[sflag:s19] =	ssyncset.done $0x0  }
0x33: {  	s0 =	simm.s32 @p0 $0x1FC4;
	[sflag:s19] =	ssyncadd.s32 $0xFFFFE000  }
0x34: {  	[spmem:s20], [sflag:s0] =	dma.local @p0 [hbm:s13], $0xC80  }
0x35: {  	s0 =	simm.s32 @p0 $0x4  }
0x36: {  	_ =	swait.ge @p0 [sflag:s0], $0xC80  }
0x37: {  	s28 =	sshll.u32 @!p0 s1, $0x6;
	[sflag:s0] =	ssyncset.done @p0 $0x0  }
0x38: {  	[sflag:s0] =	ssyncadd.s32 @p0 $0xFFFFF380;
	s0 =	sor.u32 @!p0 $0x1C04, s28  }
0x39: {  	[spmem:s21], [sflag:s0] =	dma.local @!p0 [hbm:s12], $0x1400  }
0x3a: {  	s0 =	simm.s32 @!p0 $0x4  }
0x3b: {  	_ =	swait.ge @!p0 [sflag:s0], $0x1400  }
0x3c: {  	[sflag:s0] =	ssyncset.done @!p0 $0x0  }
0x3d: {  	[sflag:s0] =	ssyncadd.s32 @!p0 $0xFFFFEC00  }
0x3e: {  	_ =	swait.ge [sflag:s22], $0x2800  }
0x3f: {  	[sflag:s22] =	ssyncset.done $0x0  }
0x40: {  	[sflag:s22] =	ssyncadd.s32 $0xFFFFD800  }
0x41: {  	_ =	swait.ge [sflag:s22], $0x2800  }
0x42: {  	[sflag:s22] =	ssyncset.done $0x0  }
0x43: {  	[sflag:s22] =	ssyncadd.s32 $0xFFFFD800  }
0x44: {  	[bflag:$0x0] =	sbarrier.arrive $0xFFFF  }
0x45: {  	[tilespmem:s18], [sflag:$0x2] =	stream.indirect.gather [spmem:s3], $0x40, s16, s23, $0xb8;
	[tilespmem:$0x1F000] =	vst v63  }
0x46: {  	s0 =	simm.s32 $0x14080  }
0x47: {  	[tilespmem:s25], [sflag:$0x2] =	stream.indirect.gather [spmem:s3], $0x40, s0, s23, $0xb8;
	[tilespmem:$0x1F000] =	vst v63  }
0x48: {  	_ =	swait.ge [sflag:s26], $0x2000  }
0x49: {  	[sflag:s26] =	ssyncset.done $0x0  }
0x4a: {  	[sflag:s26] =	ssyncadd.s32 $0xFFFFE000  }
0x4b: {  	[spmem:s2] =	stream.indirect.scatter.add.f32 [tilespmem:s18], [sflag:$0x3], $0x40, s17, s23, $0xb8;
	[tilespmem:$0x1F000] =	vst v63  }
0x4c: {  	s0 =	simm.s32 $0x14100  }
0x4d: {  	[tilespmem:s29], [sflag:$0x2] =	stream.indirect.gather [spmem:s3], $0x40, s0, s23, $0xb8;
	[tilespmem:$0x1F000] =	vst v63  }
0x4e: {  	_ =	swait.ge [sflag:s26], $0x2000  }
0x4f: {  	[sflag:s26] =	ssyncset.done $0x0  }
0x50: {  	s0 =	simm.s32 $0x16880;
	[sflag:s26] =	ssyncadd.s32 $0xFFFFE000  }
0x51: {  	[spmem:s2] =	stream.indirect.scatter.add.f32 [tilespmem:s25], [sflag:$0x3], $0x40, s0, s23, $0xb8;
	[tilespmem:$0x1F000] =	vst v63  }
0x52: {  	_ =	swait.ge [sflag:s31], $0x2000  }
0x53: {  	[sflag:s31] =	ssyncset.done $0x0  }
0x54: {  	s0 =	simm.s32 $0x14180;
	[sflag:s31] =	ssyncadd.s32 $0xFFFFE000  }
0x55: {  	[tilespmem:s18], [sflag:$0x2] =	stream.indirect.gather [spmem:s3], $0x40, s0, s23, $0xb8;
	[tilespmem:$0x1F000] =	vst v63  }
0x56: {  	_ =	swait.ge [sflag:s26], $0x2000  }
0x57: {  	[sflag:s26] =	ssyncset.done $0x0  }
0x58: {  	s0 =	simm.s32 $0x16900;
	[sflag:s26] =	ssyncadd.s32 $0xFFFFE000  }
0x59: {  	[spmem:s2] =	stream.indirect.scatter.add.f32 [tilespmem:s29], [sflag:$0x3], $0x40, s0, s23, $0xb8;
	[tilespmem:$0x1F000] =	vst v63  }
0x5a: {  	_ =	swait.ge [sflag:s31], $0x2000  }
0x5b: {  	[sflag:s31] =	ssyncset.done $0x0  }
0x5c: {  	s0 =	simm.s32 $0x14200;
	[sflag:s31] =	ssyncadd.s32 $0xFFFFE000  }
0x5d: {  	[tilespmem:s25], [sflag:$0x2] =	stream.indirect.gather [spmem:s3], $0x40, s0, s23, $0xb8;
	[tilespmem:$0x1F000] =	vst v63  }
0x5e: {  	_ =	swait.ge [sflag:s26], $0x2000  }
0x5f: {  	[sflag:s26] =	ssyncset.done $0x0  }
0x60: {  	s0 =	simm.s32 $0x16980;
	[sflag:s26] =	ssyncadd.s32 $0xFFFFE000  }
0x61: {  	[spmem:s2] =	stream.indirect.scatter.add.f32 [tilespmem:s18], [sflag:$0x3], $0x40, s0, s23, $0xb8;
	[tilespmem:$0x1F000] =	vst v63  }
0x62: {  	_ =	swait.ge [sflag:s31], $0x2000  }
0x63: {  	[sflag:s31] =	ssyncset.done $0x0  }
0x64: {  	s0 =	simm.s32 $0x14280;
	[sflag:s31] =	ssyncadd.s32 $0xFFFFE000  }
0x65: {  	[tilespmem:s29], [sflag:$0x2] =	stream.indirect.gather [spmem:s3], $0x40, s0, s23, $0xb8;
	[tilespmem:$0x1F000] =	vst v63  }
0x66: {  	_ =	swait.ge [sflag:s26], $0x2000  }
0x67: {  	[sflag:s26] =	ssyncset.done $0x0  }
0x68: {  	s0 =	simm.s32 $0x16A00;
	[sflag:s26] =	ssyncadd.s32 $0xFFFFE000  }
0x69: {  	[spmem:s2] =	stream.indirect.scatter.add.f32 [tilespmem:s25], [sflag:$0x3], $0x40, s0, s23, $0xb8;
	[tilespmem:$0x1F000] =	vst v63  }
0x6a: {  	_ =	swait.ge [sflag:s31], $0x2000  }
0x6b: {  	[sflag:s31] =	ssyncset.done $0x0  }
0x6c: {  	s0 =	simm.s32 $0x14300;
	[sflag:s31] =	ssyncadd.s32 $0xFFFFE000  }
0x6d: {  	[tilespmem:s18], [sflag:$0x2] =	stream.indirect.gather [spmem:s3], $0x40, s0, s23, $0xb8;
	[tilespmem:$0x1F000] =	vst v63  }
0x6e: {  	_ =	swait.ge [sflag:s26], $0x2000  }
0x6f: {  	[sflag:s26] =	ssyncset.done $0x0  }
0x70: {  	s0 =	simm.s32 $0x16A80;
	[sflag:s26] =	ssyncadd.s32 $0xFFFFE000  }
0x71: {  	[spmem:s2] =	stream.indirect.scatter.add.f32 [tilespmem:s29], [sflag:$0x3], $0x40, s0, s23, $0xb8;
	[tilespmem:$0x1F000] =	vst v63  }
0x72: {  	_ =	swait.ge [sflag:s31], $0x2000  }
0x73: {  	[sflag:s31] =	ssyncset.done $0x0  }
0x74: {  	s30 =	simm.s32 $0x14380;
	s28 =	simm.s32 $0x600;
	[sflag:s31] =	ssyncadd.s32 $0xFFFFE000  }
.LBB2_4:
0x75: {  	[tilespmem:s25], [sflag:$0x2] =	stream.indirect.gather [spmem:s3], $0x40, s30, s23, $0xb8;
	[tilespmem:$0x1F000] =	vst v63  }
0x76: {  	s0 =	smov.u32 s28  }
0x77: {  	p1 =	sne.s32 s28, $0x9000;
	s28 =	sadd.s32 $0x600, s28;
	_ =	swait.ge [sflag:s26], $0x2000  }
0x78: {  	s0 =	sshra.s32 s0, $0x2;
	[sflag:s26] =	ssyncset.done $0x0  }
0x79: {  	s30 =	sadd.s32 $0x16980, s0;
	[sflag:s26] =	ssyncadd.s32 $0xFFFFE000  }
0x7a: {  	[spmem:s2] =	stream.indirect.scatter.add.f32 [tilespmem:s18], [sflag:$0x3], $0x40, s30, s23, $0xb8;
	[tilespmem:$0x1F000] =	vst v63  }
0x7b: {  	_ =	swait.ge [sflag:s31], $0x2000  }
0x7c: {  	[sflag:s31] =	ssyncset.done $0x0  }
0x7d: {  	s30 =	sadd.s32 $0x14280, s0;
	[sflag:s31] =	ssyncadd.s32 $0xFFFFE000  }
0x7e: {  	[tilespmem:s29], [sflag:$0x2] =	stream.indirect.gather [spmem:s3], $0x40, s30, s23, $0xb8;
	[tilespmem:$0x1F000] =	vst v63  }
0x7f: {  	_ =	swait.ge [sflag:s26], $0x2000  }
0x80: {  	[sflag:s26] =	ssyncset.done $0x0  }
0x81: {  	s30 =	sadd.s32 $0x16A00, s0;
	[sflag:s26] =	ssyncadd.s32 $0xFFFFE000  }
0x82: {  	[spmem:s2] =	stream.indirect.scatter.add.f32 [tilespmem:s25], [sflag:$0x3], $0x40, s30, s23, $0xb8;
	[tilespmem:$0x1F000] =	vst v63  }
0x83: {  	_ =	swait.ge [sflag:s31], $0x2000  }
0x84: {  	[sflag:s31] =	ssyncset.done $0x0  }
0x85: {  	s30 =	sadd.s32 $0x14300, s0;
	[sflag:s31] =	ssyncadd.s32 $0xFFFFE000  }
0x86: {  	[tilespmem:s18], [sflag:$0x2] =	stream.indirect.gather [spmem:s3], $0x40, s30, s23, $0xb8;
	[tilespmem:$0x1F000] =	vst v63  }
0x87: {  	_ =	swait.ge [sflag:s26], $0x2000  }
0x88: {  	[sflag:s26] =	ssyncset.done $0x0  }
.Ltmp1:
0x89: {  	s30 =	sadd.s32 $0x16A80, s0;
	[sflag:s26] =	ssyncadd.s32 $0xFFFFE000;
	(pc) =	sbr.rel @p1 .LBB2_4-.Ltmp1, $4  }
0x8a: {  	[spmem:s2] =	stream.indirect.scatter.add.f32 [tilespmem:s29], [sflag:$0x3], $0x40, s30, s23, $0xb8;
	[tilespmem:$0x1F000] =	vst v63  }
0x8b: {  	_ =	swait.ge [sflag:s31], $0x2000  }
0x8c: {  	[sflag:s31] =	ssyncset.done $0x0  }
0x8d: {  	s30 =	sadd.s32 $0x14380, s0;
	[sflag:s31] =	ssyncadd.s32 $0xFFFFE000  }
0x8e: {  	[tilespmem:s25], [sflag:$0x2] =	stream.indirect.gather [spmem:s3], $0x40, s30, s23, $0xb8;
	[tilespmem:$0x1F000] =	vst v63  }
0x8f: {  	_ =	swait.ge [sflag:s26], $0x2000  }
0x90: {  	[sflag:s26] =	ssyncset.done $0x0  }
0x91: {  	s0 =	simm.s32 $0x18F00;
	[sflag:s26] =	ssyncadd.s32 $0xFFFFE000  }
0x92: {  	[spmem:s2] =	stream.indirect.scatter.add.f32 [tilespmem:s18], [sflag:$0x3], $0x40, s0, s23, $0xb8;
	[tilespmem:$0x1F000] =	vst v63  }
0x93: {  	_ =	swait.ge [sflag:s26], $0x2000  }
0x94: {  	[sflag:s26] =	ssyncset.done $0x0  }
0x95: {  	s28 =	simm.s32 $0x18F80;
	[sflag:s26] =	ssyncadd.s32 $0xFFFFE000  }
0x96: {  	[spmem:s2] =	stream.indirect.scatter.add.f32 [tilespmem:s25], [sflag:$0x3], $0x40, s28, s23, $0xb8;
	[tilespmem:$0x1F000] =	vst v63  }
0x97: {  	_ =	swait.ge [sflag:s31], $0x2000  }
0x98: {  	[sflag:s31] =	ssyncset.done $0x0  }
0x99: {  	[sflag:s31] =	ssyncadd.s32 $0xFFFFE000  }
0x9a: {  	_ =	swait.ge [sflag:s31], $0x2000  }
0x9b: {  	[sflag:s31] =	ssyncset.done $0x0  }
0x9c: {  	[sflag:s31] =	ssyncadd.s32 $0xFFFFE000  }
0x9d: {  	_ =	swait.ge [sflag:s31], $0x2000  }
0x9e: {  	s30 =	sshll.u32 s1, $0x6;
	s24 =	sadd.s32 $0x1, s24;
	[sflag:s31] =	ssyncset.done $0x0  }
0x9f: {  	p1 =	sne.s32 s24, s14;
	s0 =	sor.u32 $0x1C04, s30;
	[sflag:s31] =	ssyncadd.s32 $0xFFFFE000  }
.Ltmp2:
0xa0: {  	s28 =	sshrl.u32 s7, $0x3;
	[bflag:$0x0] =	sbarrier.arrive $0xFFFF;
	(pc) =	sbr.rel @p1 .LBB2_1-.Ltmp2, $4  }
0xa1: {  	[hbm:s15], [sflag:s0] =	dma.local [spmem:s28], $0x1400  }
0xa2: {  	_ =	swait.ge [sflag:s19], $0x1400  }
0xa3: {  	[sflag:s19] =	ssyncset.done $0x0  }
0xa4: {  	[sflag:s19] =	ssyncadd.s32 $0xFFFFEC00  }
0xa5: {  	_ =	sfence.sel $0x180000  }
0xa6: {  	[bflag:$0x0] =	sbarrier.arrive $0xFFFF  }
0xa7: {  	_ =	strace $0x9000004D  }
0xa8: {  	[bflag:$0x2] =	sbarrier.arrive $0xFFFF  }
0xa9: {  	p0 =	sne.s32 s1, $0x0;
	s0 =	rddreg [dreg:$0x3]  }
0xaa: {  	s0 =	sadd.s32 @!p0 $0x100000, s0  }
0xab: {  	[sflag:s0] =	ssyncadd.tile.s32 @!p0 $0x1;
	_ =	shalt  }
.Lfunc_end2:
_tile_overlayer_lowered:
.L_overlay_start_2:
0xac: {  	(tag) =	ssettag $0x2  }
0xad: {  	s0 =	rddreg [dreg:$0x0];
	s2 =	stileid.u32  }
0xae: {  	s1 =	rddreg [dreg:$0x1];
	p0 =	sne.s32 s2, $0x0  }
0xaf: {  	s3 =	rddreg [dreg:$0x2];
	[bflag:$0x3] =	sbarrier.arrive $0xFFFF;
	s2 =	simm.s32 @!p0 $0x1C04  }
0xb0: {  	[timem:s3], [sflag:s2] =	dma.local @!p0 [hbm:s0], s1  }
0xb1: {  	s0 =	simm.s32 @!p0 $0x4  }
0xb2: {  	_ =	swait.ge @!p0 [sflag:s0], s1  }
0xb3: {  	s1 =	ssub.s32 @!p0 $0x0, s1;
	[sflag:s0] =	ssyncset.done @!p0 $0x0  }
0xb4: {  	[sflag:s0] =	ssyncadd.s32 @!p0 s1  }
0xb5: {  	[bflag:$0x3] =	sbarrier.arrive $0xFFFF  }
0xb6: {  	_ =	shalt  }

// kernel: kernel.20.cloned.1.call-start
scs
__scs_entry_jumppad:
0x0: {  	(pc) =	sbr.rel $0x88, $3  }
0x1: {  	(tag) =	ssettag $0x0;
	lr =	simm.s32 $0x1  }
0x2: {  	[smem:$0x3F8D] =	sst lr;
	_ =	strace $0xD0000000  }
0x3: {  	_ = 	snop  }
0x4: {  	_ = 	snop  }
0x5: {  	_ = 	snop  }
0x6: {  	_ = 	snop  }
0x7: {  	_ = 	snop  }
__scs_overlays_trampoline_lowered:
0x8: {  	[smem:$0x3F9C] =	sst s0  }
0x9: {  	[smem:$0x3F9D] =	sst s1  }
0xa: {  	[smem:$0x3F9E] =	sst s2  }
0xb: {  	[smem:$0x3F9F] =	sst s3  }
0xc: {  	[smem:$0x3FA0] =	sst s4  }
0xd: {  	[smem:$0x3FA1] =	sst s5  }
0xe: {  	[smem:$0x3FA2] =	sst s6  }
0xf: {  	[smem:$0x3FA3] =	sst s7  }
0x10: {  	[smem:$0x3FA4] =	sst s8  }
0x11: {  	[smem:$0x3FA5] =	sst s9;
	s0 =	simm.s32 @!p0 $0x0  }
0x12: {  	s1 =	sld [smem:$0x3F8B];
	s0 =	simm.s32 @p0 $0x1  }
0x13: {  	[smem:$0x3FA6] =	sst s0;
	s0 =	simm.s32 @!p1 $0x0  }
0x14: {  	s2 =	sld [smem:$0x3F8A];
	s0 =	simm.s32 @p1 $0x1  }
0x15: {  	[smem:$0x3FA7] =	sst s0;
	s0 =	simm.s32 @!p2 $0x0  }
0x16: {  	s3 =	sld [smem:$0x3FDB];
	s0 =	simm.s32 @p2 $0x1  }
0x17: {  	s4 =	simm.s32 $0x1BF5;
	[smem:$0x3FA9] =	sst s0  }
0x18: {  	s0 =	sld [smem:$0x3F8C];
	_ =	swait.ge [sflag:s4], $0x0  }
0x19: {  	s7 =	sld [smem:$0x3F8D]  }
0x1a: {  	s8 =	sadd.s32 $0xFFFFE003, lr  }
0x1b: {  	s9 =	sadd.s32 $0xFFFFFEF7, lr;
	s5 =	simm.s32 $0xFFFFFFFF;
	p2 =	slt.u32 s8, $0xFFFFF086  }
0x1c: {  	p1 =	slt.u32 s9, $0xF7A;
	s5 =	simm.s32 @!p2 $0x0  }
0x1d: {  	s5 =	simm.s32 @p1 $0x1;
	p0 =	seq.s32 s7, s2  }
0x1e: {  	s7 =	smul.u32 @!p0 $0xF7A, s2;
	p2 =	seq.s32 @!p0 s5, $0x0  }
0x1f: {  	s9 =	smul.u32 $0xF7A, s1;
	s8 =	simm.s32 @!p0 $0x1BF5;
	p2 =	por !p2, p0  }
0x20: {  	[sflag:s8] =	ssyncset.s32 @!p0 $0xFFFFF086;
	s6 =	sadd.s32 @!p0 s3, s7;
	s7 =	simm.s32 @!p0 $0x108  }
0x21: {  	s3 =	sadd.s32 s3, s9;
	s6 =	sadd.s32 @!p0 $0x88, s6;
	s7 =	simm.s32 @p2 $0x1082  }
0x22: {  	[simem:s7], [sflag:s8] =	dma.local @!p0 [hbm:s6], $0xF7A  }
0x23: {  	s9 =	sor.u32 $0xD0000000, s2;
	s6 =	simm.s32 $0x108;
	_ =	swait.ge @!p0 [sflag:s8], $0x0  }
0x24: {  	s3 =	sadd.s32 $0x88, s3;
	s6 =	simm.s32 @!p1 $0x1082;
	[sflag:s4] =	ssyncset.s32 $0xFFFFF086  }
0x25: {  	[simem:s6], [sflag:s4] =	dma.local [hbm:s3], $0xF7A  }
0x26: {  	[smem:$0x3F8D] =	sst s1;
	(tag) =	ssettag s2;
	_ =	strace s9  }
0x27: {  	s1 =	sld [smem:$0x3F9D]  }
0x28: {  	s2 =	sld [smem:$0x3F9E]  }
0x29: {  	s4 =	sld [smem:$0x3FA0]  }
0x2a: {  	p0 =	seq.s32 s5, $0x0;
	s5 =	sld [smem:$0x3FA1]  }
0x2b: {  	s6 =	sld [smem:$0x3FA2]  }
0x2c: {  	s7 =	sld [smem:$0x3FA3]  }
0x2d: {  	s3 =	simm.s32 $0x108;
	s8 =	sld [smem:$0x3FA4]  }
0x2e: {  	s3 =	simm.s32 @!p0 $0x1082;
	s9 =	sld [smem:$0x3FA5]  }
0x2f: {  	lr =	sadd.s32 s0, s3;
	s0 =	sld [smem:$0x3F9C]  }
0x30: {  	s3 =	sld [smem:$0x3F9F]  }
0x31: {  	[smem:$0x3FA8] =	sst s10  }
0x32: {  	s10 =	sld [smem:$0x3FA6];
	_ =	sdelay $0x3  }
0x33: {  	p0 =	seq.s32 s10, $0x1;
	s10 =	sld [smem:$0x3FA8];
	_ =	sdelay $0x3  }
0x34: {  	[smem:$0x3FA8] =	sst s10  }
0x35: {  	s10 =	sld [smem:$0x3FA7];
	_ =	sdelay $0x3  }
0x36: {  	p1 =	seq.s32 s10, $0x1;
	s10 =	sld [smem:$0x3FA8];
	_ =	sdelay $0x3  }
0x37: {  	[smem:$0x3FA8] =	sst s10  }
0x38: {  	s10 =	sld [smem:$0x3FA9]  }
0x39: {  	_ = 	snop;
	(pc) =	sbr.ind lr, $3  }
0x3a: {  	_ = 	snop  }
0x3b: {  	_ = 	snop  }
0x3c: {  	p2 =	seq.s32 s10, $0x1;
	s10 =	sld [smem:$0x3FA8]  }
0x3d: {  	_ =	shalt  }
0x3e: {  	_ =	shalt  }
0x3f: {  	_ =	shalt  }
0x40: {  	_ =	shalt  }
0x41: {  	_ =	shalt  }
0x42: {  	_ =	shalt  }
0x43: {  	_ =	shalt  }
0x44: {  	_ =	shalt  }
0x45: {  	_ =	shalt  }
0x46: {  	_ =	shalt  }
0x47: {  	_ =	shalt  }
0x48: {  	_ =	shalt  }
0x49: {  	_ =	shalt  }
0x4a: {  	_ =	shalt  }
0x4b: {  	_ =	shalt  }
0x4c: {  	_ =	shalt  }
0x4d: {  	_ =	shalt  }
0x4e: {  	_ =	shalt  }
0x4f: {  	_ =	shalt  }
0x50: {  	_ =	shalt  }
0x51: {  	_ =	shalt  }
0x52: {  	_ =	shalt  }
0x53: {  	_ =	shalt  }
0x54: {  	_ =	shalt  }
0x55: {  	_ =	shalt  }
0x56: {  	_ =	shalt  }
0x57: {  	_ =	shalt  }
0x58: {  	_ =	shalt  }
0x59: {  	_ =	shalt  }
0x5a: {  	_ =	shalt  }
0x5b: {  	_ =	shalt  }
0x5c: {  	_ =	shalt  }
0x5d: {  	_ =	shalt  }
0x5e: {  	_ =	shalt  }
0x5f: {  	_ =	shalt  }
0x60: {  	_ =	shalt  }
0x61: {  	_ =	shalt  }
0x62: {  	_ =	shalt  }
0x63: {  	_ =	shalt  }
0x64: {  	_ =	shalt  }
0x65: {  	_ =	shalt  }
0x66: {  	_ =	shalt  }
0x67: {  	_ =	shalt  }
0x68: {  	_ =	shalt  }
0x69: {  	_ =	shalt  }
0x6a: {  	_ =	shalt  }
0x6b: {  	_ =	shalt  }
0x6c: {  	_ =	shalt  }
0x6d: {  	_ =	shalt  }
0x6e: {  	_ =	shalt  }
0x6f: {  	_ =	shalt  }
0x70: {  	_ =	shalt  }
0x71: {  	_ =	shalt  }
0x72: {  	_ =	shalt  }
0x73: {  	_ =	shalt  }
0x74: {  	_ =	shalt  }
0x75: {  	_ =	shalt  }
0x76: {  	_ =	shalt  }
0x77: {  	_ =	shalt  }
0x78: {  	_ =	shalt  }
0x79: {  	_ =	shalt  }
0x7a: {  	_ =	shalt  }
0x7b: {  	_ =	shalt  }
0x7c: {  	_ =	shalt  }
0x7d: {  	_ =	shalt  }
0x7e: {  	_ =	shalt  }
0x7f: {  	_ =	shalt  }
0x80: {  	_ =	shalt  }
0x81: {  	_ =	shalt  }
0x82: {  	_ =	shalt  }
0x83: {  	_ =	shalt  }
0x84: {  	_ =	shalt  }
0x85: {  	_ =	shalt  }
0x86: {  	_ =	shalt  }
0x87: {  	_ =	shalt  }
.Lfunc_end0:
.L_simem_size_0:
called_computation.3_lowered:
.L_overlay_start_0:
0x88: {  	s2 =	sld [smem:$0x3FD9]  }
0x89: {  	s3 =	sld [smem:$0x3FFE];
	_ =	sdelay $0x1  }
0x8a: {  	s1 =	srdreg.scid  }
0x8b: {  	s0 =	sand.u32 $0x1, s1  }
0x8c: {  	s17 =	sshll.u32 s0, $0xA;
	s2 =	sadd.s32 s3, s2  }
0x8d: {  	s2 =	sadd.s32 s2, s17  }
0x8e: {  	[smem:$0x3FB4] =	sst s2  }
0x8f: {  	_ = 	snop  }
0x90: {  	(tm) =	ssettm $0x1  }
0x91: {  	s18 =	sld [smem:$0x3FFB];
	_ =	sdelay $0x3  }
0x92: {  	_ =	strace s18  }
0x93: {  	s2 =	sld [smem:$0x3FFC];
	_ =	sdelay $0x3  }
0x94: {  	_ =	strace s2  }
0x95: {  	s2 =	sld [smem:$0x3FFD];
	_ =	sdelay $0x3  }
0x96: {  	_ =	strace s2  }
0x97: {  	_ =	strace $0x8FFFFFFF  }
0x98: {  	s19 =	sld [smem:$0x3FDB];
	_ =	sdelay $0x1  }
0x99: {  	s20 =	simm.s32 $_scs_section_size  }
0x9a: {  	s4 =	simm.s32 $_size__tile_overlayer_lowered;
	s5 =	simm.s32 $_tile_overlayer_lowered  }
0x9b: {  	s6 =	simm.s32 $0x1BFF;
	s21 =	sshll.u32 s5, $0x1;
	s3 =	sadd.s32 s20, s19  }
0x9c: {  	s22 =	simm.s32 $0x0;
	s4 =	sshll.u32 s4, $0x1;
	s5 =	sadd.s32 s21, s3  }
0x9d: {  	[timem:s22], [sflag:s6] =	dma.local [hbm:s5], s4  }
0x9e: {  	_ =	swait.ge [sflag:s6], s4  }
0x9f: {  	s4 =	ssub.s32 $0x0, s4;
	[sflag:s6] =	ssyncset.done $0x0  }
0xa0: {  	[sflag:s6] =	ssyncadd.s32 s4;
	_ =	sdelay $0x1  }
0xa1: {  	s23 =	simm.s32 $0x1B8B  }
0xa2: {  	_ =	swait.ge [sflag:s23], $0x1  }
0xa3: {  	[sflag:s23] =	ssyncset.done $0x0  }
0xa4: {  	[sflag:s23] =	ssyncadd.s32 $0xFFFFFFFF  }
0xa5: {  	s4 =	sld [smem:$0x0]  }
0xa6: {  	s5 =	sand.u32 $0xFFFFFFFE, s1  }
0xa7: {  	p0 =	sne.s32 s1, s5  }
0xa8: {  	s5 =	sshll.u32 @p0 s5, $0xE  }
0xa9: {  	s5 =	sadd.s32 @p0 $0x11B8D, s5;
	s6 =	sshll.u32 @p0 s4, $0x11  }
0xaa: {  	s5 =	sor.u32 @p0 s6, s5  }
0xab: {  	[sflag:s5] =	ssyncadd.remote.s32 @p0 $0x1;
	_ =	sdelay $0x1  }
0xac: {  	s5 =	simm.s32 @p0 $0x1B8D  }
0xad: {  	_ =	swait.eq @p0 [sflag:s5], $0x1  }
0xae: {  	[sflag:s5] =	ssyncadd.s32 @p0 $0xFFFFFFFF  }
0xaf: {  	s6 =	sshll.u32 @!p0 s1, $0xE  }
0xb0: {  	s6 =	sor.u32 @!p0 $0x4000, s6;
	s5 =	simm.s32 @!p0 $0x1B8D  }
0xb1: {  	s4 =	sshll.u32 @!p0 s4, $0x11;
	s6 =	sadd.s32 @!p0 $0x11B8D, s6;
	_ =	swait.eq @!p0 [sflag:s5], $0x1  }
0xb2: {  	s4 =	sor.u32 @!p0 s4, s6;
	[sflag:s5] =	ssyncadd.s32 @!p0 $0xFFFFFFFF  }
0xb3: {  	s25 =	simm.s32 $0x1B8E;
	s24 =	sld [smem:$0x3FFE];
	[sflag:s4] =	ssyncadd.remote.s32 @!p0 $0x1  }
0xb4: {  	s26 =	simm.s32 $execute0_lowered;
	[smem:$0x3FD2] =	sst s25  }
0xb5: {  	s5 =	sshll.u32 s26, $0x1;
	_ =	strace $0x80000052;
	[dreg:$0x1] =	wrdreg $0xFFFFFFFF  }
0xb6: {  	s28 =	simm.s32 $_size_execute0_lowered;
	s3 =	sadd.s32 s3, s5;
	[dreg:$0x0] =	wrdreg $0x0  }
0xb7: {  	s5 =	sshll.u32 s28, $0x1;
	[dreg:$0x2] =	wrdreg s3  }
0xb8: {  	[dreg:$0x3] =	wrdreg s5  }
0xb9: {  	[dreg:$0x4] =	wrdreg $0xC0  }
0xba: {  	_ =	task [dreg:s22], $0x5FFFF  }
0xbb: {  	[dreg:$0x1] =	wrdreg $0xFFFFFFFF  }
0xbc: {  	[dreg:$0x0] =	wrdreg $0x60  }
0xbd: {  	[dreg:$0x2] =	wrdreg s24  }
0xbe: {  	[dreg:$0x3] =	wrdreg $0x0  }
0xbf: {  	[dreg:$0x4] =	wrdreg $0xA0000  }
0xc0: {  	[dreg:$0x5] =	wrdreg $0x9  }
0xc1: {  	_ =	task.clear_ibuf [dreg:s22], $0x6FFFF;
	_ =	strace $0x90000052  }
0xc2: {  	s29 =	simm.s32 $0x9;
	_ =	strace $0x80000054  }
0xc3: {  	_ =	swait.ge [sflag:s29], $0x1  }
0xc4: {  	[sflag:s29] =	ssyncadd.s32 $0xFFFFFFFF  }
0xc5: {  	_ =	strace $0x90000054  }
0xc6: {  	_ =	sfence  }
0xc7: {  	s30 =	sld [smem:$0x0];
	_ =	sdelay $0x2  }
0xc8: {  	s31 =	sshll.u32 s1, $0xD;
	s1 =	sshrl.u32 s1, $0x2  }
0xc9: {  	s4 =	sand.u32 $0x4000, s31;
	s1 =	sadd.s32 s1, s30  }
0xca: {  	s0 =	sor.u32 s4, s0;
	s1 =	sshll.u32 s1, $0x11  }
0xcb: {  	s0 =	sor.u32 s1, s0  }
0xcc: {  	s0 =	sadd.s32 $0x8F2B, s0  }
0xcd: {  	[sflag:s0] =	ssyncadd.remote.s32 $0x1  }
0xce: {  	_ =	sfence.sel $0xFFFF  }
0xcf: {  	[dreg:$0x0] =	wrdreg $0xFFFFFFFF;
	(pc) =	sbr.abs _section_cstart, $3  }
0xd0: {  	[dreg:$0x1] =	wrdreg $0xFFFFFFFF  }
0xd1: {  	_ =	task.clear_ibuf [dreg:s22], $0x2FFFF;
	_ =	strace $0x9FFFFFFF  }
0xd2: {  	(tm) =	ssettm $0x7FFFFFFF  }
0xd3: {  	_ =	shalt  }
tec
execute0_lowered:
.L_overlay_start_1:
0x0: {  	(tag) =	ssettag $0x1  }
0x1: {  	s0 =	rddreg [dreg:$0x0]  }
0x2: {  	s2 =	rddreg [dreg:$0x1]  }
0x3: {  	s3 =	rddreg [dreg:$0x2];
	s1 =	stileid.u32;
	s4 =	simm.s32 $0x0  }
0x4: {  	s5 =	srdreg.scid;
	s16 =	simm.s32 $0x14000;
	s17 =	simm.s32 $0x16800  }
0x5: {  	s18 =	simm.s32 $0x19000;
	s19 =	simm.s32 $0x4;
	s22 =	simm.s32 $0x1  }
0x6: {  	s23 =	simm.s32 $0x80;
	s25 =	simm.s32 $0x1B000;
	s26 =	simm.s32 $0x2  }
0x7: {  	s29 =	simm.s32 $0x1D000;
	s31 =	simm.s32 $0x3;
	s24 =	simm.s32 $0x0  }
0x8: {  	s12 =	smul.u32 $0xA000, s1;
	[smem:$0x7FF] =	sst s4;
	s5 =	sand.u32 $0x1, s5  }
0x9: {  	s6 =	sshll.u32 s1, $0x1;
	s9 =	smul.u32 $0x28000, s1;
	s20 =	sadd.s32 $0x96000, s3  }
0xa: {  	_ =	strace $0x80000053;
	s6 =	sor.u32 s5, s6;
	p0 =	seq.s32 s5, $0x1  }
0xb: {  	s5 =	ssub.s32 $0x2, s5;
	s7 =	sshrl.u32 s12, $0x3;
	s6 =	smul.u32 $0x500, s6  }
0xc: {  	s28 =	sshrl.u32 s5, $0x1;
	s30 =	sshrl.u32 s9, $0x2;
	s21 =	sadd.s32 s12, s3  }
0xd: {  	s13 =	sadd.s32 s7, s0;
	s8 =	sadd.s32 $0x14000, s7;
	s14 =	ssub.s32 s5, s28  }
0xe: {  	s11 =	sadd.s32 s30, s2;
	s6 =	sadd.s32 s6, s0;
	s7 =	smov.u32 @p0 s8  }
0xf: {  	s8 =	sadd.s32 $0x2000, s11;
	s9 =	sadd.s32 $0x4000, s11;
	s10 =	sadd.s32 $0x6000, s11  }
0x10: {  	s11 =	sadd.s32 $0x8000, s11;
	s14 =	smax.u32 s14, $0x1;
	p0 =	seq.s32 s1, $0xF  }
0x11: {  	s15 =	sadd.s32 s7, s0;
	s5 =	sadd.s32 $0x18400, s6;
	s6 =	sadd.s32 $0x4400, s6  }
0x12: {  	s7 =	sadd.s32 s12, s2;
	s12 =	sadd.s32 $0x85000, s13;
	s13 =	sadd.s32 $0x97C00, s0  }
0x13: {  	v0 =	vimm.f32 $0.0e+00;
	s20 =	sshrl.u32 @p0 s20, $0x3;
	s21 =	sshrl.u32 @!p0 s21, $0x3;
	s15 =	sadd.s32 $0x98A00, s15  }
.LBB2_1:
0x14: {  	[tilespmem:s16], [sflag:$0x1] =	stream.linear.gather [hbm4b:s5+s4], $0x2800, $0x38;
	[tilespmem:$0x1F000] =	vst v63  }
0x15: {  	s30 =	simm.s32 $0x100;
	s28 =	simm.s32 $0x0  }
0x16: {  	[tilespmem:s17], [sflag:$0x1] =	stream.linear.gather [hbm4b:s6+s4], $0x2800, $0x38;
	[tilespmem:$0x1F000] =	vst v63  }
.LBB2_2:
0x17: {  	p1 =	sne.s32 s30, $0x7F00;
	[tilespmem:s28+$0x19030] =	vst v0;
	s0 =	smov.u32 s30;
	s30 =	sadd.s32 $0x100, s30  }
.Ltmp0:
0x18: {  	[tilespmem:s28+$0x19020] =	vst v0;
	(pc) =	sbr.rel @p1 .LBB2_2-.Ltmp0, $3  }
0x19: {  	[tilespmem:s28+$0x19000] =	vst v0  }
0x1a: {  	[tilespmem:s28+$0x19010] =	vst v0;
	_ =	sdelay $0x1  }
0x1b: {  	s28 =	sshra.s32 s0, $0x2  }
0x1c: {  	[tilespmem:s28+$0x19030] =	vst v0  }
0x1d: {  	[tilespmem:s28+$0x19020] =	vst v0  }
0x1e: {  	[tilespmem:s28+$0x19000] =	vst v0  }
0x1f: {  	[tilespmem:s28+$0x19010] =	vst v0  }
0x20: {  	[spmem:s7] =	stream.linear.scatter [tilespmem:s18], [sflag:$0x4], $0x2000, $0x38;
	[tilespmem:$0x1F000] =	vst v63  }
0x21: {  	_ =	swait.ge [sflag:s19], $0x2000  }
0x22: {  	[sflag:s19] =	ssyncset.done $0x0  }
0x23: {  	[sflag:s19] =	ssyncadd.s32 $0xFFFFE000  }
0x24: {  	[spmem:s8] =	stream.linear.scatter [tilespmem:s18], [sflag:$0x4], $0x2000, $0x38;
	[tilespmem:$0x1F000] =	vst v63  }
0x25: {  	_ =	swait.ge [sflag:s19], $0x2000  }
0x26: {  	[sflag:s19] =	ssyncset.done $0x0  }
0x27: {  	[sflag:s19] =	ssyncadd.s32 $0xFFFFE000  }
0x28: {  	[spmem:s9] =	stream.linear.scatter [tilespmem:s18], [sflag:$0x4], $0x2000, $0x38;
	[tilespmem:$0x1F000] =	vst v63  }
0x29: {  	_ =	swait.ge [sflag:s19], $0x2000  }
0x2a: {  	[sflag:s19] =	ssyncset.done $0x0  }
0x2b: {  	[sflag:s19] =	ssyncadd.s32 $0xFFFFE000  }
0x2c: {  	[spmem:s10] =	stream.linear.scatter [tilespmem:s18], [sflag:$0x4], $0x2000, $0x38;
	[tilespmem:$0x1F000] =	vst v63  }
0x2d: {  	_ =	swait.ge [sflag:s19], $0x2000  }
0x2e: {  	[sflag:s19] =	ssyncset.done $0x0  }
0x2f: {  	[sflag:s19] =	ssyncadd.s32 $0xFFFFE000  }
0x30: {  	[spmem:s11] =	stream.linear.scatter [tilespmem:s18], [sflag:$0x4], $0x2000, $0x38;
	[tilespmem:$0x1F000] =	vst v63  }
0x31: {  	_ =	swait.ge [sflag:s19], $0x2000  }
0x32: {  	[sflag:s19] =	ssyncset.done $0x0  }
0x33: {  	s0 =	simm.s32 @p0 $0x1FC4;
	[sflag:s19] =	ssyncadd.s32 $0xFFFFE000  }
0x34: {  	[spmem:s20], [sflag:s0] =	dma.local @p0 [hbm:s13], $0xC80  }
0x35: {  	s0 =	simm.s32 @p0 $0x4  }
0x36: {  	_ =	swait.ge @p0 [sflag:s0], $0xC80  }
0x37: {  	s28 =	sshll.u32 @!p0 s1, $0x6;
	[sflag:s0] =	ssyncset.done @p0 $0x0  }
0x38: {  	[sflag:s0] =	ssyncadd.s32 @p0 $0xFFFFF380;
	s0 =	sor.u32 @!p0 $0x1C04, s28  }
0x39: {  	[spmem:s21], [sflag:s0] =	dma.local @!p0 [hbm:s12], $0x1400  }
0x3a: {  	s0 =	simm.s32 @!p0 $0x4  }
0x3b: {  	_ =	swait.ge @!p0 [sflag:s0], $0x1400  }
0x3c: {  	[sflag:s0] =	ssyncset.done @!p0 $0x0  }
0x3d: {  	[sflag:s0] =	ssyncadd.s32 @!p0 $0xFFFFEC00  }
0x3e: {  	_ =	swait.ge [sflag:s22], $0x2800  }
0x3f: {  	[sflag:s22] =	ssyncset.done $0x0  }
0x40: {  	[sflag:s22] =	ssyncadd.s32 $0xFFFFD800  }
0x41: {  	_ =	swait.ge [sflag:s22], $0x2800  }
0x42: {  	[sflag:s22] =	ssyncset.done $0x0  }
0x43: {  	[sflag:s22] =	ssyncadd.s32 $0xFFFFD800  }
0x44: {  	[bflag:$0x0] =	sbarrier.arrive $0xFFFF  }
0x45: {  	[tilespmem:s18], [sflag:$0x2] =	stream.indirect.gather [spmem:s3], $0x40, s16, s23, $0xb8;
	[tilespmem:$0x1F000] =	vst v63  }
0x46: {  	s0 =	simm.s32 $0x14080  }
0x47: {  	[tilespmem:s25], [sflag:$0x2] =	stream.indirect.gather [spmem:s3], $0x40, s0, s23, $0xb8;
	[tilespmem:$0x1F000] =	vst v63  }
0x48: {  	_ =	swait.ge [sflag:s26], $0x2000  }
0x49: {  	[sflag:s26] =	ssyncset.done $0x0  }
0x4a: {  	[sflag:s26] =	ssyncadd.s32 $0xFFFFE000  }
0x4b: {  	[spmem:s2] =	stream.indirect.scatter.add.f32 [tilespmem:s18], [sflag:$0x3], $0x40, s17, s23, $0xb8;
	[tilespmem:$0x1F000] =	vst v63  }
0x4c: {  	s0 =	simm.s32 $0x14100  }
0x4d: {  	[tilespmem:s29], [sflag:$0x2] =	stream.indirect.gather [spmem:s3], $0x40, s0, s23, $0xb8;
	[tilespmem:$0x1F000] =	vst v63  }
0x4e: {  	_ =	swait.ge [sflag:s26], $0x2000  }
0x4f: {  	[sflag:s26] =	ssyncset.done $0x0  }
0x50: {  	s0 =	simm.s32 $0x16880;
	[sflag:s26] =	ssyncadd.s32 $0xFFFFE000  }
0x51: {  	[spmem:s2] =	stream.indirect.scatter.add.f32 [tilespmem:s25], [sflag:$0x3], $0x40, s0, s23, $0xb8;
	[tilespmem:$0x1F000] =	vst v63  }
0x52: {  	_ =	swait.ge [sflag:s31], $0x2000  }
0x53: {  	[sflag:s31] =	ssyncset.done $0x0  }
0x54: {  	s0 =	simm.s32 $0x14180;
	[sflag:s31] =	ssyncadd.s32 $0xFFFFE000  }
0x55: {  	[tilespmem:s18], [sflag:$0x2] =	stream.indirect.gather [spmem:s3], $0x40, s0, s23, $0xb8;
	[tilespmem:$0x1F000] =	vst v63  }
0x56: {  	_ =	swait.ge [sflag:s26], $0x2000  }
0x57: {  	[sflag:s26] =	ssyncset.done $0x0  }
0x58: {  	s0 =	simm.s32 $0x16900;
	[sflag:s26] =	ssyncadd.s32 $0xFFFFE000  }
0x59: {  	[spmem:s2] =	stream.indirect.scatter.add.f32 [tilespmem:s29], [sflag:$0x3], $0x40, s0, s23, $0xb8;
	[tilespmem:$0x1F000] =	vst v63  }
0x5a: {  	_ =	swait.ge [sflag:s31], $0x2000  }
0x5b: {  	[sflag:s31] =	ssyncset.done $0x0  }
0x5c: {  	s0 =	simm.s32 $0x14200;
	[sflag:s31] =	ssyncadd.s32 $0xFFFFE000  }
0x5d: {  	[tilespmem:s25], [sflag:$0x2] =	stream.indirect.gather [spmem:s3], $0x40, s0, s23, $0xb8;
	[tilespmem:$0x1F000] =	vst v63  }
0x5e: {  	_ =	swait.ge [sflag:s26], $0x2000  }
0x5f: {  	[sflag:s26] =	ssyncset.done $0x0  }
0x60: {  	s0 =	simm.s32 $0x16980;
	[sflag:s26] =	ssyncadd.s32 $0xFFFFE000  }
0x61: {  	[spmem:s2] =	stream.indirect.scatter.add.f32 [tilespmem:s18], [sflag:$0x3], $0x40, s0, s23, $0xb8;
	[tilespmem:$0x1F000] =	vst v63  }
0x62: {  	_ =	swait.ge [sflag:s31], $0x2000  }
0x63: {  	[sflag:s31] =	ssyncset.done $0x0  }
0x64: {  	s0 =	simm.s32 $0x14280;
	[sflag:s31] =	ssyncadd.s32 $0xFFFFE000  }
0x65: {  	[tilespmem:s29], [sflag:$0x2] =	stream.indirect.gather [spmem:s3], $0x40, s0, s23, $0xb8;
	[tilespmem:$0x1F000] =	vst v63  }
0x66: {  	_ =	swait.ge [sflag:s26], $0x2000  }
0x67: {  	[sflag:s26] =	ssyncset.done $0x0  }
0x68: {  	s0 =	simm.s32 $0x16A00;
	[sflag:s26] =	ssyncadd.s32 $0xFFFFE000  }
0x69: {  	[spmem:s2] =	stream.indirect.scatter.add.f32 [tilespmem:s25], [sflag:$0x3], $0x40, s0, s23, $0xb8;
	[tilespmem:$0x1F000] =	vst v63  }
0x6a: {  	_ =	swait.ge [sflag:s31], $0x2000  }
0x6b: {  	[sflag:s31] =	ssyncset.done $0x0  }
0x6c: {  	s0 =	simm.s32 $0x14300;
	[sflag:s31] =	ssyncadd.s32 $0xFFFFE000  }
0x6d: {  	[tilespmem:s18], [sflag:$0x2] =	stream.indirect.gather [spmem:s3], $0x40, s0, s23, $0xb8;
	[tilespmem:$0x1F000] =	vst v63  }
0x6e: {  	_ =	swait.ge [sflag:s26], $0x2000  }
0x6f: {  	[sflag:s26] =	ssyncset.done $0x0  }
0x70: {  	s0 =	simm.s32 $0x16A80;
	[sflag:s26] =	ssyncadd.s32 $0xFFFFE000  }
0x71: {  	[spmem:s2] =	stream.indirect.scatter.add.f32 [tilespmem:s29], [sflag:$0x3], $0x40, s0, s23, $0xb8;
	[tilespmem:$0x1F000] =	vst v63  }
0x72: {  	_ =	swait.ge [sflag:s31], $0x2000  }
0x73: {  	[sflag:s31] =	ssyncset.done $0x0  }
0x74: {  	s30 =	simm.s32 $0x14380;
	s28 =	simm.s32 $0x600;
	[sflag:s31] =	ssyncadd.s32 $0xFFFFE000  }
.LBB2_4:
0x75: {  	[tilespmem:s25], [sflag:$0x2] =	stream.indirect.gather [spmem:s3], $0x40, s30, s23, $0xb8;
	[tilespmem:$0x1F000] =	vst v63  }
0x76: {  	s0 =	smov.u32 s28  }
0x77: {  	p1 =	sne.s32 s28, $0x9000;
	s28 =	sadd.s32 $0x600, s28;
	_ =	swait.ge [sflag:s26], $0x2000  }
0x78: {  	s0 =	sshra.s32 s0, $0x2;
	[sflag:s26] =	ssyncset.done $0x0  }
0x79: {  	s30 =	sadd.s32 $0x16980, s0;
	[sflag:s26] =	ssyncadd.s32 $0xFFFFE000  }
0x7a: {  	[spmem:s2] =	stream.indirect.scatter.add.f32 [tilespmem:s18], [sflag:$0x3], $0x40, s30, s23, $0xb8;
	[tilespmem:$0x1F000] =	vst v63  }
0x7b: {  	_ =	swait.ge [sflag:s31], $0x2000  }
0x7c: {  	[sflag:s31] =	ssyncset.done $0x0  }
0x7d: {  	s30 =	sadd.s32 $0x14280, s0;
	[sflag:s31] =	ssyncadd.s32 $0xFFFFE000  }
0x7e: {  	[tilespmem:s29], [sflag:$0x2] =	stream.indirect.gather [spmem:s3], $0x40, s30, s23, $0xb8;
	[tilespmem:$0x1F000] =	vst v63  }
0x7f: {  	_ =	swait.ge [sflag:s26], $0x2000  }
0x80: {  	[sflag:s26] =	ssyncset.done $0x0  }
0x81: {  	s30 =	sadd.s32 $0x16A00, s0;
	[sflag:s26] =	ssyncadd.s32 $0xFFFFE000  }
0x82: {  	[spmem:s2] =	stream.indirect.scatter.add.f32 [tilespmem:s25], [sflag:$0x3], $0x40, s30, s23, $0xb8;
	[tilespmem:$0x1F000] =	vst v63  }
0x83: {  	_ =	swait.ge [sflag:s31], $0x2000  }
0x84: {  	[sflag:s31] =	ssyncset.done $0x0  }
0x85: {  	s30 =	sadd.s32 $0x14300, s0;
	[sflag:s31] =	ssyncadd.s32 $0xFFFFE000  }
0x86: {  	[tilespmem:s18], [sflag:$0x2] =	stream.indirect.gather [spmem:s3], $0x40, s30, s23, $0xb8;
	[tilespmem:$0x1F000] =	vst v63  }
0x87: {  	_ =	swait.ge [sflag:s26], $0x2000  }
0x88: {  	[sflag:s26] =	ssyncset.done $0x0  }
.Ltmp1:
0x89: {  	s30 =	sadd.s32 $0x16A80, s0;
	[sflag:s26] =	ssyncadd.s32 $0xFFFFE000;
	(pc) =	sbr.rel @p1 .LBB2_4-.Ltmp1, $4  }
0x8a: {  	[spmem:s2] =	stream.indirect.scatter.add.f32 [tilespmem:s29], [sflag:$0x3], $0x40, s30, s23, $0xb8;
	[tilespmem:$0x1F000] =	vst v63  }
0x8b: {  	_ =	swait.ge [sflag:s31], $0x2000  }
0x8c: {  	[sflag:s31] =	ssyncset.done $0x0  }
0x8d: {  	s30 =	sadd.s32 $0x14380, s0;
	[sflag:s31] =	ssyncadd.s32 $0xFFFFE000  }
0x8e: {  	[tilespmem:s25], [sflag:$0x2] =	stream.indirect.gather [spmem:s3], $0x40, s30, s23, $0xb8;
	[tilespmem:$0x1F000] =	vst v63  }
0x8f: {  	_ =	swait.ge [sflag:s26], $0x2000  }
0x90: {  	[sflag:s26] =	ssyncset.done $0x0  }
0x91: {  	s0 =	simm.s32 $0x18F00;
	[sflag:s26] =	ssyncadd.s32 $0xFFFFE000  }
0x92: {  	[spmem:s2] =	stream.indirect.scatter.add.f32 [tilespmem:s18], [sflag:$0x3], $0x40, s0, s23, $0xb8;
	[tilespmem:$0x1F000] =	vst v63  }
0x93: {  	_ =	swait.ge [sflag:s26], $0x2000  }
0x94: {  	[sflag:s26] =	ssyncset.done $0x0  }
0x95: {  	s28 =	simm.s32 $0x18F80;
	[sflag:s26] =	ssyncadd.s32 $0xFFFFE000  }
0x96: {  	[spmem:s2] =	stream.indirect.scatter.add.f32 [tilespmem:s25], [sflag:$0x3], $0x40, s28, s23, $0xb8;
	[tilespmem:$0x1F000] =	vst v63  }
0x97: {  	_ =	swait.ge [sflag:s31], $0x2000  }
0x98: {  	[sflag:s31] =	ssyncset.done $0x0  }
0x99: {  	[sflag:s31] =	ssyncadd.s32 $0xFFFFE000  }
0x9a: {  	_ =	swait.ge [sflag:s31], $0x2000  }
0x9b: {  	[sflag:s31] =	ssyncset.done $0x0  }
0x9c: {  	[sflag:s31] =	ssyncadd.s32 $0xFFFFE000  }
0x9d: {  	_ =	swait.ge [sflag:s31], $0x2000  }
0x9e: {  	s30 =	sshll.u32 s1, $0x6;
	s24 =	sadd.s32 $0x1, s24;
	[sflag:s31] =	ssyncset.done $0x0  }
0x9f: {  	p1 =	sne.s32 s24, s14;
	s0 =	sor.u32 $0x1C04, s30;
	[sflag:s31] =	ssyncadd.s32 $0xFFFFE000  }
.Ltmp2:
0xa0: {  	s28 =	sshrl.u32 s7, $0x3;
	[bflag:$0x0] =	sbarrier.arrive $0xFFFF;
	(pc) =	sbr.rel @p1 .LBB2_1-.Ltmp2, $4  }
0xa1: {  	[hbm:s15], [sflag:s0] =	dma.local [spmem:s28], $0x1400  }
0xa2: {  	_ =	swait.ge [sflag:s19], $0x1400  }
0xa3: {  	[sflag:s19] =	ssyncset.done $0x0  }
0xa4: {  	[sflag:s19] =	ssyncadd.s32 $0xFFFFEC00  }
0xa5: {  	_ =	sfence.sel $0x180000  }
0xa6: {  	[bflag:$0x0] =	sbarrier.arrive $0xFFFF  }
0xa7: {  	_ =	strace $0x90000053  }
0xa8: {  	[bflag:$0x2] =	sbarrier.arrive $0xFFFF  }
0xa9: {  	p0 =	sne.s32 s1, $0x0;
	s0 =	rddreg [dreg:$0x3]  }
0xaa: {  	s0 =	sadd.s32 @!p0 $0x100000, s0  }
0xab: {  	[sflag:s0] =	ssyncadd.tile.s32 @!p0 $0x1;
	_ =	shalt  }
.Lfunc_end2:
_tile_overlayer_lowered:
.L_overlay_start_2:
0xac: {  	(tag) =	ssettag $0x2  }
0xad: {  	s0 =	rddreg [dreg:$0x0];
	s2 =	stileid.u32  }
0xae: {  	s1 =	rddreg [dreg:$0x1];
	p0 =	sne.s32 s2, $0x0  }
0xaf: {  	s3 =	rddreg [dreg:$0x2];
	[bflag:$0x3] =	sbarrier.arrive $0xFFFF;
	s2 =	simm.s32 @!p0 $0x1C04  }
0xb0: {  	[timem:s3], [sflag:s2] =	dma.local @!p0 [hbm:s0], s1  }
0xb1: {  	s0 =	simm.s32 @!p0 $0x4  }
0xb2: {  	_ =	swait.ge @!p0 [sflag:s0], s1  }
0xb3: {  	s1 =	ssub.s32 @!p0 $0x0, s1;
	[sflag:s0] =	ssyncset.done @!p0 $0x0  }
0xb4: {  	[sflag:s0] =	ssyncadd.s32 @!p0 s1  }
0xb5: {  	[bflag:$0x3] =	sbarrier.arrive $0xFFFF  }
0xb6: {  	_ =	shalt  }

// kernel: kernel.23.cloned.1.call-start
scs
__scs_entry_jumppad:
0x0: {  	(pc) =	sbr.rel $0x88, $3  }
0x1: {  	(tag) =	ssettag $0x0;
	lr =	simm.s32 $0x1  }
0x2: {  	[smem:$0x3F8D] =	sst lr;
	_ =	strace $0xD0000000  }
0x3: {  	_ = 	snop  }
0x4: {  	_ = 	snop  }
0x5: {  	_ = 	snop  }
0x6: {  	_ = 	snop  }
0x7: {  	_ = 	snop  }
__scs_overlays_trampoline_lowered:
0x8: {  	[smem:$0x3F9C] =	sst s0  }
0x9: {  	[smem:$0x3F9D] =	sst s1  }
0xa: {  	[smem:$0x3F9E] =	sst s2  }
0xb: {  	[smem:$0x3F9F] =	sst s3  }
0xc: {  	[smem:$0x3FA0] =	sst s4  }
0xd: {  	[smem:$0x3FA1] =	sst s5  }
0xe: {  	[smem:$0x3FA2] =	sst s6  }
0xf: {  	[smem:$0x3FA3] =	sst s7  }
0x10: {  	[smem:$0x3FA4] =	sst s8  }
0x11: {  	[smem:$0x3FA5] =	sst s9;
	s0 =	simm.s32 @!p0 $0x0  }
0x12: {  	s1 =	sld [smem:$0x3F8B];
	s0 =	simm.s32 @p0 $0x1  }
0x13: {  	[smem:$0x3FA6] =	sst s0;
	s0 =	simm.s32 @!p1 $0x0  }
0x14: {  	s2 =	sld [smem:$0x3F8A];
	s0 =	simm.s32 @p1 $0x1  }
0x15: {  	[smem:$0x3FA7] =	sst s0;
	s0 =	simm.s32 @!p2 $0x0  }
0x16: {  	s3 =	sld [smem:$0x3FDB];
	s0 =	simm.s32 @p2 $0x1  }
0x17: {  	s4 =	simm.s32 $0x1BF5;
	[smem:$0x3FA9] =	sst s0  }
0x18: {  	s0 =	sld [smem:$0x3F8C];
	_ =	swait.ge [sflag:s4], $0x0  }
0x19: {  	s7 =	sld [smem:$0x3F8D]  }
0x1a: {  	s8 =	sadd.s32 $0xFFFFE003, lr  }
0x1b: {  	s9 =	sadd.s32 $0xFFFFFEF7, lr;
	s5 =	simm.s32 $0xFFFFFFFF;
	p2 =	slt.u32 s8, $0xFFFFF086  }
0x1c: {  	p1 =	slt.u32 s9, $0xF7A;
	s5 =	simm.s32 @!p2 $0x0  }
0x1d: {  	s5 =	simm.s32 @p1 $0x1;
	p0 =	seq.s32 s7, s2  }
0x1e: {  	s7 =	smul.u32 @!p0 $0xF7A, s2;
	p2 =	seq.s32 @!p0 s5, $0x0  }
0x1f: {  	s9 =	smul.u32 $0xF7A, s1;
	s8 =	simm.s32 @!p0 $0x1BF5;
	p2 =	por !p2, p0  }
0x20: {  	[sflag:s8] =	ssyncset.s32 @!p0 $0xFFFFF086;
	s6 =	sadd.s32 @!p0 s3, s7;
	s7 =	simm.s32 @!p0 $0x108  }
0x21: {  	s3 =	sadd.s32 s3, s9;
	s6 =	sadd.s32 @!p0 $0x88, s6;
	s7 =	simm.s32 @p2 $0x1082  }
0x22: {  	[simem:s7], [sflag:s8] =	dma.local @!p0 [hbm:s6], $0xF7A  }
0x23: {  	s9 =	sor.u32 $0xD0000000, s2;
	s6 =	simm.s32 $0x108;
	_ =	swait.ge @!p0 [sflag:s8], $0x0  }
0x24: {  	s3 =	sadd.s32 $0x88, s3;
	s6 =	simm.s32 @!p1 $0x1082;
	[sflag:s4] =	ssyncset.s32 $0xFFFFF086  }
0x25: {  	[simem:s6], [sflag:s4] =	dma.local [hbm:s3], $0xF7A  }
0x26: {  	[smem:$0x3F8D] =	sst s1;
	(tag) =	ssettag s2;
	_ =	strace s9  }
0x27: {  	s1 =	sld [smem:$0x3F9D]  }
0x28: {  	s2 =	sld [smem:$0x3F9E]  }
0x29: {  	s4 =	sld [smem:$0x3FA0]  }
0x2a: {  	p0 =	seq.s32 s5, $0x0;
	s5 =	sld [smem:$0x3FA1]  }
0x2b: {  	s6 =	sld [smem:$0x3FA2]  }
0x2c: {  	s7 =	sld [smem:$0x3FA3]  }
0x2d: {  	s3 =	simm.s32 $0x108;
	s8 =	sld [smem:$0x3FA4]  }
0x2e: {  	s3 =	simm.s32 @!p0 $0x1082;
	s9 =	sld [smem:$0x3FA5]  }
0x2f: {  	lr =	sadd.s32 s0, s3;
	s0 =	sld [smem:$0x3F9C]  }
0x30: {  	s3 =	sld [smem:$0x3F9F]  }
0x31: {  	[smem:$0x3FA8] =	sst s10  }
0x32: {  	s10 =	sld [smem:$0x3FA6];
	_ =	sdelay $0x3  }
0x33: {  	p0 =	seq.s32 s10, $0x1;
	s10 =	sld [smem:$0x3FA8];
	_ =	sdelay $0x3  }
0x34: {  	[smem:$0x3FA8] =	sst s10  }
0x35: {  	s10 =	sld [smem:$0x3FA7];
	_ =	sdelay $0x3  }
0x36: {  	p1 =	seq.s32 s10, $0x1;
	s10 =	sld [smem:$0x3FA8];
	_ =	sdelay $0x3  }
0x37: {  	[smem:$0x3FA8] =	sst s10  }
0x38: {  	s10 =	sld [smem:$0x3FA9]  }
0x39: {  	_ = 	snop;
	(pc) =	sbr.ind lr, $3  }
0x3a: {  	_ = 	snop  }
0x3b: {  	_ = 	snop  }
0x3c: {  	p2 =	seq.s32 s10, $0x1;
	s10 =	sld [smem:$0x3FA8]  }
0x3d: {  	_ =	shalt  }
0x3e: {  	_ =	shalt  }
0x3f: {  	_ =	shalt  }
0x40: {  	_ =	shalt  }
0x41: {  	_ =	shalt  }
0x42: {  	_ =	shalt  }
0x43: {  	_ =	shalt  }
0x44: {  	_ =	shalt  }
0x45: {  	_ =	shalt  }
0x46: {  	_ =	shalt  }
0x47: {  	_ =	shalt  }
0x48: {  	_ =	shalt  }
0x49: {  	_ =	shalt  }
0x4a: {  	_ =	shalt  }
0x4b: {  	_ =	shalt  }
0x4c: {  	_ =	shalt  }
0x4d: {  	_ =	shalt  }
0x4e: {  	_ =	shalt  }
0x4f: {  	_ =	shalt  }
0x50: {  	_ =	shalt  }
0x51: {  	_ =	shalt  }
0x52: {  	_ =	shalt  }
0x53: {  	_ =	shalt  }
0x54: {  	_ =	shalt  }
0x55: {  	_ =	shalt  }
0x56: {  	_ =	shalt  }
0x57: {  	_ =	shalt  }
0x58: {  	_ =	shalt  }
0x59: {  	_ =	shalt  }
0x5a: {  	_ =	shalt  }
0x5b: {  	_ =	shalt  }
0x5c: {  	_ =	shalt  }
0x5d: {  	_ =	shalt  }
0x5e: {  	_ =	shalt  }
0x5f: {  	_ =	shalt  }
0x60: {  	_ =	shalt  }
0x61: {  	_ =	shalt  }
0x62: {  	_ =	shalt  }
0x63: {  	_ =	shalt  }
0x64: {  	_ =	shalt  }
0x65: {  	_ =	shalt  }
0x66: {  	_ =	shalt  }
0x67: {  	_ =	shalt  }
0x68: {  	_ =	shalt  }
0x69: {  	_ =	shalt  }
0x6a: {  	_ =	shalt  }
0x6b: {  	_ =	shalt  }
0x6c: {  	_ =	shalt  }
0x6d: {  	_ =	shalt  }
0x6e: {  	_ =	shalt  }
0x6f: {  	_ =	shalt  }
0x70: {  	_ =	shalt  }
0x71: {  	_ =	shalt  }
0x72: {  	_ =	shalt  }
0x73: {  	_ =	shalt  }
0x74: {  	_ =	shalt  }
0x75: {  	_ =	shalt  }
0x76: {  	_ =	shalt  }
0x77: {  	_ =	shalt  }
0x78: {  	_ =	shalt  }
0x79: {  	_ =	shalt  }
0x7a: {  	_ =	shalt  }
0x7b: {  	_ =	shalt  }
0x7c: {  	_ =	shalt  }
0x7d: {  	_ =	shalt  }
0x7e: {  	_ =	shalt  }
0x7f: {  	_ =	shalt  }
0x80: {  	_ =	shalt  }
0x81: {  	_ =	shalt  }
0x82: {  	_ =	shalt  }
0x83: {  	_ =	shalt  }
0x84: {  	_ =	shalt  }
0x85: {  	_ =	shalt  }
0x86: {  	_ =	shalt  }
0x87: {  	_ =	shalt  }
.Lfunc_end0:
.L_simem_size_0:
called_computation.4_lowered:
.L_overlay_start_0:
0x88: {  	s2 =	sld [smem:$0x3FD9]  }
0x89: {  	s3 =	sld [smem:$0x3FFE];
	_ =	sdelay $0x1  }
0x8a: {  	s1 =	srdreg.scid  }
0x8b: {  	s0 =	sand.u32 $0x1, s1  }
0x8c: {  	s16 =	sshll.u32 s0, $0xA;
	s2 =	sadd.s32 s3, s2  }
0x8d: {  	s2 =	sadd.s32 s2, s16  }
0x8e: {  	[smem:$0x3FB4] =	sst s2  }
0x8f: {  	_ = 	snop  }
0x90: {  	(tm) =	ssettm $0x1  }
0x91: {  	s17 =	sld [smem:$0x3FFB];
	_ =	sdelay $0x3  }
0x92: {  	_ =	strace s17  }
0x93: {  	s2 =	sld [smem:$0x3FFC];
	_ =	sdelay $0x3  }
0x94: {  	_ =	strace s2  }
0x95: {  	s2 =	sld [smem:$0x3FFD];
	_ =	sdelay $0x3  }
0x96: {  	_ =	strace s2  }
0x97: {  	_ =	strace $0x8FFFFFFF  }
0x98: {  	s18 =	sld [smem:$0x3FDB];
	_ =	sdelay $0x1  }
0x99: {  	s19 =	simm.s32 $_scs_section_size  }
0x9a: {  	s4 =	simm.s32 $_size__tile_overlayer_lowered;
	s5 =	simm.s32 $_tile_overlayer_lowered  }
0x9b: {  	s22 =	simm.s32 $0x1BFF;
	s21 =	sshll.u32 s5, $0x1;
	s2 =	sadd.s32 s19, s18  }
0x9c: {  	s6 =	simm.s32 $0x0;
	s20 =	sshll.u32 s4, $0x1;
	s4 =	sadd.s32 s21, s2  }
0x9d: {  	[timem:s6], [sflag:s22] =	dma.local [hbm:s4], s20  }
0x9e: {  	_ =	swait.ge [sflag:s22], s20  }
0x9f: {  	s3 =	ssub.s32 $0x0, s20;
	[sflag:s22] =	ssyncset.done $0x0  }
0xa0: {  	[sflag:s22] =	ssyncadd.s32 s3;
	_ =	sdelay $0x1  }
0xa1: {  	s23 =	simm.s32 $0x1B8B  }
0xa2: {  	_ =	swait.ge [sflag:s23], $0x1  }
0xa3: {  	[sflag:s23] =	ssyncset.done $0x0  }
0xa4: {  	s25 =	simm.s32 $0x1B8E;
	s24 =	sld [smem:$0x3FFE];
	[sflag:s23] =	ssyncadd.s32 $0xFFFFFFFF  }
0xa5: {  	s26 =	simm.s32 $execute0_lowered;
	[smem:$0x3FD2] =	sst s25  }
0xa6: {  	s4 =	sshll.u32 s26, $0x1;
	_ =	strace $0x8000004F;
	[dreg:$0x1] =	wrdreg $0xFFFFFFFF  }
0xa7: {  	s28 =	simm.s32 $_size_execute0_lowered;
	s2 =	sadd.s32 s2, s4;
	[dreg:$0x0] =	wrdreg $0x0  }
0xa8: {  	s4 =	sshll.u32 s28, $0x1;
	[dreg:$0x2] =	wrdreg s2  }
0xa9: {  	[dreg:$0x3] =	wrdreg s4  }
0xaa: {  	[dreg:$0x4] =	wrdreg $0xC0  }
0xab: {  	_ =	task [dreg:s6], $0x5FFFF  }
0xac: {  	[dreg:$0x1] =	wrdreg $0xFFFFFFFF  }
0xad: {  	[dreg:$0x0] =	wrdreg $0x60  }
0xae: {  	[dreg:$0x2] =	wrdreg s24  }
0xaf: {  	[dreg:$0x3] =	wrdreg $0x0  }
0xb0: {  	[dreg:$0x4] =	wrdreg $0xA0000  }
0xb1: {  	[dreg:$0x5] =	wrdreg $0xA  }
0xb2: {  	_ =	task.clear_ibuf [dreg:s6], $0x6FFFF;
	_ =	strace $0x9000004F  }
0xb3: {  	s29 =	simm.s32 $0xA;
	_ =	strace $0x80000051  }
0xb4: {  	_ =	swait.ge [sflag:s29], $0x1  }
0xb5: {  	[sflag:s29] =	ssyncadd.s32 $0xFFFFFFFF  }
0xb6: {  	_ =	strace $0x90000051  }
0xb7: {  	_ =	sfence  }
0xb8: {  	s30 =	sld [smem:$0x0];
	_ =	sdelay $0x2  }
0xb9: {  	s31 =	sshll.u32 s1, $0xD;
	s1 =	sshrl.u32 s1, $0x2  }
0xba: {  	s3 =	sand.u32 $0x4000, s31;
	s1 =	sadd.s32 s1, s30  }
0xbb: {  	s0 =	sor.u32 s3, s0;
	s1 =	sshll.u32 s1, $0x11  }
0xbc: {  	s0 =	sor.u32 s1, s0  }
0xbd: {  	s0 =	sadd.s32 $0x8F2B, s0  }
0xbe: {  	[sflag:s0] =	ssyncadd.remote.s32 $0x1  }
0xbf: {  	_ =	sfence.sel $0xFFFF  }
0xc0: {  	[dreg:$0x0] =	wrdreg $0xFFFFFFFF;
	(pc) =	sbr.abs _section_cstart, $3  }
0xc1: {  	[dreg:$0x1] =	wrdreg $0xFFFFFFFF  }
0xc2: {  	_ =	task.clear_ibuf [dreg:s6], $0x2FFFF;
	_ =	strace $0x9FFFFFFF  }
0xc3: {  	(tm) =	ssettm $0x7FFFFFFF  }
tec
execute0_lowered:
.L_overlay_start_1:
0x0: {  	(tag) =	ssettag $0x1  }
0x1: {  	s0 =	rddreg [dreg:$0x0]  }
0x2: {  	s2 =	rddreg [dreg:$0x1]  }
0x3: {  	s3 =	rddreg [dreg:$0x2];
	s1 =	stileid.u32;
	s4 =	simm.s32 $0x0  }
0x4: {  	s5 =	srdreg.scid;
	s16 =	simm.s32 $0x14000;
	s17 =	simm.s32 $0x16800  }
0x5: {  	s18 =	simm.s32 $0x19000;
	s19 =	simm.s32 $0x4;
	s22 =	simm.s32 $0x1  }
0x6: {  	s23 =	simm.s32 $0x80;
	s25 =	simm.s32 $0x1B000;
	s26 =	simm.s32 $0x2  }
0x7: {  	s29 =	simm.s32 $0x1D000;
	s31 =	simm.s32 $0x3;
	s24 =	simm.s32 $0x0  }
0x8: {  	s12 =	smul.u32 $0xA000, s1;
	[smem:$0x7FF] =	sst s4;
	s5 =	sand.u32 $0x1, s5  }
0x9: {  	s6 =	sshll.u32 s1, $0x1;
	s9 =	smul.u32 $0x28000, s1;
	s20 =	sadd.s32 $0x96000, s3  }
0xa: {  	_ =	strace $0x80000050;
	s6 =	sor.u32 s5, s6;
	p0 =	seq.s32 s5, $0x1  }
0xb: {  	s5 =	ssub.s32 $0x2, s5;
	s7 =	sshrl.u32 s12, $0x3;
	s6 =	smul.u32 $0x500, s6  }
0xc: {  	s28 =	sshrl.u32 s5, $0x1;
	s30 =	sshrl.u32 s9, $0x2;
	s21 =	sadd.s32 s12, s3  }
0xd: {  	s13 =	sadd.s32 s7, s0;
	s8 =	sadd.s32 $0x14000, s7;
	s14 =	ssub.s32 s5, s28  }
0xe: {  	s11 =	sadd.s32 s30, s2;
	s6 =	sadd.s32 s6, s0;
	s7 =	smov.u32 @p0 s8  }
0xf: {  	s8 =	sadd.s32 $0x2000, s11;
	s9 =	sadd.s32 $0x4000, s11;
	s10 =	sadd.s32 $0x6000, s11  }
0x10: {  	s11 =	sadd.s32 $0x8000, s11;
	s14 =	smax.u32 s14, $0x1;
	p0 =	seq.s32 s1, $0xF  }
0x11: {  	s15 =	sadd.s32 s7, s0;
	s5 =	sadd.s32 $0x18400, s6;
	s6 =	sadd.s32 $0x4400, s6  }
0x12: {  	s7 =	sadd.s32 s12, s2;
	s12 =	sadd.s32 $0x49600, s13;
	s13 =	sadd.s32 $0x5C200, s0  }
0x13: {  	v0 =	vimm.f32 $0.0e+00;
	s20 =	sshrl.u32 @p0 s20, $0x3;
	s21 =	sshrl.u32 @!p0 s21, $0x3;
	s15 =	sadd.s32 $0x5D000, s15  }
.LBB2_1:
0x14: {  	[tilespmem:s16], [sflag:$0x1] =	stream.linear.gather [hbm4b:s5+s4], $0x2800, $0x38;
	[tilespmem:$0x1F000] =	vst v63  }
0x15: {  	s30 =	simm.s32 $0x100;
	s28 =	simm.s32 $0x0  }
0x16: {  	[tilespmem:s17], [sflag:$0x1] =	stream.linear.gather [hbm4b:s6+s4], $0x2800, $0x38;
	[tilespmem:$0x1F000] =	vst v63  }
.LBB2_2:
0x17: {  	p1 =	sne.s32 s30, $0x7F00;
	[tilespmem:s28+$0x19030] =	vst v0;
	s0 =	smov.u32 s30;
	s30 =	sadd.s32 $0x100, s30  }
.Ltmp0:
0x18: {  	[tilespmem:s28+$0x19020] =	vst v0;
	(pc) =	sbr.rel @p1 .LBB2_2-.Ltmp0, $3  }
0x19: {  	[tilespmem:s28+$0x19000] =	vst v0  }
0x1a: {  	[tilespmem:s28+$0x19010] =	vst v0;
	_ =	sdelay $0x1  }
0x1b: {  	s28 =	sshra.s32 s0, $0x2  }
0x1c: {  	[tilespmem:s28+$0x19030] =	vst v0  }
0x1d: {  	[tilespmem:s28+$0x19020] =	vst v0  }
0x1e: {  	[tilespmem:s28+$0x19000] =	vst v0  }
0x1f: {  	[tilespmem:s28+$0x19010] =	vst v0  }
0x20: {  	[spmem:s7] =	stream.linear.scatter [tilespmem:s18], [sflag:$0x4], $0x2000, $0x38;
	[tilespmem:$0x1F000] =	vst v63  }
0x21: {  	_ =	swait.ge [sflag:s19], $0x2000  }
0x22: {  	[sflag:s19] =	ssyncset.done $0x0  }
0x23: {  	[sflag:s19] =	ssyncadd.s32 $0xFFFFE000  }
0x24: {  	[spmem:s8] =	stream.linear.scatter [tilespmem:s18], [sflag:$0x4], $0x2000, $0x38;
	[tilespmem:$0x1F000] =	vst v63  }
0x25: {  	_ =	swait.ge [sflag:s19], $0x2000  }
0x26: {  	[sflag:s19] =	ssyncset.done $0x0  }
0x27: {  	[sflag:s19] =	ssyncadd.s32 $0xFFFFE000  }
0x28: {  	[spmem:s9] =	stream.linear.scatter [tilespmem:s18], [sflag:$0x4], $0x2000, $0x38;
	[tilespmem:$0x1F000] =	vst v63  }
0x29: {  	_ =	swait.ge [sflag:s19], $0x2000  }
0x2a: {  	[sflag:s19] =	ssyncset.done $0x0  }
0x2b: {  	[sflag:s19] =	ssyncadd.s32 $0xFFFFE000  }
0x2c: {  	[spmem:s10] =	stream.linear.scatter [tilespmem:s18], [sflag:$0x4], $0x2000, $0x38;
	[tilespmem:$0x1F000] =	vst v63  }
0x2d: {  	_ =	swait.ge [sflag:s19], $0x2000  }
0x2e: {  	[sflag:s19] =	ssyncset.done $0x0  }
0x2f: {  	[sflag:s19] =	ssyncadd.s32 $0xFFFFE000  }
0x30: {  	[spmem:s11] =	stream.linear.scatter [tilespmem:s18], [sflag:$0x4], $0x2000, $0x38;
	[tilespmem:$0x1F000] =	vst v63  }
0x31: {  	_ =	swait.ge [sflag:s19], $0x2000  }
0x32: {  	[sflag:s19] =	ssyncset.done $0x0  }
0x33: {  	s0 =	simm.s32 @p0 $0x1FC4;
	[sflag:s19] =	ssyncadd.s32 $0xFFFFE000  }
0x34: {  	[spmem:s20], [sflag:s0] =	dma.local @p0 [hbm:s13], $0xC80  }
0x35: {  	s0 =	simm.s32 @p0 $0x4  }
0x36: {  	_ =	swait.ge @p0 [sflag:s0], $0xC80  }
0x37: {  	s28 =	sshll.u32 @!p0 s1, $0x6;
	[sflag:s0] =	ssyncset.done @p0 $0x0  }
0x38: {  	[sflag:s0] =	ssyncadd.s32 @p0 $0xFFFFF380;
	s0 =	sor.u32 @!p0 $0x1C04, s28  }
0x39: {  	[spmem:s21], [sflag:s0] =	dma.local @!p0 [hbm:s12], $0x1400  }
0x3a: {  	s0 =	simm.s32 @!p0 $0x4  }
0x3b: {  	_ =	swait.ge @!p0 [sflag:s0], $0x1400  }
0x3c: {  	[sflag:s0] =	ssyncset.done @!p0 $0x0  }
0x3d: {  	[sflag:s0] =	ssyncadd.s32 @!p0 $0xFFFFEC00  }
0x3e: {  	_ =	swait.ge [sflag:s22], $0x2800  }
0x3f: {  	[sflag:s22] =	ssyncset.done $0x0  }
0x40: {  	[sflag:s22] =	ssyncadd.s32 $0xFFFFD800  }
0x41: {  	_ =	swait.ge [sflag:s22], $0x2800  }
0x42: {  	[sflag:s22] =	ssyncset.done $0x0  }
0x43: {  	[sflag:s22] =	ssyncadd.s32 $0xFFFFD800  }
0x44: {  	[bflag:$0x0] =	sbarrier.arrive $0xFFFF  }
0x45: {  	[tilespmem:s18], [sflag:$0x2] =	stream.indirect.gather [spmem:s3], $0x40, s16, s23, $0xb8;
	[tilespmem:$0x1F000] =	vst v63  }
0x46: {  	s0 =	simm.s32 $0x14080  }
0x47: {  	[tilespmem:s25], [sflag:$0x2] =	stream.indirect.gather [spmem:s3], $0x40, s0, s23, $0xb8;
	[tilespmem:$0x1F000] =	vst v63  }
0x48: {  	_ =	swait.ge [sflag:s26], $0x2000  }
0x49: {  	[sflag:s26] =	ssyncset.done $0x0  }
0x4a: {  	[sflag:s26] =	ssyncadd.s32 $0xFFFFE000  }
0x4b: {  	[spmem:s2] =	stream.indirect.scatter.add.f32 [tilespmem:s18], [sflag:$0x3], $0x40, s17, s23, $0xb8;
	[tilespmem:$0x1F000] =	vst v63  }
0x4c: {  	s0 =	simm.s32 $0x14100  }
0x4d: {  	[tilespmem:s29], [sflag:$0x2] =	stream.indirect.gather [spmem:s3], $0x40, s0, s23, $0xb8;
	[tilespmem:$0x1F000] =	vst v63  }
0x4e: {  	_ =	swait.ge [sflag:s26], $0x2000  }
0x4f: {  	[sflag:s26] =	ssyncset.done $0x0  }
0x50: {  	s0 =	simm.s32 $0x16880;
	[sflag:s26] =	ssyncadd.s32 $0xFFFFE000  }
0x51: {  	[spmem:s2] =	stream.indirect.scatter.add.f32 [tilespmem:s25], [sflag:$0x3], $0x40, s0, s23, $0xb8;
	[tilespmem:$0x1F000] =	vst v63  }
0x52: {  	_ =	swait.ge [sflag:s31], $0x2000  }
0x53: {  	[sflag:s31] =	ssyncset.done $0x0  }
0x54: {  	s0 =	simm.s32 $0x14180;
	[sflag:s31] =	ssyncadd.s32 $0xFFFFE000  }
0x55: {  	[tilespmem:s18], [sflag:$0x2] =	stream.indirect.gather [spmem:s3], $0x40, s0, s23, $0xb8;
	[tilespmem:$0x1F000] =	vst v63  }
0x56: {  	_ =	swait.ge [sflag:s26], $0x2000  }
0x57: {  	[sflag:s26] =	ssyncset.done $0x0  }
0x58: {  	s0 =	simm.s32 $0x16900;
	[sflag:s26] =	ssyncadd.s32 $0xFFFFE000  }
0x59: {  	[spmem:s2] =	stream.indirect.scatter.add.f32 [tilespmem:s29], [sflag:$0x3], $0x40, s0, s23, $0xb8;
	[tilespmem:$0x1F000] =	vst v63  }
0x5a: {  	_ =	swait.ge [sflag:s31], $0x2000  }
0x5b: {  	[sflag:s31] =	ssyncset.done $0x0  }
0x5c: {  	s0 =	simm.s32 $0x14200;
	[sflag:s31] =	ssyncadd.s32 $0xFFFFE000  }
0x5d: {  	[tilespmem:s25], [sflag:$0x2] =	stream.indirect.gather [spmem:s3], $0x40, s0, s23, $0xb8;
	[tilespmem:$0x1F000] =	vst v63  }
0x5e: {  	_ =	swait.ge [sflag:s26], $0x2000  }
0x5f: {  	[sflag:s26] =	ssyncset.done $0x0  }
0x60: {  	s0 =	simm.s32 $0x16980;
	[sflag:s26] =	ssyncadd.s32 $0xFFFFE000  }
0x61: {  	[spmem:s2] =	stream.indirect.scatter.add.f32 [tilespmem:s18], [sflag:$0x3], $0x40, s0, s23, $0xb8;
	[tilespmem:$0x1F000] =	vst v63  }
0x62: {  	_ =	swait.ge [sflag:s31], $0x2000  }
0x63: {  	[sflag:s31] =	ssyncset.done $0x0  }
0x64: {  	s0 =	simm.s32 $0x14280;
	[sflag:s31] =	ssyncadd.s32 $0xFFFFE000  }
0x65: {  	[tilespmem:s29], [sflag:$0x2] =	stream.indirect.gather [spmem:s3], $0x40, s0, s23, $0xb8;
	[tilespmem:$0x1F000] =	vst v63  }
0x66: {  	_ =	swait.ge [sflag:s26], $0x2000  }
0x67: {  	[sflag:s26] =	ssyncset.done $0x0  }
0x68: {  	s0 =	simm.s32 $0x16A00;
	[sflag:s26] =	ssyncadd.s32 $0xFFFFE000  }
0x69: {  	[spmem:s2] =	stream.indirect.scatter.add.f32 [tilespmem:s25], [sflag:$0x3], $0x40, s0, s23, $0xb8;
	[tilespmem:$0x1F000] =	vst v63  }
0x6a: {  	_ =	swait.ge [sflag:s31], $0x2000  }
0x6b: {  	[sflag:s31] =	ssyncset.done $0x0  }
0x6c: {  	s0 =	simm.s32 $0x14300;
	[sflag:s31] =	ssyncadd.s32 $0xFFFFE000  }
0x6d: {  	[tilespmem:s18], [sflag:$0x2] =	stream.indirect.gather [spmem:s3], $0x40, s0, s23, $0xb8;
	[tilespmem:$0x1F000] =	vst v63  }
0x6e: {  	_ =	swait.ge [sflag:s26], $0x2000  }
0x6f: {  	[sflag:s26] =	ssyncset.done $0x0  }
0x70: {  	s0 =	simm.s32 $0x16A80;
	[sflag:s26] =	ssyncadd.s32 $0xFFFFE000  }
0x71: {  	[spmem:s2] =	stream.indirect.scatter.add.f32 [tilespmem:s29], [sflag:$0x3], $0x40, s0, s23, $0xb8;
	[tilespmem:$0x1F000] =	vst v63  }
0x72: {  	_ =	swait.ge [sflag:s31], $0x2000  }
0x73: {  	[sflag:s31] =	ssyncset.done $0x0  }
0x74: {  	s30 =	simm.s32 $0x14380;
	s28 =	simm.s32 $0x600;
	[sflag:s31] =	ssyncadd.s32 $0xFFFFE000  }
.LBB2_4:
0x75: {  	[tilespmem:s25], [sflag:$0x2] =	stream.indirect.gather [spmem:s3], $0x40, s30, s23, $0xb8;
	[tilespmem:$0x1F000] =	vst v63  }
0x76: {  	s0 =	smov.u32 s28  }
0x77: {  	p1 =	sne.s32 s28, $0x9000;
	s28 =	sadd.s32 $0x600, s28;
	_ =	swait.ge [sflag:s26], $0x2000  }
0x78: {  	s0 =	sshra.s32 s0, $0x2;
	[sflag:s26] =	ssyncset.done $0x0  }
0x79: {  	s30 =	sadd.s32 $0x16980, s0;
	[sflag:s26] =	ssyncadd.s32 $0xFFFFE000  }
0x7a: {  	[spmem:s2] =	stream.indirect.scatter.add.f32 [tilespmem:s18], [sflag:$0x3], $0x40, s30, s23, $0xb8;
	[tilespmem:$0x1F000] =	vst v63  }
0x7b: {  	_ =	swait.ge [sflag:s31], $0x2000  }
0x7c: {  	[sflag:s31] =	ssyncset.done $0x0  }
0x7d: {  	s30 =	sadd.s32 $0x14280, s0;
	[sflag:s31] =	ssyncadd.s32 $0xFFFFE000  }
0x7e: {  	[tilespmem:s29], [sflag:$0x2] =	stream.indirect.gather [spmem:s3], $0x40, s30, s23, $0xb8;
	[tilespmem:$0x1F000] =	vst v63  }
0x7f: {  	_ =	swait.ge [sflag:s26], $0x2000  }
0x80: {  	[sflag:s26] =	ssyncset.done $0x0  }
0x81: {  	s30 =	sadd.s32 $0x16A00, s0;
	[sflag:s26] =	ssyncadd.s32 $0xFFFFE000  }
0x82: {  	[spmem:s2] =	stream.indirect.scatter.add.f32 [tilespmem:s25], [sflag:$0x3], $0x40, s30, s23, $0xb8;
	[tilespmem:$0x1F000] =	vst v63  }
0x83: {  	_ =	swait.ge [sflag:s31], $0x2000  }
0x84: {  	[sflag:s31] =	ssyncset.done $0x0  }
0x85: {  	s30 =	sadd.s32 $0x14300, s0;
	[sflag:s31] =	ssyncadd.s32 $0xFFFFE000  }
0x86: {  	[tilespmem:s18], [sflag:$0x2] =	stream.indirect.gather [spmem:s3], $0x40, s30, s23, $0xb8;
	[tilespmem:$0x1F000] =	vst v63  }
0x87: {  	_ =	swait.ge [sflag:s26], $0x2000  }
0x88: {  	[sflag:s26] =	ssyncset.done $0x0  }
.Ltmp1:
0x89: {  	s30 =	sadd.s32 $0x16A80, s0;
	[sflag:s26] =	ssyncadd.s32 $0xFFFFE000;
	(pc) =	sbr.rel @p1 .LBB2_4-.Ltmp1, $4  }
0x8a: {  	[spmem:s2] =	stream.indirect.scatter.add.f32 [tilespmem:s29], [sflag:$0x3], $0x40, s30, s23, $0xb8;
	[tilespmem:$0x1F000] =	vst v63  }
0x8b: {  	_ =	swait.ge [sflag:s31], $0x2000  }
0x8c: {  	[sflag:s31] =	ssyncset.done $0x0  }
0x8d: {  	s30 =	sadd.s32 $0x14380, s0;
	[sflag:s31] =	ssyncadd.s32 $0xFFFFE000  }
0x8e: {  	[tilespmem:s25], [sflag:$0x2] =	stream.indirect.gather [spmem:s3], $0x40, s30, s23, $0xb8;
	[tilespmem:$0x1F000] =	vst v63  }
0x8f: {  	_ =	swait.ge [sflag:s26], $0x2000  }
0x90: {  	[sflag:s26] =	ssyncset.done $0x0  }
0x91: {  	s0 =	simm.s32 $0x18F00;
	[sflag:s26] =	ssyncadd.s32 $0xFFFFE000  }
0x92: {  	[spmem:s2] =	stream.indirect.scatter.add.f32 [tilespmem:s18], [sflag:$0x3], $0x40, s0, s23, $0xb8;
	[tilespmem:$0x1F000] =	vst v63  }
0x93: {  	_ =	swait.ge [sflag:s26], $0x2000  }
0x94: {  	[sflag:s26] =	ssyncset.done $0x0  }
0x95: {  	s28 =	simm.s32 $0x18F80;
	[sflag:s26] =	ssyncadd.s32 $0xFFFFE000  }
0x96: {  	[spmem:s2] =	stream.indirect.scatter.add.f32 [tilespmem:s25], [sflag:$0x3], $0x40, s28, s23, $0xb8;
	[tilespmem:$0x1F000] =	vst v63  }
0x97: {  	_ =	swait.ge [sflag:s31], $0x2000  }
0x98: {  	[sflag:s31] =	ssyncset.done $0x0  }
0x99: {  	[sflag:s31] =	ssyncadd.s32 $0xFFFFE000  }
0x9a: {  	_ =	swait.ge [sflag:s31], $0x2000  }
0x9b: {  	[sflag:s31] =	ssyncset.done $0x0  }
0x9c: {  	[sflag:s31] =	ssyncadd.s32 $0xFFFFE000  }
0x9d: {  	_ =	swait.ge [sflag:s31], $0x2000  }
0x9e: {  	s30 =	sshll.u32 s1, $0x6;
	s24 =	sadd.s32 $0x1, s24;
	[sflag:s31] =	ssyncset.done $0x0  }
0x9f: {  	p1 =	sne.s32 s24, s14;
	s0 =	sor.u32 $0x1C04, s30;
	[sflag:s31] =	ssyncadd.s32 $0xFFFFE000  }
.Ltmp2:
0xa0: {  	s28 =	sshrl.u32 s7, $0x3;
	[bflag:$0x0] =	sbarrier.arrive $0xFFFF;
	(pc) =	sbr.rel @p1 .LBB2_1-.Ltmp2, $4  }
0xa1: {  	[hbm:s15], [sflag:s0] =	dma.local [spmem:s28], $0x1400  }
0xa2: {  	_ =	swait.ge [sflag:s19], $0x1400  }
0xa3: {  	[sflag:s19] =	ssyncset.done $0x0  }
0xa4: {  	[sflag:s19] =	ssyncadd.s32 $0xFFFFEC00  }
0xa5: {  	_ =	sfence.sel $0x180000  }
0xa6: {  	[bflag:$0x0] =	sbarrier.arrive $0xFFFF  }
0xa7: {  	_ =	strace $0x90000050  }
0xa8: {  	[bflag:$0x2] =	sbarrier.arrive $0xFFFF  }
0xa9: {  	p0 =	sne.s32 s1, $0x0;
	s0 =	rddreg [dreg:$0x3]  }
0xaa: {  	s0 =	sadd.s32 @!p0 $0x100000, s0  }
0xab: {  	[sflag:s0] =	ssyncadd.tile.s32 @!p0 $0x1;
	_ =	shalt  }
.Lfunc_end2:
_tile_overlayer_lowered:
.L_overlay_start_2:
0xac: {  	(tag) =	ssettag $0x2  }
0xad: {  	s0 =	rddreg [dreg:$0x0];
	s2 =	stileid.u32  }
0xae: {  	s1 =	rddreg [dreg:$0x1];
	p0 =	sne.s32 s2, $0x0  }
0xaf: {  	s3 =	rddreg [dreg:$0x2];
	[bflag:$0x3] =	sbarrier.arrive $0xFFFF;
	s2 =	simm.s32 @!p0 $0x1C04  }
0xb0: {  	[timem:s3], [sflag:s2] =	dma.local @!p0 [hbm:s0], s1  }
0xb1: {  	s0 =	simm.s32 @!p0 $0x4  }
0xb2: {  	_ =	swait.ge @!p0 [sflag:s0], s1  }
0xb3: {  	s1 =	ssub.s32 @!p0 $0x0, s1;
	[sflag:s0] =	ssyncset.done @!p0 $0x0  }
0xb4: {  	[sflag:s0] =	ssyncadd.s32 @!p0 s1  }
0xb5: {  	[bflag:$0x3] =	sbarrier.arrive $0xFFFF  }
0xb6: {  	_ =	shalt  }

</sc_bundles>
